<compile_context>
chip_gen: v7x
topology: tpu7x:2x2x1
jax: 0.10.2.dev20260603
libtpu: 0.0.44.dev20260713+nightly
codegen_flags: <defaults>
</compile_context>

<pallas_src>
import functools

import jax
import jax.numpy as jnp
from jax import lax
from jax.experimental import pallas as pl
from jax.experimental.pallas import tpu as pltpu
from jax.experimental.pallas import tpu_sc as plsc

NUM_CORES = 2
NUM_SUBCORES = 16
NW = NUM_CORES * NUM_SUBCORES
BATCH = 16384
EMBED = 32
BPW = BATCH // NW
G = 8
NGROUPS = BPW // 16

_MESH = plsc.VectorSubcoreMesh(core_axis_name="c", subcore_axis_name="s")


def _gather_body(uidx_hbm, midx_hbm, ut_hbm, mt_hbm, ue_hbm, me_hbm,
                 idx_v, sbuf_v, ebuf_v, gsems, ssems):
    wid = lax.axis_index("s") * NUM_CORES + lax.axis_index("c")
    pltpu.sync_copy(uidx_hbm.at[wid], idx_v.at[0, pl.ds(0, BPW)])
    pltpu.sync_copy(midx_hbm.at[wid], idx_v.at[1, pl.ds(0, BPW)])
    base = wid * BPW
    iota = lax.iota(jnp.int32, 16)

    def issue_half(tab, idxvec, h):
        for k in range(G):
            blk = pl.multiple_of((idxvec[h * G + k] >> 7) << 7, 128)
            pltpu.make_async_copy(
                tab.at[:, pl.ds(blk, 128)], sbuf_v.at[h, k],
                gsems.at[h, k]).start()

    for t, (tab, out) in enumerate(((ut_hbm, ue_hbm), (mt_hbm, me_hbm))):
        idx0 = idx_v[t, pl.ds(0, 16)]
        issue_half(tab, idx0, 0)
        issue_half(tab, idx0, 1)

        def group(g, idxcur):
            colv = idxcur & 127
            idxnext = idx_v[t, pl.ds((g + 1) * 16, 16)]
            for h in range(2):
                @pl.when(g > 0)
                def _():
                    pltpu.make_async_copy(
                        ebuf_v.at[h], out.at[pl.ds(0, G)], ssems.at[h]).wait()
                for k in range(G):
                    pltpu.make_async_copy(
                        tab.at[:, pl.ds(0, 128)], sbuf_v.at[h, k],
                        gsems.at[h, k]).wait()
                    cv = jnp.full((16,), colv[h * G + k], jnp.int32)
                    lo = plsc.load_gather(sbuf_v.at[h, k], [iota, cv])
                    hi = plsc.load_gather(sbuf_v.at[h, k], [iota + 16, cv])
                    ebuf_v[h, k, pl.ds(0, 16)] = lo
                    ebuf_v[h, k, pl.ds(16, 16)] = hi
                pltpu.make_async_copy(
                    ebuf_v.at[h],
                    out.at[pl.ds(base + g * 16 + h * G, G)],
                    ssems.at[h]).start()

                @pl.when(g + 1 < NGROUPS)
                def _():
                    issue_half(tab, idxnext, h)
            return idxnext

        lax.fori_loop(0, NGROUPS, group, idx0)
        for h in range(2):
            pltpu.make_async_copy(
                ebuf_v.at[h], out.at[pl.ds(0, G)], ssems.at[h]).wait()


_gather = functools.partial(
    pl.kernel,
    out_type=(
        jax.ShapeDtypeStruct((BATCH, EMBED), jnp.float32),
        jax.ShapeDtypeStruct((BATCH, EMBED), jnp.float32),
    ),
    mesh=_MESH,
    scratch_types=[
        pltpu.VMEM((2, BPW + 16), jnp.int32),
        pltpu.VMEM((2, G, EMBED, 128), jnp.float32),
        pltpu.VMEM((2, G, EMBED), jnp.float32),
        pltpu.SemaphoreType.DMA((2, G)),
        pltpu.SemaphoreType.DMA((2,)),
    ],
    compiler_params=pltpu.CompilerParams(use_tc_tiling_on_sc=True,
                                         needs_layout_passes=False),
)(_gather_body)


BS = 2048


def _mlp_body(ue_ref, me_ref, w1u_ref, w1m_ref, b1_ref, w2_ref, b2_ref, out_ref):
    dn = (((1,), (1,)), ((), ()))
    h = lax.dot_general(ue_ref[...], w1u_ref[...], dn,
                        preferred_element_type=jnp.float32)
    h = h + lax.dot_general(me_ref[...], w1m_ref[...], dn,
                            preferred_element_type=jnp.float32)
    h = jnp.maximum(h + b1_ref[...], 0.0)
    out_ref[...] = jnp.sum(h * w2_ref[...], axis=1, keepdims=True) + b2_ref[...]


def _mlp(ue, me, w1u, w1m, b1r, w2, b2r):
    grid = (BATCH // BS,)
    return pl.pallas_call(
        _mlp_body,
        grid=grid,
        in_specs=[
            pl.BlockSpec((BS, EMBED), lambda i: (i, 0)),
            pl.BlockSpec((BS, EMBED), lambda i: (i, 0)),
            pl.BlockSpec((128, EMBED), lambda i: (0, 0)),
            pl.BlockSpec((128, EMBED), lambda i: (0, 0)),
            pl.BlockSpec((1, 128), lambda i: (0, 0)),
            pl.BlockSpec((1, 128), lambda i: (0, 0)),
            pl.BlockSpec((1, 1), lambda i: (0, 0)),
        ],
        out_specs=pl.BlockSpec((BS, 1), lambda i: (i, 0)),
        out_shape=jax.ShapeDtypeStruct((BATCH, 1), jnp.float32),
    )(ue, me, w1u, w1m, b1r, w2, b2r)


def kernel(user, movie, user_table, movie_table, W1, b1, W2, b2):
    user = user.astype(jnp.int32)
    movie = movie.astype(jnp.int32)
    ue, me = _gather(user.reshape(NW, BPW), movie.reshape(NW, BPW),
                     user_table.T, movie_table.T)
    w1u = W1[:, :EMBED]
    w1m = W1[:, EMBED:]
    b1r = b1.reshape(1, 128)
    b2r = b2.reshape(1, 1)
    return _mlp(ue, me, w1u, w1m, b1r, W2, b2r)

# --- scband reference (transcript-rebuilt; emitter-appended) ---
"""Pipeline reference for scband-movie-model-82360292868735 (READ-ONLY COPY).

The authoritative reference and input builder live on the scoring server;
editing this copy changes nothing except your own understanding.
"""

import jax, jax.numpy as jnp
import numpy as np

NUM_USERS = 1000000
NUM_MOVIES = 1000000
EMBED_DIM = 32
BATCH = 16384
HIDDEN = 128


def setup_inputs(seed: int = 0) -> dict:
    key = jax.random.key(seed)
    ks = jax.random.split(key, 8)
    user = jax.random.randint(ks[0], (BATCH,), 0, NUM_USERS, dtype=jnp.int64 if jax.config.jax_enable_x64 else jnp.int32)
    movie = jax.random.randint(ks[1], (BATCH,), 0, NUM_MOVIES, dtype=jnp.int64 if jax.config.jax_enable_x64 else jnp.int32)
    user_table = jax.random.normal(ks[2], (NUM_USERS, EMBED_DIM), dtype=jnp.float32)
    movie_table = jax.random.normal(ks[3], (NUM_MOVIES, EMBED_DIM), dtype=jnp.float32)
    # torch nn.Linear weight shape: [out_features, in_features]
    W1 = jax.random.normal(ks[4], (HIDDEN, EMBED_DIM * 2), dtype=jnp.float32) * (1.0 / np.sqrt(EMBED_DIM * 2))
    b1 = jnp.zeros((HIDDEN,), dtype=jnp.float32)
    W2 = jax.random.normal(ks[5], (1, HIDDEN), dtype=jnp.float32) * (1.0 / np.sqrt(HIDDEN))
    b2 = jnp.zeros((1,), dtype=jnp.float32)
    return {"user": user, "movie": movie, "user_table": user_table, "movie_table": movie_table,
            "W1": W1, "b1": b1, "W2": W2, "b2": b2}


def reference(user, movie, user_table, movie_table, W1, b1, W2, b2):
    # embedding lookups (gather)
    user_embedded = jnp.take(user_table, user, axis=0)    # [B, 32]
    movie_embedded = jnp.take(movie_table, movie, axis=0)  # [B, 32]
    x = jnp.concatenate([user_embedded, movie_embedded], axis=1)  # [B, 64]
    # dropout is identity in eval/inference mode
    h = jax.nn.relu(x @ W1.T + b1)  # [B, 128]
    out = h @ W2.T + b2             # [B, 1]
    return out

if __name__ == "__main__":
    import jax
    _d = setup_inputs()
    print(jax.jit(kernel)(*tuple(_d.values())))

</pallas_src>

<mosaic_0001>
#map = affine_map<(d0, d1) -> (0, 0)>
module attributes {stable_mosaic.version = 14 : i64} {
  func.func @_gather_body(%arg0: i32, %arg1: i32, %arg2: memref<32x512xi32, #tpu.memory_space<hbm>>, %arg3: memref<32x512xi32, #tpu.memory_space<hbm>>, %arg4: memref<32x1000000xf32, #tpu.memory_space<hbm>>, %arg5: memref<32x1000000xf32, #tpu.memory_space<hbm>>, %arg6: memref<16384x32xf32, #tpu.memory_space<hbm>>, %arg7: memref<16384x32xf32, #tpu.memory_space<hbm>>, %arg8: memref<2x528xi32, #tpu.memory_space<vmem>>, %arg9: memref<2x8x32x128xf32, #tpu.memory_space<vmem>>, %arg10: memref<2x8x32xf32, #tpu.memory_space<vmem>>, %arg11: memref<2x8x!tpu.dma_semaphore, #tpu.memory_space<semaphore_mem>>, %arg12: memref<2x!tpu.dma_semaphore, #tpu.memory_space<semaphore_mem>>) attributes {dimension_semantics = [#tpu.dimension_semantics<core_parallel>, #tpu.dimension_semantics<subcore_parallel>], iteration_bounds = array<i64: 2, 16>, scalar_prefetch = 0 : i64, scratch_operands = 5 : i64, tpu.core_type = #tpu.core_type<sc_vector_subcore>, window_params = [{transform_indices = #map}, {transform_indices = #map}, {transform_indices = #map}, {transform_indices = #map}, {transform_indices = #map}, {transform_indices = #map}]} {
    %mul3A = arith.constant 2 : i32
    %mul3A_0 = arith.muli %arg1, %mul3A : i32
    %add3A = arith.addi %mul3A_0, %arg0 : i32
    %run_scoped3A = arith.constant 0 : i32
    "tpu.region"() ({
      %run_scoped3A_887 = tpu.sem_alloc : memref<!tpu.dma_semaphore, #tpu.memory_space<semaphore_mem>>
      %dma_start3A_888 = arith.constant 0 : i32
      %dma_start3A_889 = tpu.memref_slice %arg8[%run_scoped3A, %dma_start3A_888] : memref<2x528xi32, #tpu.memory_space<vmem>> -> memref<1x512xi32, #tpu.memory_space<vmem>>
      %dma_start3A_890 = tpu.memref_squeeze %dma_start3A_889 : memref<1x512xi32, #tpu.memory_space<vmem>> -> memref<512xi32, #tpu.memory_space<vmem>>
      %dma_start3A_891 = arith.constant 0 : i32
      %dma_start3A_892 = tpu.memref_slice %arg2[%add3A, %dma_start3A_891] : memref<32x512xi32, #tpu.memory_space<hbm>> -> memref<1x512xi32, #tpu.memory_space<hbm>>
      %dma_start3A_893 = tpu.memref_squeeze %dma_start3A_892 : memref<1x512xi32, #tpu.memory_space<hbm>> -> memref<512xi32, #tpu.memory_space<hbm>>
      %dma_start3A_894 = arith.constant 0 : i32
      %dma_start3A_895 = tpu.memref_slice %arg8[%run_scoped3A, %dma_start3A_894] : memref<2x528xi32, #tpu.memory_space<vmem>> -> memref<1x512xi32, #tpu.memory_space<vmem>>
      %dma_start3A_896 = tpu.memref_squeeze %dma_start3A_895 : memref<1x512xi32, #tpu.memory_space<vmem>> -> memref<512xi32, #tpu.memory_space<vmem>>
      %dma_start3A_897 = arith.constant 0 : i32
      %dma_start3A_898 = tpu.memref_slice %arg2[%add3A, %dma_start3A_897] : memref<32x512xi32, #tpu.memory_space<hbm>> -> memref<1x512xi32, #tpu.memory_space<hbm>>
      %dma_start3A_899 = tpu.memref_squeeze %dma_start3A_898 : memref<1x512xi32, #tpu.memory_space<hbm>> -> memref<512xi32, #tpu.memory_space<hbm>>
      tpu.enqueue_dma source(%dma_start3A_899 : memref<512xi32, #tpu.memory_space<hbm>>) target(%dma_start3A_896 : memref<512xi32, #tpu.memory_space<vmem>>) target_semaphore(%run_scoped3A_887 : memref<!tpu.dma_semaphore, #tpu.memory_space<semaphore_mem>>)
      %dma_wait3A_900 = arith.constant 0 : i32
      %dma_wait3A_901 = tpu.memref_slice %arg8[%run_scoped3A, %dma_wait3A_900] : memref<2x528xi32, #tpu.memory_space<vmem>> -> memref<1x512xi32, #tpu.memory_space<vmem>>
      %dma_wait3A_902 = tpu.memref_squeeze %dma_wait3A_901 : memref<1x512xi32, #tpu.memory_space<vmem>> -> memref<512xi32, #tpu.memory_space<vmem>>
      %dma_wait3A_903 = arith.constant 0 : i32
      %dma_wait3A_904 = tpu.memref_slice %arg2[%add3A, %dma_wait3A_903] : memref<32x512xi32, #tpu.memory_space<hbm>> -> memref<1x512xi32, #tpu.memory_space<hbm>>
      %dma_wait3A_905 = tpu.memref_squeeze %dma_wait3A_904 : memref<1x512xi32, #tpu.memory_space<hbm>> -> memref<512xi32, #tpu.memory_space<hbm>>
      %dma_wait3A_906 = arith.constant 0 : i32
      %dma_wait3A_907 = tpu.memref_slice %arg8[%run_scoped3A, %dma_wait3A_906] : memref<2x528xi32, #tpu.memory_space<vmem>> -> memref<1x512xi32, #tpu.memory_space<vmem>>
      %dma_wait3A_908 = tpu.memref_squeeze %dma_wait3A_907 : memref<1x512xi32, #tpu.memory_space<vmem>> -> memref<512xi32, #tpu.memory_space<vmem>>
      %dma_wait3A_909 = arith.constant 0 : i32
      %dma_wait3A_910 = tpu.memref_slice %arg2[%add3A, %dma_wait3A_909] : memref<32x512xi32, #tpu.memory_space<hbm>> -> memref<1x512xi32, #tpu.memory_space<hbm>>
      %dma_wait3A_911 = tpu.memref_squeeze %dma_wait3A_910 : memref<1x512xi32, #tpu.memory_space<hbm>> -> memref<512xi32, #tpu.memory_space<hbm>>
      tpu.wait_dma2 semaphore(%run_scoped3A_887 : memref<!tpu.dma_semaphore, #tpu.memory_space<semaphore_mem>>) src(%dma_wait3A_911 : memref<512xi32, #tpu.memory_space<hbm>>) dst(%dma_wait3A_908 : memref<512xi32, #tpu.memory_space<vmem>>)
      tpu.yield
    }) : () -> ()
    %run_scoped3A_1 = arith.constant 1 : i32
    "tpu.region"() ({
      %run_scoped3A_887 = tpu.sem_alloc : memref<!tpu.dma_semaphore, #tpu.memory_space<semaphore_mem>>
      %dma_start3A_888 = arith.constant 0 : i32
      %dma_start3A_889 = tpu.memref_slice %arg8[%run_scoped3A_1, %dma_start3A_888] : memref<2x528xi32, #tpu.memory_space<vmem>> -> memref<1x512xi32, #tpu.memory_space<vmem>>
      %dma_start3A_890 = tpu.memref_squeeze %dma_start3A_889 : memref<1x512xi32, #tpu.memory_space<vmem>> -> memref<512xi32, #tpu.memory_space<vmem>>
      %dma_start3A_891 = arith.constant 0 : i32
      %dma_start3A_892 = tpu.memref_slice %arg3[%add3A, %dma_start3A_891] : memref<32x512xi32, #tpu.memory_space<hbm>> -> memref<1x512xi32, #tpu.memory_space<hbm>>
      %dma_start3A_893 = tpu.memref_squeeze %dma_start3A_892 : memref<1x512xi32, #tpu.memory_space<hbm>> -> memref<512xi32, #tpu.memory_space<hbm>>
      %dma_start3A_894 = arith.constant 0 : i32
      %dma_start3A_895 = tpu.memref_slice %arg8[%run_scoped3A_1, %dma_start3A_894] : memref<2x528xi32, #tpu.memory_space<vmem>> -> memref<1x512xi32, #tpu.memory_space<vmem>>
      %dma_start3A_896 = tpu.memref_squeeze %dma_start3A_895 : memref<1x512xi32, #tpu.memory_space<vmem>> -> memref<512xi32, #tpu.memory_space<vmem>>
      %dma_start3A_897 = arith.constant 0 : i32
      %dma_start3A_898 = tpu.memref_slice %arg3[%add3A, %dma_start3A_897] : memref<32x512xi32, #tpu.memory_space<hbm>> -> memref<1x512xi32, #tpu.memory_space<hbm>>
      %dma_start3A_899 = tpu.memref_squeeze %dma_start3A_898 : memref<1x512xi32, #tpu.memory_space<hbm>> -> memref<512xi32, #tpu.memory_space<hbm>>
      tpu.enqueue_dma source(%dma_start3A_899 : memref<512xi32, #tpu.memory_space<hbm>>) target(%dma_start3A_896 : memref<512xi32, #tpu.memory_space<vmem>>) target_semaphore(%run_scoped3A_887 : memref<!tpu.dma_semaphore, #tpu.memory_space<semaphore_mem>>)
      %dma_wait3A_900 = arith.constant 0 : i32
      %dma_wait3A_901 = tpu.memref_slice %arg8[%run_scoped3A_1, %dma_wait3A_900] : memref<2x528xi32, #tpu.memory_space<vmem>> -> memref<1x512xi32, #tpu.memory_space<vmem>>
      %dma_wait3A_902 = tpu.memref_squeeze %dma_wait3A_901 : memref<1x512xi32, #tpu.memory_space<vmem>> -> memref<512xi32, #tpu.memory_space<vmem>>
      %dma_wait3A_903 = arith.constant 0 : i32
      %dma_wait3A_904 = tpu.memref_slice %arg3[%add3A, %dma_wait3A_903] : memref<32x512xi32, #tpu.memory_space<hbm>> -> memref<1x512xi32, #tpu.memory_space<hbm>>
      %dma_wait3A_905 = tpu.memref_squeeze %dma_wait3A_904 : memref<1x512xi32, #tpu.memory_space<hbm>> -> memref<512xi32, #tpu.memory_space<hbm>>
      %dma_wait3A_906 = arith.constant 0 : i32
      %dma_wait3A_907 = tpu.memref_slice %arg8[%run_scoped3A_1, %dma_wait3A_906] : memref<2x528xi32, #tpu.memory_space<vmem>> -> memref<1x512xi32, #tpu.memory_space<vmem>>
      %dma_wait3A_908 = tpu.memref_squeeze %dma_wait3A_907 : memref<1x512xi32, #tpu.memory_space<vmem>> -> memref<512xi32, #tpu.memory_space<vmem>>
      %dma_wait3A_909 = arith.constant 0 : i32
      %dma_wait3A_910 = tpu.memref_slice %arg3[%add3A, %dma_wait3A_909] : memref<32x512xi32, #tpu.memory_space<hbm>> -> memref<1x512xi32, #tpu.memory_space<hbm>>
      %dma_wait3A_911 = tpu.memref_squeeze %dma_wait3A_910 : memref<1x512xi32, #tpu.memory_space<hbm>> -> memref<512xi32, #tpu.memory_space<hbm>>
      tpu.wait_dma2 semaphore(%run_scoped3A_887 : memref<!tpu.dma_semaphore, #tpu.memory_space<semaphore_mem>>) src(%dma_wait3A_911 : memref<512xi32, #tpu.memory_space<hbm>>) dst(%dma_wait3A_908 : memref<512xi32, #tpu.memory_space<vmem>>)
      tpu.yield
    }) : () -> ()
    %mul3A_2 = arith.constant 512 : i32
    %mul3A_3 = arith.muli %add3A, %mul3A_2 : i32
    %iota3A = tpu.iota {dimensions = array<i32: 0>} : vector<16xi32>
    %get3A = arith.constant 0 : i32
    %get3A_4 = arith.index_cast %get3A : i32 to index
    %get3A_5 = arith.constant 0 : index
    %get3A_6 = tpu.vector_load %arg8[%get3A_4, %get3A_5] {strides = array<i32>} : memref<2x528xi32, #tpu.memory_space<vmem>>, vector<16xi32>,
    %slice3A = vector.extract_strided_slice %get3A_6 {offsets = [0], sizes = [1], strides = [1]} : vector<16xi32> to vector<1xi32>
    %squeeze3A = vector.extract %slice3A[0] : i32 from vector<1xi32>
    %shift_right_arithmetic3A = arith.constant 7 : i32
    %shift_right_arithmetic3A_7 = arith.shrsi %squeeze3A, %shift_right_arithmetic3A : i32
    %shift_left3A = arith.constant 7 : i32
    %shift_left3A_8 = arith.shli %shift_right_arithmetic3A_7, %shift_left3A : i32
    %multiple_of3A = tpu.assume_multiple %shift_left3A_8, 128 : i32
    %dma_start3A = arith.constant 0 : i32
    %dma_start3A_9 = arith.constant 0 : i32
    %dma_start3A_10 = arith.constant 0 : i32
    %dma_start3A_11 = arith.constant 0 : i32
    %dma_start3A_12 = arith.constant 0 : i32
    %dma_start3A_13 = arith.constant 0 : i32
    %dma_start3A_14 = tpu.memref_slice %arg9[%dma_start3A, %dma_start3A_9, %dma_start3A_12, %dma_start3A_13] : memref<2x8x32x128xf32, #tpu.memory_space<vmem>> -> memref<1x1x32x128xf32, #tpu.memory_space<vmem>>
    %dma_start3A_15 = tpu.memref_squeeze %dma_start3A_14 : memref<1x1x32x128xf32, #tpu.memory_space<vmem>> -> memref<32x128xf32, #tpu.memory_space<vmem>>
    %dma_start3A_16 = arith.constant 0 : i32
    %dma_start3A_17 = tpu.memref_slice %arg4[%dma_start3A_16, %multiple_of3A] : memref<32x1000000xf32, #tpu.memory_space<hbm>> -> memref<32x128xf32, #tpu.memory_space<hbm>>
    %dma_start3A_18 = tpu.memref_slice %arg11[%dma_start3A_10, %dma_start3A_11] : memref<2x8x!tpu.dma_semaphore, #tpu.memory_space<semaphore_mem>> -> memref<1x1x!tpu.dma_semaphore, #tpu.memory_space<semaphore_mem>>
    %dma_start3A_19 = tpu.memref_squeeze %dma_start3A_18 : memref<1x1x!tpu.dma_semaphore, #tpu.memory_space<semaphore_mem>> -> memref<!tpu.dma_semaphore, #tpu.memory_space<semaphore_mem>>
    %dma_start3A_20 = arith.constant 0 : i32
    %dma_start3A_21 = arith.constant 0 : i32
    %dma_start3A_22 = tpu.memref_slice %arg9[%dma_start3A, %dma_start3A_9, %dma_start3A_20, %dma_start3A_21] : memref<2x8x32x128xf32, #tpu.memory_space<vmem>> -> memref<1x1x32x128xf32, #tpu.memory_space<vmem>>
    %dma_start3A_23 = tpu.memref_squeeze %dma_start3A_22 : memref<1x1x32x128xf32, #tpu.memory_space<vmem>> -> memref<32x128xf32, #tpu.memory_space<vmem>>
    %dma_start3A_24 = arith.constant 0 : i32
    %dma_start3A_25 = tpu.memref_slice %arg4[%dma_start3A_24, %multiple_of3A] : memref<32x1000000xf32, #tpu.memory_space<hbm>> -> memref<32x128xf32, #tpu.memory_space<hbm>>
    tpu.enqueue_dma source(%dma_start3A_25 : memref<32x128xf32, #tpu.memory_space<hbm>>) target(%dma_start3A_23 : memref<32x128xf32, #tpu.memory_space<vmem>>) target_semaphore(%dma_start3A_19 : memref<!tpu.dma_semaphore, #tpu.memory_space<semaphore_mem>>)
    %slice3A_26 = vector.extract_strided_slice %get3A_6 {offsets = [1], sizes = [1], strides = [1]} : vector<16xi32> to vector<1xi32>
    %squeeze3A_27 = vector.extract %slice3A_26[0] : i32 from vector<1xi32>
    %shift_right_arithmetic3A_28 = arith.constant 7 : i32
    %shift_right_arithmetic3A_29 = arith.shrsi %squeeze3A_27, %shift_right_arithmetic3A_28 : i32
    %shift_left3A_30 = arith.constant 7 : i32
    %shift_left3A_31 = arith.shli %shift_right_arithmetic3A_29, %shift_left3A_30 : i32
    %multiple_of3A_32 = tpu.assume_multiple %shift_left3A_31, 128 : i32
    %dma_start3A_33 = arith.constant 0 : i32
    %dma_start3A_34 = arith.constant 1 : i32
    %dma_start3A_35 = arith.constant 0 : i32
    %dma_start3A_36 = arith.constant 1 : i32
    %dma_start3A_37 = arith.constant 0 : i32
    %dma_start3A_38 = arith.constant 0 : i32
    %dma_start3A_39 = tpu.memref_slice %arg9[%dma_start3A_33, %dma_start3A_34, %dma_start3A_37, %dma_start3A_38] : memref<2x8x32x128xf32, #tpu.memory_space<vmem>> -> memref<1x1x32x128xf32, #tpu.memory_space<vmem>>
    %dma_start3A_40 = tpu.memref_squeeze %dma_start3A_39 : memref<1x1x32x128xf32, #tpu.memory_space<vmem>> -> memref<32x128xf32, #tpu.memory_space<vmem>>
    %dma_start3A_41 = arith.constant 0 : i32
    %dma_start3A_42 = tpu.memref_slice %arg4[%dma_start3A_41, %multiple_of3A_32] : memref<32x1000000xf32, #tpu.memory_space<hbm>> -> memref<32x128xf32, #tpu.memory_space<hbm>>
    %dma_start3A_43 = tpu.memref_slice %arg11[%dma_start3A_35, %dma_start3A_36] : memref<2x8x!tpu.dma_semaphore, #tpu.memory_space<semaphore_mem>> -> memref<1x1x!tpu.dma_semaphore, #tpu.memory_space<semaphore_mem>>
    %dma_start3A_44 = tpu.memref_squeeze %dma_start3A_43 : memref<1x1x!tpu.dma_semaphore, #tpu.memory_space<semaphore_mem>> -> memref<!tpu.dma_semaphore, #tpu.memory_space<semaphore_mem>>
    %dma_start3A_45 = arith.constant 0 : i32
    %dma_start3A_46 = arith.constant 0 : i32
    %dma_start3A_47 = tpu.memref_slice %arg9[%dma_start3A_33, %dma_start3A_34, %dma_start3A_45, %dma_start3A_46] : memref<2x8x32x128xf32, #tpu.memory_space<vmem>> -> memref<1x1x32x128xf32, #tpu.memory_space<vmem>>
    %dma_start3A_48 = tpu.memref_squeeze %dma_start3A_47 : memref<1x1x32x128xf32, #tpu.memory_space<vmem>> -> memref<32x128xf32, #tpu.memory_space<vmem>>
    %dma_start3A_49 = arith.constant 0 : i32
    %dma_start3A_50 = tpu.memref_slice %arg4[%dma_start3A_49, %multiple_of3A_32] : memref<32x1000000xf32, #tpu.memory_space<hbm>> -> memref<32x128xf32, #tpu.memory_space<hbm>>
    tpu.enqueue_dma source(%dma_start3A_50 : memref<32x128xf32, #tpu.memory_space<hbm>>) target(%dma_start3A_48 : memref<32x128xf32, #tpu.memory_space<vmem>>) target_semaphore(%dma_start3A_44 : memref<!tpu.dma_semaphore, #tpu.memory_space<semaphore_mem>>)
    %slice3A_51 = vector.extract_strided_slice %get3A_6 {offsets = [2], sizes = [1], strides = [1]} : vector<16xi32> to vector<1xi32>
    %squeeze3A_52 = vector.extract %slice3A_51[0] : i32 from vector<1xi32>
    %shift_right_arithmetic3A_53 = arith.constant 7 : i32
    %shift_right_arithmetic3A_54 = arith.shrsi %squeeze3A_52, %shift_right_arithmetic3A_53 : i32
    %shift_left3A_55 = arith.constant 7 : i32
    %shift_left3A_56 = arith.shli %shift_right_arithmetic3A_54, %shift_left3A_55 : i32
    %multiple_of3A_57 = tpu.assume_multiple %shift_left3A_56, 128 : i32
    %dma_start3A_58 = arith.constant 0 : i32
    %dma_start3A_59 = arith.constant 2 : i32
    %dma_start3A_60 = arith.constant 0 : i32
    %dma_start3A_61 = arith.constant 2 : i32
    %dma_start3A_62 = arith.constant 0 : i32
    %dma_start3A_63 = arith.constant 0 : i32
    %dma_start3A_64 = tpu.memref_slice %arg9[%dma_start3A_58, %dma_start3A_59, %dma_start3A_62, %dma_start3A_63] : memref<2x8x32x128xf32, #tpu.memory_space<vmem>> -> memref<1x1x32x128xf32, #tpu.memory_space<vmem>>
    %dma_start3A_65 = tpu.memref_squeeze %dma_start3A_64 : memref<1x1x32x128xf32, #tpu.memory_space<vmem>> -> memref<32x128xf32, #tpu.memory_space<vmem>>
    %dma_start3A_66 = arith.constant 0 : i32
    %dma_start3A_67 = tpu.memref_slice %arg4[%dma_start3A_66, %multiple_of3A_57] : memref<32x1000000xf32, #tpu.memory_space<hbm>> -> memref<32x128xf32, #tpu.memory_space<hbm>>
    %dma_start3A_68 = tpu.memref_slice %arg11[%dma_start3A_60, %dma_start3A_61] : memref<2x8x!tpu.dma_semaphore, #tpu.memory_space<semaphore_mem>> -> memref<1x1x!tpu.dma_semaphore, #tpu.memory_space<semaphore_mem>>
    %dma_start3A_69 = tpu.memref_squeeze %dma_start3A_68 : memref<1x1x!tpu.dma_semaphore, #tpu.memory_space<semaphore_mem>> -> memref<!tpu.dma_semaphore, #tpu.memory_space<semaphore_mem>>
    %dma_start3A_70 = arith.constant 0 : i32
    %dma_start3A_71 = arith.constant 0 : i32
    %dma_start3A_72 = tpu.memref_slice %arg9[%dma_start3A_58, %dma_start3A_59, %dma_start3A_70, %dma_start3A_71] : memref<2x8x32x128xf32, #tpu.memory_space<vmem>> -> memref<1x1x32x128xf32, #tpu.memory_space<vmem>>
    %dma_start3A_73 = tpu.memref_squeeze %dma_start3A_72 : memref<1x1x32x128xf32, #tpu.memory_space<vmem>> -> memref<32x128xf32, #tpu.memory_space<vmem>>
    %dma_start3A_74 = arith.constant 0 : i32
    %dma_start3A_75 = tpu.memref_slice %arg4[%dma_start3A_74, %multiple_of3A_57] : memref<32x1000000xf32, #tpu.memory_space<hbm>> -> memref<32x128xf32, #tpu.memory_space<hbm>>
    tpu.enqueue_dma source(%dma_start3A_75 : memref<32x128xf32, #tpu.memory_space<hbm>>) target(%dma_start3A_73 : memref<32x128xf32, #tpu.memory_space<vmem>>) target_semaphore(%dma_start3A_69 : memref<!tpu.dma_semaphore, #tpu.memory_space<semaphore_mem>>)
    %slice3A_76 = vector.extract_strided_slice %get3A_6 {offsets = [3], sizes = [1], strides = [1]} : vector<16xi32> to vector<1xi32>
    %squeeze3A_77 = vector.extract %slice3A_76[0] : i32 from vector<1xi32>
    %shift_right_arithmetic3A_78 = arith.constant 7 : i32
    %shift_right_arithmetic3A_79 = arith.shrsi %squeeze3A_77, %shift_right_arithmetic3A_78 : i32
    %shift_left3A_80 = arith.constant 7 : i32
    %shift_left3A_81 = arith.shli %shift_right_arithmetic3A_79, %shift_left3A_80 : i32
    %multiple_of3A_82 = tpu.assume_multiple %shift_left3A_81, 128 : i32
    %dma_start3A_83 = arith.constant 0 : i32
    %dma_start3A_84 = arith.constant 3 : i32
    %dma_start3A_85 = arith.constant 0 : i32
    %dma_start3A_86 = arith.constant 3 : i32
    %dma_start3A_87 = arith.constant 0 : i32
    %dma_start3A_88 = arith.constant 0 : i32
    %dma_start3A_89 = tpu.memref_slice %arg9[%dma_start3A_83, %dma_start3A_84, %dma_start3A_87, %dma_start3A_88] : memref<2x8x32x128xf32, #tpu.memory_space<vmem>> -> memref<1x1x32x128xf32, #tpu.memory_space<vmem>>
    %dma_start3A_90 = tpu.memref_squeeze %dma_start3A_89 : memref<1x1x32x128xf32, #tpu.memory_space<vmem>> -> memref<32x128xf32, #tpu.memory_space<vmem>>
    %dma_start3A_91 = arith.constant 0 : i32
    %dma_start3A_92 = tpu.memref_slice %arg4[%dma_start3A_91, %multiple_of3A_82] : memref<32x1000000xf32, #tpu.memory_space<hbm>> -> memref<32x128xf32, #tpu.memory_space<hbm>>
    %dma_start3A_93 = tpu.memref_slice %arg11[%dma_start3A_85, %dma_start3A_86] : memref<2x8x!tpu.dma_semaphore, #tpu.memory_space<semaphore_mem>> -> memref<1x1x!tpu.dma_semaphore, #tpu.memory_space<semaphore_mem>>
    %dma_start3A_94 = tpu.memref_squeeze %dma_start3A_93 : memref<1x1x!tpu.dma_semaphore, #tpu.memory_space<semaphore_mem>> -> memref<!tpu.dma_semaphore, #tpu.memory_space<semaphore_mem>>
    %dma_start3A_95 = arith.constant 0 : i32
    %dma_start3A_96 = arith.constant 0 : i32
    %dma_start3A_97 = tpu.memref_slice %arg9[%dma_start3A_83, %dma_start3A_84, %dma_start3A_95, %dma_start3A_96] : memref<2x8x32x128xf32, #tpu.memory_space<vmem>> -> memref<1x1x32x128xf32, #tpu.memory_space<vmem>>
    %dma_start3A_98 = tpu.memref_squeeze %dma_start3A_97 : memref<1x1x32x128xf32, #tpu.memory_space<vmem>> -> memref<32x128xf32, #tpu.memory_space<vmem>>
    %dma_start3A_99 = arith.constant 0 : i32
    %dma_start3A_100 = tpu.memref_slice %arg4[%dma_start3A_99, %multiple_of3A_82] : memref<32x1000000xf32, #tpu.memory_space<hbm>> -> memref<32x128xf32, #tpu.memory_space<hbm>>
    tpu.enqueue_dma source(%dma_start3A_100 : memref<32x128xf32, #tpu.memory_space<hbm>>) target(%dma_start3A_98 : memref<32x128xf32, #tpu.memory_space<vmem>>) target_semaphore(%dma_start3A_94 : memref<!tpu.dma_semaphore, #tpu.memory_space<semaphore_mem>>)
    %slice3A_101 = vector.extract_strided_slice %get3A_6 {offsets = [4], sizes = [1], strides = [1]} : vector<16xi32> to vector<1xi32>
    %squeeze3A_102 = vector.extract %slice3A_101[0] : i32 from vector<1xi32>
    %shift_right_arithmetic3A_103 = arith.constant 7 : i32
    %shift_right_arithmetic3A_104 = arith.shrsi %squeeze3A_102, %shift_right_arithmetic3A_103 : i32
    %shift_left3A_105 = arith.constant 7 : i32
    %shift_left3A_106 = arith.shli %shift_right_arithmetic3A_104, %shift_left3A_105 : i32
    %multiple_of3A_107 = tpu.assume_multiple %shift_left3A_106, 128 : i32
    %dma_start3A_108 = arith.constant 0 : i32
    %dma_start3A_109 = arith.constant 4 : i32
    %dma_start3A_110 = arith.constant 0 : i32
    %dma_start3A_111 = arith.constant 4 : i32
    %dma_start3A_112 = arith.constant 0 : i32
    %dma_start3A_113 = arith.constant 0 : i32
    %dma_start3A_114 = tpu.memref_slice %arg9[%dma_start3A_108, %dma_start3A_109, %dma_start3A_112, %dma_start3A_113] : memref<2x8x32x128xf32, #tpu.memory_space<vmem>> -> memref<1x1x32x128xf32, #tpu.memory_space<vmem>>
    %dma_start3A_115 = tpu.memref_squeeze %dma_start3A_114 : memref<1x1x32x128xf32, #tpu.memory_space<vmem>> -> memref<32x128xf32, #tpu.memory_space<vmem>>
    %dma_start3A_116 = arith.constant 0 : i32
    %dma_start3A_117 = tpu.memref_slice %arg4[%dma_start3A_116, %multiple_of3A_107] : memref<32x1000000xf32, #tpu.memory_space<hbm>> -> memref<32x128xf32, #tpu.memory_space<hbm>>
    %dma_start3A_118 = tpu.memref_slice %arg11[%dma_start3A_110, %dma_start3A_111] : memref<2x8x!tpu.dma_semaphore, #tpu.memory_space<semaphore_mem>> -> memref<1x1x!tpu.dma_semaphore, #tpu.memory_space<semaphore_mem>>
    %dma_start3A_119 = tpu.memref_squeeze %dma_start3A_118 : memref<1x1x!tpu.dma_semaphore, #tpu.memory_space<semaphore_mem>> -> memref<!tpu.dma_semaphore, #tpu.memory_space<semaphore_mem>>
    %dma_start3A_120 = arith.constant 0 : i32
    %dma_start3A_121 = arith.constant 0 : i32
    %dma_start3A_122 = tpu.memref_slice %arg9[%dma_start3A_108, %dma_start3A_109, %dma_start3A_120, %dma_start3A_121] : memref<2x8x32x128xf32, #tpu.memory_space<vmem>> -> memref<1x1x32x128xf32, #tpu.memory_space<vmem>>
    %dma_start3A_123 = tpu.memref_squeeze %dma_start3A_122 : memref<1x1x32x128xf32, #tpu.memory_space<vmem>> -> memref<32x128xf32, #tpu.memory_space<vmem>>
    %dma_start3A_124 = arith.constant 0 : i32
    %dma_start3A_125 = tpu.memref_slice %arg4[%dma_start3A_124, %multiple_of3A_107] : memref<32x1000000xf32, #tpu.memory_space<hbm>> -> memref<32x128xf32, #tpu.memory_space<hbm>>
    tpu.enqueue_dma source(%dma_start3A_125 : memref<32x128xf32, #tpu.memory_space<hbm>>) target(%dma_start3A_123 : memref<32x128xf32, #tpu.memory_space<vmem>>) target_semaphore(%dma_start3A_119 : memref<!tpu.dma_semaphore, #tpu.memory_space<semaphore_mem>>)
    %slice3A_126 = vector.extract_strided_slice %get3A_6 {offsets = [5], sizes = [1], strides = [1]} : vector<16xi32> to vector<1xi32>
    %squeeze3A_127 = vector.extract %slice3A_126[0] : i32 from vector<1xi32>
    %shift_right_arithmetic3A_128 = arith.constant 7 : i32
    %shift_right_arithmetic3A_129 = arith.shrsi %squeeze3A_127, %shift_right_arithmetic3A_128 : i32
    %shift_left3A_130 = arith.constant 7 : i32
    %shift_left3A_131 = arith.shli %shift_right_arithmetic3A_129, %shift_left3A_130 : i32
    %multiple_of3A_132 = tpu.assume_multiple %shift_left3A_131, 128 : i32
    %dma_start3A_133 = arith.constant 0 : i32
    %dma_start3A_134 = arith.constant 5 : i32
    %dma_start3A_135 = arith.constant 0 : i32
    %dma_start3A_136 = arith.constant 5 : i32
    %dma_start3A_137 = arith.constant 0 : i32
    %dma_start3A_138 = arith.constant 0 : i32
    %dma_start3A_139 = tpu.memref_slice %arg9[%dma_start3A_133, %dma_start3A_134, %dma_start3A_137, %dma_start3A_138] : memref<2x8x32x128xf32, #tpu.memory_space<vmem>> -> memref<1x1x32x128xf32, #tpu.memory_space<vmem>>
    %dma_start3A_140 = tpu.memref_squeeze %dma_start3A_139 : memref<1x1x32x128xf32, #tpu.memory_space<vmem>> -> memref<32x128xf32, #tpu.memory_space<vmem>>
    %dma_start3A_141 = arith.constant 0 : i32
    %dma_start3A_142 = tpu.memref_slice %arg4[%dma_start3A_141, %multiple_of3A_132] : memref<32x1000000xf32, #tpu.memory_space<hbm>> -> memref<32x128xf32, #tpu.memory_space<hbm>>
    %dma_start3A_143 = tpu.memref_slice %arg11[%dma_start3A_135, %dma_start3A_136] : memref<2x8x!tpu.dma_semaphore, #tpu.memory_space<semaphore_mem>> -> memref<1x1x!tpu.dma_semaphore, #tpu.memory_space<semaphore_mem>>
    %dma_start3A_144 = tpu.memref_squeeze %dma_start3A_143 : memref<1x1x!tpu.dma_semaphore, #tpu.memory_space<semaphore_mem>> -> memref<!tpu.dma_semaphore, #tpu.memory_space<semaphore_mem>>
    %dma_start3A_145 = arith.constant 0 : i32
    %dma_start3A_146 = arith.constant 0 : i32
    %dma_start3A_147 = tpu.memref_slice %arg9[%dma_start3A_133, %dma_start3A_134, %dma_start3A_145, %dma_start3A_146] : memref<2x8x32x128xf32, #tpu.memory_space<vmem>> -> memref<1x1x32x128xf32, #tpu.memory_space<vmem>>
    %dma_start3A_148 = tpu.memref_squeeze %dma_start3A_147 : memref<1x1x32x128xf32, #tpu.memory_space<vmem>> -> memref<32x128xf32, #tpu.memory_space<vmem>>
    %dma_start3A_149 = arith.constant 0 : i32
    %dma_start3A_150 = tpu.memref_slice %arg4[%dma_start3A_149, %multiple_of3A_132] : memref<32x1000000xf32, #tpu.memory_space<hbm>> -> memref<32x128xf32, #tpu.memory_space<hbm>>
    tpu.enqueue_dma source(%dma_start3A_150 : memref<32x128xf32, #tpu.memory_space<hbm>>) target(%dma_start3A_148 : memref<32x128xf32, #tpu.memory_space<vmem>>) target_semaphore(%dma_start3A_144 : memref<!tpu.dma_semaphore, #tpu.memory_space<semaphore_mem>>)
    %slice3A_151 = vector.extract_strided_slice %get3A_6 {offsets = [6], sizes = [1], strides = [1]} : vector<16xi32> to vector<1xi32>
    %squeeze3A_152 = vector.extract %slice3A_151[0] : i32 from vector<1xi32>
    %shift_right_arithmetic3A_153 = arith.constant 7 : i32
    %shift_right_arithmetic3A_154 = arith.shrsi %squeeze3A_152, %shift_right_arithmetic3A_153 : i32
    %shift_left3A_155 = arith.constant 7 : i32
    %shift_left3A_156 = arith.shli %shift_right_arithmetic3A_154, %shift_left3A_155 : i32
    %multiple_of3A_157 = tpu.assume_multiple %shift_left3A_156, 128 : i32
    %dma_start3A_158 = arith.constant 0 : i32
    %dma_start3A_159 = arith.constant 6 : i32
    %dma_start3A_160 = arith.constant 0 : i32
    %dma_start3A_161 = arith.constant 6 : i32
    %dma_start3A_162 = arith.constant 0 : i32
    %dma_start3A_163 = arith.constant 0 : i32
    %dma_start3A_164 = tpu.memref_slice %arg9[%dma_start3A_158, %dma_start3A_159, %dma_start3A_162, %dma_start3A_163] : memref<2x8x32x128xf32, #tpu.memory_space<vmem>> -> memref<1x1x32x128xf32, #tpu.memory_space<vmem>>
    %dma_start3A_165 = tpu.memref_squeeze %dma_start3A_164 : memref<1x1x32x128xf32, #tpu.memory_space<vmem>> -> memref<32x128xf32, #tpu.memory_space<vmem>>
    %dma_start3A_166 = arith.constant 0 : i32
    %dma_start3A_167 = tpu.memref_slice %arg4[%dma_start3A_166, %multiple_of3A_157] : memref<32x1000000xf32, #tpu.memory_space<hbm>> -> memref<32x128xf32, #tpu.memory_space<hbm>>
    %dma_start3A_168 = tpu.memref_slice %arg11[%dma_start3A_160, %dma_start3A_161] : memref<2x8x!tpu.dma_semaphore, #tpu.memory_space<semaphore_mem>> -> memref<1x1x!tpu.dma_semaphore, #tpu.memory_space<semaphore_mem>>
    %dma_start3A_169 = tpu.memref_squeeze %dma_start3A_168 : memref<1x1x!tpu.dma_semaphore, #tpu.memory_space<semaphore_mem>> -> memref<!tpu.dma_semaphore, #tpu.memory_space<semaphore_mem>>
    %dma_start3A_170 = arith.constant 0 : i32
    %dma_start3A_171 = arith.constant 0 : i32
    %dma_start3A_172 = tpu.memref_slice %arg9[%dma_start3A_158, %dma_start3A_159, %dma_start3A_170, %dma_start3A_171] : memref<2x8x32x128xf32, #tpu.memory_space<vmem>> -> memref<1x1x32x128xf32, #tpu.memory_space<vmem>>
    %dma_start3A_173 = tpu.memref_squeeze %dma_start3A_172 : memref<1x1x32x128xf32, #tpu.memory_space<vmem>> -> memref<32x128xf32, #tpu.memory_space<vmem>>
    %dma_start3A_174 = arith.constant 0 : i32
    %dma_start3A_175 = tpu.memref_slice %arg4[%dma_start3A_174, %multiple_of3A_157] : memref<32x1000000xf32, #tpu.memory_space<hbm>> -> memref<32x128xf32, #tpu.memory_space<hbm>>
    tpu.enqueue_dma source(%dma_start3A_175 : memref<32x128xf32, #tpu.memory_space<hbm>>) target(%dma_start3A_173 : memref<32x128xf32, #tpu.memory_space<vmem>>) target_semaphore(%dma_start3A_169 : memref<!tpu.dma_semaphore, #tpu.memory_space<semaphore_mem>>)
    %slice3A_176 = vector.extract_strided_slice %get3A_6 {offsets = [7], sizes = [1], strides = [1]} : vector<16xi32> to vector<1xi32>
    %squeeze3A_177 = vector.extract %slice3A_176[0] : i32 from vector<1xi32>
    %shift_right_arithmetic3A_178 = arith.constant 7 : i32
    %shift_right_arithmetic3A_179 = arith.shrsi %squeeze3A_177, %shift_right_arithmetic3A_178 : i32
    %shift_left3A_180 = arith.constant 7 : i32
    %shift_left3A_181 = arith.shli %shift_right_arithmetic3A_179, %shift_left3A_180 : i32
    %multiple_of3A_182 = tpu.assume_multiple %shift_left3A_181, 128 : i32
    %dma_start3A_183 = arith.constant 0 : i32
    %dma_start3A_184 = arith.constant 7 : i32
    %dma_start3A_185 = arith.constant 0 : i32
    %dma_start3A_186 = arith.constant 7 : i32
    %dma_start3A_187 = arith.constant 0 : i32
    %dma_start3A_188 = arith.constant 0 : i32
    %dma_start3A_189 = tpu.memref_slice %arg9[%dma_start3A_183, %dma_start3A_184, %dma_start3A_187, %dma_start3A_188] : memref<2x8x32x128xf32, #tpu.memory_space<vmem>> -> memref<1x1x32x128xf32, #tpu.memory_space<vmem>>
    %dma_start3A_190 = tpu.memref_squeeze %dma_start3A_189 : memref<1x1x32x128xf32, #tpu.memory_space<vmem>> -> memref<32x128xf32, #tpu.memory_space<vmem>>
    %dma_start3A_191 = arith.constant 0 : i32
    %dma_start3A_192 = tpu.memref_slice %arg4[%dma_start3A_191, %multiple_of3A_182] : memref<32x1000000xf32, #tpu.memory_space<hbm>> -> memref<32x128xf32, #tpu.memory_space<hbm>>
    %dma_start3A_193 = tpu.memref_slice %arg11[%dma_start3A_185, %dma_start3A_186] : memref<2x8x!tpu.dma_semaphore, #tpu.memory_space<semaphore_mem>> -> memref<1x1x!tpu.dma_semaphore, #tpu.memory_space<semaphore_mem>>
    %dma_start3A_194 = tpu.memref_squeeze %dma_start3A_193 : memref<1x1x!tpu.dma_semaphore, #tpu.memory_space<semaphore_mem>> -> memref<!tpu.dma_semaphore, #tpu.memory_space<semaphore_mem>>
    %dma_start3A_195 = arith.constant 0 : i32
    %dma_start3A_196 = arith.constant 0 : i32
    %dma_start3A_197 = tpu.memref_slice %arg9[%dma_start3A_183, %dma_start3A_184, %dma_start3A_195, %dma_start3A_196] : memref<2x8x32x128xf32, #tpu.memory_space<vmem>> -> memref<1x1x32x128xf32, #tpu.memory_space<vmem>>
    %dma_start3A_198 = tpu.memref_squeeze %dma_start3A_197 : memref<1x1x32x128xf32, #tpu.memory_space<vmem>> -> memref<32x128xf32, #tpu.memory_space<vmem>>
    %dma_start3A_199 = arith.constant 0 : i32
    %dma_start3A_200 = tpu.memref_slice %arg4[%dma_start3A_199, %multiple_of3A_182] : memref<32x1000000xf32, #tpu.memory_space<hbm>> -> memref<32x128xf32, #tpu.memory_space<hbm>>
    tpu.enqueue_dma source(%dma_start3A_200 : memref<32x128xf32, #tpu.memory_space<hbm>>) target(%dma_start3A_198 : memref<32x128xf32, #tpu.memory_space<vmem>>) target_semaphore(%dma_start3A_194 : memref<!tpu.dma_semaphore, #tpu.memory_space<semaphore_mem>>)
    %slice3A_201 = vector.extract_strided_slice %get3A_6 {offsets = [8], sizes = [1], strides = [1]} : vector<16xi32> to vector<1xi32>
    %squeeze3A_202 = vector.extract %slice3A_201[0] : i32 from vector<1xi32>
    %shift_right_arithmetic3A_203 = arith.constant 7 : i32
    %shift_right_arithmetic3A_204 = arith.shrsi %squeeze3A_202, %shift_right_arithmetic3A_203 : i32
    %shift_left3A_205 = arith.constant 7 : i32
    %shift_left3A_206 = arith.shli %shift_right_arithmetic3A_204, %shift_left3A_205 : i32
    %multiple_of3A_207 = tpu.assume_multiple %shift_left3A_206, 128 : i32
    %dma_start3A_208 = arith.constant 1 : i32
    %dma_start3A_209 = arith.constant 0 : i32
    %dma_start3A_210 = arith.constant 1 : i32
    %dma_start3A_211 = arith.constant 0 : i32
    %dma_start3A_212 = arith.constant 0 : i32
    %dma_start3A_213 = arith.constant 0 : i32
    %dma_start3A_214 = tpu.memref_slice %arg9[%dma_start3A_208, %dma_start3A_209, %dma_start3A_212, %dma_start3A_213] : memref<2x8x32x128xf32, #tpu.memory_space<vmem>> -> memref<1x1x32x128xf32, #tpu.memory_space<vmem>>
    %dma_start3A_215 = tpu.memref_squeeze %dma_start3A_214 : memref<1x1x32x128xf32, #tpu.memory_space<vmem>> -> memref<32x128xf32, #tpu.memory_space<vmem>>
    %dma_start3A_216 = arith.constant 0 : i32
    %dma_start3A_217 = tpu.memref_slice %arg4[%dma_start3A_216, %multiple_of3A_207] : memref<32x1000000xf32, #tpu.memory_space<hbm>> -> memref<32x128xf32, #tpu.memory_space<hbm>>
    %dma_start3A_218 = tpu.memref_slice %arg11[%dma_start3A_210, %dma_start3A_211] : memref<2x8x!tpu.dma_semaphore, #tpu.memory_space<semaphore_mem>> -> memref<1x1x!tpu.dma_semaphore, #tpu.memory_space<semaphore_mem>>
    %dma_start3A_219 = tpu.memref_squeeze %dma_start3A_218 : memref<1x1x!tpu.dma_semaphore, #tpu.memory_space<semaphore_mem>> -> memref<!tpu.dma_semaphore, #tpu.memory_space<semaphore_mem>>
    %dma_start3A_220 = arith.constant 0 : i32
    %dma_start3A_221 = arith.constant 0 : i32
    %dma_start3A_222 = tpu.memref_slice %arg9[%dma_start3A_208, %dma_start3A_209, %dma_start3A_220, %dma_start3A_221] : memref<2x8x32x128xf32, #tpu.memory_space<vmem>> -> memref<1x1x32x128xf32, #tpu.memory_space<vmem>>
    %dma_start3A_223 = tpu.memref_squeeze %dma_start3A_222 : memref<1x1x32x128xf32, #tpu.memory_space<vmem>> -> memref<32x128xf32, #tpu.memory_space<vmem>>
    %dma_start3A_224 = arith.constant 0 : i32
    %dma_start3A_225 = tpu.memref_slice %arg4[%dma_start3A_224, %multiple_of3A_207] : memref<32x1000000xf32, #tpu.memory_space<hbm>> -> memref<32x128xf32, #tpu.memory_space<hbm>>
    tpu.enqueue_dma source(%dma_start3A_225 : memref<32x128xf32, #tpu.memory_space<hbm>>) target(%dma_start3A_223 : memref<32x128xf32, #tpu.memory_space<vmem>>) target_semaphore(%dma_start3A_219 : memref<!tpu.dma_semaphore, #tpu.memory_space<semaphore_mem>>)
    %slice3A_226 = vector.extract_strided_slice %get3A_6 {offsets = [9], sizes = [1], strides = [1]} : vector<16xi32> to vector<1xi32>
    %squeeze3A_227 = vector.extract %slice3A_226[0] : i32 from vector<1xi32>
    %shift_right_arithmetic3A_228 = arith.constant 7 : i32
    %shift_right_arithmetic3A_229 = arith.shrsi %squeeze3A_227, %shift_right_arithmetic3A_228 : i32
    %shift_left3A_230 = arith.constant 7 : i32
    %shift_left3A_231 = arith.shli %shift_right_arithmetic3A_229, %shift_left3A_230 : i32
    %multiple_of3A_232 = tpu.assume_multiple %shift_left3A_231, 128 : i32
    %dma_start3A_233 = arith.constant 1 : i32
    %dma_start3A_234 = arith.constant 1 : i32
    %dma_start3A_235 = arith.constant 1 : i32
    %dma_start3A_236 = arith.constant 1 : i32
    %dma_start3A_237 = arith.constant 0 : i32
    %dma_start3A_238 = arith.constant 0 : i32
    %dma_start3A_239 = tpu.memref_slice %arg9[%dma_start3A_233, %dma_start3A_234, %dma_start3A_237, %dma_start3A_238] : memref<2x8x32x128xf32, #tpu.memory_space<vmem>> -> memref<1x1x32x128xf32, #tpu.memory_space<vmem>>
    %dma_start3A_240 = tpu.memref_squeeze %dma_start3A_239 : memref<1x1x32x128xf32, #tpu.memory_space<vmem>> -> memref<32x128xf32, #tpu.memory_space<vmem>>
    %dma_start3A_241 = arith.constant 0 : i32
    %dma_start3A_242 = tpu.memref_slice %arg4[%dma_start3A_241, %multiple_of3A_232] : memref<32x1000000xf32, #tpu.memory_space<hbm>> -> memref<32x128xf32, #tpu.memory_space<hbm>>
    %dma_start3A_243 = tpu.memref_slice %arg11[%dma_start3A_235, %dma_start3A_236] : memref<2x8x!tpu.dma_semaphore, #tpu.memory_space<semaphore_mem>> -> memref<1x1x!tpu.dma_semaphore, #tpu.memory_space<semaphore_mem>>
    %dma_start3A_244 = tpu.memref_squeeze %dma_start3A_243 : memref<1x1x!tpu.dma_semaphore, #tpu.memory_space<semaphore_mem>> -> memref<!tpu.dma_semaphore, #tpu.memory_space<semaphore_mem>>
    %dma_start3A_245 = arith.constant 0 : i32
    %dma_start3A_246 = arith.constant 0 : i32
    %dma_start3A_247 = tpu.memref_slice %arg9[%dma_start3A_233, %dma_start3A_234, %dma_start3A_245, %dma_start3A_246] : memref<2x8x32x128xf32, #tpu.memory_space<vmem>> -> memref<1x1x32x128xf32, #tpu.memory_space<vmem>>
    %dma_start3A_248 = tpu.memref_squeeze %dma_start3A_247 : memref<1x1x32x128xf32, #tpu.memory_space<vmem>> -> memref<32x128xf32, #tpu.memory_space<vmem>>
    %dma_start3A_249 = arith.constant 0 : i32
    %dma_start3A_250 = tpu.memref_slice %arg4[%dma_start3A_249, %multiple_of3A_232] : memref<32x1000000xf32, #tpu.memory_space<hbm>> -> memref<32x128xf32, #tpu.memory_space<hbm>>
    tpu.enqueue_dma source(%dma_start3A_250 : memref<32x128xf32, #tpu.memory_space<hbm>>) target(%dma_start3A_248 : memref<32x128xf32, #tpu.memory_space<vmem>>) target_semaphore(%dma_start3A_244 : memref<!tpu.dma_semaphore, #tpu.memory_space<semaphore_mem>>)
    %slice3A_251 = vector.extract_strided_slice %get3A_6 {offsets = [10], sizes = [1], strides = [1]} : vector<16xi32> to vector<1xi32>
    %squeeze3A_252 = vector.extract %slice3A_251[0] : i32 from vector<1xi32>
    %shift_right_arithmetic3A_253 = arith.constant 7 : i32
    %shift_right_arithmetic3A_254 = arith.shrsi %squeeze3A_252, %shift_right_arithmetic3A_253 : i32
    %shift_left3A_255 = arith.constant 7 : i32
    %shift_left3A_256 = arith.shli %shift_right_arithmetic3A_254, %shift_left3A_255 : i32
    %multiple_of3A_257 = tpu.assume_multiple %shift_left3A_256, 128 : i32
    %dma_start3A_258 = arith.constant 1 : i32
    %dma_start3A_259 = arith.constant 2 : i32
    %dma_start3A_260 = arith.constant 1 : i32
    %dma_start3A_261 = arith.constant 2 : i32
    %dma_start3A_262 = arith.constant 0 : i32
    %dma_start3A_263 = arith.constant 0 : i32
    %dma_start3A_264 = tpu.memref_slice %arg9[%dma_start3A_258, %dma_start3A_259, %dma_start3A_262, %dma_start3A_263] : memref<2x8x32x128xf32, #tpu.memory_space<vmem>> -> memref<1x1x32x128xf32, #tpu.memory_space<vmem>>
    %dma_start3A_265 = tpu.memref_squeeze %dma_start3A_264 : memref<1x1x32x128xf32, #tpu.memory_space<vmem>> -> memref<32x128xf32, #tpu.memory_space<vmem>>
    %dma_start3A_266 = arith.constant 0 : i32
    %dma_start3A_267 = tpu.memref_slice %arg4[%dma_start3A_266, %multiple_of3A_257] : memref<32x1000000xf32, #tpu.memory_space<hbm>> -> memref<32x128xf32, #tpu.memory_space<hbm>>
    %dma_start3A_268 = tpu.memref_slice %arg11[%dma_start3A_260, %dma_start3A_261] : memref<2x8x!tpu.dma_semaphore, #tpu.memory_space<semaphore_mem>> -> memref<1x1x!tpu.dma_semaphore, #tpu.memory_space<semaphore_mem>>
    %dma_start3A_269 = tpu.memref_squeeze %dma_start3A_268 : memref<1x1x!tpu.dma_semaphore, #tpu.memory_space<semaphore_mem>> -> memref<!tpu.dma_semaphore, #tpu.memory_space<semaphore_mem>>
    %dma_start3A_270 = arith.constant 0 : i32
    %dma_start3A_271 = arith.constant 0 : i32
    %dma_start3A_272 = tpu.memref_slice %arg9[%dma_start3A_258, %dma_start3A_259, %dma_start3A_270, %dma_start3A_271] : memref<2x8x32x128xf32, #tpu.memory_space<vmem>> -> memref<1x1x32x128xf32, #tpu.memory_space<vmem>>
    %dma_start3A_273 = tpu.memref_squeeze %dma_start3A_272 : memref<1x1x32x128xf32, #tpu.memory_space<vmem>> -> memref<32x128xf32, #tpu.memory_space<vmem>>
    %dma_start3A_274 = arith.constant 0 : i32
    %dma_start3A_275 = tpu.memref_slice %arg4[%dma_start3A_274, %multiple_of3A_257] : memref<32x1000000xf32, #tpu.memory_space<hbm>> -> memref<32x128xf32, #tpu.memory_space<hbm>>
    tpu.enqueue_dma source(%dma_start3A_275 : memref<32x128xf32, #tpu.memory_space<hbm>>) target(%dma_start3A_273 : memref<32x128xf32, #tpu.memory_space<vmem>>) target_semaphore(%dma_start3A_269 : memref<!tpu.dma_semaphore, #tpu.memory_space<semaphore_mem>>)
    %slice3A_276 = vector.extract_strided_slice %get3A_6 {offsets = [11], sizes = [1], strides = [1]} : vector<16xi32> to vector<1xi32>
    %squeeze3A_277 = vector.extract %slice3A_276[0] : i32 from vector<1xi32>
    %shift_right_arithmetic3A_278 = arith.constant 7 : i32
    %shift_right_arithmetic3A_279 = arith.shrsi %squeeze3A_277, %shift_right_arithmetic3A_278 : i32
    %shift_left3A_280 = arith.constant 7 : i32
    %shift_left3A_281 = arith.shli %shift_right_arithmetic3A_279, %shift_left3A_280 : i32
    %multiple_of3A_282 = tpu.assume_multiple %shift_left3A_281, 128 : i32
    %dma_start3A_283 = arith.constant 1 : i32
    %dma_start3A_284 = arith.constant 3 : i32
    %dma_start3A_285 = arith.constant 1 : i32
    %dma_start3A_286 = arith.constant 3 : i32
    %dma_start3A_287 = arith.constant 0 : i32
    %dma_start3A_288 = arith.constant 0 : i32
    %dma_start3A_289 = tpu.memref_slice %arg9[%dma_start3A_283, %dma_start3A_284, %dma_start3A_287, %dma_start3A_288] : memref<2x8x32x128xf32, #tpu.memory_space<vmem>> -> memref<1x1x32x128xf32, #tpu.memory_space<vmem>>
    %dma_start3A_290 = tpu.memref_squeeze %dma_start3A_289 : memref<1x1x32x128xf32, #tpu.memory_space<vmem>> -> memref<32x128xf32, #tpu.memory_space<vmem>>
    %dma_start3A_291 = arith.constant 0 : i32
    %dma_start3A_292 = tpu.memref_slice %arg4[%dma_start3A_291, %multiple_of3A_282] : memref<32x1000000xf32, #tpu.memory_space<hbm>> -> memref<32x128xf32, #tpu.memory_space<hbm>>
    %dma_start3A_293 = tpu.memref_slice %arg11[%dma_start3A_285, %dma_start3A_286] : memref<2x8x!tpu.dma_semaphore, #tpu.memory_space<semaphore_mem>> -> memref<1x1x!tpu.dma_semaphore, #tpu.memory_space<semaphore_mem>>
    %dma_start3A_294 = tpu.memref_squeeze %dma_start3A_293 : memref<1x1x!tpu.dma_semaphore, #tpu.memory_space<semaphore_mem>> -> memref<!tpu.dma_semaphore, #tpu.memory_space<semaphore_mem>>
    %dma_start3A_295 = arith.constant 0 : i32
    %dma_start3A_296 = arith.constant 0 : i32
    %dma_start3A_297 = tpu.memref_slice %arg9[%dma_start3A_283, %dma_start3A_284, %dma_start3A_295, %dma_start3A_296] : memref<2x8x32x128xf32, #tpu.memory_space<vmem>> -> memref<1x1x32x128xf32, #tpu.memory_space<vmem>>
    %dma_start3A_298 = tpu.memref_squeeze %dma_start3A_297 : memref<1x1x32x128xf32, #tpu.memory_space<vmem>> -> memref<32x128xf32, #tpu.memory_space<vmem>>
    %dma_start3A_299 = arith.constant 0 : i32
    %dma_start3A_300 = tpu.memref_slice %arg4[%dma_start3A_299, %multiple_of3A_282] : memref<32x1000000xf32, #tpu.memory_space<hbm>> -> memref<32x128xf32, #tpu.memory_space<hbm>>
    tpu.enqueue_dma source(%dma_start3A_300 : memref<32x128xf32, #tpu.memory_space<hbm>>) target(%dma_start3A_298 : memref<32x128xf32, #tpu.memory_space<vmem>>) target_semaphore(%dma_start3A_294 : memref<!tpu.dma_semaphore, #tpu.memory_space<semaphore_mem>>)
    %slice3A_301 = vector.extract_strided_slice %get3A_6 {offsets = [12], sizes = [1], strides = [1]} : vector<16xi32> to vector<1xi32>
    %squeeze3A_302 = vector.extract %slice3A_301[0] : i32 from vector<1xi32>
    %shift_right_arithmetic3A_303 = arith.constant 7 : i32
    %shift_right_arithmetic3A_304 = arith.shrsi %squeeze3A_302, %shift_right_arithmetic3A_303 : i32
    %shift_left3A_305 = arith.constant 7 : i32
    %shift_left3A_306 = arith.shli %shift_right_arithmetic3A_304, %shift_left3A_305 : i32
    %multiple_of3A_307 = tpu.assume_multiple %shift_left3A_306, 128 : i32
    %dma_start3A_308 = arith.constant 1 : i32
    %dma_start3A_309 = arith.constant 4 : i32
    %dma_start3A_310 = arith.constant 1 : i32
    %dma_start3A_311 = arith.constant 4 : i32
    %dma_start3A_312 = arith.constant 0 : i32
    %dma_start3A_313 = arith.constant 0 : i32
    %dma_start3A_314 = tpu.memref_slice %arg9[%dma_start3A_308, %dma_start3A_309, %dma_start3A_312, %dma_start3A_313] : memref<2x8x32x128xf32, #tpu.memory_space<vmem>> -> memref<1x1x32x128xf32, #tpu.memory_space<vmem>>
    %dma_start3A_315 = tpu.memref_squeeze %dma_start3A_314 : memref<1x1x32x128xf32, #tpu.memory_space<vmem>> -> memref<32x128xf32, #tpu.memory_space<vmem>>
    %dma_start3A_316 = arith.constant 0 : i32
    %dma_start3A_317 = tpu.memref_slice %arg4[%dma_start3A_316, %multiple_of3A_307] : memref<32x1000000xf32, #tpu.memory_space<hbm>> -> memref<32x128xf32, #tpu.memory_space<hbm>>
    %dma_start3A_318 = tpu.memref_slice %arg11[%dma_start3A_310, %dma_start3A_311] : memref<2x8x!tpu.dma_semaphore, #tpu.memory_space<semaphore_mem>> -> memref<1x1x!tpu.dma_semaphore, #tpu.memory_space<semaphore_mem>>
    %dma_start3A_319 = tpu.memref_squeeze %dma_start3A_318 : memref<1x1x!tpu.dma_semaphore, #tpu.memory_space<semaphore_mem>> -> memref<!tpu.dma_semaphore, #tpu.memory_space<semaphore_mem>>
    %dma_start3A_320 = arith.constant 0 : i32
    %dma_start3A_321 = arith.constant 0 : i32
    %dma_start3A_322 = tpu.memref_slice %arg9[%dma_start3A_308, %dma_start3A_309, %dma_start3A_320, %dma_start3A_321] : memref<2x8x32x128xf32, #tpu.memory_space<vmem>> -> memref<1x1x32x128xf32, #tpu.memory_space<vmem>>
    %dma_start3A_323 = tpu.memref_squeeze %dma_start3A_322 : memref<1x1x32x128xf32, #tpu.memory_space<vmem>> -> memref<32x128xf32, #tpu.memory_space<vmem>>
    %dma_start3A_324 = arith.constant 0 : i32
    %dma_start3A_325 = tpu.memref_slice %arg4[%dma_start3A_324, %multiple_of3A_307] : memref<32x1000000xf32, #tpu.memory_space<hbm>> -> memref<32x128xf32, #tpu.memory_space<hbm>>
    tpu.enqueue_dma source(%dma_start3A_325 : memref<32x128xf32, #tpu.memory_space<hbm>>) target(%dma_start3A_323 : memref<32x128xf32, #tpu.memory_space<vmem>>) target_semaphore(%dma_start3A_319 : memref<!tpu.dma_semaphore, #tpu.memory_space<semaphore_mem>>)
    %slice3A_326 = vector.extract_strided_slice %get3A_6 {offsets = [13], sizes = [1], strides = [1]} : vector<16xi32> to vector<1xi32>
    %squeeze3A_327 = vector.extract %slice3A_326[0] : i32 from vector<1xi32>
    %shift_right_arithmetic3A_328 = arith.constant 7 : i32
    %shift_right_arithmetic3A_329 = arith.shrsi %squeeze3A_327, %shift_right_arithmetic3A_328 : i32
    %shift_left3A_330 = arith.constant 7 : i32
    %shift_left3A_331 = arith.shli %shift_right_arithmetic3A_329, %shift_left3A_330 : i32
    %multiple_of3A_332 = tpu.assume_multiple %shift_left3A_331, 128 : i32
    %dma_start3A_333 = arith.constant 1 : i32
    %dma_start3A_334 = arith.constant 5 : i32
    %dma_start3A_335 = arith.constant 1 : i32
    %dma_start3A_336 = arith.constant 5 : i32
    %dma_start3A_337 = arith.constant 0 : i32
    %dma_start3A_338 = arith.constant 0 : i32
    %dma_start3A_339 = tpu.memref_slice %arg9[%dma_start3A_333, %dma_start3A_334, %dma_start3A_337, %dma_start3A_338] : memref<2x8x32x128xf32, #tpu.memory_space<vmem>> -> memref<1x1x32x128xf32, #tpu.memory_space<vmem>>
    %dma_start3A_340 = tpu.memref_squeeze %dma_start3A_339 : memref<1x1x32x128xf32, #tpu.memory_space<vmem>> -> memref<32x128xf32, #tpu.memory_space<vmem>>
    %dma_start3A_341 = arith.constant 0 : i32
    %dma_start3A_342 = tpu.memref_slice %arg4[%dma_start3A_341, %multiple_of3A_332] : memref<32x1000000xf32, #tpu.memory_space<hbm>> -> memref<32x128xf32, #tpu.memory_space<hbm>>
    %dma_start3A_343 = tpu.memref_slice %arg11[%dma_start3A_335, %dma_start3A_336] : memref<2x8x!tpu.dma_semaphore, #tpu.memory_space<semaphore_mem>> -> memref<1x1x!tpu.dma_semaphore, #tpu.memory_space<semaphore_mem>>
    %dma_start3A_344 = tpu.memref_squeeze %dma_start3A_343 : memref<1x1x!tpu.dma_semaphore, #tpu.memory_space<semaphore_mem>> -> memref<!tpu.dma_semaphore, #tpu.memory_space<semaphore_mem>>
    %dma_start3A_345 = arith.constant 0 : i32
    %dma_start3A_346 = arith.constant 0 : i32
    %dma_start3A_347 = tpu.memref_slice %arg9[%dma_start3A_333, %dma_start3A_334, %dma_start3A_345, %dma_start3A_346] : memref<2x8x32x128xf32, #tpu.memory_space<vmem>> -> memref<1x1x32x128xf32, #tpu.memory_space<vmem>>
    %dma_start3A_348 = tpu.memref_squeeze %dma_start3A_347 : memref<1x1x32x128xf32, #tpu.memory_space<vmem>> -> memref<32x128xf32, #tpu.memory_space<vmem>>
    %dma_start3A_349 = arith.constant 0 : i32
    %dma_start3A_350 = tpu.memref_slice %arg4[%dma_start3A_349, %multiple_of3A_332] : memref<32x1000000xf32, #tpu.memory_space<hbm>> -> memref<32x128xf32, #tpu.memory_space<hbm>>
    tpu.enqueue_dma source(%dma_start3A_350 : memref<32x128xf32, #tpu.memory_space<hbm>>) target(%dma_start3A_348 : memref<32x128xf32, #tpu.memory_space<vmem>>) target_semaphore(%dma_start3A_344 : memref<!tpu.dma_semaphore, #tpu.memory_space<semaphore_mem>>)
    %slice3A_351 = vector.extract_strided_slice %get3A_6 {offsets = [14], sizes = [1], strides = [1]} : vector<16xi32> to vector<1xi32>
    %squeeze3A_352 = vector.extract %slice3A_351[0] : i32 from vector<1xi32>
    %shift_right_arithmetic3A_353 = arith.constant 7 : i32
    %shift_right_arithmetic3A_354 = arith.shrsi %squeeze3A_352, %shift_right_arithmetic3A_353 : i32
    %shift_left3A_355 = arith.constant 7 : i32
    %shift_left3A_356 = arith.shli %shift_right_arithmetic3A_354, %shift_left3A_355 : i32
    %multiple_of3A_357 = tpu.assume_multiple %shift_left3A_356, 128 : i32
    %dma_start3A_358 = arith.constant 1 : i32
    %dma_start3A_359 = arith.constant 6 : i32
    %dma_start3A_360 = arith.constant 1 : i32
    %dma_start3A_361 = arith.constant 6 : i32
    %dma_start3A_362 = arith.constant 0 : i32
    %dma_start3A_363 = arith.constant 0 : i32
    %dma_start3A_364 = tpu.memref_slice %arg9[%dma_start3A_358, %dma_start3A_359, %dma_start3A_362, %dma_start3A_363] : memref<2x8x32x128xf32, #tpu.memory_space<vmem>> -> memref<1x1x32x128xf32, #tpu.memory_space<vmem>>
    %dma_start3A_365 = tpu.memref_squeeze %dma_start3A_364 : memref<1x1x32x128xf32, #tpu.memory_space<vmem>> -> memref<32x128xf32, #tpu.memory_space<vmem>>
    %dma_start3A_366 = arith.constant 0 : i32
    %dma_start3A_367 = tpu.memref_slice %arg4[%dma_start3A_366, %multiple_of3A_357] : memref<32x1000000xf32, #tpu.memory_space<hbm>> -> memref<32x128xf32, #tpu.memory_space<hbm>>
    %dma_start3A_368 = tpu.memref_slice %arg11[%dma_start3A_360, %dma_start3A_361] : memref<2x8x!tpu.dma_semaphore, #tpu.memory_space<semaphore_mem>> -> memref<1x1x!tpu.dma_semaphore, #tpu.memory_space<semaphore_mem>>
    %dma_start3A_369 = tpu.memref_squeeze %dma_start3A_368 : memref<1x1x!tpu.dma_semaphore, #tpu.memory_space<semaphore_mem>> -> memref<!tpu.dma_semaphore, #tpu.memory_space<semaphore_mem>>
    %dma_start3A_370 = arith.constant 0 : i32
    %dma_start3A_371 = arith.constant 0 : i32
    %dma_start3A_372 = tpu.memref_slice %arg9[%dma_start3A_358, %dma_start3A_359, %dma_start3A_370, %dma_start3A_371] : memref<2x8x32x128xf32, #tpu.memory_space<vmem>> -> memref<1x1x32x128xf32, #tpu.memory_space<vmem>>
    %dma_start3A_373 = tpu.memref_squeeze %dma_start3A_372 : memref<1x1x32x128xf32, #tpu.memory_space<vmem>> -> memref<32x128xf32, #tpu.memory_space<vmem>>
    %dma_start3A_374 = arith.constant 0 : i32
    %dma_start3A_375 = tpu.memref_slice %arg4[%dma_start3A_374, %multiple_of3A_357] : memref<32x1000000xf32, #tpu.memory_space<hbm>> -> memref<32x128xf32, #tpu.memory_space<hbm>>
    tpu.enqueue_dma source(%dma_start3A_375 : memref<32x128xf32, #tpu.memory_space<hbm>>) target(%dma_start3A_373 : memref<32x128xf32, #tpu.memory_space<vmem>>) target_semaphore(%dma_start3A_369 : memref<!tpu.dma_semaphore, #tpu.memory_space<semaphore_mem>>)
    %slice3A_376 = vector.extract_strided_slice %get3A_6 {offsets = [15], sizes = [1], strides = [1]} : vector<16xi32> to vector<1xi32>
    %squeeze3A_377 = vector.extract %slice3A_376[0] : i32 from vector<1xi32>
    %shift_right_arithmetic3A_378 = arith.constant 7 : i32
    %shift_right_arithmetic3A_379 = arith.shrsi %squeeze3A_377, %shift_right_arithmetic3A_378 : i32
    %shift_left3A_380 = arith.constant 7 : i32
    %shift_left3A_381 = arith.shli %shift_right_arithmetic3A_379, %shift_left3A_380 : i32
    %multiple_of3A_382 = tpu.assume_multiple %shift_left3A_381, 128 : i32
    %dma_start3A_383 = arith.constant 1 : i32
    %dma_start3A_384 = arith.constant 7 : i32
    %dma_start3A_385 = arith.constant 1 : i32
    %dma_start3A_386 = arith.constant 7 : i32
    %dma_start3A_387 = arith.constant 0 : i32
    %dma_start3A_388 = arith.constant 0 : i32
    %dma_start3A_389 = tpu.memref_slice %arg9[%dma_start3A_383, %dma_start3A_384, %dma_start3A_387, %dma_start3A_388] : memref<2x8x32x128xf32, #tpu.memory_space<vmem>> -> memref<1x1x32x128xf32, #tpu.memory_space<vmem>>
    %dma_start3A_390 = tpu.memref_squeeze %dma_start3A_389 : memref<1x1x32x128xf32, #tpu.memory_space<vmem>> -> memref<32x128xf32, #tpu.memory_space<vmem>>
    %dma_start3A_391 = arith.constant 0 : i32
    %dma_start3A_392 = tpu.memref_slice %arg4[%dma_start3A_391, %multiple_of3A_382] : memref<32x1000000xf32, #tpu.memory_space<hbm>> -> memref<32x128xf32, #tpu.memory_space<hbm>>
    %dma_start3A_393 = tpu.memref_slice %arg11[%dma_start3A_385, %dma_start3A_386] : memref<2x8x!tpu.dma_semaphore, #tpu.memory_space<semaphore_mem>> -> memref<1x1x!tpu.dma_semaphore, #tpu.memory_space<semaphore_mem>>
    %dma_start3A_394 = tpu.memref_squeeze %dma_start3A_393 : memref<1x1x!tpu.dma_semaphore, #tpu.memory_space<semaphore_mem>> -> memref<!tpu.dma_semaphore, #tpu.memory_space<semaphore_mem>>
    %dma_start3A_395 = arith.constant 0 : i32
    %dma_start3A_396 = arith.constant 0 : i32
    %dma_start3A_397 = tpu.memref_slice %arg9[%dma_start3A_383, %dma_start3A_384, %dma_start3A_395, %dma_start3A_396] : memref<2x8x32x128xf32, #tpu.memory_space<vmem>> -> memref<1x1x32x128xf32, #tpu.memory_space<vmem>>
    %dma_start3A_398 = tpu.memref_squeeze %dma_start3A_397 : memref<1x1x32x128xf32, #tpu.memory_space<vmem>> -> memref<32x128xf32, #tpu.memory_space<vmem>>
    %dma_start3A_399 = arith.constant 0 : i32
    %dma_start3A_400 = tpu.memref_slice %arg4[%dma_start3A_399, %multiple_of3A_382] : memref<32x1000000xf32, #tpu.memory_space<hbm>> -> memref<32x128xf32, #tpu.memory_space<hbm>>
    tpu.enqueue_dma source(%dma_start3A_400 : memref<32x128xf32, #tpu.memory_space<hbm>>) target(%dma_start3A_398 : memref<32x128xf32, #tpu.memory_space<vmem>>) target_semaphore(%dma_start3A_394 : memref<!tpu.dma_semaphore, #tpu.memory_space<semaphore_mem>>)
    %scan3A = arith.constant 0 : i32
    %scan3A_401 = arith.constant 32 : i32
    %scan3A_402 = arith.addi %scan3A, %scan3A_401 : i32
    %scan3A_403 = arith.constant 1 : i32
    %scan3A_404 = scf.for %scan3A_887 = %scan3A to %scan3A_402 step %scan3A_403 iter_args(%scan3A_888 = %get3A_6) -> (vector<16xi32>)  : i32 {
      %and3A = arith.constant 127 : i32
      %and3A_889 = vector.broadcast %and3A : i32 to vector<16xi32>
      %and3A_890 = arith.andi %scan3A_888, %and3A_889 : vector<16xi32>
      %add3A_891 = arith.constant 1 : i32
      %add3A_892 = arith.addi %scan3A_887, %add3A_891 : i32
      %mul3A_893 = arith.constant 16 : i32
      %mul3A_894 = arith.muli %add3A_892, %mul3A_893 : i32
      %get3A_895 = arith.constant 0 : i32
      %get3A_896 = arith.index_cast %get3A_895 : i32 to index
      %get3A_897 = arith.index_cast %mul3A_894 : i32 to index
      %get3A_898 = tpu.vector_load %arg8[%get3A_896, %get3A_897] {strides = array<i32>} : memref<2x528xi32, #tpu.memory_space<vmem>>, vector<16xi32>,
      %gt3A = arith.constant 0 : i32
      %gt3A_899 = arith.cmpi sgt, %scan3A_887, %gt3A : i32
      %convert_element_type3A = arith.extui %gt3A_899 : i1 to i32
      %cond3A = arith.constant 0 : i32
      %cond3A_900 = arith.cmpi ne, %convert_element_type3A, %cond3A : i32
      scf.if %cond3A_900 {
        %dma_wait3A_1790 = arith.constant 0 : i32
        %dma_wait3A_1791 = arith.constant 0 : i32
        %dma_wait3A_1792 = arith.constant 0 : i32
        %dma_wait3A_1793 = arith.constant 0 : i32
        %dma_wait3A_1794 = tpu.memref_slice %arg10[%dma_wait3A_1790, %dma_wait3A_1792, %dma_wait3A_1793] : memref<2x8x32xf32, #tpu.memory_space<vmem>> -> memref<1x8x32xf32, #tpu.memory_space<vmem>>
        %dma_wait3A_1795 = tpu.memref_squeeze %dma_wait3A_1794 : memref<1x8x32xf32, #tpu.memory_space<vmem>> -> memref<8x32xf32, #tpu.memory_space<vmem>>
        %dma_wait3A_1796 = arith.constant 0 : i32
        %dma_wait3A_1797 = arith.constant 0 : i32
        %dma_wait3A_1798 = tpu.memref_slice %arg6[%dma_wait3A_1796, %dma_wait3A_1797] : memref<16384x32xf32, #tpu.memory_space<hbm>> -> memref<8x32xf32, #tpu.memory_space<hbm>>
        %dma_wait3A_1799 = tpu.memref_slice %arg12[%dma_wait3A_1791] : memref<2x!tpu.dma_semaphore, #tpu.memory_space<semaphore_mem>> -> memref<1x!tpu.dma_semaphore, #tpu.memory_space<semaphore_mem>>
        %dma_wait3A_1800 = tpu.memref_squeeze %dma_wait3A_1799 : memref<1x!tpu.dma_semaphore, #tpu.memory_space<semaphore_mem>> -> memref<!tpu.dma_semaphore, #tpu.memory_space<semaphore_mem>>
        %dma_wait3A_1801 = arith.constant 0 : i32
        %dma_wait3A_1802 = arith.constant 0 : i32
        %dma_wait3A_1803 = tpu.memref_slice %arg6[%dma_wait3A_1801, %dma_wait3A_1802] : memref<16384x32xf32, #tpu.memory_space<hbm>> -> memref<8x32xf32, #tpu.memory_space<hbm>>
        %dma_wait3A_1804 = arith.constant 0 : i32
        %dma_wait3A_1805 = arith.constant 0 : i32
        %dma_wait3A_1806 = tpu.memref_slice %arg10[%dma_wait3A_1790, %dma_wait3A_1804, %dma_wait3A_1805] : memref<2x8x32xf32, #tpu.memory_space<vmem>> -> memref<1x8x32xf32, #tpu.memory_space<vmem>>
        %dma_wait3A_1807 = tpu.memref_squeeze %dma_wait3A_1806 : memref<1x8x32xf32, #tpu.memory_space<vmem>> -> memref<8x32xf32, #tpu.memory_space<vmem>>
        tpu.wait_dma2 semaphore(%dma_wait3A_1800 : memref<!tpu.dma_semaphore, #tpu.memory_space<semaphore_mem>>) src(%dma_wait3A_1807 : memref<8x32xf32, #tpu.memory_space<vmem>>) dst(%dma_wait3A_1803 : memref<8x32xf32, #tpu.memory_space<hbm>>)
      } else {
      }
      %dma_wait3A_901 = arith.constant 0 : i32
      %dma_wait3A_902 = arith.constant 0 : i32
      %dma_wait3A_903 = arith.constant 0 : i32
      %dma_wait3A_904 = arith.constant 0 : i32
      %dma_wait3A_905 = arith.constant 0 : i32
      %dma_wait3A_906 = arith.constant 0 : i32
      %dma_wait3A_907 = tpu.memref_slice %arg9[%dma_wait3A_901, %dma_wait3A_902, %dma_wait3A_905, %dma_wait3A_906] : memref<2x8x32x128xf32, #tpu.memory_space<vmem>> -> memref<1x1x32x128xf32, #tpu.memory_space<vmem>>
      %dma_wait3A_908 = tpu.memref_squeeze %dma_wait3A_907 : memref<1x1x32x128xf32, #tpu.memory_space<vmem>> -> memref<32x128xf32, #tpu.memory_space<vmem>>
      %dma_wait3A_909 = arith.constant 0 : i32
      %dma_wait3A_910 = arith.constant 0 : i32
      %dma_wait3A_911 = tpu.memref_slice %arg4[%dma_wait3A_909, %dma_wait3A_910] : memref<32x1000000xf32, #tpu.memory_space<hbm>> -> memref<32x128xf32, #tpu.memory_space<hbm>>
      %dma_wait3A_912 = tpu.memref_slice %arg11[%dma_wait3A_903, %dma_wait3A_904] : memref<2x8x!tpu.dma_semaphore, #tpu.memory_space<semaphore_mem>> -> memref<1x1x!tpu.dma_semaphore, #tpu.memory_space<semaphore_mem>>
      %dma_wait3A_913 = tpu.memref_squeeze %dma_wait3A_912 : memref<1x1x!tpu.dma_semaphore, #tpu.memory_space<semaphore_mem>> -> memref<!tpu.dma_semaphore, #tpu.memory_space<semaphore_mem>>
      %dma_wait3A_914 = arith.constant 0 : i32
      %dma_wait3A_915 = arith.constant 0 : i32
      %dma_wait3A_916 = tpu.memref_slice %arg9[%dma_wait3A_901, %dma_wait3A_902, %dma_wait3A_914, %dma_wait3A_915] : memref<2x8x32x128xf32, #tpu.memory_space<vmem>> -> memref<1x1x32x128xf32, #tpu.memory_space<vmem>>
      %dma_wait3A_917 = tpu.memref_squeeze %dma_wait3A_916 : memref<1x1x32x128xf32, #tpu.memory_space<vmem>> -> memref<32x128xf32, #tpu.memory_space<vmem>>
      %dma_wait3A_918 = arith.constant 0 : i32
      %dma_wait3A_919 = arith.constant 0 : i32
      %dma_wait3A_920 = tpu.memref_slice %arg4[%dma_wait3A_918, %dma_wait3A_919] : memref<32x1000000xf32, #tpu.memory_space<hbm>> -> memref<32x128xf32, #tpu.memory_space<hbm>>
      tpu.wait_dma2 semaphore(%dma_wait3A_913 : memref<!tpu.dma_semaphore, #tpu.memory_space<semaphore_mem>>) src(%dma_wait3A_920 : memref<32x128xf32, #tpu.memory_space<hbm>>) dst(%dma_wait3A_917 : memref<32x128xf32, #tpu.memory_space<vmem>>)
      %slice3A_921 = vector.extract_strided_slice %and3A_890 {offsets = [0], sizes = [1], strides = [1]} : vector<16xi32> to vector<1xi32>
      %squeeze3A_922 = vector.extract %slice3A_921[0] : i32 from vector<1xi32>
      %broadcast_in_dim3A = vector.broadcast %squeeze3A_922 : i32 to vector<16xi32>
      %gather3A = arith.constant 0 : i32
      %gather3A_923 = arith.constant 0 : i32
      %gather3A_924 = arith.constant 0 : i32
      %gather3A_925 = arith.constant 0 : i32
      %gather3A_926 = tpu.memref_slice %arg9[%gather3A, %gather3A_923, %gather3A_924, %gather3A_925] : memref<2x8x32x128xf32, #tpu.memory_space<vmem>> -> memref<1x1x32x128xf32, #tpu.memory_space<vmem>>
      %gather3A_927 = tpu.memref_squeeze %gather3A_926 : memref<1x1x32x128xf32, #tpu.memory_space<vmem>> -> memref<32x128xf32, #tpu.memory_space<vmem>>
      %gather3A_928 = tpu.vector_load_idx %gather3A_927[%iota3A, %broadcast_in_dim3A] : memref<32x128xf32, #tpu.memory_space<vmem>>[vector<16xi32>, vector<16xi32>], vector<16xf32>,
      %add3A_929 = arith.constant 16 : i32
      %add3A_930 = vector.broadcast %add3A_929 : i32 to vector<16xi32>
      %add3A_931 = arith.addi %iota3A, %add3A_930 : vector<16xi32>
      %gather3A_932 = arith.constant 0 : i32
      %gather3A_933 = arith.constant 0 : i32
      %gather3A_934 = arith.constant 0 : i32
      %gather3A_935 = arith.constant 0 : i32
      %gather3A_936 = tpu.memref_slice %arg9[%gather3A_932, %gather3A_933, %gather3A_934, %gather3A_935] : memref<2x8x32x128xf32, #tpu.memory_space<vmem>> -> memref<1x1x32x128xf32, #tpu.memory_space<vmem>>
      %gather3A_937 = tpu.memref_squeeze %gather3A_936 : memref<1x1x32x128xf32, #tpu.memory_space<vmem>> -> memref<32x128xf32, #tpu.memory_space<vmem>>
      %gather3A_938 = tpu.vector_load_idx %gather3A_937[%add3A_931, %broadcast_in_dim3A] : memref<32x128xf32, #tpu.memory_space<vmem>>[vector<16xi32>, vector<16xi32>], vector<16xf32>,
      %swap3A = arith.constant 0 : i32
      %swap3A_939 = arith.constant 0 : i32
      %swap3A_940 = arith.index_cast %swap3A : i32 to index
      %swap3A_941 = arith.index_cast %swap3A_939 : i32 to index
      %swap3A_942 = arith.constant 0 : index
      %swap3A_943 = tpu.vector_load %arg10[%swap3A_940, %swap3A_941, %swap3A_942] {strides = array<i32>} : memref<2x8x32xf32, #tpu.memory_space<vmem>>, vector<16xf32>,
      tpu.vector_store %arg10[%swap3A_940, %swap3A_941, %swap3A_942], %gather3A_928 {strides = array<i32>} : memref<2x8x32xf32, #tpu.memory_space<vmem>>, vector<16xf32>,
      %swap3A_944 = arith.constant 0 : i32
      %swap3A_945 = arith.constant 0 : i32
      %swap3A_946 = arith.index_cast %swap3A_944 : i32 to index
      %swap3A_947 = arith.index_cast %swap3A_945 : i32 to index
      %swap3A_948 = arith.constant 16 : index
      %swap3A_949 = tpu.vector_load %arg10[%swap3A_946, %swap3A_947, %swap3A_948] {strides = array<i32>} : memref<2x8x32xf32, #tpu.memory_space<vmem>>, vector<16xf32>,
      tpu.vector_store %arg10[%swap3A_946, %swap3A_947, %swap3A_948], %gather3A_938 {strides = array<i32>} : memref<2x8x32xf32, #tpu.memory_space<vmem>>, vector<16xf32>,
      %dma_wait3A_950 = arith.constant 0 : i32
      %dma_wait3A_951 = arith.constant 1 : i32
      %dma_wait3A_952 = arith.constant 0 : i32
      %dma_wait3A_953 = arith.constant 1 : i32
      %dma_wait3A_954 = arith.constant 0 : i32
      %dma_wait3A_955 = arith.constant 0 : i32
      %dma_wait3A_956 = tpu.memref_slice %arg9[%dma_wait3A_950, %dma_wait3A_951, %dma_wait3A_954, %dma_wait3A_955] : memref<2x8x32x128xf32, #tpu.memory_space<vmem>> -> memref<1x1x32x128xf32, #tpu.memory_space<vmem>>
      %dma_wait3A_957 = tpu.memref_squeeze %dma_wait3A_956 : memref<1x1x32x128xf32, #tpu.memory_space<vmem>> -> memref<32x128xf32, #tpu.memory_space<vmem>>
      %dma_wait3A_958 = arith.constant 0 : i32
      %dma_wait3A_959 = arith.constant 0 : i32
      %dma_wait3A_960 = tpu.memref_slice %arg4[%dma_wait3A_958, %dma_wait3A_959] : memref<32x1000000xf32, #tpu.memory_space<hbm>> -> memref<32x128xf32, #tpu.memory_space<hbm>>
      %dma_wait3A_961 = tpu.memref_slice %arg11[%dma_wait3A_952, %dma_wait3A_953] : memref<2x8x!tpu.dma_semaphore, #tpu.memory_space<semaphore_mem>> -> memref<1x1x!tpu.dma_semaphore, #tpu.memory_space<semaphore_mem>>
      %dma_wait3A_962 = tpu.memref_squeeze %dma_wait3A_961 : memref<1x1x!tpu.dma_semaphore, #tpu.memory_space<semaphore_mem>> -> memref<!tpu.dma_semaphore, #tpu.memory_space<semaphore_mem>>
      %dma_wait3A_963 = arith.constant 0 : i32
      %dma_wait3A_964 = arith.constant 0 : i32
      %dma_wait3A_965 = tpu.memref_slice %arg9[%dma_wait3A_950, %dma_wait3A_951, %dma_wait3A_963, %dma_wait3A_964] : memref<2x8x32x128xf32, #tpu.memory_space<vmem>> -> memref<1x1x32x128xf32, #tpu.memory_space<vmem>>
      %dma_wait3A_966 = tpu.memref_squeeze %dma_wait3A_965 : memref<1x1x32x128xf32, #tpu.memory_space<vmem>> -> memref<32x128xf32, #tpu.memory_space<vmem>>
      %dma_wait3A_967 = arith.constant 0 : i32
      %dma_wait3A_968 = arith.constant 0 : i32
      %dma_wait3A_969 = tpu.memref_slice %arg4[%dma_wait3A_967, %dma_wait3A_968] : memref<32x1000000xf32, #tpu.memory_space<hbm>> -> memref<32x128xf32, #tpu.memory_space<hbm>>
      tpu.wait_dma2 semaphore(%dma_wait3A_962 : memref<!tpu.dma_semaphore, #tpu.memory_space<semaphore_mem>>) src(%dma_wait3A_969 : memref<32x128xf32, #tpu.memory_space<hbm>>) dst(%dma_wait3A_966 : memref<32x128xf32, #tpu.memory_space<vmem>>)
      %slice3A_970 = vector.extract_strided_slice %and3A_890 {offsets = [1], sizes = [1], strides = [1]} : vector<16xi32> to vector<1xi32>
      %squeeze3A_971 = vector.extract %slice3A_970[0] : i32 from vector<1xi32>
      %broadcast_in_dim3A_972 = vector.broadcast %squeeze3A_971 : i32 to vector<16xi32>
      %gather3A_973 = arith.constant 0 : i32
      %gather3A_974 = arith.constant 1 : i32
      %gather3A_975 = arith.constant 0 : i32
      %gather3A_976 = arith.constant 0 : i32
      %gather3A_977 = tpu.memref_slice %arg9[%gather3A_973, %gather3A_974, %gather3A_975, %gather3A_976] : memref<2x8x32x128xf32, #tpu.memory_space<vmem>> -> memref<1x1x32x128xf32, #tpu.memory_space<vmem>>
      %gather3A_978 = tpu.memref_squeeze %gather3A_977 : memref<1x1x32x128xf32, #tpu.memory_space<vmem>> -> memref<32x128xf32, #tpu.memory_space<vmem>>
      %gather3A_979 = tpu.vector_load_idx %gather3A_978[%iota3A, %broadcast_in_dim3A_972] : memref<32x128xf32, #tpu.memory_space<vmem>>[vector<16xi32>, vector<16xi32>], vector<16xf32>,
      %add3A_980 = arith.constant 16 : i32
      %add3A_981 = vector.broadcast %add3A_980 : i32 to vector<16xi32>
      %add3A_982 = arith.addi %iota3A, %add3A_981 : vector<16xi32>
      %gather3A_983 = arith.constant 0 : i32
      %gather3A_984 = arith.constant 1 : i32
      %gather3A_985 = arith.constant 0 : i32
      %gather3A_986 = arith.constant 0 : i32
      %gather3A_987 = tpu.memref_slice %arg9[%gather3A_983, %gather3A_984, %gather3A_985, %gather3A_986] : memref<2x8x32x128xf32, #tpu.memory_space<vmem>> -> memref<1x1x32x128xf32, #tpu.memory_space<vmem>>
      %gather3A_988 = tpu.memref_squeeze %gather3A_987 : memref<1x1x32x128xf32, #tpu.memory_space<vmem>> -> memref<32x128xf32, #tpu.memory_space<vmem>>
      %gather3A_989 = tpu.vector_load_idx %gather3A_988[%add3A_982, %broadcast_in_dim3A_972] : memref<32x128xf32, #tpu.memory_space<vmem>>[vector<16xi32>, vector<16xi32>], vector<16xf32>,
      %swap3A_990 = arith.constant 0 : i32
      %swap3A_991 = arith.constant 1 : i32
      %swap3A_992 = arith.index_cast %swap3A_990 : i32 to index
      %swap3A_993 = arith.index_cast %swap3A_991 : i32 to index
      %swap3A_994 = arith.constant 0 : index
      %swap3A_995 = tpu.vector_load %arg10[%swap3A_992, %swap3A_993, %swap3A_994] {strides = array<i32>} : memref<2x8x32xf32, #tpu.memory_space<vmem>>, vector<16xf32>,
      tpu.vector_store %arg10[%swap3A_992, %swap3A_993, %swap3A_994], %gather3A_979 {strides = array<i32>} : memref<2x8x32xf32, #tpu.memory_space<vmem>>, vector<16xf32>,
      %swap3A_996 = arith.constant 0 : i32
      %swap3A_997 = arith.constant 1 : i32
      %swap3A_998 = arith.index_cast %swap3A_996 : i32 to index
      %swap3A_999 = arith.index_cast %swap3A_997 : i32 to index
      %swap3A_1000 = arith.constant 16 : index
      %swap3A_1001 = tpu.vector_load %arg10[%swap3A_998, %swap3A_999, %swap3A_1000] {strides = array<i32>} : memref<2x8x32xf32, #tpu.memory_space<vmem>>, vector<16xf32>,
      tpu.vector_store %arg10[%swap3A_998, %swap3A_999, %swap3A_1000], %gather3A_989 {strides = array<i32>} : memref<2x8x32xf32, #tpu.memory_space<vmem>>, vector<16xf32>,
      %dma_wait3A_1002 = arith.constant 0 : i32
      %dma_wait3A_1003 = arith.constant 2 : i32
      %dma_wait3A_1004 = arith.constant 0 : i32
      %dma_wait3A_1005 = arith.constant 2 : i32
      %dma_wait3A_1006 = arith.constant 0 : i32
      %dma_wait3A_1007 = arith.constant 0 : i32
      %dma_wait3A_1008 = tpu.memref_slice %arg9[%dma_wait3A_1002, %dma_wait3A_1003, %dma_wait3A_1006, %dma_wait3A_1007] : memref<2x8x32x128xf32, #tpu.memory_space<vmem>> -> memref<1x1x32x128xf32, #tpu.memory_space<vmem>>
      %dma_wait3A_1009 = tpu.memref_squeeze %dma_wait3A_1008 : memref<1x1x32x128xf32, #tpu.memory_space<vmem>> -> memref<32x128xf32, #tpu.memory_space<vmem>>
      %dma_wait3A_1010 = arith.constant 0 : i32
      %dma_wait3A_1011 = arith.constant 0 : i32
      %dma_wait3A_1012 = tpu.memref_slice %arg4[%dma_wait3A_1010, %dma_wait3A_1011] : memref<32x1000000xf32, #tpu.memory_space<hbm>> -> memref<32x128xf32, #tpu.memory_space<hbm>>
      %dma_wait3A_1013 = tpu.memref_slice %arg11[%dma_wait3A_1004, %dma_wait3A_1005] : memref<2x8x!tpu.dma_semaphore, #tpu.memory_space<semaphore_mem>> -> memref<1x1x!tpu.dma_semaphore, #tpu.memory_space<semaphore_mem>>
      %dma_wait3A_1014 = tpu.memref_squeeze %dma_wait3A_1013 : memref<1x1x!tpu.dma_semaphore, #tpu.memory_space<semaphore_mem>> -> memref<!tpu.dma_semaphore, #tpu.memory_space<semaphore_mem>>
      %dma_wait3A_1015 = arith.constant 0 : i32
      %dma_wait3A_1016 = arith.constant 0 : i32
      %dma_wait3A_1017 = tpu.memref_slice %arg9[%dma_wait3A_1002, %dma_wait3A_1003, %dma_wait3A_1015, %dma_wait3A_1016] : memref<2x8x32x128xf32, #tpu.memory_space<vmem>> -> memref<1x1x32x128xf32, #tpu.memory_space<vmem>>
      %dma_wait3A_1018 = tpu.memref_squeeze %dma_wait3A_1017 : memref<1x1x32x128xf32, #tpu.memory_space<vmem>> -> memref<32x128xf32, #tpu.memory_space<vmem>>
      %dma_wait3A_1019 = arith.constant 0 : i32
      %dma_wait3A_1020 = arith.constant 0 : i32
      %dma_wait3A_1021 = tpu.memref_slice %arg4[%dma_wait3A_1019, %dma_wait3A_1020] : memref<32x1000000xf32, #tpu.memory_space<hbm>> -> memref<32x128xf32, #tpu.memory_space<hbm>>
      tpu.wait_dma2 semaphore(%dma_wait3A_1014 : memref<!tpu.dma_semaphore, #tpu.memory_space<semaphore_mem>>) src(%dma_wait3A_1021 : memref<32x128xf32, #tpu.memory_space<hbm>>) dst(%dma_wait3A_1018 : memref<32x128xf32, #tpu.memory_space<vmem>>)
      %slice3A_1022 = vector.extract_strided_slice %and3A_890 {offsets = [2], sizes = [1], strides = [1]} : vector<16xi32> to vector<1xi32>
      %squeeze3A_1023 = vector.extract %slice3A_1022[0] : i32 from vector<1xi32>
      %broadcast_in_dim3A_1024 = vector.broadcast %squeeze3A_1023 : i32 to vector<16xi32>
      %gather3A_1025 = arith.constant 0 : i32
      %gather3A_1026 = arith.constant 2 : i32
      %gather3A_1027 = arith.constant 0 : i32
      %gather3A_1028 = arith.constant 0 : i32
      %gather3A_1029 = tpu.memref_slice %arg9[%gather3A_1025, %gather3A_1026, %gather3A_1027, %gather3A_1028] : memref<2x8x32x128xf32, #tpu.memory_space<vmem>> -> memref<1x1x32x128xf32, #tpu.memory_space<vmem>>
      %gather3A_1030 = tpu.memref_squeeze %gather3A_1029 : memref<1x1x32x128xf32, #tpu.memory_space<vmem>> -> memref<32x128xf32, #tpu.memory_space<vmem>>
      %gather3A_1031 = tpu.vector_load_idx %gather3A_1030[%iota3A, %broadcast_in_dim3A_1024] : memref<32x128xf32, #tpu.memory_space<vmem>>[vector<16xi32>, vector<16xi32>], vector<16xf32>,
      %add3A_1032 = arith.constant 16 : i32
      %add3A_1033 = vector.broadcast %add3A_1032 : i32 to vector<16xi32>
      %add3A_1034 = arith.addi %iota3A, %add3A_1033 : vector<16xi32>
      %gather3A_1035 = arith.constant 0 : i32
      %gather3A_1036 = arith.constant 2 : i32
      %gather3A_1037 = arith.constant 0 : i32
      %gather3A_1038 = arith.constant 0 : i32
      %gather3A_1039 = tpu.memref_slice %arg9[%gather3A_1035, %gather3A_1036, %gather3A_1037, %gather3A_1038] : memref<2x8x32x128xf32, #tpu.memory_space<vmem>> -> memref<1x1x32x128xf32, #tpu.memory_space<vmem>>
      %gather3A_1040 = tpu.memref_squeeze %gather3A_1039 : memref<1x1x32x128xf32, #tpu.memory_space<vmem>> -> memref<32x128xf32, #tpu.memory_space<vmem>>
      %gather3A_1041 = tpu.vector_load_idx %gather3A_1040[%add3A_1034, %broadcast_in_dim3A_1024] : memref<32x128xf32, #tpu.memory_space<vmem>>[vector<16xi32>, vector<16xi32>], vector<16xf32>,
      %swap3A_1042 = arith.constant 0 : i32
      %swap3A_1043 = arith.constant 2 : i32
      %swap3A_1044 = arith.index_cast %swap3A_1042 : i32 to index
      %swap3A_1045 = arith.index_cast %swap3A_1043 : i32 to index
      %swap3A_1046 = arith.constant 0 : index
      %swap3A_1047 = tpu.vector_load %arg10[%swap3A_1044, %swap3A_1045, %swap3A_1046] {strides = array<i32>} : memref<2x8x32xf32, #tpu.memory_space<vmem>>, vector<16xf32>,
      tpu.vector_store %arg10[%swap3A_1044, %swap3A_1045, %swap3A_1046], %gather3A_1031 {strides = array<i32>} : memref<2x8x32xf32, #tpu.memory_space<vmem>>, vector<16xf32>,
      %swap3A_1048 = arith.constant 0 : i32
      %swap3A_1049 = arith.constant 2 : i32
      %swap3A_1050 = arith.index_cast %swap3A_1048 : i32 to index
      %swap3A_1051 = arith.index_cast %swap3A_1049 : i32 to index
      %swap3A_1052 = arith.constant 16 : index
      %swap3A_1053 = tpu.vector_load %arg10[%swap3A_1050, %swap3A_1051, %swap3A_1052] {strides = array<i32>} : memref<2x8x32xf32, #tpu.memory_space<vmem>>, vector<16xf32>,
      tpu.vector_store %arg10[%swap3A_1050, %swap3A_1051, %swap3A_1052], %gather3A_1041 {strides = array<i32>} : memref<2x8x32xf32, #tpu.memory_space<vmem>>, vector<16xf32>,
      %dma_wait3A_1054 = arith.constant 0 : i32
      %dma_wait3A_1055 = arith.constant 3 : i32
      %dma_wait3A_1056 = arith.constant 0 : i32
      %dma_wait3A_1057 = arith.constant 3 : i32
      %dma_wait3A_1058 = arith.constant 0 : i32
      %dma_wait3A_1059 = arith.constant 0 : i32
      %dma_wait3A_1060 = tpu.memref_slice %arg9[%dma_wait3A_1054, %dma_wait3A_1055, %dma_wait3A_1058, %dma_wait3A_1059] : memref<2x8x32x128xf32, #tpu.memory_space<vmem>> -> memref<1x1x32x128xf32, #tpu.memory_space<vmem>>
      %dma_wait3A_1061 = tpu.memref_squeeze %dma_wait3A_1060 : memref<1x1x32x128xf32, #tpu.memory_space<vmem>> -> memref<32x128xf32, #tpu.memory_space<vmem>>
      %dma_wait3A_1062 = arith.constant 0 : i32
      %dma_wait3A_1063 = arith.constant 0 : i32
      %dma_wait3A_1064 = tpu.memref_slice %arg4[%dma_wait3A_1062, %dma_wait3A_1063] : memref<32x1000000xf32, #tpu.memory_space<hbm>> -> memref<32x128xf32, #tpu.memory_space<hbm>>
      %dma_wait3A_1065 = tpu.memref_slice %arg11[%dma_wait3A_1056, %dma_wait3A_1057] : memref<2x8x!tpu.dma_semaphore, #tpu.memory_space<semaphore_mem>> -> memref<1x1x!tpu.dma_semaphore, #tpu.memory_space<semaphore_mem>>
      %dma_wait3A_1066 = tpu.memref_squeeze %dma_wait3A_1065 : memref<1x1x!tpu.dma_semaphore, #tpu.memory_space<semaphore_mem>> -> memref<!tpu.dma_semaphore, #tpu.memory_space<semaphore_mem>>
      %dma_wait3A_1067 = arith.constant 0 : i32
      %dma_wait3A_1068 = arith.constant 0 : i32
      %dma_wait3A_1069 = tpu.memref_slice %arg9[%dma_wait3A_1054, %dma_wait3A_1055, %dma_wait3A_1067, %dma_wait3A_1068] : memref<2x8x32x128xf32, #tpu.memory_space<vmem>> -> memref<1x1x32x128xf32, #tpu.memory_space<vmem>>
      %dma_wait3A_1070 = tpu.memref_squeeze %dma_wait3A_1069 : memref<1x1x32x128xf32, #tpu.memory_space<vmem>> -> memref<32x128xf32, #tpu.memory_space<vmem>>
      %dma_wait3A_1071 = arith.constant 0 : i32
      %dma_wait3A_1072 = arith.constant 0 : i32
      %dma_wait3A_1073 = tpu.memref_slice %arg4[%dma_wait3A_1071, %dma_wait3A_1072] : memref<32x1000000xf32, #tpu.memory_space<hbm>> -> memref<32x128xf32, #tpu.memory_space<hbm>>
      tpu.wait_dma2 semaphore(%dma_wait3A_1066 : memref<!tpu.dma_semaphore, #tpu.memory_space<semaphore_mem>>) src(%dma_wait3A_1073 : memref<32x128xf32, #tpu.memory_space<hbm>>) dst(%dma_wait3A_1070 : memref<32x128xf32, #tpu.memory_space<vmem>>)
      %slice3A_1074 = vector.extract_strided_slice %and3A_890 {offsets = [3], sizes = [1], strides = [1]} : vector<16xi32> to vector<1xi32>
      %squeeze3A_1075 = vector.extract %slice3A_1074[0] : i32 from vector<1xi32>
      %broadcast_in_dim3A_1076 = vector.broadcast %squeeze3A_1075 : i32 to vector<16xi32>
      %gather3A_1077 = arith.constant 0 : i32
      %gather3A_1078 = arith.constant 3 : i32
      %gather3A_1079 = arith.constant 0 : i32
      %gather3A_1080 = arith.constant 0 : i32
      %gather3A_1081 = tpu.memref_slice %arg9[%gather3A_1077, %gather3A_1078, %gather3A_1079, %gather3A_1080] : memref<2x8x32x128xf32, #tpu.memory_space<vmem>> -> memref<1x1x32x128xf32, #tpu.memory_space<vmem>>
      %gather3A_1082 = tpu.memref_squeeze %gather3A_1081 : memref<1x1x32x128xf32, #tpu.memory_space<vmem>> -> memref<32x128xf32, #tpu.memory_space<vmem>>
      %gather3A_1083 = tpu.vector_load_idx %gather3A_1082[%iota3A, %broadcast_in_dim3A_1076] : memref<32x128xf32, #tpu.memory_space<vmem>>[vector<16xi32>, vector<16xi32>], vector<16xf32>,
      %add3A_1084 = arith.constant 16 : i32
      %add3A_1085 = vector.broadcast %add3A_1084 : i32 to vector<16xi32>
      %add3A_1086 = arith.addi %iota3A, %add3A_1085 : vector<16xi32>
      %gather3A_1087 = arith.constant 0 : i32
      %gather3A_1088 = arith.constant 3 : i32
      %gather3A_1089 = arith.constant 0 : i32
      %gather3A_1090 = arith.constant 0 : i32
      %gather3A_1091 = tpu.memref_slice %arg9[%gather3A_1087, %gather3A_1088, %gather3A_1089, %gather3A_1090] : memref<2x8x32x128xf32, #tpu.memory_space<vmem>> -> memref<1x1x32x128xf32, #tpu.memory_space<vmem>>
      %gather3A_1092 = tpu.memref_squeeze %gather3A_1091 : memref<1x1x32x128xf32, #tpu.memory_space<vmem>> -> memref<32x128xf32, #tpu.memory_space<vmem>>
      %gather3A_1093 = tpu.vector_load_idx %gather3A_1092[%add3A_1086, %broadcast_in_dim3A_1076] : memref<32x128xf32, #tpu.memory_space<vmem>>[vector<16xi32>, vector<16xi32>], vector<16xf32>,
      %swap3A_1094 = arith.constant 0 : i32
      %swap3A_1095 = arith.constant 3 : i32
      %swap3A_1096 = arith.index_cast %swap3A_1094 : i32 to index
      %swap3A_1097 = arith.index_cast %swap3A_1095 : i32 to index
      %swap3A_1098 = arith.constant 0 : index
      %swap3A_1099 = tpu.vector_load %arg10[%swap3A_1096, %swap3A_1097, %swap3A_1098] {strides = array<i32>} : memref<2x8x32xf32, #tpu.memory_space<vmem>>, vector<16xf32>,
      tpu.vector_store %arg10[%swap3A_1096, %swap3A_1097, %swap3A_1098], %gather3A_1083 {strides = array<i32>} : memref<2x8x32xf32, #tpu.memory_space<vmem>>, vector<16xf32>,
      %swap3A_1100 = arith.constant 0 : i32
      %swap3A_1101 = arith.constant 3 : i32
      %swap3A_1102 = arith.index_cast %swap3A_1100 : i32 to index
      %swap3A_1103 = arith.index_cast %swap3A_1101 : i32 to index
      %swap3A_1104 = arith.constant 16 : index
      %swap3A_1105 = tpu.vector_load %arg10[%swap3A_1102, %swap3A_1103, %swap3A_1104] {strides = array<i32>} : memref<2x8x32xf32, #tpu.memory_space<vmem>>, vector<16xf32>,
      tpu.vector_store %arg10[%swap3A_1102, %swap3A_1103, %swap3A_1104], %gather3A_1093 {strides = array<i32>} : memref<2x8x32xf32, #tpu.memory_space<vmem>>, vector<16xf32>,
      %dma_wait3A_1106 = arith.constant 0 : i32
      %dma_wait3A_1107 = arith.constant 4 : i32
      %dma_wait3A_1108 = arith.constant 0 : i32
      %dma_wait3A_1109 = arith.constant 4 : i32
      %dma_wait3A_1110 = arith.constant 0 : i32
      %dma_wait3A_1111 = arith.constant 0 : i32
      %dma_wait3A_1112 = tpu.memref_slice %arg9[%dma_wait3A_1106, %dma_wait3A_1107, %dma_wait3A_1110, %dma_wait3A_1111] : memref<2x8x32x128xf32, #tpu.memory_space<vmem>> -> memref<1x1x32x128xf32, #tpu.memory_space<vmem>>
      %dma_wait3A_1113 = tpu.memref_squeeze %dma_wait3A_1112 : memref<1x1x32x128xf32, #tpu.memory_space<vmem>> -> memref<32x128xf32, #tpu.memory_space<vmem>>
      %dma_wait3A_1114 = arith.constant 0 : i32
      %dma_wait3A_1115 = arith.constant 0 : i32
      %dma_wait3A_1116 = tpu.memref_slice %arg4[%dma_wait3A_1114, %dma_wait3A_1115] : memref<32x1000000xf32, #tpu.memory_space<hbm>> -> memref<32x128xf32, #tpu.memory_space<hbm>>
      %dma_wait3A_1117 = tpu.memref_slice %arg11[%dma_wait3A_1108, %dma_wait3A_1109] : memref<2x8x!tpu.dma_semaphore, #tpu.memory_space<semaphore_mem>> -> memref<1x1x!tpu.dma_semaphore, #tpu.memory_space<semaphore_mem>>
      %dma_wait3A_1118 = tpu.memref_squeeze %dma_wait3A_1117 : memref<1x1x!tpu.dma_semaphore, #tpu.memory_space<semaphore_mem>> -> memref<!tpu.dma_semaphore, #tpu.memory_space<semaphore_mem>>
      %dma_wait3A_1119 = arith.constant 0 : i32
      %dma_wait3A_1120 = arith.constant 0 : i32
      %dma_wait3A_1121 = tpu.memref_slice %arg9[%dma_wait3A_1106, %dma_wait3A_1107, %dma_wait3A_1119, %dma_wait3A_1120] : memref<2x8x32x128xf32, #tpu.memory_space<vmem>> -> memref<1x1x32x128xf32, #tpu.memory_space<vmem>>
      %dma_wait3A_1122 = tpu.memref_squeeze %dma_wait3A_1121 : memref<1x1x32x128xf32, #tpu.memory_space<vmem>> -> memref<32x128xf32, #tpu.memory_space<vmem>>
      %dma_wait3A_1123 = arith.constant 0 : i32
      %dma_wait3A_1124 = arith.constant 0 : i32
      %dma_wait3A_1125 = tpu.memref_slice %arg4[%dma_wait3A_1123, %dma_wait3A_1124] : memref<32x1000000xf32, #tpu.memory_space<hbm>> -> memref<32x128xf32, #tpu.memory_space<hbm>>
      tpu.wait_dma2 semaphore(%dma_wait3A_1118 : memref<!tpu.dma_semaphore, #tpu.memory_space<semaphore_mem>>) src(%dma_wait3A_1125 : memref<32x128xf32, #tpu.memory_space<hbm>>) dst(%dma_wait3A_1122 : memref<32x128xf32, #tpu.memory_space<vmem>>)
      %slice3A_1126 = vector.extract_strided_slice %and3A_890 {offsets = [4], sizes = [1], strides = [1]} : vector<16xi32> to vector<1xi32>
      %squeeze3A_1127 = vector.extract %slice3A_1126[0] : i32 from vector<1xi32>
      %broadcast_in_dim3A_1128 = vector.broadcast %squeeze3A_1127 : i32 to vector<16xi32>
      %gather3A_1129 = arith.constant 0 : i32
      %gather3A_1130 = arith.constant 4 : i32
      %gather3A_1131 = arith.constant 0 : i32
      %gather3A_1132 = arith.constant 0 : i32
      %gather3A_1133 = tpu.memref_slice %arg9[%gather3A_1129, %gather3A_1130, %gather3A_1131, %gather3A_1132] : memref<2x8x32x128xf32, #tpu.memory_space<vmem>> -> memref<1x1x32x128xf32, #tpu.memory_space<vmem>>
      %gather3A_1134 = tpu.memref_squeeze %gather3A_1133 : memref<1x1x32x128xf32, #tpu.memory_space<vmem>> -> memref<32x128xf32, #tpu.memory_space<vmem>>
      %gather3A_1135 = tpu.vector_load_idx %gather3A_1134[%iota3A, %broadcast_in_dim3A_1128] : memref<32x128xf32, #tpu.memory_space<vmem>>[vector<16xi32>, vector<16xi32>], vector<16xf32>,
      %add3A_1136 = arith.constant 16 : i32
      %add3A_1137 = vector.broadcast %add3A_1136 : i32 to vector<16xi32>
      %add3A_1138 = arith.addi %iota3A, %add3A_1137 : vector<16xi32>
      %gather3A_1139 = arith.constant 0 : i32
      %gather3A_1140 = arith.constant 4 : i32
      %gather3A_1141 = arith.constant 0 : i32
      %gather3A_1142 = arith.constant 0 : i32
      %gather3A_1143 = tpu.memref_slice %arg9[%gather3A_1139, %gather3A_1140, %gather3A_1141, %gather3A_1142] : memref<2x8x32x128xf32, #tpu.memory_space<vmem>> -> memref<1x1x32x128xf32, #tpu.memory_space<vmem>>
      %gather3A_1144 = tpu.memref_squeeze %gather3A_1143 : memref<1x1x32x128xf32, #tpu.memory_space<vmem>> -> memref<32x128xf32, #tpu.memory_space<vmem>>
      %gather3A_1145 = tpu.vector_load_idx %gather3A_1144[%add3A_1138, %broadcast_in_dim3A_1128] : memref<32x128xf32, #tpu.memory_space<vmem>>[vector<16xi32>, vector<16xi32>], vector<16xf32>,
      %swap3A_1146 = arith.constant 0 : i32
      %swap3A_1147 = arith.constant 4 : i32
      %swap3A_1148 = arith.index_cast %swap3A_1146 : i32 to index
      %swap3A_1149 = arith.index_cast %swap3A_1147 : i32 to index
      %swap3A_1150 = arith.constant 0 : index
      %swap3A_1151 = tpu.vector_load %arg10[%swap3A_1148, %swap3A_1149, %swap3A_1150] {strides = array<i32>} : memref<2x8x32xf32, #tpu.memory_space<vmem>>, vector<16xf32>,
      tpu.vector_store %arg10[%swap3A_1148, %swap3A_1149, %swap3A_1150], %gather3A_1135 {strides = array<i32>} : memref<2x8x32xf32, #tpu.memory_space<vmem>>, vector<16xf32>,
      %swap3A_1152 = arith.constant 0 : i32
      %swap3A_1153 = arith.constant 4 : i32
      %swap3A_1154 = arith.index_cast %swap3A_1152 : i32 to index
      %swap3A_1155 = arith.index_cast %swap3A_1153 : i32 to index
      %swap3A_1156 = arith.constant 16 : index
      %swap3A_1157 = tpu.vector_load %arg10[%swap3A_1154, %swap3A_1155, %swap3A_1156] {strides = array<i32>} : memref<2x8x32xf32, #tpu.memory_space<vmem>>, vector<16xf32>,
      tpu.vector_store %arg10[%swap3A_1154, %swap3A_1155, %swap3A_1156], %gather3A_1145 {strides = array<i32>} : memref<2x8x32xf32, #tpu.memory_space<vmem>>, vector<16xf32>,
      %dma_wait3A_1158 = arith.constant 0 : i32
      %dma_wait3A_1159 = arith.constant 5 : i32
      %dma_wait3A_1160 = arith.constant 0 : i32
      %dma_wait3A_1161 = arith.constant 5 : i32
      %dma_wait3A_1162 = arith.constant 0 : i32
      %dma_wait3A_1163 = arith.constant 0 : i32
      %dma_wait3A_1164 = tpu.memref_slice %arg9[%dma_wait3A_1158, %dma_wait3A_1159, %dma_wait3A_1162, %dma_wait3A_1163] : memref<2x8x32x128xf32, #tpu.memory_space<vmem>> -> memref<1x1x32x128xf32, #tpu.memory_space<vmem>>
      %dma_wait3A_1165 = tpu.memref_squeeze %dma_wait3A_1164 : memref<1x1x32x128xf32, #tpu.memory_space<vmem>> -> memref<32x128xf32, #tpu.memory_space<vmem>>
      %dma_wait3A_1166 = arith.constant 0 : i32
      %dma_wait3A_1167 = arith.constant 0 : i32
      %dma_wait3A_1168 = tpu.memref_slice %arg4[%dma_wait3A_1166, %dma_wait3A_1167] : memref<32x1000000xf32, #tpu.memory_space<hbm>> -> memref<32x128xf32, #tpu.memory_space<hbm>>
      %dma_wait3A_1169 = tpu.memref_slice %arg11[%dma_wait3A_1160, %dma_wait3A_1161] : memref<2x8x!tpu.dma_semaphore, #tpu.memory_space<semaphore_mem>> -> memref<1x1x!tpu.dma_semaphore, #tpu.memory_space<semaphore_mem>>
      %dma_wait3A_1170 = tpu.memref_squeeze %dma_wait3A_1169 : memref<1x1x!tpu.dma_semaphore, #tpu.memory_space<semaphore_mem>> -> memref<!tpu.dma_semaphore, #tpu.memory_space<semaphore_mem>>
      %dma_wait3A_1171 = arith.constant 0 : i32
      %dma_wait3A_1172 = arith.constant 0 : i32
      %dma_wait3A_1173 = tpu.memref_slice %arg9[%dma_wait3A_1158, %dma_wait3A_1159, %dma_wait3A_1171, %dma_wait3A_1172] : memref<2x8x32x128xf32, #tpu.memory_space<vmem>> -> memref<1x1x32x128xf32, #tpu.memory_space<vmem>>
      %dma_wait3A_1174 = tpu.memref_squeeze %dma_wait3A_1173 : memref<1x1x32x128xf32, #tpu.memory_space<vmem>> -> memref<32x128xf32, #tpu.memory_space<vmem>>
      %dma_wait3A_1175 = arith.constant 0 : i32
      %dma_wait3A_1176 = arith.constant 0 : i32
      %dma_wait3A_1177 = tpu.memref_slice %arg4[%dma_wait3A_1175, %dma_wait3A_1176] : memref<32x1000000xf32, #tpu.memory_space<hbm>> -> memref<32x128xf32, #tpu.memory_space<hbm>>
      tpu.wait_dma2 semaphore(%dma_wait3A_1170 : memref<!tpu.dma_semaphore, #tpu.memory_space<semaphore_mem>>) src(%dma_wait3A_1177 : memref<32x128xf32, #tpu.memory_space<hbm>>) dst(%dma_wait3A_1174 : memref<32x128xf32, #tpu.memory_space<vmem>>)
      %slice3A_1178 = vector.extract_strided_slice %and3A_890 {offsets = [5], sizes = [1], strides = [1]} : vector<16xi32> to vector<1xi32>
      %squeeze3A_1179 = vector.extract %slice3A_1178[0] : i32 from vector<1xi32>
      %broadcast_in_dim3A_1180 = vector.broadcast %squeeze3A_1179 : i32 to vector<16xi32>
      %gather3A_1181 = arith.constant 0 : i32
      %gather3A_1182 = arith.constant 5 : i32
      %gather3A_1183 = arith.constant 0 : i32
      %gather3A_1184 = arith.constant 0 : i32
      %gather3A_1185 = tpu.memref_slice %arg9[%gather3A_1181, %gather3A_1182, %gather3A_1183, %gather3A_1184] : memref<2x8x32x128xf32, #tpu.memory_space<vmem>> -> memref<1x1x32x128xf32, #tpu.memory_space<vmem>>
      %gather3A_1186 = tpu.memref_squeeze %gather3A_1185 : memref<1x1x32x128xf32, #tpu.memory_space<vmem>> -> memref<32x128xf32, #tpu.memory_space<vmem>>
      %gather3A_1187 = tpu.vector_load_idx %gather3A_1186[%iota3A, %broadcast_in_dim3A_1180] : memref<32x128xf32, #tpu.memory_space<vmem>>[vector<16xi32>, vector<16xi32>], vector<16xf32>,
      %add3A_1188 = arith.constant 16 : i32
      %add3A_1189 = vector.broadcast %add3A_1188 : i32 to vector<16xi32>
      %add3A_1190 = arith.addi %iota3A, %add3A_1189 : vector<16xi32>
      %gather3A_1191 = arith.constant 0 : i32
      %gather3A_1192 = arith.constant 5 : i32
      %gather3A_1193 = arith.constant 0 : i32
      %gather3A_1194 = arith.constant 0 : i32
      %gather3A_1195 = tpu.memref_slice %arg9[%gather3A_1191, %gather3A_1192, %gather3A_1193, %gather3A_1194] : memref<2x8x32x128xf32, #tpu.memory_space<vmem>> -> memref<1x1x32x128xf32, #tpu.memory_space<vmem>>
      %gather3A_1196 = tpu.memref_squeeze %gather3A_1195 : memref<1x1x32x128xf32, #tpu.memory_space<vmem>> -> memref<32x128xf32, #tpu.memory_space<vmem>>
      %gather3A_1197 = tpu.vector_load_idx %gather3A_1196[%add3A_1190, %broadcast_in_dim3A_1180] : memref<32x128xf32, #tpu.memory_space<vmem>>[vector<16xi32>, vector<16xi32>], vector<16xf32>,
      %swap3A_1198 = arith.constant 0 : i32
      %swap3A_1199 = arith.constant 5 : i32
      %swap3A_1200 = arith.index_cast %swap3A_1198 : i32 to index
      %swap3A_1201 = arith.index_cast %swap3A_1199 : i32 to index
      %swap3A_1202 = arith.constant 0 : index
      %swap3A_1203 = tpu.vector_load %arg10[%swap3A_1200, %swap3A_1201, %swap3A_1202] {strides = array<i32>} : memref<2x8x32xf32, #tpu.memory_space<vmem>>, vector<16xf32>,
      tpu.vector_store %arg10[%swap3A_1200, %swap3A_1201, %swap3A_1202], %gather3A_1187 {strides = array<i32>} : memref<2x8x32xf32, #tpu.memory_space<vmem>>, vector<16xf32>,
      %swap3A_1204 = arith.constant 0 : i32
      %swap3A_1205 = arith.constant 5 : i32
      %swap3A_1206 = arith.index_cast %swap3A_1204 : i32 to index
      %swap3A_1207 = arith.index_cast %swap3A_1205 : i32 to index
      %swap3A_1208 = arith.constant 16 : index
      %swap3A_1209 = tpu.vector_load %arg10[%swap3A_1206, %swap3A_1207, %swap3A_1208] {strides = array<i32>} : memref<2x8x32xf32, #tpu.memory_space<vmem>>, vector<16xf32>,
      tpu.vector_store %arg10[%swap3A_1206, %swap3A_1207, %swap3A_1208], %gather3A_1197 {strides = array<i32>} : memref<2x8x32xf32, #tpu.memory_space<vmem>>, vector<16xf32>,
      %dma_wait3A_1210 = arith.constant 0 : i32
      %dma_wait3A_1211 = arith.constant 6 : i32
      %dma_wait3A_1212 = arith.constant 0 : i32
      %dma_wait3A_1213 = arith.constant 6 : i32
      %dma_wait3A_1214 = arith.constant 0 : i32
      %dma_wait3A_1215 = arith.constant 0 : i32
      %dma_wait3A_1216 = tpu.memref_slice %arg9[%dma_wait3A_1210, %dma_wait3A_1211, %dma_wait3A_1214, %dma_wait3A_1215] : memref<2x8x32x128xf32, #tpu.memory_space<vmem>> -> memref<1x1x32x128xf32, #tpu.memory_space<vmem>>
      %dma_wait3A_1217 = tpu.memref_squeeze %dma_wait3A_1216 : memref<1x1x32x128xf32, #tpu.memory_space<vmem>> -> memref<32x128xf32, #tpu.memory_space<vmem>>
      %dma_wait3A_1218 = arith.constant 0 : i32
      %dma_wait3A_1219 = arith.constant 0 : i32
      %dma_wait3A_1220 = tpu.memref_slice %arg4[%dma_wait3A_1218, %dma_wait3A_1219] : memref<32x1000000xf32, #tpu.memory_space<hbm>> -> memref<32x128xf32, #tpu.memory_space<hbm>>
      %dma_wait3A_1221 = tpu.memref_slice %arg11[%dma_wait3A_1212, %dma_wait3A_1213] : memref<2x8x!tpu.dma_semaphore, #tpu.memory_space<semaphore_mem>> -> memref<1x1x!tpu.dma_semaphore, #tpu.memory_space<semaphore_mem>>
      %dma_wait3A_1222 = tpu.memref_squeeze %dma_wait3A_1221 : memref<1x1x!tpu.dma_semaphore, #tpu.memory_space<semaphore_mem>> -> memref<!tpu.dma_semaphore, #tpu.memory_space<semaphore_mem>>
      %dma_wait3A_1223 = arith.constant 0 : i32
      %dma_wait3A_1224 = arith.constant 0 : i32
      %dma_wait3A_1225 = tpu.memref_slice %arg9[%dma_wait3A_1210, %dma_wait3A_1211, %dma_wait3A_1223, %dma_wait3A_1224] : memref<2x8x32x128xf32, #tpu.memory_space<vmem>> -> memref<1x1x32x128xf32, #tpu.memory_space<vmem>>
      %dma_wait3A_1226 = tpu.memref_squeeze %dma_wait3A_1225 : memref<1x1x32x128xf32, #tpu.memory_space<vmem>> -> memref<32x128xf32, #tpu.memory_space<vmem>>
      %dma_wait3A_1227 = arith.constant 0 : i32
      %dma_wait3A_1228 = arith.constant 0 : i32
      %dma_wait3A_1229 = tpu.memref_slice %arg4[%dma_wait3A_1227, %dma_wait3A_1228] : memref<32x1000000xf32, #tpu.memory_space<hbm>> -> memref<32x128xf32, #tpu.memory_space<hbm>>
      tpu.wait_dma2 semaphore(%dma_wait3A_1222 : memref<!tpu.dma_semaphore, #tpu.memory_space<semaphore_mem>>) src(%dma_wait3A_1229 : memref<32x128xf32, #tpu.memory_space<hbm>>) dst(%dma_wait3A_1226 : memref<32x128xf32, #tpu.memory_space<vmem>>)
      %slice3A_1230 = vector.extract_strided_slice %and3A_890 {offsets = [6], sizes = [1], strides = [1]} : vector<16xi32> to vector<1xi32>
      %squeeze3A_1231 = vector.extract %slice3A_1230[0] : i32 from vector<1xi32>
      %broadcast_in_dim3A_1232 = vector.broadcast %squeeze3A_1231 : i32 to vector<16xi32>
      %gather3A_1233 = arith.constant 0 : i32
      %gather3A_1234 = arith.constant 6 : i32
      %gather3A_1235 = arith.constant 0 : i32
      %gather3A_1236 = arith.constant 0 : i32
      %gather3A_1237 = tpu.memref_slice %arg9[%gather3A_1233, %gather3A_1234, %gather3A_1235, %gather3A_1236] : memref<2x8x32x128xf32, #tpu.memory_space<vmem>> -> memref<1x1x32x128xf32, #tpu.memory_space<vmem>>
      %gather3A_1238 = tpu.memref_squeeze %gather3A_1237 : memref<1x1x32x128xf32, #tpu.memory_space<vmem>> -> memref<32x128xf32, #tpu.memory_space<vmem>>
      %gather3A_1239 = tpu.vector_load_idx %gather3A_1238[%iota3A, %broadcast_in_dim3A_1232] : memref<32x128xf32, #tpu.memory_space<vmem>>[vector<16xi32>, vector<16xi32>], vector<16xf32>,
      %add3A_1240 = arith.constant 16 : i32
      %add3A_1241 = vector.broadcast %add3A_1240 : i32 to vector<16xi32>
      %add3A_1242 = arith.addi %iota3A, %add3A_1241 : vector<16xi32>
      %gather3A_1243 = arith.constant 0 : i32
      %gather3A_1244 = arith.constant 6 : i32
      %gather3A_1245 = arith.constant 0 : i32
      %gather3A_1246 = arith.constant 0 : i32
      %gather3A_1247 = tpu.memref_slice %arg9[%gather3A_1243, %gather3A_1244, %gather3A_1245, %gather3A_1246] : memref<2x8x32x128xf32, #tpu.memory_space<vmem>> -> memref<1x1x32x128xf32, #tpu.memory_space<vmem>>
      %gather3A_1248 = tpu.memref_squeeze %gather3A_1247 : memref<1x1x32x128xf32, #tpu.memory_space<vmem>> -> memref<32x128xf32, #tpu.memory_space<vmem>>
      %gather3A_1249 = tpu.vector_load_idx %gather3A_1248[%add3A_1242, %broadcast_in_dim3A_1232] : memref<32x128xf32, #tpu.memory_space<vmem>>[vector<16xi32>, vector<16xi32>], vector<16xf32>,
      %swap3A_1250 = arith.constant 0 : i32
      %swap3A_1251 = arith.constant 6 : i32
      %swap3A_1252 = arith.index_cast %swap3A_1250 : i32 to index
      %swap3A_1253 = arith.index_cast %swap3A_1251 : i32 to index
      %swap3A_1254 = arith.constant 0 : index
      %swap3A_1255 = tpu.vector_load %arg10[%swap3A_1252, %swap3A_1253, %swap3A_1254] {strides = array<i32>} : memref<2x8x32xf32, #tpu.memory_space<vmem>>, vector<16xf32>,
      tpu.vector_store %arg10[%swap3A_1252, %swap3A_1253, %swap3A_1254], %gather3A_1239 {strides = array<i32>} : memref<2x8x32xf32, #tpu.memory_space<vmem>>, vector<16xf32>,
      %swap3A_1256 = arith.constant 0 : i32
      %swap3A_1257 = arith.constant 6 : i32
      %swap3A_1258 = arith.index_cast %swap3A_1256 : i32 to index
      %swap3A_1259 = arith.index_cast %swap3A_1257 : i32 to index
      %swap3A_1260 = arith.constant 16 : index
      %swap3A_1261 = tpu.vector_load %arg10[%swap3A_1258, %swap3A_1259, %swap3A_1260] {strides = array<i32>} : memref<2x8x32xf32, #tpu.memory_space<vmem>>, vector<16xf32>,
      tpu.vector_store %arg10[%swap3A_1258, %swap3A_1259, %swap3A_1260], %gather3A_1249 {strides = array<i32>} : memref<2x8x32xf32, #tpu.memory_space<vmem>>, vector<16xf32>,
      %dma_wait3A_1262 = arith.constant 0 : i32
      %dma_wait3A_1263 = arith.constant 7 : i32
      %dma_wait3A_1264 = arith.constant 0 : i32
      %dma_wait3A_1265 = arith.constant 7 : i32
      %dma_wait3A_1266 = arith.constant 0 : i32
      %dma_wait3A_1267 = arith.constant 0 : i32
      %dma_wait3A_1268 = tpu.memref_slice %arg9[%dma_wait3A_1262, %dma_wait3A_1263, %dma_wait3A_1266, %dma_wait3A_1267] : memref<2x8x32x128xf32, #tpu.memory_space<vmem>> -> memref<1x1x32x128xf32, #tpu.memory_space<vmem>>
      %dma_wait3A_1269 = tpu.memref_squeeze %dma_wait3A_1268 : memref<1x1x32x128xf32, #tpu.memory_space<vmem>> -> memref<32x128xf32, #tpu.memory_space<vmem>>
      %dma_wait3A_1270 = arith.constant 0 : i32
      %dma_wait3A_1271 = arith.constant 0 : i32
      %dma_wait3A_1272 = tpu.memref_slice %arg4[%dma_wait3A_1270, %dma_wait3A_1271] : memref<32x1000000xf32, #tpu.memory_space<hbm>> -> memref<32x128xf32, #tpu.memory_space<hbm>>
      %dma_wait3A_1273 = tpu.memref_slice %arg11[%dma_wait3A_1264, %dma_wait3A_1265] : memref<2x8x!tpu.dma_semaphore, #tpu.memory_space<semaphore_mem>> -> memref<1x1x!tpu.dma_semaphore, #tpu.memory_space<semaphore_mem>>
      %dma_wait3A_1274 = tpu.memref_squeeze %dma_wait3A_1273 : memref<1x1x!tpu.dma_semaphore, #tpu.memory_space<semaphore_mem>> -> memref<!tpu.dma_semaphore, #tpu.memory_space<semaphore_mem>>
      %dma_wait3A_1275 = arith.constant 0 : i32
      %dma_wait3A_1276 = arith.constant 0 : i32
      %dma_wait3A_1277 = tpu.memref_slice %arg9[%dma_wait3A_1262, %dma_wait3A_1263, %dma_wait3A_1275, %dma_wait3A_1276] : memref<2x8x32x128xf32, #tpu.memory_space<vmem>> -> memref<1x1x32x128xf32, #tpu.memory_space<vmem>>
      %dma_wait3A_1278 = tpu.memref_squeeze %dma_wait3A_1277 : memref<1x1x32x128xf32, #tpu.memory_space<vmem>> -> memref<32x128xf32, #tpu.memory_space<vmem>>
      %dma_wait3A_1279 = arith.constant 0 : i32
      %dma_wait3A_1280 = arith.constant 0 : i32
      %dma_wait3A_1281 = tpu.memref_slice %arg4[%dma_wait3A_1279, %dma_wait3A_1280] : memref<32x1000000xf32, #tpu.memory_space<hbm>> -> memref<32x128xf32, #tpu.memory_space<hbm>>
      tpu.wait_dma2 semaphore(%dma_wait3A_1274 : memref<!tpu.dma_semaphore, #tpu.memory_space<semaphore_mem>>) src(%dma_wait3A_1281 : memref<32x128xf32, #tpu.memory_space<hbm>>) dst(%dma_wait3A_1278 : memref<32x128xf32, #tpu.memory_space<vmem>>)
      %slice3A_1282 = vector.extract_strided_slice %and3A_890 {offsets = [7], sizes = [1], strides = [1]} : vector<16xi32> to vector<1xi32>
      %squeeze3A_1283 = vector.extract %slice3A_1282[0] : i32 from vector<1xi32>
      %broadcast_in_dim3A_1284 = vector.broadcast %squeeze3A_1283 : i32 to vector<16xi32>
      %gather3A_1285 = arith.constant 0 : i32
      %gather3A_1286 = arith.constant 7 : i32
      %gather3A_1287 = arith.constant 0 : i32
      %gather3A_1288 = arith.constant 0 : i32
      %gather3A_1289 = tpu.memref_slice %arg9[%gather3A_1285, %gather3A_1286, %gather3A_1287, %gather3A_1288] : memref<2x8x32x128xf32, #tpu.memory_space<vmem>> -> memref<1x1x32x128xf32, #tpu.memory_space<vmem>>
      %gather3A_1290 = tpu.memref_squeeze %gather3A_1289 : memref<1x1x32x128xf32, #tpu.memory_space<vmem>> -> memref<32x128xf32, #tpu.memory_space<vmem>>
      %gather3A_1291 = tpu.vector_load_idx %gather3A_1290[%iota3A, %broadcast_in_dim3A_1284] : memref<32x128xf32, #tpu.memory_space<vmem>>[vector<16xi32>, vector<16xi32>], vector<16xf32>,
      %add3A_1292 = arith.constant 16 : i32
      %add3A_1293 = vector.broadcast %add3A_1292 : i32 to vector<16xi32>
      %add3A_1294 = arith.addi %iota3A, %add3A_1293 : vector<16xi32>
      %gather3A_1295 = arith.constant 0 : i32
      %gather3A_1296 = arith.constant 7 : i32
      %gather3A_1297 = arith.constant 0 : i32
      %gather3A_1298 = arith.constant 0 : i32
      %gather3A_1299 = tpu.memref_slice %arg9[%gather3A_1295, %gather3A_1296, %gather3A_1297, %gather3A_1298] : memref<2x8x32x128xf32, #tpu.memory_space<vmem>> -> memref<1x1x32x128xf32, #tpu.memory_space<vmem>>
      %gather3A_1300 = tpu.memref_squeeze %gather3A_1299 : memref<1x1x32x128xf32, #tpu.memory_space<vmem>> -> memref<32x128xf32, #tpu.memory_space<vmem>>
      %gather3A_1301 = tpu.vector_load_idx %gather3A_1300[%add3A_1294, %broadcast_in_dim3A_1284] : memref<32x128xf32, #tpu.memory_space<vmem>>[vector<16xi32>, vector<16xi32>], vector<16xf32>,
      %swap3A_1302 = arith.constant 0 : i32
      %swap3A_1303 = arith.constant 7 : i32
      %swap3A_1304 = arith.index_cast %swap3A_1302 : i32 to index
      %swap3A_1305 = arith.index_cast %swap3A_1303 : i32 to index
      %swap3A_1306 = arith.constant 0 : index
      %swap3A_1307 = tpu.vector_load %arg10[%swap3A_1304, %swap3A_1305, %swap3A_1306] {strides = array<i32>} : memref<2x8x32xf32, #tpu.memory_space<vmem>>, vector<16xf32>,
      tpu.vector_store %arg10[%swap3A_1304, %swap3A_1305, %swap3A_1306], %gather3A_1291 {strides = array<i32>} : memref<2x8x32xf32, #tpu.memory_space<vmem>>, vector<16xf32>,
      %swap3A_1308 = arith.constant 0 : i32
      %swap3A_1309 = arith.constant 7 : i32
      %swap3A_1310 = arith.index_cast %swap3A_1308 : i32 to index
      %swap3A_1311 = arith.index_cast %swap3A_1309 : i32 to index
      %swap3A_1312 = arith.constant 16 : index
      %swap3A_1313 = tpu.vector_load %arg10[%swap3A_1310, %swap3A_1311, %swap3A_1312] {strides = array<i32>} : memref<2x8x32xf32, #tpu.memory_space<vmem>>, vector<16xf32>,
      tpu.vector_store %arg10[%swap3A_1310, %swap3A_1311, %swap3A_1312], %gather3A_1301 {strides = array<i32>} : memref<2x8x32xf32, #tpu.memory_space<vmem>>, vector<16xf32>,
      %mul3A_1314 = arith.constant 16 : i32
      %mul3A_1315 = arith.muli %scan3A_887, %mul3A_1314 : i32
      %add3A_1316 = arith.addi %mul3A_3, %mul3A_1315 : i32
      %add3A_1317 = arith.constant 0 : i32
      %add3A_1318 = arith.addi %add3A_1316, %add3A_1317 : i32
      %dma_start3A_1319 = arith.constant 0 : i32
      %dma_start3A_1320 = arith.constant 0 : i32
      %dma_start3A_1321 = arith.constant 0 : i32
      %dma_start3A_1322 = arith.constant 0 : i32
      %dma_start3A_1323 = tpu.memref_slice %arg10[%dma_start3A_1319, %dma_start3A_1321, %dma_start3A_1322] : memref<2x8x32xf32, #tpu.memory_space<vmem>> -> memref<1x8x32xf32, #tpu.memory_space<vmem>>
      %dma_start3A_1324 = tpu.memref_squeeze %dma_start3A_1323 : memref<1x8x32xf32, #tpu.memory_space<vmem>> -> memref<8x32xf32, #tpu.memory_space<vmem>>
      %dma_start3A_1325 = arith.constant 0 : i32
      %dma_start3A_1326 = tpu.memref_slice %arg6[%add3A_1318, %dma_start3A_1325] : memref<16384x32xf32, #tpu.memory_space<hbm>> -> memref<8x32xf32, #tpu.memory_space<hbm>>
      %dma_start3A_1327 = tpu.memref_slice %arg12[%dma_start3A_1320] : memref<2x!tpu.dma_semaphore, #tpu.memory_space<semaphore_mem>> -> memref<1x!tpu.dma_semaphore, #tpu.memory_space<semaphore_mem>>
      %dma_start3A_1328 = tpu.memref_squeeze %dma_start3A_1327 : memref<1x!tpu.dma_semaphore, #tpu.memory_space<semaphore_mem>> -> memref<!tpu.dma_semaphore, #tpu.memory_space<semaphore_mem>>
      %dma_start3A_1329 = arith.constant 0 : i32
      %dma_start3A_1330 = tpu.memref_slice %arg6[%add3A_1318, %dma_start3A_1329] : memref<16384x32xf32, #tpu.memory_space<hbm>> -> memref<8x32xf32, #tpu.memory_space<hbm>>
      %dma_start3A_1331 = arith.constant 0 : i32
      %dma_start3A_1332 = arith.constant 0 : i32
      %dma_start3A_1333 = tpu.memref_slice %arg10[%dma_start3A_1319, %dma_start3A_1331, %dma_start3A_1332] : memref<2x8x32xf32, #tpu.memory_space<vmem>> -> memref<1x8x32xf32, #tpu.memory_space<vmem>>
      %dma_start3A_1334 = tpu.memref_squeeze %dma_start3A_1333 : memref<1x8x32xf32, #tpu.memory_space<vmem>> -> memref<8x32xf32, #tpu.memory_space<vmem>>
      tpu.enqueue_dma source(%dma_start3A_1334 : memref<8x32xf32, #tpu.memory_space<vmem>>) target(%dma_start3A_1330 : memref<8x32xf32, #tpu.memory_space<hbm>>) target_semaphore(%dma_start3A_1328 : memref<!tpu.dma_semaphore, #tpu.memory_space<semaphore_mem>>)
      %add3A_1335 = arith.constant 1 : i32
      %add3A_1336 = arith.addi %scan3A_887, %add3A_1335 : i32
      %lt3A = arith.constant 32 : i32
      %lt3A_1337 = arith.cmpi slt, %add3A_1336, %lt3A : i32
      %convert_element_type3A_1338 = arith.extui %lt3A_1337 : i1 to i32
      %cond3A_1339 = arith.constant 0 : i32
      %cond3A_1340 = arith.cmpi ne, %convert_element_type3A_1338, %cond3A_1339 : i32
      scf.if %cond3A_1340 {
        %slice3A_1790 = vector.extract_strided_slice %get3A_898 {offsets = [0], sizes = [1], strides = [1]} : vector<16xi32> to vector<1xi32>
        %squeeze3A_1791 = vector.extract %slice3A_1790[0] : i32 from vector<1xi32>
        %shift_right_arithmetic3A_1792 = arith.constant 7 : i32
        %shift_right_arithmetic3A_1793 = arith.shrsi %squeeze3A_1791, %shift_right_arithmetic3A_1792 : i32
        %shift_left3A_1794 = arith.constant 7 : i32
        %shift_left3A_1795 = arith.shli %shift_right_arithmetic3A_1793, %shift_left3A_1794 : i32
        %multiple_of3A_1796 = tpu.assume_multiple %shift_left3A_1795, 128 : i32
        %dma_start3A_1797 = arith.constant 0 : i32
        %dma_start3A_1798 = arith.constant 0 : i32
        %dma_start3A_1799 = arith.constant 0 : i32
        %dma_start3A_1800 = arith.constant 0 : i32
        %dma_start3A_1801 = arith.constant 0 : i32
        %dma_start3A_1802 = arith.constant 0 : i32
        %dma_start3A_1803 = tpu.memref_slice %arg9[%dma_start3A_1797, %dma_start3A_1798, %dma_start3A_1801, %dma_start3A_1802] : memref<2x8x32x128xf32, #tpu.memory_space<vmem>> -> memref<1x1x32x128xf32, #tpu.memory_space<vmem>>
        %dma_start3A_1804 = tpu.memref_squeeze %dma_start3A_1803 : memref<1x1x32x128xf32, #tpu.memory_space<vmem>> -> memref<32x128xf32, #tpu.memory_space<vmem>>
        %dma_start3A_1805 = arith.constant 0 : i32
        %dma_start3A_1806 = tpu.memref_slice %arg4[%dma_start3A_1805, %multiple_of3A_1796] : memref<32x1000000xf32, #tpu.memory_space<hbm>> -> memref<32x128xf32, #tpu.memory_space<hbm>>
        %dma_start3A_1807 = tpu.memref_slice %arg11[%dma_start3A_1799, %dma_start3A_1800] : memref<2x8x!tpu.dma_semaphore, #tpu.memory_space<semaphore_mem>> -> memref<1x1x!tpu.dma_semaphore, #tpu.memory_space<semaphore_mem>>
        %dma_start3A_1808 = tpu.memref_squeeze %dma_start3A_1807 : memref<1x1x!tpu.dma_semaphore, #tpu.memory_space<semaphore_mem>> -> memref<!tpu.dma_semaphore, #tpu.memory_space<semaphore_mem>>
        %dma_start3A_1809 = arith.constant 0 : i32
        %dma_start3A_1810 = arith.constant 0 : i32
        %dma_start3A_1811 = tpu.memref_slice %arg9[%dma_start3A_1797, %dma_start3A_1798, %dma_start3A_1809, %dma_start3A_1810] : memref<2x8x32x128xf32, #tpu.memory_space<vmem>> -> memref<1x1x32x128xf32, #tpu.memory_space<vmem>>
        %dma_start3A_1812 = tpu.memref_squeeze %dma_start3A_1811 : memref<1x1x32x128xf32, #tpu.memory_space<vmem>> -> memref<32x128xf32, #tpu.memory_space<vmem>>
        %dma_start3A_1813 = arith.constant 0 : i32
        %dma_start3A_1814 = tpu.memref_slice %arg4[%dma_start3A_1813, %multiple_of3A_1796] : memref<32x1000000xf32, #tpu.memory_space<hbm>> -> memref<32x128xf32, #tpu.memory_space<hbm>>
        tpu.enqueue_dma source(%dma_start3A_1814 : memref<32x128xf32, #tpu.memory_space<hbm>>) target(%dma_start3A_1812 : memref<32x128xf32, #tpu.memory_space<vmem>>) target_semaphore(%dma_start3A_1808 : memref<!tpu.dma_semaphore, #tpu.memory_space<semaphore_mem>>)
        %slice3A_1815 = vector.extract_strided_slice %get3A_898 {offsets = [1], sizes = [1], strides = [1]} : vector<16xi32> to vector<1xi32>
        %squeeze3A_1816 = vector.extract %slice3A_1815[0] : i32 from vector<1xi32>
        %shift_right_arithmetic3A_1817 = arith.constant 7 : i32
        %shift_right_arithmetic3A_1818 = arith.shrsi %squeeze3A_1816, %shift_right_arithmetic3A_1817 : i32
        %shift_left3A_1819 = arith.constant 7 : i32
        %shift_left3A_1820 = arith.shli %shift_right_arithmetic3A_1818, %shift_left3A_1819 : i32
        %multiple_of3A_1821 = tpu.assume_multiple %shift_left3A_1820, 128 : i32
        %dma_start3A_1822 = arith.constant 0 : i32
        %dma_start3A_1823 = arith.constant 1 : i32
        %dma_start3A_1824 = arith.constant 0 : i32
        %dma_start3A_1825 = arith.constant 1 : i32
        %dma_start3A_1826 = arith.constant 0 : i32
        %dma_start3A_1827 = arith.constant 0 : i32
        %dma_start3A_1828 = tpu.memref_slice %arg9[%dma_start3A_1822, %dma_start3A_1823, %dma_start3A_1826, %dma_start3A_1827] : memref<2x8x32x128xf32, #tpu.memory_space<vmem>> -> memref<1x1x32x128xf32, #tpu.memory_space<vmem>>
        %dma_start3A_1829 = tpu.memref_squeeze %dma_start3A_1828 : memref<1x1x32x128xf32, #tpu.memory_space<vmem>> -> memref<32x128xf32, #tpu.memory_space<vmem>>
        %dma_start3A_1830 = arith.constant 0 : i32
        %dma_start3A_1831 = tpu.memref_slice %arg4[%dma_start3A_1830, %multiple_of3A_1821] : memref<32x1000000xf32, #tpu.memory_space<hbm>> -> memref<32x128xf32, #tpu.memory_space<hbm>>
        %dma_start3A_1832 = tpu.memref_slice %arg11[%dma_start3A_1824, %dma_start3A_1825] : memref<2x8x!tpu.dma_semaphore, #tpu.memory_space<semaphore_mem>> -> memref<1x1x!tpu.dma_semaphore, #tpu.memory_space<semaphore_mem>>
        %dma_start3A_1833 = tpu.memref_squeeze %dma_start3A_1832 : memref<1x1x!tpu.dma_semaphore, #tpu.memory_space<semaphore_mem>> -> memref<!tpu.dma_semaphore, #tpu.memory_space<semaphore_mem>>
        %dma_start3A_1834 = arith.constant 0 : i32
        %dma_start3A_1835 = arith.constant 0 : i32
        %dma_start3A_1836 = tpu.memref_slice %arg9[%dma_start3A_1822, %dma_start3A_1823, %dma_start3A_1834, %dma_start3A_1835] : memref<2x8x32x128xf32, #tpu.memory_space<vmem>> -> memref<1x1x32x128xf32, #tpu.memory_space<vmem>>
        %dma_start3A_1837 = tpu.memref_squeeze %dma_start3A_1836 : memref<1x1x32x128xf32, #tpu.memory_space<vmem>> -> memref<32x128xf32, #tpu.memory_space<vmem>>
        %dma_start3A_1838 = arith.constant 0 : i32
        %dma_start3A_1839 = tpu.memref_slice %arg4[%dma_start3A_1838, %multiple_of3A_1821] : memref<32x1000000xf32, #tpu.memory_space<hbm>> -> memref<32x128xf32, #tpu.memory_space<hbm>>
        tpu.enqueue_dma source(%dma_start3A_1839 : memref<32x128xf32, #tpu.memory_space<hbm>>) target(%dma_start3A_1837 : memref<32x128xf32, #tpu.memory_space<vmem>>) target_semaphore(%dma_start3A_1833 : memref<!tpu.dma_semaphore, #tpu.memory_space<semaphore_mem>>)
        %slice3A_1840 = vector.extract_strided_slice %get3A_898 {offsets = [2], sizes = [1], strides = [1]} : vector<16xi32> to vector<1xi32>
        %squeeze3A_1841 = vector.extract %slice3A_1840[0] : i32 from vector<1xi32>
        %shift_right_arithmetic3A_1842 = arith.constant 7 : i32
        %shift_right_arithmetic3A_1843 = arith.shrsi %squeeze3A_1841, %shift_right_arithmetic3A_1842 : i32
        %shift_left3A_1844 = arith.constant 7 : i32
        %shift_left3A_1845 = arith.shli %shift_right_arithmetic3A_1843, %shift_left3A_1844 : i32
        %multiple_of3A_1846 = tpu.assume_multiple %shift_left3A_1845, 128 : i32
        %dma_start3A_1847 = arith.constant 0 : i32
        %dma_start3A_1848 = arith.constant 2 : i32
        %dma_start3A_1849 = arith.constant 0 : i32
        %dma_start3A_1850 = arith.constant 2 : i32
        %dma_start3A_1851 = arith.constant 0 : i32
        %dma_start3A_1852 = arith.constant 0 : i32
        %dma_start3A_1853 = tpu.memref_slice %arg9[%dma_start3A_1847, %dma_start3A_1848, %dma_start3A_1851, %dma_start3A_1852] : memref<2x8x32x128xf32, #tpu.memory_space<vmem>> -> memref<1x1x32x128xf32, #tpu.memory_space<vmem>>
        %dma_start3A_1854 = tpu.memref_squeeze %dma_start3A_1853 : memref<1x1x32x128xf32, #tpu.memory_space<vmem>> -> memref<32x128xf32, #tpu.memory_space<vmem>>
        %dma_start3A_1855 = arith.constant 0 : i32
        %dma_start3A_1856 = tpu.memref_slice %arg4[%dma_start3A_1855, %multiple_of3A_1846] : memref<32x1000000xf32, #tpu.memory_space<hbm>> -> memref<32x128xf32, #tpu.memory_space<hbm>>
        %dma_start3A_1857 = tpu.memref_slice %arg11[%dma_start3A_1849, %dma_start3A_1850] : memref<2x8x!tpu.dma_semaphore, #tpu.memory_space<semaphore_mem>> -> memref<1x1x!tpu.dma_semaphore, #tpu.memory_space<semaphore_mem>>
        %dma_start3A_1858 = tpu.memref_squeeze %dma_start3A_1857 : memref<1x1x!tpu.dma_semaphore, #tpu.memory_space<semaphore_mem>> -> memref<!tpu.dma_semaphore, #tpu.memory_space<semaphore_mem>>
        %dma_start3A_1859 = arith.constant 0 : i32
        %dma_start3A_1860 = arith.constant 0 : i32
        %dma_start3A_1861 = tpu.memref_slice %arg9[%dma_start3A_1847, %dma_start3A_1848, %dma_start3A_1859, %dma_start3A_1860] : memref<2x8x32x128xf32, #tpu.memory_space<vmem>> -> memref<1x1x32x128xf32, #tpu.memory_space<vmem>>
        %dma_start3A_1862 = tpu.memref_squeeze %dma_start3A_1861 : memref<1x1x32x128xf32, #tpu.memory_space<vmem>> -> memref<32x128xf32, #tpu.memory_space<vmem>>
        %dma_start3A_1863 = arith.constant 0 : i32
        %dma_start3A_1864 = tpu.memref_slice %arg4[%dma_start3A_1863, %multiple_of3A_1846] : memref<32x1000000xf32, #tpu.memory_space<hbm>> -> memref<32x128xf32, #tpu.memory_space<hbm>>
        tpu.enqueue_dma source(%dma_start3A_1864 : memref<32x128xf32, #tpu.memory_space<hbm>>) target(%dma_start3A_1862 : memref<32x128xf32, #tpu.memory_space<vmem>>) target_semaphore(%dma_start3A_1858 : memref<!tpu.dma_semaphore, #tpu.memory_space<semaphore_mem>>)
        %slice3A_1865 = vector.extract_strided_slice %get3A_898 {offsets = [3], sizes = [1], strides = [1]} : vector<16xi32> to vector<1xi32>
        %squeeze3A_1866 = vector.extract %slice3A_1865[0] : i32 from vector<1xi32>
        %shift_right_arithmetic3A_1867 = arith.constant 7 : i32
        %shift_right_arithmetic3A_1868 = arith.shrsi %squeeze3A_1866, %shift_right_arithmetic3A_1867 : i32
        %shift_left3A_1869 = arith.constant 7 : i32
        %shift_left3A_1870 = arith.shli %shift_right_arithmetic3A_1868, %shift_left3A_1869 : i32
        %multiple_of3A_1871 = tpu.assume_multiple %shift_left3A_1870, 128 : i32
        %dma_start3A_1872 = arith.constant 0 : i32
        %dma_start3A_1873 = arith.constant 3 : i32
        %dma_start3A_1874 = arith.constant 0 : i32
        %dma_start3A_1875 = arith.constant 3 : i32
        %dma_start3A_1876 = arith.constant 0 : i32
        %dma_start3A_1877 = arith.constant 0 : i32
        %dma_start3A_1878 = tpu.memref_slice %arg9[%dma_start3A_1872, %dma_start3A_1873, %dma_start3A_1876, %dma_start3A_1877] : memref<2x8x32x128xf32, #tpu.memory_space<vmem>> -> memref<1x1x32x128xf32, #tpu.memory_space<vmem>>
        %dma_start3A_1879 = tpu.memref_squeeze %dma_start3A_1878 : memref<1x1x32x128xf32, #tpu.memory_space<vmem>> -> memref<32x128xf32, #tpu.memory_space<vmem>>
        %dma_start3A_1880 = arith.constant 0 : i32
        %dma_start3A_1881 = tpu.memref_slice %arg4[%dma_start3A_1880, %multiple_of3A_1871] : memref<32x1000000xf32, #tpu.memory_space<hbm>> -> memref<32x128xf32, #tpu.memory_space<hbm>>
        %dma_start3A_1882 = tpu.memref_slice %arg11[%dma_start3A_1874, %dma_start3A_1875] : memref<2x8x!tpu.dma_semaphore, #tpu.memory_space<semaphore_mem>> -> memref<1x1x!tpu.dma_semaphore, #tpu.memory_space<semaphore_mem>>
        %dma_start3A_1883 = tpu.memref_squeeze %dma_start3A_1882 : memref<1x1x!tpu.dma_semaphore, #tpu.memory_space<semaphore_mem>> -> memref<!tpu.dma_semaphore, #tpu.memory_space<semaphore_mem>>
        %dma_start3A_1884 = arith.constant 0 : i32
        %dma_start3A_1885 = arith.constant 0 : i32
        %dma_start3A_1886 = tpu.memref_slice %arg9[%dma_start3A_1872, %dma_start3A_1873, %dma_start3A_1884, %dma_start3A_1885] : memref<2x8x32x128xf32, #tpu.memory_space<vmem>> -> memref<1x1x32x128xf32, #tpu.memory_space<vmem>>
        %dma_start3A_1887 = tpu.memref_squeeze %dma_start3A_1886 : memref<1x1x32x128xf32, #tpu.memory_space<vmem>> -> memref<32x128xf32, #tpu.memory_space<vmem>>
        %dma_start3A_1888 = arith.constant 0 : i32
        %dma_start3A_1889 = tpu.memref_slice %arg4[%dma_start3A_1888, %multiple_of3A_1871] : memref<32x1000000xf32, #tpu.memory_space<hbm>> -> memref<32x128xf32, #tpu.memory_space<hbm>>
        tpu.enqueue_dma source(%dma_start3A_1889 : memref<32x128xf32, #tpu.memory_space<hbm>>) target(%dma_start3A_1887 : memref<32x128xf32, #tpu.memory_space<vmem>>) target_semaphore(%dma_start3A_1883 : memref<!tpu.dma_semaphore, #tpu.memory_space<semaphore_mem>>)
        %slice3A_1890 = vector.extract_strided_slice %get3A_898 {offsets = [4], sizes = [1], strides = [1]} : vector<16xi32> to vector<1xi32>
        %squeeze3A_1891 = vector.extract %slice3A_1890[0] : i32 from vector<1xi32>
        %shift_right_arithmetic3A_1892 = arith.constant 7 : i32
        %shift_right_arithmetic3A_1893 = arith.shrsi %squeeze3A_1891, %shift_right_arithmetic3A_1892 : i32
        %shift_left3A_1894 = arith.constant 7 : i32
        %shift_left3A_1895 = arith.shli %shift_right_arithmetic3A_1893, %shift_left3A_1894 : i32
        %multiple_of3A_1896 = tpu.assume_multiple %shift_left3A_1895, 128 : i32
        %dma_start3A_1897 = arith.constant 0 : i32
        %dma_start3A_1898 = arith.constant 4 : i32
        %dma_start3A_1899 = arith.constant 0 : i32
        %dma_start3A_1900 = arith.constant 4 : i32
        %dma_start3A_1901 = arith.constant 0 : i32
        %dma_start3A_1902 = arith.constant 0 : i32
        %dma_start3A_1903 = tpu.memref_slice %arg9[%dma_start3A_1897, %dma_start3A_1898, %dma_start3A_1901, %dma_start3A_1902] : memref<2x8x32x128xf32, #tpu.memory_space<vmem>> -> memref<1x1x32x128xf32, #tpu.memory_space<vmem>>
        %dma_start3A_1904 = tpu.memref_squeeze %dma_start3A_1903 : memref<1x1x32x128xf32, #tpu.memory_space<vmem>> -> memref<32x128xf32, #tpu.memory_space<vmem>>
        %dma_start3A_1905 = arith.constant 0 : i32
        %dma_start3A_1906 = tpu.memref_slice %arg4[%dma_start3A_1905, %multiple_of3A_1896] : memref<32x1000000xf32, #tpu.memory_space<hbm>> -> memref<32x128xf32, #tpu.memory_space<hbm>>
        %dma_start3A_1907 = tpu.memref_slice %arg11[%dma_start3A_1899, %dma_start3A_1900] : memref<2x8x!tpu.dma_semaphore, #tpu.memory_space<semaphore_mem>> -> memref<1x1x!tpu.dma_semaphore, #tpu.memory_space<semaphore_mem>>
        %dma_start3A_1908 = tpu.memref_squeeze %dma_start3A_1907 : memref<1x1x!tpu.dma_semaphore, #tpu.memory_space<semaphore_mem>> -> memref<!tpu.dma_semaphore, #tpu.memory_space<semaphore_mem>>
        %dma_start3A_1909 = arith.constant 0 : i32
        %dma_start3A_1910 = arith.constant 0 : i32
        %dma_start3A_1911 = tpu.memref_slice %arg9[%dma_start3A_1897, %dma_start3A_1898, %dma_start3A_1909, %dma_start3A_1910] : memref<2x8x32x128xf32, #tpu.memory_space<vmem>> -> memref<1x1x32x128xf32, #tpu.memory_space<vmem>>
        %dma_start3A_1912 = tpu.memref_squeeze %dma_start3A_1911 : memref<1x1x32x128xf32, #tpu.memory_space<vmem>> -> memref<32x128xf32, #tpu.memory_space<vmem>>
        %dma_start3A_1913 = arith.constant 0 : i32
        %dma_start3A_1914 = tpu.memref_slice %arg4[%dma_start3A_1913, %multiple_of3A_1896] : memref<32x1000000xf32, #tpu.memory_space<hbm>> -> memref<32x128xf32, #tpu.memory_space<hbm>>
        tpu.enqueue_dma source(%dma_start3A_1914 : memref<32x128xf32, #tpu.memory_space<hbm>>) target(%dma_start3A_1912 : memref<32x128xf32, #tpu.memory_space<vmem>>) target_semaphore(%dma_start3A_1908 : memref<!tpu.dma_semaphore, #tpu.memory_space<semaphore_mem>>)
        %slice3A_1915 = vector.extract_strided_slice %get3A_898 {offsets = [5], sizes = [1], strides = [1]} : vector<16xi32> to vector<1xi32>
        %squeeze3A_1916 = vector.extract %slice3A_1915[0] : i32 from vector<1xi32>
        %shift_right_arithmetic3A_1917 = arith.constant 7 : i32
        %shift_right_arithmetic3A_1918 = arith.shrsi %squeeze3A_1916, %shift_right_arithmetic3A_1917 : i32
        %shift_left3A_1919 = arith.constant 7 : i32
        %shift_left3A_1920 = arith.shli %shift_right_arithmetic3A_1918, %shift_left3A_1919 : i32
        %multiple_of3A_1921 = tpu.assume_multiple %shift_left3A_1920, 128 : i32
        %dma_start3A_1922 = arith.constant 0 : i32
        %dma_start3A_1923 = arith.constant 5 : i32
        %dma_start3A_1924 = arith.constant 0 : i32
        %dma_start3A_1925 = arith.constant 5 : i32
        %dma_start3A_1926 = arith.constant 0 : i32
        %dma_start3A_1927 = arith.constant 0 : i32
        %dma_start3A_1928 = tpu.memref_slice %arg9[%dma_start3A_1922, %dma_start3A_1923, %dma_start3A_1926, %dma_start3A_1927] : memref<2x8x32x128xf32, #tpu.memory_space<vmem>> -> memref<1x1x32x128xf32, #tpu.memory_space<vmem>>
        %dma_start3A_1929 = tpu.memref_squeeze %dma_start3A_1928 : memref<1x1x32x128xf32, #tpu.memory_space<vmem>> -> memref<32x128xf32, #tpu.memory_space<vmem>>
        %dma_start3A_1930 = arith.constant 0 : i32
        %dma_start3A_1931 = tpu.memref_slice %arg4[%dma_start3A_1930, %multiple_of3A_1921] : memref<32x1000000xf32, #tpu.memory_space<hbm>> -> memref<32x128xf32, #tpu.memory_space<hbm>>
        %dma_start3A_1932 = tpu.memref_slice %arg11[%dma_start3A_1924, %dma_start3A_1925] : memref<2x8x!tpu.dma_semaphore, #tpu.memory_space<semaphore_mem>> -> memref<1x1x!tpu.dma_semaphore, #tpu.memory_space<semaphore_mem>>
        %dma_start3A_1933 = tpu.memref_squeeze %dma_start3A_1932 : memref<1x1x!tpu.dma_semaphore, #tpu.memory_space<semaphore_mem>> -> memref<!tpu.dma_semaphore, #tpu.memory_space<semaphore_mem>>
        %dma_start3A_1934 = arith.constant 0 : i32
        %dma_start3A_1935 = arith.constant 0 : i32
        %dma_start3A_1936 = tpu.memref_slice %arg9[%dma_start3A_1922, %dma_start3A_1923, %dma_start3A_1934, %dma_start3A_1935] : memref<2x8x32x128xf32, #tpu.memory_space<vmem>> -> memref<1x1x32x128xf32, #tpu.memory_space<vmem>>
        %dma_start3A_1937 = tpu.memref_squeeze %dma_start3A_1936 : memref<1x1x32x128xf32, #tpu.memory_space<vmem>> -> memref<32x128xf32, #tpu.memory_space<vmem>>
        %dma_start3A_1938 = arith.constant 0 : i32
        %dma_start3A_1939 = tpu.memref_slice %arg4[%dma_start3A_1938, %multiple_of3A_1921] : memref<32x1000000xf32, #tpu.memory_space<hbm>> -> memref<32x128xf32, #tpu.memory_space<hbm>>
        tpu.enqueue_dma source(%dma_start3A_1939 : memref<32x128xf32, #tpu.memory_space<hbm>>) target(%dma_start3A_1937 : memref<32x128xf32, #tpu.memory_space<vmem>>) target_semaphore(%dma_start3A_1933 : memref<!tpu.dma_semaphore, #tpu.memory_space<semaphore_mem>>)
        %slice3A_1940 = vector.extract_strided_slice %get3A_898 {offsets = [6], sizes = [1], strides = [1]} : vector<16xi32> to vector<1xi32>
        %squeeze3A_1941 = vector.extract %slice3A_1940[0] : i32 from vector<1xi32>
        %shift_right_arithmetic3A_1942 = arith.constant 7 : i32
        %shift_right_arithmetic3A_1943 = arith.shrsi %squeeze3A_1941, %shift_right_arithmetic3A_1942 : i32
        %shift_left3A_1944 = arith.constant 7 : i32
        %shift_left3A_1945 = arith.shli %shift_right_arithmetic3A_1943, %shift_left3A_1944 : i32
        %multiple_of3A_1946 = tpu.assume_multiple %shift_left3A_1945, 128 : i32
        %dma_start3A_1947 = arith.constant 0 : i32
        %dma_start3A_1948 = arith.constant 6 : i32
        %dma_start3A_1949 = arith.constant 0 : i32
        %dma_start3A_1950 = arith.constant 6 : i32
        %dma_start3A_1951 = arith.constant 0 : i32
        %dma_start3A_1952 = arith.constant 0 : i32
        %dma_start3A_1953 = tpu.memref_slice %arg9[%dma_start3A_1947, %dma_start3A_1948, %dma_start3A_1951, %dma_start3A_1952] : memref<2x8x32x128xf32, #tpu.memory_space<vmem>> -> memref<1x1x32x128xf32, #tpu.memory_space<vmem>>
        %dma_start3A_1954 = tpu.memref_squeeze %dma_start3A_1953 : memref<1x1x32x128xf32, #tpu.memory_space<vmem>> -> memref<32x128xf32, #tpu.memory_space<vmem>>
        %dma_start3A_1955 = arith.constant 0 : i32
        %dma_start3A_1956 = tpu.memref_slice %arg4[%dma_start3A_1955, %multiple_of3A_1946] : memref<32x1000000xf32, #tpu.memory_space<hbm>> -> memref<32x128xf32, #tpu.memory_space<hbm>>
        %dma_start3A_1957 = tpu.memref_slice %arg11[%dma_start3A_1949, %dma_start3A_1950] : memref<2x8x!tpu.dma_semaphore, #tpu.memory_space<semaphore_mem>> -> memref<1x1x!tpu.dma_semaphore, #tpu.memory_space<semaphore_mem>>
        %dma_start3A_1958 = tpu.memref_squeeze %dma_start3A_1957 : memref<1x1x!tpu.dma_semaphore, #tpu.memory_space<semaphore_mem>> -> memref<!tpu.dma_semaphore, #tpu.memory_space<semaphore_mem>>
        %dma_start3A_1959 = arith.constant 0 : i32
        %dma_start3A_1960 = arith.constant 0 : i32
        %dma_start3A_1961 = tpu.memref_slice %arg9[%dma_start3A_1947, %dma_start3A_1948, %dma_start3A_1959, %dma_start3A_1960] : memref<2x8x32x128xf32, #tpu.memory_space<vmem>> -> memref<1x1x32x128xf32, #tpu.memory_space<vmem>>
        %dma_start3A_1962 = tpu.memref_squeeze %dma_start3A_1961 : memref<1x1x32x128xf32, #tpu.memory_space<vmem>> -> memref<32x128xf32, #tpu.memory_space<vmem>>
        %dma_start3A_1963 = arith.constant 0 : i32
        %dma_start3A_1964 = tpu.memref_slice %arg4[%dma_start3A_1963, %multiple_of3A_1946] : memref<32x1000000xf32, #tpu.memory_space<hbm>> -> memref<32x128xf32, #tpu.memory_space<hbm>>
        tpu.enqueue_dma source(%dma_start3A_1964 : memref<32x128xf32, #tpu.memory_space<hbm>>) target(%dma_start3A_1962 : memref<32x128xf32, #tpu.memory_space<vmem>>) target_semaphore(%dma_start3A_1958 : memref<!tpu.dma_semaphore, #tpu.memory_space<semaphore_mem>>)
        %slice3A_1965 = vector.extract_strided_slice %get3A_898 {offsets = [7], sizes = [1], strides = [1]} : vector<16xi32> to vector<1xi32>
        %squeeze3A_1966 = vector.extract %slice3A_1965[0] : i32 from vector<1xi32>
        %shift_right_arithmetic3A_1967 = arith.constant 7 : i32
        %shift_right_arithmetic3A_1968 = arith.shrsi %squeeze3A_1966, %shift_right_arithmetic3A_1967 : i32
        %shift_left3A_1969 = arith.constant 7 : i32
        %shift_left3A_1970 = arith.shli %shift_right_arithmetic3A_1968, %shift_left3A_1969 : i32
        %multiple_of3A_1971 = tpu.assume_multiple %shift_left3A_1970, 128 : i32
        %dma_start3A_1972 = arith.constant 0 : i32
        %dma_start3A_1973 = arith.constant 7 : i32
        %dma_start3A_1974 = arith.constant 0 : i32
        %dma_start3A_1975 = arith.constant 7 : i32
        %dma_start3A_1976 = arith.constant 0 : i32
        %dma_start3A_1977 = arith.constant 0 : i32
        %dma_start3A_1978 = tpu.memref_slice %arg9[%dma_start3A_1972, %dma_start3A_1973, %dma_start3A_1976, %dma_start3A_1977] : memref<2x8x32x128xf32, #tpu.memory_space<vmem>> -> memref<1x1x32x128xf32, #tpu.memory_space<vmem>>
        %dma_start3A_1979 = tpu.memref_squeeze %dma_start3A_1978 : memref<1x1x32x128xf32, #tpu.memory_space<vmem>> -> memref<32x128xf32, #tpu.memory_space<vmem>>
        %dma_start3A_1980 = arith.constant 0 : i32
        %dma_start3A_1981 = tpu.memref_slice %arg4[%dma_start3A_1980, %multiple_of3A_1971] : memref<32x1000000xf32, #tpu.memory_space<hbm>> -> memref<32x128xf32, #tpu.memory_space<hbm>>
        %dma_start3A_1982 = tpu.memref_slice %arg11[%dma_start3A_1974, %dma_start3A_1975] : memref<2x8x!tpu.dma_semaphore, #tpu.memory_space<semaphore_mem>> -> memref<1x1x!tpu.dma_semaphore, #tpu.memory_space<semaphore_mem>>
        %dma_start3A_1983 = tpu.memref_squeeze %dma_start3A_1982 : memref<1x1x!tpu.dma_semaphore, #tpu.memory_space<semaphore_mem>> -> memref<!tpu.dma_semaphore, #tpu.memory_space<semaphore_mem>>
        %dma_start3A_1984 = arith.constant 0 : i32
        %dma_start3A_1985 = arith.constant 0 : i32
        %dma_start3A_1986 = tpu.memref_slice %arg9[%dma_start3A_1972, %dma_start3A_1973, %dma_start3A_1984, %dma_start3A_1985] : memref<2x8x32x128xf32, #tpu.memory_space<vmem>> -> memref<1x1x32x128xf32, #tpu.memory_space<vmem>>
        %dma_start3A_1987 = tpu.memref_squeeze %dma_start3A_1986 : memref<1x1x32x128xf32, #tpu.memory_space<vmem>> -> memref<32x128xf32, #tpu.memory_space<vmem>>
        %dma_start3A_1988 = arith.constant 0 : i32
        %dma_start3A_1989 = tpu.memref_slice %arg4[%dma_start3A_1988, %multiple_of3A_1971] : memref<32x1000000xf32, #tpu.memory_space<hbm>> -> memref<32x128xf32, #tpu.memory_space<hbm>>
        tpu.enqueue_dma source(%dma_start3A_1989 : memref<32x128xf32, #tpu.memory_space<hbm>>) target(%dma_start3A_1987 : memref<32x128xf32, #tpu.memory_space<vmem>>) target_semaphore(%dma_start3A_1983 : memref<!tpu.dma_semaphore, #tpu.memory_space<semaphore_mem>>)
      } else {
      }
      %gt3A_1341 = arith.constant 0 : i32
      %gt3A_1342 = arith.cmpi sgt, %scan3A_887, %gt3A_1341 : i32
      %convert_element_type3A_1343 = arith.extui %gt3A_1342 : i1 to i32
      %cond3A_1344 = arith.constant 0 : i32
      %cond3A_1345 = arith.cmpi ne, %convert_element_type3A_1343, %cond3A_1344 : i32
      scf.if %cond3A_1345 {
        %dma_wait3A_1790 = arith.constant 1 : i32
        %dma_wait3A_1791 = arith.constant 1 : i32
        %dma_wait3A_1792 = arith.constant 0 : i32
        %dma_wait3A_1793 = arith.constant 0 : i32
        %dma_wait3A_1794 = tpu.memref_slice %arg10[%dma_wait3A_1790, %dma_wait3A_1792, %dma_wait3A_1793] : memref<2x8x32xf32, #tpu.memory_space<vmem>> -> memref<1x8x32xf32, #tpu.memory_space<vmem>>
        %dma_wait3A_1795 = tpu.memref_squeeze %dma_wait3A_1794 : memref<1x8x32xf32, #tpu.memory_space<vmem>> -> memref<8x32xf32, #tpu.memory_space<vmem>>
        %dma_wait3A_1796 = arith.constant 0 : i32
        %dma_wait3A_1797 = arith.constant 0 : i32
        %dma_wait3A_1798 = tpu.memref_slice %arg6[%dma_wait3A_1796, %dma_wait3A_1797] : memref<16384x32xf32, #tpu.memory_space<hbm>> -> memref<8x32xf32, #tpu.memory_space<hbm>>
        %dma_wait3A_1799 = tpu.memref_slice %arg12[%dma_wait3A_1791] : memref<2x!tpu.dma_semaphore, #tpu.memory_space<semaphore_mem>> -> memref<1x!tpu.dma_semaphore, #tpu.memory_space<semaphore_mem>>
        %dma_wait3A_1800 = tpu.memref_squeeze %dma_wait3A_1799 : memref<1x!tpu.dma_semaphore, #tpu.memory_space<semaphore_mem>> -> memref<!tpu.dma_semaphore, #tpu.memory_space<semaphore_mem>>
        %dma_wait3A_1801 = arith.constant 0 : i32
        %dma_wait3A_1802 = arith.constant 0 : i32
        %dma_wait3A_1803 = tpu.memref_slice %arg6[%dma_wait3A_1801, %dma_wait3A_1802] : memref<16384x32xf32, #tpu.memory_space<hbm>> -> memref<8x32xf32, #tpu.memory_space<hbm>>
        %dma_wait3A_1804 = arith.constant 0 : i32
        %dma_wait3A_1805 = arith.constant 0 : i32
        %dma_wait3A_1806 = tpu.memref_slice %arg10[%dma_wait3A_1790, %dma_wait3A_1804, %dma_wait3A_1805] : memref<2x8x32xf32, #tpu.memory_space<vmem>> -> memref<1x8x32xf32, #tpu.memory_space<vmem>>
        %dma_wait3A_1807 = tpu.memref_squeeze %dma_wait3A_1806 : memref<1x8x32xf32, #tpu.memory_space<vmem>> -> memref<8x32xf32, #tpu.memory_space<vmem>>
        tpu.wait_dma2 semaphore(%dma_wait3A_1800 : memref<!tpu.dma_semaphore, #tpu.memory_space<semaphore_mem>>) src(%dma_wait3A_1807 : memref<8x32xf32, #tpu.memory_space<vmem>>) dst(%dma_wait3A_1803 : memref<8x32xf32, #tpu.memory_space<hbm>>)
      } else {
      }
      %dma_wait3A_1346 = arith.constant 1 : i32
      %dma_wait3A_1347 = arith.constant 0 : i32
      %dma_wait3A_1348 = arith.constant 1 : i32
      %dma_wait3A_1349 = arith.constant 0 : i32
      %dma_wait3A_1350 = arith.constant 0 : i32
      %dma_wait3A_1351 = arith.constant 0 : i32
      %dma_wait3A_1352 = tpu.memref_slice %arg9[%dma_wait3A_1346, %dma_wait3A_1347, %dma_wait3A_1350, %dma_wait3A_1351] : memref<2x8x32x128xf32, #tpu.memory_space<vmem>> -> memref<1x1x32x128xf32, #tpu.memory_space<vmem>>
      %dma_wait3A_1353 = tpu.memref_squeeze %dma_wait3A_1352 : memref<1x1x32x128xf32, #tpu.memory_space<vmem>> -> memref<32x128xf32, #tpu.memory_space<vmem>>
      %dma_wait3A_1354 = arith.constant 0 : i32
      %dma_wait3A_1355 = arith.constant 0 : i32
      %dma_wait3A_1356 = tpu.memref_slice %arg4[%dma_wait3A_1354, %dma_wait3A_1355] : memref<32x1000000xf32, #tpu.memory_space<hbm>> -> memref<32x128xf32, #tpu.memory_space<hbm>>
      %dma_wait3A_1357 = tpu.memref_slice %arg11[%dma_wait3A_1348, %dma_wait3A_1349] : memref<2x8x!tpu.dma_semaphore, #tpu.memory_space<semaphore_mem>> -> memref<1x1x!tpu.dma_semaphore, #tpu.memory_space<semaphore_mem>>
      %dma_wait3A_1358 = tpu.memref_squeeze %dma_wait3A_1357 : memref<1x1x!tpu.dma_semaphore, #tpu.memory_space<semaphore_mem>> -> memref<!tpu.dma_semaphore, #tpu.memory_space<semaphore_mem>>
      %dma_wait3A_1359 = arith.constant 0 : i32
      %dma_wait3A_1360 = arith.constant 0 : i32
      %dma_wait3A_1361 = tpu.memref_slice %arg9[%dma_wait3A_1346, %dma_wait3A_1347, %dma_wait3A_1359, %dma_wait3A_1360] : memref<2x8x32x128xf32, #tpu.memory_space<vmem>> -> memref<1x1x32x128xf32, #tpu.memory_space<vmem>>
      %dma_wait3A_1362 = tpu.memref_squeeze %dma_wait3A_1361 : memref<1x1x32x128xf32, #tpu.memory_space<vmem>> -> memref<32x128xf32, #tpu.memory_space<vmem>>
      %dma_wait3A_1363 = arith.constant 0 : i32
      %dma_wait3A_1364 = arith.constant 0 : i32
      %dma_wait3A_1365 = tpu.memref_slice %arg4[%dma_wait3A_1363, %dma_wait3A_1364] : memref<32x1000000xf32, #tpu.memory_space<hbm>> -> memref<32x128xf32, #tpu.memory_space<hbm>>
      tpu.wait_dma2 semaphore(%dma_wait3A_1358 : memref<!tpu.dma_semaphore, #tpu.memory_space<semaphore_mem>>) src(%dma_wait3A_1365 : memref<32x128xf32, #tpu.memory_space<hbm>>) dst(%dma_wait3A_1362 : memref<32x128xf32, #tpu.memory_space<vmem>>)
      %slice3A_1366 = vector.extract_strided_slice %and3A_890 {offsets = [8], sizes = [1], strides = [1]} : vector<16xi32> to vector<1xi32>
      %squeeze3A_1367 = vector.extract %slice3A_1366[0] : i32 from vector<1xi32>
      %broadcast_in_dim3A_1368 = vector.broadcast %squeeze3A_1367 : i32 to vector<16xi32>
      %gather3A_1369 = arith.constant 1 : i32
      %gather3A_1370 = arith.constant 0 : i32
      %gather3A_1371 = arith.constant 0 : i32
      %gather3A_1372 = arith.constant 0 : i32
      %gather3A_1373 = tpu.memref_slice %arg9[%gather3A_1369, %gather3A_1370, %gather3A_1371, %gather3A_1372] : memref<2x8x32x128xf32, #tpu.memory_space<vmem>> -> memref<1x1x32x128xf32, #tpu.memory_space<vmem>>
      %gather3A_1374 = tpu.memref_squeeze %gather3A_1373 : memref<1x1x32x128xf32, #tpu.memory_space<vmem>> -> memref<32x128xf32, #tpu.memory_space<vmem>>
      %gather3A_1375 = tpu.vector_load_idx %gather3A_1374[%iota3A, %broadcast_in_dim3A_1368] : memref<32x128xf32, #tpu.memory_space<vmem>>[vector<16xi32>, vector<16xi32>], vector<16xf32>,
      %add3A_1376 = arith.constant 16 : i32
      %add3A_1377 = vector.broadcast %add3A_1376 : i32 to vector<16xi32>
      %add3A_1378 = arith.addi %iota3A, %add3A_1377 : vector<16xi32>
      %gather3A_1379 = arith.constant 1 : i32
      %gather3A_1380 = arith.constant 0 : i32
      %gather3A_1381 = arith.constant 0 : i32
      %gather3A_1382 = arith.constant 0 : i32
      %gather3A_1383 = tpu.memref_slice %arg9[%gather3A_1379, %gather3A_1380, %gather3A_1381, %gather3A_1382] : memref<2x8x32x128xf32, #tpu.memory_space<vmem>> -> memref<1x1x32x128xf32, #tpu.memory_space<vmem>>
      %gather3A_1384 = tpu.memref_squeeze %gather3A_1383 : memref<1x1x32x128xf32, #tpu.memory_space<vmem>> -> memref<32x128xf32, #tpu.memory_space<vmem>>
      %gather3A_1385 = tpu.vector_load_idx %gather3A_1384[%add3A_1378, %broadcast_in_dim3A_1368] : memref<32x128xf32, #tpu.memory_space<vmem>>[vector<16xi32>, vector<16xi32>], vector<16xf32>,
      %swap3A_1386 = arith.constant 1 : i32
      %swap3A_1387 = arith.constant 0 : i32
      %swap3A_1388 = arith.index_cast %swap3A_1386 : i32 to index
      %swap3A_1389 = arith.index_cast %swap3A_1387 : i32 to index
      %swap3A_1390 = arith.constant 0 : index
      %swap3A_1391 = tpu.vector_load %arg10[%swap3A_1388, %swap3A_1389, %swap3A_1390] {strides = array<i32>} : memref<2x8x32xf32, #tpu.memory_space<vmem>>, vector<16xf32>,
      tpu.vector_store %arg10[%swap3A_1388, %swap3A_1389, %swap3A_1390], %gather3A_1375 {strides = array<i32>} : memref<2x8x32xf32, #tpu.memory_space<vmem>>, vector<16xf32>,
      %swap3A_1392 = arith.constant 1 : i32
      %swap3A_1393 = arith.constant 0 : i32
      %swap3A_1394 = arith.index_cast %swap3A_1392 : i32 to index
      %swap3A_1395 = arith.index_cast %swap3A_1393 : i32 to index
      %swap3A_1396 = arith.constant 16 : index
      %swap3A_1397 = tpu.vector_load %arg10[%swap3A_1394, %swap3A_1395, %swap3A_1396] {strides = array<i32>} : memref<2x8x32xf32, #tpu.memory_space<vmem>>, vector<16xf32>,
      tpu.vector_store %arg10[%swap3A_1394, %swap3A_1395, %swap3A_1396], %gather3A_1385 {strides = array<i32>} : memref<2x8x32xf32, #tpu.memory_space<vmem>>, vector<16xf32>,
      %dma_wait3A_1398 = arith.constant 1 : i32
      %dma_wait3A_1399 = arith.constant 1 : i32
      %dma_wait3A_1400 = arith.constant 1 : i32
      %dma_wait3A_1401 = arith.constant 1 : i32
      %dma_wait3A_1402 = arith.constant 0 : i32
      %dma_wait3A_1403 = arith.constant 0 : i32
      %dma_wait3A_1404 = tpu.memref_slice %arg9[%dma_wait3A_1398, %dma_wait3A_1399, %dma_wait3A_1402, %dma_wait3A_1403] : memref<2x8x32x128xf32, #tpu.memory_space<vmem>> -> memref<1x1x32x128xf32, #tpu.memory_space<vmem>>
      %dma_wait3A_1405 = tpu.memref_squeeze %dma_wait3A_1404 : memref<1x1x32x128xf32, #tpu.memory_space<vmem>> -> memref<32x128xf32, #tpu.memory_space<vmem>>
      %dma_wait3A_1406 = arith.constant 0 : i32
      %dma_wait3A_1407 = arith.constant 0 : i32
      %dma_wait3A_1408 = tpu.memref_slice %arg4[%dma_wait3A_1406, %dma_wait3A_1407] : memref<32x1000000xf32, #tpu.memory_space<hbm>> -> memref<32x128xf32, #tpu.memory_space<hbm>>
      %dma_wait3A_1409 = tpu.memref_slice %arg11[%dma_wait3A_1400, %dma_wait3A_1401] : memref<2x8x!tpu.dma_semaphore, #tpu.memory_space<semaphore_mem>> -> memref<1x1x!tpu.dma_semaphore, #tpu.memory_space<semaphore_mem>>
      %dma_wait3A_1410 = tpu.memref_squeeze %dma_wait3A_1409 : memref<1x1x!tpu.dma_semaphore, #tpu.memory_space<semaphore_mem>> -> memref<!tpu.dma_semaphore, #tpu.memory_space<semaphore_mem>>
      %dma_wait3A_1411 = arith.constant 0 : i32
      %dma_wait3A_1412 = arith.constant 0 : i32
      %dma_wait3A_1413 = tpu.memref_slice %arg9[%dma_wait3A_1398, %dma_wait3A_1399, %dma_wait3A_1411, %dma_wait3A_1412] : memref<2x8x32x128xf32, #tpu.memory_space<vmem>> -> memref<1x1x32x128xf32, #tpu.memory_space<vmem>>
      %dma_wait3A_1414 = tpu.memref_squeeze %dma_wait3A_1413 : memref<1x1x32x128xf32, #tpu.memory_space<vmem>> -> memref<32x128xf32, #tpu.memory_space<vmem>>
      %dma_wait3A_1415 = arith.constant 0 : i32
      %dma_wait3A_1416 = arith.constant 0 : i32
      %dma_wait3A_1417 = tpu.memref_slice %arg4[%dma_wait3A_1415, %dma_wait3A_1416] : memref<32x1000000xf32, #tpu.memory_space<hbm>> -> memref<32x128xf32, #tpu.memory_space<hbm>>
      tpu.wait_dma2 semaphore(%dma_wait3A_1410 : memref<!tpu.dma_semaphore, #tpu.memory_space<semaphore_mem>>) src(%dma_wait3A_1417 : memref<32x128xf32, #tpu.memory_space<hbm>>) dst(%dma_wait3A_1414 : memref<32x128xf32, #tpu.memory_space<vmem>>)
      %slice3A_1418 = vector.extract_strided_slice %and3A_890 {offsets = [9], sizes = [1], strides = [1]} : vector<16xi32> to vector<1xi32>
      %squeeze3A_1419 = vector.extract %slice3A_1418[0] : i32 from vector<1xi32>
      %broadcast_in_dim3A_1420 = vector.broadcast %squeeze3A_1419 : i32 to vector<16xi32>
      %gather3A_1421 = arith.constant 1 : i32
      %gather3A_1422 = arith.constant 1 : i32
      %gather3A_1423 = arith.constant 0 : i32
      %gather3A_1424 = arith.constant 0 : i32
      %gather3A_1425 = tpu.memref_slice %arg9[%gather3A_1421, %gather3A_1422, %gather3A_1423, %gather3A_1424] : memref<2x8x32x128xf32, #tpu.memory_space<vmem>> -> memref<1x1x32x128xf32, #tpu.memory_space<vmem>>
      %gather3A_1426 = tpu.memref_squeeze %gather3A_1425 : memref<1x1x32x128xf32, #tpu.memory_space<vmem>> -> memref<32x128xf32, #tpu.memory_space<vmem>>
      %gather3A_1427 = tpu.vector_load_idx %gather3A_1426[%iota3A, %broadcast_in_dim3A_1420] : memref<32x128xf32, #tpu.memory_space<vmem>>[vector<16xi32>, vector<16xi32>], vector<16xf32>,
      %add3A_1428 = arith.constant 16 : i32
      %add3A_1429 = vector.broadcast %add3A_1428 : i32 to vector<16xi32>
      %add3A_1430 = arith.addi %iota3A, %add3A_1429 : vector<16xi32>
      %gather3A_1431 = arith.constant 1 : i32
      %gather3A_1432 = arith.constant 1 : i32
      %gather3A_1433 = arith.constant 0 : i32
      %gather3A_1434 = arith.constant 0 : i32
      %gather3A_1435 = tpu.memref_slice %arg9[%gather3A_1431, %gather3A_1432, %gather3A_1433, %gather3A_1434] : memref<2x8x32x128xf32, #tpu.memory_space<vmem>> -> memref<1x1x32x128xf32, #tpu.memory_space<vmem>>
      %gather3A_1436 = tpu.memref_squeeze %gather3A_1435 : memref<1x1x32x128xf32, #tpu.memory_space<vmem>> -> memref<32x128xf32, #tpu.memory_space<vmem>>
      %gather3A_1437 = tpu.vector_load_idx %gather3A_1436[%add3A_1430, %broadcast_in_dim3A_1420] : memref<32x128xf32, #tpu.memory_space<vmem>>[vector<16xi32>, vector<16xi32>], vector<16xf32>,
      %swap3A_1438 = arith.constant 1 : i32
      %swap3A_1439 = arith.constant 1 : i32
      %swap3A_1440 = arith.index_cast %swap3A_1438 : i32 to index
      %swap3A_1441 = arith.index_cast %swap3A_1439 : i32 to index
      %swap3A_1442 = arith.constant 0 : index
      %swap3A_1443 = tpu.vector_load %arg10[%swap3A_1440, %swap3A_1441, %swap3A_1442] {strides = array<i32>} : memref<2x8x32xf32, #tpu.memory_space<vmem>>, vector<16xf32>,
      tpu.vector_store %arg10[%swap3A_1440, %swap3A_1441, %swap3A_1442], %gather3A_1427 {strides = array<i32>} : memref<2x8x32xf32, #tpu.memory_space<vmem>>, vector<16xf32>,
      %swap3A_1444 = arith.constant 1 : i32
      %swap3A_1445 = arith.constant 1 : i32
      %swap3A_1446 = arith.index_cast %swap3A_1444 : i32 to index
      %swap3A_1447 = arith.index_cast %swap3A_1445 : i32 to index
      %swap3A_1448 = arith.constant 16 : index
      %swap3A_1449 = tpu.vector_load %arg10[%swap3A_1446, %swap3A_1447, %swap3A_1448] {strides = array<i32>} : memref<2x8x32xf32, #tpu.memory_space<vmem>>, vector<16xf32>,
      tpu.vector_store %arg10[%swap3A_1446, %swap3A_1447, %swap3A_1448], %gather3A_1437 {strides = array<i32>} : memref<2x8x32xf32, #tpu.memory_space<vmem>>, vector<16xf32>,
      %dma_wait3A_1450 = arith.constant 1 : i32
      %dma_wait3A_1451 = arith.constant 2 : i32
      %dma_wait3A_1452 = arith.constant 1 : i32
      %dma_wait3A_1453 = arith.constant 2 : i32
      %dma_wait3A_1454 = arith.constant 0 : i32
      %dma_wait3A_1455 = arith.constant 0 : i32
      %dma_wait3A_1456 = tpu.memref_slice %arg9[%dma_wait3A_1450, %dma_wait3A_1451, %dma_wait3A_1454, %dma_wait3A_1455] : memref<2x8x32x128xf32, #tpu.memory_space<vmem>> -> memref<1x1x32x128xf32, #tpu.memory_space<vmem>>
      %dma_wait3A_1457 = tpu.memref_squeeze %dma_wait3A_1456 : memref<1x1x32x128xf32, #tpu.memory_space<vmem>> -> memref<32x128xf32, #tpu.memory_space<vmem>>
      %dma_wait3A_1458 = arith.constant 0 : i32
      %dma_wait3A_1459 = arith.constant 0 : i32
      %dma_wait3A_1460 = tpu.memref_slice %arg4[%dma_wait3A_1458, %dma_wait3A_1459] : memref<32x1000000xf32, #tpu.memory_space<hbm>> -> memref<32x128xf32, #tpu.memory_space<hbm>>
      %dma_wait3A_1461 = tpu.memref_slice %arg11[%dma_wait3A_1452, %dma_wait3A_1453] : memref<2x8x!tpu.dma_semaphore, #tpu.memory_space<semaphore_mem>> -> memref<1x1x!tpu.dma_semaphore, #tpu.memory_space<semaphore_mem>>
      %dma_wait3A_1462 = tpu.memref_squeeze %dma_wait3A_1461 : memref<1x1x!tpu.dma_semaphore, #tpu.memory_space<semaphore_mem>> -> memref<!tpu.dma_semaphore, #tpu.memory_space<semaphore_mem>>
      %dma_wait3A_1463 = arith.constant 0 : i32
      %dma_wait3A_1464 = arith.constant 0 : i32
      %dma_wait3A_1465 = tpu.memref_slice %arg9[%dma_wait3A_1450, %dma_wait3A_1451, %dma_wait3A_1463, %dma_wait3A_1464] : memref<2x8x32x128xf32, #tpu.memory_space<vmem>> -> memref<1x1x32x128xf32, #tpu.memory_space<vmem>>
      %dma_wait3A_1466 = tpu.memref_squeeze %dma_wait3A_1465 : memref<1x1x32x128xf32, #tpu.memory_space<vmem>> -> memref<32x128xf32, #tpu.memory_space<vmem>>
      %dma_wait3A_1467 = arith.constant 0 : i32
      %dma_wait3A_1468 = arith.constant 0 : i32
      %dma_wait3A_1469 = tpu.memref_slice %arg4[%dma_wait3A_1467, %dma_wait3A_1468] : memref<32x1000000xf32, #tpu.memory_space<hbm>> -> memref<32x128xf32, #tpu.memory_space<hbm>>
      tpu.wait_dma2 semaphore(%dma_wait3A_1462 : memref<!tpu.dma_semaphore, #tpu.memory_space<semaphore_mem>>) src(%dma_wait3A_1469 : memref<32x128xf32, #tpu.memory_space<hbm>>) dst(%dma_wait3A_1466 : memref<32x128xf32, #tpu.memory_space<vmem>>)
      %slice3A_1470 = vector.extract_strided_slice %and3A_890 {offsets = [10], sizes = [1], strides = [1]} : vector<16xi32> to vector<1xi32>
      %squeeze3A_1471 = vector.extract %slice3A_1470[0] : i32 from vector<1xi32>
      %broadcast_in_dim3A_1472 = vector.broadcast %squeeze3A_1471 : i32 to vector<16xi32>
      %gather3A_1473 = arith.constant 1 : i32
      %gather3A_1474 = arith.constant 2 : i32
      %gather3A_1475 = arith.constant 0 : i32
      %gather3A_1476 = arith.constant 0 : i32
      %gather3A_1477 = tpu.memref_slice %arg9[%gather3A_1473, %gather3A_1474, %gather3A_1475, %gather3A_1476] : memref<2x8x32x128xf32, #tpu.memory_space<vmem>> -> memref<1x1x32x128xf32, #tpu.memory_space<vmem>>
      %gather3A_1478 = tpu.memref_squeeze %gather3A_1477 : memref<1x1x32x128xf32, #tpu.memory_space<vmem>> -> memref<32x128xf32, #tpu.memory_space<vmem>>
      %gather3A_1479 = tpu.vector_load_idx %gather3A_1478[%iota3A, %broadcast_in_dim3A_1472] : memref<32x128xf32, #tpu.memory_space<vmem>>[vector<16xi32>, vector<16xi32>], vector<16xf32>,
      %add3A_1480 = arith.constant 16 : i32
      %add3A_1481 = vector.broadcast %add3A_1480 : i32 to vector<16xi32>
      %add3A_1482 = arith.addi %iota3A, %add3A_1481 : vector<16xi32>
      %gather3A_1483 = arith.constant 1 : i32
      %gather3A_1484 = arith.constant 2 : i32
      %gather3A_1485 = arith.constant 0 : i32
      %gather3A_1486 = arith.constant 0 : i32
      %gather3A_1487 = tpu.memref_slice %arg9[%gather3A_1483, %gather3A_1484, %gather3A_1485, %gather3A_1486] : memref<2x8x32x128xf32, #tpu.memory_space<vmem>> -> memref<1x1x32x128xf32, #tpu.memory_space<vmem>>
      %gather3A_1488 = tpu.memref_squeeze %gather3A_1487 : memref<1x1x32x128xf32, #tpu.memory_space<vmem>> -> memref<32x128xf32, #tpu.memory_space<vmem>>
      %gather3A_1489 = tpu.vector_load_idx %gather3A_1488[%add3A_1482, %broadcast_in_dim3A_1472] : memref<32x128xf32, #tpu.memory_space<vmem>>[vector<16xi32>, vector<16xi32>], vector<16xf32>,
      %swap3A_1490 = arith.constant 1 : i32
      %swap3A_1491 = arith.constant 2 : i32
      %swap3A_1492 = arith.index_cast %swap3A_1490 : i32 to index
      %swap3A_1493 = arith.index_cast %swap3A_1491 : i32 to index
      %swap3A_1494 = arith.constant 0 : index
      %swap3A_1495 = tpu.vector_load %arg10[%swap3A_1492, %swap3A_1493, %swap3A_1494] {strides = array<i32>} : memref<2x8x32xf32, #tpu.memory_space<vmem>>, vector<16xf32>,
      tpu.vector_store %arg10[%swap3A_1492, %swap3A_1493, %swap3A_1494], %gather3A_1479 {strides = array<i32>} : memref<2x8x32xf32, #tpu.memory_space<vmem>>, vector<16xf32>,
      %swap3A_1496 = arith.constant 1 : i32
      %swap3A_1497 = arith.constant 2 : i32
      %swap3A_1498 = arith.index_cast %swap3A_1496 : i32 to index
      %swap3A_1499 = arith.index_cast %swap3A_1497 : i32 to index
      %swap3A_1500 = arith.constant 16 : index
      %swap3A_1501 = tpu.vector_load %arg10[%swap3A_1498, %swap3A_1499, %swap3A_1500] {strides = array<i32>} : memref<2x8x32xf32, #tpu.memory_space<vmem>>, vector<16xf32>,
      tpu.vector_store %arg10[%swap3A_1498, %swap3A_1499, %swap3A_1500], %gather3A_1489 {strides = array<i32>} : memref<2x8x32xf32, #tpu.memory_space<vmem>>, vector<16xf32>,
      %dma_wait3A_1502 = arith.constant 1 : i32
      %dma_wait3A_1503 = arith.constant 3 : i32
      %dma_wait3A_1504 = arith.constant 1 : i32
      %dma_wait3A_1505 = arith.constant 3 : i32
      %dma_wait3A_1506 = arith.constant 0 : i32
      %dma_wait3A_1507 = arith.constant 0 : i32
      %dma_wait3A_1508 = tpu.memref_slice %arg9[%dma_wait3A_1502, %dma_wait3A_1503, %dma_wait3A_1506, %dma_wait3A_1507] : memref<2x8x32x128xf32, #tpu.memory_space<vmem>> -> memref<1x1x32x128xf32, #tpu.memory_space<vmem>>
      %dma_wait3A_1509 = tpu.memref_squeeze %dma_wait3A_1508 : memref<1x1x32x128xf32, #tpu.memory_space<vmem>> -> memref<32x128xf32, #tpu.memory_space<vmem>>
      %dma_wait3A_1510 = arith.constant 0 : i32
      %dma_wait3A_1511 = arith.constant 0 : i32
      %dma_wait3A_1512 = tpu.memref_slice %arg4[%dma_wait3A_1510, %dma_wait3A_1511] : memref<32x1000000xf32, #tpu.memory_space<hbm>> -> memref<32x128xf32, #tpu.memory_space<hbm>>
      %dma_wait3A_1513 = tpu.memref_slice %arg11[%dma_wait3A_1504, %dma_wait3A_1505] : memref<2x8x!tpu.dma_semaphore, #tpu.memory_space<semaphore_mem>> -> memref<1x1x!tpu.dma_semaphore, #tpu.memory_space<semaphore_mem>>
      %dma_wait3A_1514 = tpu.memref_squeeze %dma_wait3A_1513 : memref<1x1x!tpu.dma_semaphore, #tpu.memory_space<semaphore_mem>> -> memref<!tpu.dma_semaphore, #tpu.memory_space<semaphore_mem>>
      %dma_wait3A_1515 = arith.constant 0 : i32
      %dma_wait3A_1516 = arith.constant 0 : i32
      %dma_wait3A_1517 = tpu.memref_slice %arg9[%dma_wait3A_1502, %dma_wait3A_1503, %dma_wait3A_1515, %dma_wait3A_1516] : memref<2x8x32x128xf32, #tpu.memory_space<vmem>> -> memref<1x1x32x128xf32, #tpu.memory_space<vmem>>
      %dma_wait3A_1518 = tpu.memref_squeeze %dma_wait3A_1517 : memref<1x1x32x128xf32, #tpu.memory_space<vmem>> -> memref<32x128xf32, #tpu.memory_space<vmem>>
      %dma_wait3A_1519 = arith.constant 0 : i32
      %dma_wait3A_1520 = arith.constant 0 : i32
      %dma_wait3A_1521 = tpu.memref_slice %arg4[%dma_wait3A_1519, %dma_wait3A_1520] : memref<32x1000000xf32, #tpu.memory_space<hbm>> -> memref<32x128xf32, #tpu.memory_space<hbm>>
      tpu.wait_dma2 semaphore(%dma_wait3A_1514 : memref<!tpu.dma_semaphore, #tpu.memory_space<semaphore_mem>>) src(%dma_wait3A_1521 : memref<32x128xf32, #tpu.memory_space<hbm>>) dst(%dma_wait3A_1518 : memref<32x128xf32, #tpu.memory_space<vmem>>)
      %slice3A_1522 = vector.extract_strided_slice %and3A_890 {offsets = [11], sizes = [1], strides = [1]} : vector<16xi32> to vector<1xi32>
      %squeeze3A_1523 = vector.extract %slice3A_1522[0] : i32 from vector<1xi32>
      %broadcast_in_dim3A_1524 = vector.broadcast %squeeze3A_1523 : i32 to vector<16xi32>
      %gather3A_1525 = arith.constant 1 : i32
      %gather3A_1526 = arith.constant 3 : i32
      %gather3A_1527 = arith.constant 0 : i32
      %gather3A_1528 = arith.constant 0 : i32
      %gather3A_1529 = tpu.memref_slice %arg9[%gather3A_1525, %gather3A_1526, %gather3A_1527, %gather3A_1528] : memref<2x8x32x128xf32, #tpu.memory_space<vmem>> -> memref<1x1x32x128xf32, #tpu.memory_space<vmem>>
      %gather3A_1530 = tpu.memref_squeeze %gather3A_1529 : memref<1x1x32x128xf32, #tpu.memory_space<vmem>> -> memref<32x128xf32, #tpu.memory_space<vmem>>
      %gather3A_1531 = tpu.vector_load_idx %gather3A_1530[%iota3A, %broadcast_in_dim3A_1524] : memref<32x128xf32, #tpu.memory_space<vmem>>[vector<16xi32>, vector<16xi32>], vector<16xf32>,
      %add3A_1532 = arith.constant 16 : i32
      %add3A_1533 = vector.broadcast %add3A_1532 : i32 to vector<16xi32>
      %add3A_1534 = arith.addi %iota3A, %add3A_1533 : vector<16xi32>
      %gather3A_1535 = arith.constant 1 : i32
      %gather3A_1536 = arith.constant 3 : i32
      %gather3A_1537 = arith.constant 0 : i32
      %gather3A_1538 = arith.constant 0 : i32
      %gather3A_1539 = tpu.memref_slice %arg9[%gather3A_1535, %gather3A_1536, %gather3A_1537, %gather3A_1538] : memref<2x8x32x128xf32, #tpu.memory_space<vmem>> -> memref<1x1x32x128xf32, #tpu.memory_space<vmem>>
      %gather3A_1540 = tpu.memref_squeeze %gather3A_1539 : memref<1x1x32x128xf32, #tpu.memory_space<vmem>> -> memref<32x128xf32, #tpu.memory_space<vmem>>
      %gather3A_1541 = tpu.vector_load_idx %gather3A_1540[%add3A_1534, %broadcast_in_dim3A_1524] : memref<32x128xf32, #tpu.memory_space<vmem>>[vector<16xi32>, vector<16xi32>], vector<16xf32>,
      %swap3A_1542 = arith.constant 1 : i32
      %swap3A_1543 = arith.constant 3 : i32
      %swap3A_1544 = arith.index_cast %swap3A_1542 : i32 to index
      %swap3A_1545 = arith.index_cast %swap3A_1543 : i32 to index
      %swap3A_1546 = arith.constant 0 : index
      %swap3A_1547 = tpu.vector_load %arg10[%swap3A_1544, %swap3A_1545, %swap3A_1546] {strides = array<i32>} : memref<2x8x32xf32, #tpu.memory_space<vmem>>, vector<16xf32>,
      tpu.vector_store %arg10[%swap3A_1544, %swap3A_1545, %swap3A_1546], %gather3A_1531 {strides = array<i32>} : memref<2x8x32xf32, #tpu.memory_space<vmem>>, vector<16xf32>,
      %swap3A_1548 = arith.constant 1 : i32
      %swap3A_1549 = arith.constant 3 : i32
      %swap3A_1550 = arith.index_cast %swap3A_1548 : i32 to index
      %swap3A_1551 = arith.index_cast %swap3A_1549 : i32 to index
      %swap3A_1552 = arith.constant 16 : index
      %swap3A_1553 = tpu.vector_load %arg10[%swap3A_1550, %swap3A_1551, %swap3A_1552] {strides = array<i32>} : memref<2x8x32xf32, #tpu.memory_space<vmem>>, vector<16xf32>,
      tpu.vector_store %arg10[%swap3A_1550, %swap3A_1551, %swap3A_1552], %gather3A_1541 {strides = array<i32>} : memref<2x8x32xf32, #tpu.memory_space<vmem>>, vector<16xf32>,
      %dma_wait3A_1554 = arith.constant 1 : i32
      %dma_wait3A_1555 = arith.constant 4 : i32
      %dma_wait3A_1556 = arith.constant 1 : i32
      %dma_wait3A_1557 = arith.constant 4 : i32
      %dma_wait3A_1558 = arith.constant 0 : i32
      %dma_wait3A_1559 = arith.constant 0 : i32
      %dma_wait3A_1560 = tpu.memref_slice %arg9[%dma_wait3A_1554, %dma_wait3A_1555, %dma_wait3A_1558, %dma_wait3A_1559] : memref<2x8x32x128xf32, #tpu.memory_space<vmem>> -> memref<1x1x32x128xf32, #tpu.memory_space<vmem>>
      %dma_wait3A_1561 = tpu.memref_squeeze %dma_wait3A_1560 : memref<1x1x32x128xf32, #tpu.memory_space<vmem>> -> memref<32x128xf32, #tpu.memory_space<vmem>>
      %dma_wait3A_1562 = arith.constant 0 : i32
      %dma_wait3A_1563 = arith.constant 0 : i32
      %dma_wait3A_1564 = tpu.memref_slice %arg4[%dma_wait3A_1562, %dma_wait3A_1563] : memref<32x1000000xf32, #tpu.memory_space<hbm>> -> memref<32x128xf32, #tpu.memory_space<hbm>>
      %dma_wait3A_1565 = tpu.memref_slice %arg11[%dma_wait3A_1556, %dma_wait3A_1557] : memref<2x8x!tpu.dma_semaphore, #tpu.memory_space<semaphore_mem>> -> memref<1x1x!tpu.dma_semaphore, #tpu.memory_space<semaphore_mem>>
      %dma_wait3A_1566 = tpu.memref_squeeze %dma_wait3A_1565 : memref<1x1x!tpu.dma_semaphore, #tpu.memory_space<semaphore_mem>> -> memref<!tpu.dma_semaphore, #tpu.memory_space<semaphore_mem>>
      %dma_wait3A_1567 = arith.constant 0 : i32
      %dma_wait3A_1568 = arith.constant 0 : i32
      %dma_wait3A_1569 = tpu.memref_slice %arg9[%dma_wait3A_1554, %dma_wait3A_1555, %dma_wait3A_1567, %dma_wait3A_1568] : memref<2x8x32x128xf32, #tpu.memory_space<vmem>> -> memref<1x1x32x128xf32, #tpu.memory_space<vmem>>
      %dma_wait3A_1570 = tpu.memref_squeeze %dma_wait3A_1569 : memref<1x1x32x128xf32, #tpu.memory_space<vmem>> -> memref<32x128xf32, #tpu.memory_space<vmem>>
      %dma_wait3A_1571 = arith.constant 0 : i32
      %dma_wait3A_1572 = arith.constant 0 : i32
      %dma_wait3A_1573 = tpu.memref_slice %arg4[%dma_wait3A_1571, %dma_wait3A_1572] : memref<32x1000000xf32, #tpu.memory_space<hbm>> -> memref<32x128xf32, #tpu.memory_space<hbm>>
      tpu.wait_dma2 semaphore(%dma_wait3A_1566 : memref<!tpu.dma_semaphore, #tpu.memory_space<semaphore_mem>>) src(%dma_wait3A_1573 : memref<32x128xf32, #tpu.memory_space<hbm>>) dst(%dma_wait3A_1570 : memref<32x128xf32, #tpu.memory_space<vmem>>)
      %slice3A_1574 = vector.extract_strided_slice %and3A_890 {offsets = [12], sizes = [1], strides = [1]} : vector<16xi32> to vector<1xi32>
      %squeeze3A_1575 = vector.extract %slice3A_1574[0] : i32 from vector<1xi32>
      %broadcast_in_dim3A_1576 = vector.broadcast %squeeze3A_1575 : i32 to vector<16xi32>
      %gather3A_1577 = arith.constant 1 : i32
      %gather3A_1578 = arith.constant 4 : i32
      %gather3A_1579 = arith.constant 0 : i32
      %gather3A_1580 = arith.constant 0 : i32
      %gather3A_1581 = tpu.memref_slice %arg9[%gather3A_1577, %gather3A_1578, %gather3A_1579, %gather3A_1580] : memref<2x8x32x128xf32, #tpu.memory_space<vmem>> -> memref<1x1x32x128xf32, #tpu.memory_space<vmem>>
      %gather3A_1582 = tpu.memref_squeeze %gather3A_1581 : memref<1x1x32x128xf32, #tpu.memory_space<vmem>> -> memref<32x128xf32, #tpu.memory_space<vmem>>
      %gather3A_1583 = tpu.vector_load_idx %gather3A_1582[%iota3A, %broadcast_in_dim3A_1576] : memref<32x128xf32, #tpu.memory_space<vmem>>[vector<16xi32>, vector<16xi32>], vector<16xf32>,
      %add3A_1584 = arith.constant 16 : i32
      %add3A_1585 = vector.broadcast %add3A_1584 : i32 to vector<16xi32>
      %add3A_1586 = arith.addi %iota3A, %add3A_1585 : vector<16xi32>
      %gather3A_1587 = arith.constant 1 : i32
      %gather3A_1588 = arith.constant 4 : i32
      %gather3A_1589 = arith.constant 0 : i32
      %gather3A_1590 = arith.constant 0 : i32
      %gather3A_1591 = tpu.memref_slice %arg9[%gather3A_1587, %gather3A_1588, %gather3A_1589, %gather3A_1590] : memref<2x8x32x128xf32, #tpu.memory_space<vmem>> -> memref<1x1x32x128xf32, #tpu.memory_space<vmem>>
      %gather3A_1592 = tpu.memref_squeeze %gather3A_1591 : memref<1x1x32x128xf32, #tpu.memory_space<vmem>> -> memref<32x128xf32, #tpu.memory_space<vmem>>
      %gather3A_1593 = tpu.vector_load_idx %gather3A_1592[%add3A_1586, %broadcast_in_dim3A_1576] : memref<32x128xf32, #tpu.memory_space<vmem>>[vector<16xi32>, vector<16xi32>], vector<16xf32>,
      %swap3A_1594 = arith.constant 1 : i32
      %swap3A_1595 = arith.constant 4 : i32
      %swap3A_1596 = arith.index_cast %swap3A_1594 : i32 to index
      %swap3A_1597 = arith.index_cast %swap3A_1595 : i32 to index
      %swap3A_1598 = arith.constant 0 : index
      %swap3A_1599 = tpu.vector_load %arg10[%swap3A_1596, %swap3A_1597, %swap3A_1598] {strides = array<i32>} : memref<2x8x32xf32, #tpu.memory_space<vmem>>, vector<16xf32>,
      tpu.vector_store %arg10[%swap3A_1596, %swap3A_1597, %swap3A_1598], %gather3A_1583 {strides = array<i32>} : memref<2x8x32xf32, #tpu.memory_space<vmem>>, vector<16xf32>,
      %swap3A_1600 = arith.constant 1 : i32
      %swap3A_1601 = arith.constant 4 : i32
      %swap3A_1602 = arith.index_cast %swap3A_1600 : i32 to index
      %swap3A_1603 = arith.index_cast %swap3A_1601 : i32 to index
      %swap3A_1604 = arith.constant 16 : index
      %swap3A_1605 = tpu.vector_load %arg10[%swap3A_1602, %swap3A_1603, %swap3A_1604] {strides = array<i32>} : memref<2x8x32xf32, #tpu.memory_space<vmem>>, vector<16xf32>,
      tpu.vector_store %arg10[%swap3A_1602, %swap3A_1603, %swap3A_1604], %gather3A_1593 {strides = array<i32>} : memref<2x8x32xf32, #tpu.memory_space<vmem>>, vector<16xf32>,
      %dma_wait3A_1606 = arith.constant 1 : i32
      %dma_wait3A_1607 = arith.constant 5 : i32
      %dma_wait3A_1608 = arith.constant 1 : i32
      %dma_wait3A_1609 = arith.constant 5 : i32
      %dma_wait3A_1610 = arith.constant 0 : i32
      %dma_wait3A_1611 = arith.constant 0 : i32
      %dma_wait3A_1612 = tpu.memref_slice %arg9[%dma_wait3A_1606, %dma_wait3A_1607, %dma_wait3A_1610, %dma_wait3A_1611] : memref<2x8x32x128xf32, #tpu.memory_space<vmem>> -> memref<1x1x32x128xf32, #tpu.memory_space<vmem>>
      %dma_wait3A_1613 = tpu.memref_squeeze %dma_wait3A_1612 : memref<1x1x32x128xf32, #tpu.memory_space<vmem>> -> memref<32x128xf32, #tpu.memory_space<vmem>>
      %dma_wait3A_1614 = arith.constant 0 : i32
      %dma_wait3A_1615 = arith.constant 0 : i32
      %dma_wait3A_1616 = tpu.memref_slice %arg4[%dma_wait3A_1614, %dma_wait3A_1615] : memref<32x1000000xf32, #tpu.memory_space<hbm>> -> memref<32x128xf32, #tpu.memory_space<hbm>>
      %dma_wait3A_1617 = tpu.memref_slice %arg11[%dma_wait3A_1608, %dma_wait3A_1609] : memref<2x8x!tpu.dma_semaphore, #tpu.memory_space<semaphore_mem>> -> memref<1x1x!tpu.dma_semaphore, #tpu.memory_space<semaphore_mem>>
      %dma_wait3A_1618 = tpu.memref_squeeze %dma_wait3A_1617 : memref<1x1x!tpu.dma_semaphore, #tpu.memory_space<semaphore_mem>> -> memref<!tpu.dma_semaphore, #tpu.memory_space<semaphore_mem>>
      %dma_wait3A_1619 = arith.constant 0 : i32
      %dma_wait3A_1620 = arith.constant 0 : i32
      %dma_wait3A_1621 = tpu.memref_slice %arg9[%dma_wait3A_1606, %dma_wait3A_1607, %dma_wait3A_1619, %dma_wait3A_1620] : memref<2x8x32x128xf32, #tpu.memory_space<vmem>> -> memref<1x1x32x128xf32, #tpu.memory_space<vmem>>
      %dma_wait3A_1622 = tpu.memref_squeeze %dma_wait3A_1621 : memref<1x1x32x128xf32, #tpu.memory_space<vmem>> -> memref<32x128xf32, #tpu.memory_space<vmem>>
      %dma_wait3A_1623 = arith.constant 0 : i32
      %dma_wait3A_1624 = arith.constant 0 : i32
      %dma_wait3A_1625 = tpu.memref_slice %arg4[%dma_wait3A_1623, %dma_wait3A_1624] : memref<32x1000000xf32, #tpu.memory_space<hbm>> -> memref<32x128xf32, #tpu.memory_space<hbm>>
      tpu.wait_dma2 semaphore(%dma_wait3A_1618 : memref<!tpu.dma_semaphore, #tpu.memory_space<semaphore_mem>>) src(%dma_wait3A_1625 : memref<32x128xf32, #tpu.memory_space<hbm>>) dst(%dma_wait3A_1622 : memref<32x128xf32, #tpu.memory_space<vmem>>)
      %slice3A_1626 = vector.extract_strided_slice %and3A_890 {offsets = [13], sizes = [1], strides = [1]} : vector<16xi32> to vector<1xi32>
      %squeeze3A_1627 = vector.extract %slice3A_1626[0] : i32 from vector<1xi32>
      %broadcast_in_dim3A_1628 = vector.broadcast %squeeze3A_1627 : i32 to vector<16xi32>
      %gather3A_1629 = arith.constant 1 : i32
      %gather3A_1630 = arith.constant 5 : i32
      %gather3A_1631 = arith.constant 0 : i32
      %gather3A_1632 = arith.constant 0 : i32
      %gather3A_1633 = tpu.memref_slice %arg9[%gather3A_1629, %gather3A_1630, %gather3A_1631, %gather3A_1632] : memref<2x8x32x128xf32, #tpu.memory_space<vmem>> -> memref<1x1x32x128xf32, #tpu.memory_space<vmem>>
      %gather3A_1634 = tpu.memref_squeeze %gather3A_1633 : memref<1x1x32x128xf32, #tpu.memory_space<vmem>> -> memref<32x128xf32, #tpu.memory_space<vmem>>
      %gather3A_1635 = tpu.vector_load_idx %gather3A_1634[%iota3A, %broadcast_in_dim3A_1628] : memref<32x128xf32, #tpu.memory_space<vmem>>[vector<16xi32>, vector<16xi32>], vector<16xf32>,
      %add3A_1636 = arith.constant 16 : i32
      %add3A_1637 = vector.broadcast %add3A_1636 : i32 to vector<16xi32>
      %add3A_1638 = arith.addi %iota3A, %add3A_1637 : vector<16xi32>
      %gather3A_1639 = arith.constant 1 : i32
      %gather3A_1640 = arith.constant 5 : i32
      %gather3A_1641 = arith.constant 0 : i32
      %gather3A_1642 = arith.constant 0 : i32
      %gather3A_1643 = tpu.memref_slice %arg9[%gather3A_1639, %gather3A_1640, %gather3A_1641, %gather3A_1642] : memref<2x8x32x128xf32, #tpu.memory_space<vmem>> -> memref<1x1x32x128xf32, #tpu.memory_space<vmem>>
      %gather3A_1644 = tpu.memref_squeeze %gather3A_1643 : memref<1x1x32x128xf32, #tpu.memory_space<vmem>> -> memref<32x128xf32, #tpu.memory_space<vmem>>
      %gather3A_1645 = tpu.vector_load_idx %gather3A_1644[%add3A_1638, %broadcast_in_dim3A_1628] : memref<32x128xf32, #tpu.memory_space<vmem>>[vector<16xi32>, vector<16xi32>], vector<16xf32>,
      %swap3A_1646 = arith.constant 1 : i32
      %swap3A_1647 = arith.constant 5 : i32
      %swap3A_1648 = arith.index_cast %swap3A_1646 : i32 to index
      %swap3A_1649 = arith.index_cast %swap3A_1647 : i32 to index
      %swap3A_1650 = arith.constant 0 : index
      %swap3A_1651 = tpu.vector_load %arg10[%swap3A_1648, %swap3A_1649, %swap3A_1650] {strides = array<i32>} : memref<2x8x32xf32, #tpu.memory_space<vmem>>, vector<16xf32>,
      tpu.vector_store %arg10[%swap3A_1648, %swap3A_1649, %swap3A_1650], %gather3A_1635 {strides = array<i32>} : memref<2x8x32xf32, #tpu.memory_space<vmem>>, vector<16xf32>,
      %swap3A_1652 = arith.constant 1 : i32
      %swap3A_1653 = arith.constant 5 : i32
      %swap3A_1654 = arith.index_cast %swap3A_1652 : i32 to index
      %swap3A_1655 = arith.index_cast %swap3A_1653 : i32 to index
      %swap3A_1656 = arith.constant 16 : index
      %swap3A_1657 = tpu.vector_load %arg10[%swap3A_1654, %swap3A_1655, %swap3A_1656] {strides = array<i32>} : memref<2x8x32xf32, #tpu.memory_space<vmem>>, vector<16xf32>,
      tpu.vector_store %arg10[%swap3A_1654, %swap3A_1655, %swap3A_1656], %gather3A_1645 {strides = array<i32>} : memref<2x8x32xf32, #tpu.memory_space<vmem>>, vector<16xf32>,
      %dma_wait3A_1658 = arith.constant 1 : i32
      %dma_wait3A_1659 = arith.constant 6 : i32
      %dma_wait3A_1660 = arith.constant 1 : i32
      %dma_wait3A_1661 = arith.constant 6 : i32
      %dma_wait3A_1662 = arith.constant 0 : i32
      %dma_wait3A_1663 = arith.constant 0 : i32
      %dma_wait3A_1664 = tpu.memref_slice %arg9[%dma_wait3A_1658, %dma_wait3A_1659, %dma_wait3A_1662, %dma_wait3A_1663] : memref<2x8x32x128xf32, #tpu.memory_space<vmem>> -> memref<1x1x32x128xf32, #tpu.memory_space<vmem>>
      %dma_wait3A_1665 = tpu.memref_squeeze %dma_wait3A_1664 : memref<1x1x32x128xf32, #tpu.memory_space<vmem>> -> memref<32x128xf32, #tpu.memory_space<vmem>>
      %dma_wait3A_1666 = arith.constant 0 : i32
      %dma_wait3A_1667 = arith.constant 0 : i32
      %dma_wait3A_1668 = tpu.memref_slice %arg4[%dma_wait3A_1666, %dma_wait3A_1667] : memref<32x1000000xf32, #tpu.memory_space<hbm>> -> memref<32x128xf32, #tpu.memory_space<hbm>>
      %dma_wait3A_1669 = tpu.memref_slice %arg11[%dma_wait3A_1660, %dma_wait3A_1661] : memref<2x8x!tpu.dma_semaphore, #tpu.memory_space<semaphore_mem>> -> memref<1x1x!tpu.dma_semaphore, #tpu.memory_space<semaphore_mem>>
      %dma_wait3A_1670 = tpu.memref_squeeze %dma_wait3A_1669 : memref<1x1x!tpu.dma_semaphore, #tpu.memory_space<semaphore_mem>> -> memref<!tpu.dma_semaphore, #tpu.memory_space<semaphore_mem>>
      %dma_wait3A_1671 = arith.constant 0 : i32
      %dma_wait3A_1672 = arith.constant 0 : i32
      %dma_wait3A_1673 = tpu.memref_slice %arg9[%dma_wait3A_1658, %dma_wait3A_1659, %dma_wait3A_1671, %dma_wait3A_1672] : memref<2x8x32x128xf32, #tpu.memory_space<vmem>> -> memref<1x1x32x128xf32, #tpu.memory_space<vmem>>
      %dma_wait3A_1674 = tpu.memref_squeeze %dma_wait3A_1673 : memref<1x1x32x128xf32, #tpu.memory_space<vmem>> -> memref<32x128xf32, #tpu.memory_space<vmem>>
      %dma_wait3A_1675 = arith.constant 0 : i32
      %dma_wait3A_1676 = arith.constant 0 : i32
      %dma_wait3A_1677 = tpu.memref_slice %arg4[%dma_wait3A_1675, %dma_wait3A_1676] : memref<32x1000000xf32, #tpu.memory_space<hbm>> -> memref<32x128xf32, #tpu.memory_space<hbm>>
      tpu.wait_dma2 semaphore(%dma_wait3A_1670 : memref<!tpu.dma_semaphore, #tpu.memory_space<semaphore_mem>>) src(%dma_wait3A_1677 : memref<32x128xf32, #tpu.memory_space<hbm>>) dst(%dma_wait3A_1674 : memref<32x128xf32, #tpu.memory_space<vmem>>)
      %slice3A_1678 = vector.extract_strided_slice %and3A_890 {offsets = [14], sizes = [1], strides = [1]} : vector<16xi32> to vector<1xi32>
      %squeeze3A_1679 = vector.extract %slice3A_1678[0] : i32 from vector<1xi32>
      %broadcast_in_dim3A_1680 = vector.broadcast %squeeze3A_1679 : i32 to vector<16xi32>
      %gather3A_1681 = arith.constant 1 : i32
      %gather3A_1682 = arith.constant 6 : i32
      %gather3A_1683 = arith.constant 0 : i32
      %gather3A_1684 = arith.constant 0 : i32
      %gather3A_1685 = tpu.memref_slice %arg9[%gather3A_1681, %gather3A_1682, %gather3A_1683, %gather3A_1684] : memref<2x8x32x128xf32, #tpu.memory_space<vmem>> -> memref<1x1x32x128xf32, #tpu.memory_space<vmem>>
      %gather3A_1686 = tpu.memref_squeeze %gather3A_1685 : memref<1x1x32x128xf32, #tpu.memory_space<vmem>> -> memref<32x128xf32, #tpu.memory_space<vmem>>
      %gather3A_1687 = tpu.vector_load_idx %gather3A_1686[%iota3A, %broadcast_in_dim3A_1680] : memref<32x128xf32, #tpu.memory_space<vmem>>[vector<16xi32>, vector<16xi32>], vector<16xf32>,
      %add3A_1688 = arith.constant 16 : i32
      %add3A_1689 = vector.broadcast %add3A_1688 : i32 to vector<16xi32>
      %add3A_1690 = arith.addi %iota3A, %add3A_1689 : vector<16xi32>
      %gather3A_1691 = arith.constant 1 : i32
      %gather3A_1692 = arith.constant 6 : i32
      %gather3A_1693 = arith.constant 0 : i32
      %gather3A_1694 = arith.constant 0 : i32
      %gather3A_1695 = tpu.memref_slice %arg9[%gather3A_1691, %gather3A_1692, %gather3A_1693, %gather3A_1694] : memref<2x8x32x128xf32, #tpu.memory_space<vmem>> -> memref<1x1x32x128xf32, #tpu.memory_space<vmem>>
      %gather3A_1696 = tpu.memref_squeeze %gather3A_1695 : memref<1x1x32x128xf32, #tpu.memory_space<vmem>> -> memref<32x128xf32, #tpu.memory_space<vmem>>
      %gather3A_1697 = tpu.vector_load_idx %gather3A_1696[%add3A_1690, %broadcast_in_dim3A_1680] : memref<32x128xf32, #tpu.memory_space<vmem>>[vector<16xi32>, vector<16xi32>], vector<16xf32>,
      %swap3A_1698 = arith.constant 1 : i32
      %swap3A_1699 = arith.constant 6 : i32
      %swap3A_1700 = arith.index_cast %swap3A_1698 : i32 to index
      %swap3A_1701 = arith.index_cast %swap3A_1699 : i32 to index
      %swap3A_1702 = arith.constant 0 : index
      %swap3A_1703 = tpu.vector_load %arg10[%swap3A_1700, %swap3A_1701, %swap3A_1702] {strides = array<i32>} : memref<2x8x32xf32, #tpu.memory_space<vmem>>, vector<16xf32>,
      tpu.vector_store %arg10[%swap3A_1700, %swap3A_1701, %swap3A_1702], %gather3A_1687 {strides = array<i32>} : memref<2x8x32xf32, #tpu.memory_space<vmem>>, vector<16xf32>,
      %swap3A_1704 = arith.constant 1 : i32
      %swap3A_1705 = arith.constant 6 : i32
      %swap3A_1706 = arith.index_cast %swap3A_1704 : i32 to index
      %swap3A_1707 = arith.index_cast %swap3A_1705 : i32 to index
      %swap3A_1708 = arith.constant 16 : index
      %swap3A_1709 = tpu.vector_load %arg10[%swap3A_1706, %swap3A_1707, %swap3A_1708] {strides = array<i32>} : memref<2x8x32xf32, #tpu.memory_space<vmem>>, vector<16xf32>,
      tpu.vector_store %arg10[%swap3A_1706, %swap3A_1707, %swap3A_1708], %gather3A_1697 {strides = array<i32>} : memref<2x8x32xf32, #tpu.memory_space<vmem>>, vector<16xf32>,
      %dma_wait3A_1710 = arith.constant 1 : i32
      %dma_wait3A_1711 = arith.constant 7 : i32
      %dma_wait3A_1712 = arith.constant 1 : i32
      %dma_wait3A_1713 = arith.constant 7 : i32
      %dma_wait3A_1714 = arith.constant 0 : i32
      %dma_wait3A_1715 = arith.constant 0 : i32
      %dma_wait3A_1716 = tpu.memref_slice %arg9[%dma_wait3A_1710, %dma_wait3A_1711, %dma_wait3A_1714, %dma_wait3A_1715] : memref<2x8x32x128xf32, #tpu.memory_space<vmem>> -> memref<1x1x32x128xf32, #tpu.memory_space<vmem>>
      %dma_wait3A_1717 = tpu.memref_squeeze %dma_wait3A_1716 : memref<1x1x32x128xf32, #tpu.memory_space<vmem>> -> memref<32x128xf32, #tpu.memory_space<vmem>>
      %dma_wait3A_1718 = arith.constant 0 : i32
      %dma_wait3A_1719 = arith.constant 0 : i32
      %dma_wait3A_1720 = tpu.memref_slice %arg4[%dma_wait3A_1718, %dma_wait3A_1719] : memref<32x1000000xf32, #tpu.memory_space<hbm>> -> memref<32x128xf32, #tpu.memory_space<hbm>>
      %dma_wait3A_1721 = tpu.memref_slice %arg11[%dma_wait3A_1712, %dma_wait3A_1713] : memref<2x8x!tpu.dma_semaphore, #tpu.memory_space<semaphore_mem>> -> memref<1x1x!tpu.dma_semaphore, #tpu.memory_space<semaphore_mem>>
      %dma_wait3A_1722 = tpu.memref_squeeze %dma_wait3A_1721 : memref<1x1x!tpu.dma_semaphore, #tpu.memory_space<semaphore_mem>> -> memref<!tpu.dma_semaphore, #tpu.memory_space<semaphore_mem>>
      %dma_wait3A_1723 = arith.constant 0 : i32
      %dma_wait3A_1724 = arith.constant 0 : i32
      %dma_wait3A_1725 = tpu.memref_slice %arg9[%dma_wait3A_1710, %dma_wait3A_1711, %dma_wait3A_1723, %dma_wait3A_1724] : memref<2x8x32x128xf32, #tpu.memory_space<vmem>> -> memref<1x1x32x128xf32, #tpu.memory_space<vmem>>
      %dma_wait3A_1726 = tpu.memref_squeeze %dma_wait3A_1725 : memref<1x1x32x128xf32, #tpu.memory_space<vmem>> -> memref<32x128xf32, #tpu.memory_space<vmem>>
      %dma_wait3A_1727 = arith.constant 0 : i32
      %dma_wait3A_1728 = arith.constant 0 : i32
      %dma_wait3A_1729 = tpu.memref_slice %arg4[%dma_wait3A_1727, %dma_wait3A_1728] : memref<32x1000000xf32, #tpu.memory_space<hbm>> -> memref<32x128xf32, #tpu.memory_space<hbm>>
      tpu.wait_dma2 semaphore(%dma_wait3A_1722 : memref<!tpu.dma_semaphore, #tpu.memory_space<semaphore_mem>>) src(%dma_wait3A_1729 : memref<32x128xf32, #tpu.memory_space<hbm>>) dst(%dma_wait3A_1726 : memref<32x128xf32, #tpu.memory_space<vmem>>)
      %slice3A_1730 = vector.extract_strided_slice %and3A_890 {offsets = [15], sizes = [1], strides = [1]} : vector<16xi32> to vector<1xi32>
      %squeeze3A_1731 = vector.extract %slice3A_1730[0] : i32 from vector<1xi32>
      %broadcast_in_dim3A_1732 = vector.broadcast %squeeze3A_1731 : i32 to vector<16xi32>
      %gather3A_1733 = arith.constant 1 : i32
      %gather3A_1734 = arith.constant 7 : i32
      %gather3A_1735 = arith.constant 0 : i32
      %gather3A_1736 = arith.constant 0 : i32
      %gather3A_1737 = tpu.memref_slice %arg9[%gather3A_1733, %gather3A_1734, %gather3A_1735, %gather3A_1736] : memref<2x8x32x128xf32, #tpu.memory_space<vmem>> -> memref<1x1x32x128xf32, #tpu.memory_space<vmem>>
      %gather3A_1738 = tpu.memref_squeeze %gather3A_1737 : memref<1x1x32x128xf32, #tpu.memory_space<vmem>> -> memref<32x128xf32, #tpu.memory_space<vmem>>
      %gather3A_1739 = tpu.vector_load_idx %gather3A_1738[%iota3A, %broadcast_in_dim3A_1732] : memref<32x128xf32, #tpu.memory_space<vmem>>[vector<16xi32>, vector<16xi32>], vector<16xf32>,
      %add3A_1740 = arith.constant 16 : i32
      %add3A_1741 = vector.broadcast %add3A_1740 : i32 to vector<16xi32>
      %add3A_1742 = arith.addi %iota3A, %add3A_1741 : vector<16xi32>
      %gather3A_1743 = arith.constant 1 : i32
      %gather3A_1744 = arith.constant 7 : i32
      %gather3A_1745 = arith.constant 0 : i32
      %gather3A_1746 = arith.constant 0 : i32
      %gather3A_1747 = tpu.memref_slice %arg9[%gather3A_1743, %gather3A_1744, %gather3A_1745, %gather3A_1746] : memref<2x8x32x128xf32, #tpu.memory_space<vmem>> -> memref<1x1x32x128xf32, #tpu.memory_space<vmem>>
      %gather3A_1748 = tpu.memref_squeeze %gather3A_1747 : memref<1x1x32x128xf32, #tpu.memory_space<vmem>> -> memref<32x128xf32, #tpu.memory_space<vmem>>
      %gather3A_1749 = tpu.vector_load_idx %gather3A_1748[%add3A_1742, %broadcast_in_dim3A_1732] : memref<32x128xf32, #tpu.memory_space<vmem>>[vector<16xi32>, vector<16xi32>], vector<16xf32>,
      %swap3A_1750 = arith.constant 1 : i32
      %swap3A_1751 = arith.constant 7 : i32
      %swap3A_1752 = arith.index_cast %swap3A_1750 : i32 to index
      %swap3A_1753 = arith.index_cast %swap3A_1751 : i32 to index
      %swap3A_1754 = arith.constant 0 : index
      %swap3A_1755 = tpu.vector_load %arg10[%swap3A_1752, %swap3A_1753, %swap3A_1754] {strides = array<i32>} : memref<2x8x32xf32, #tpu.memory_space<vmem>>, vector<16xf32>,
      tpu.vector_store %arg10[%swap3A_1752, %swap3A_1753, %swap3A_1754], %gather3A_1739 {strides = array<i32>} : memref<2x8x32xf32, #tpu.memory_space<vmem>>, vector<16xf32>,
      %swap3A_1756 = arith.constant 1 : i32
      %swap3A_1757 = arith.constant 7 : i32
      %swap3A_1758 = arith.index_cast %swap3A_1756 : i32 to index
      %swap3A_1759 = arith.index_cast %swap3A_1757 : i32 to index
      %swap3A_1760 = arith.constant 16 : index
      %swap3A_1761 = tpu.vector_load %arg10[%swap3A_1758, %swap3A_1759, %swap3A_1760] {strides = array<i32>} : memref<2x8x32xf32, #tpu.memory_space<vmem>>, vector<16xf32>,
      tpu.vector_store %arg10[%swap3A_1758, %swap3A_1759, %swap3A_1760], %gather3A_1749 {strides = array<i32>} : memref<2x8x32xf32, #tpu.memory_space<vmem>>, vector<16xf32>,
      %mul3A_1762 = arith.constant 16 : i32
      %mul3A_1763 = arith.muli %scan3A_887, %mul3A_1762 : i32
      %add3A_1764 = arith.addi %mul3A_3, %mul3A_1763 : i32
      %add3A_1765 = arith.constant 8 : i32
      %add3A_1766 = arith.addi %add3A_1764, %add3A_1765 : i32
      %dma_start3A_1767 = arith.constant 1 : i32
      %dma_start3A_1768 = arith.constant 1 : i32
      %dma_start3A_1769 = arith.constant 0 : i32
      %dma_start3A_1770 = arith.constant 0 : i32
      %dma_start3A_1771 = tpu.memref_slice %arg10[%dma_start3A_1767, %dma_start3A_1769, %dma_start3A_1770] : memref<2x8x32xf32, #tpu.memory_space<vmem>> -> memref<1x8x32xf32, #tpu.memory_space<vmem>>
      %dma_start3A_1772 = tpu.memref_squeeze %dma_start3A_1771 : memref<1x8x32xf32, #tpu.memory_space<vmem>> -> memref<8x32xf32, #tpu.memory_space<vmem>>
      %dma_start3A_1773 = arith.constant 0 : i32
      %dma_start3A_1774 = tpu.memref_slice %arg6[%add3A_1766, %dma_start3A_1773] : memref<16384x32xf32, #tpu.memory_space<hbm>> -> memref<8x32xf32, #tpu.memory_space<hbm>>
      %dma_start3A_1775 = tpu.memref_slice %arg12[%dma_start3A_1768] : memref<2x!tpu.dma_semaphore, #tpu.memory_space<semaphore_mem>> -> memref<1x!tpu.dma_semaphore, #tpu.memory_space<semaphore_mem>>
      %dma_start3A_1776 = tpu.memref_squeeze %dma_start3A_1775 : memref<1x!tpu.dma_semaphore, #tpu.memory_space<semaphore_mem>> -> memref<!tpu.dma_semaphore, #tpu.memory_space<semaphore_mem>>
      %dma_start3A_1777 = arith.constant 0 : i32
      %dma_start3A_1778 = tpu.memref_slice %arg6[%add3A_1766, %dma_start3A_1777] : memref<16384x32xf32, #tpu.memory_space<hbm>> -> memref<8x32xf32, #tpu.memory_space<hbm>>
      %dma_start3A_1779 = arith.constant 0 : i32
      %dma_start3A_1780 = arith.constant 0 : i32
      %dma_start3A_1781 = tpu.memref_slice %arg10[%dma_start3A_1767, %dma_start3A_1779, %dma_start3A_1780] : memref<2x8x32xf32, #tpu.memory_space<vmem>> -> memref<1x8x32xf32, #tpu.memory_space<vmem>>
      %dma_start3A_1782 = tpu.memref_squeeze %dma_start3A_1781 : memref<1x8x32xf32, #tpu.memory_space<vmem>> -> memref<8x32xf32, #tpu.memory_space<vmem>>
      tpu.enqueue_dma source(%dma_start3A_1782 : memref<8x32xf32, #tpu.memory_space<vmem>>) target(%dma_start3A_1778 : memref<8x32xf32, #tpu.memory_space<hbm>>) target_semaphore(%dma_start3A_1776 : memref<!tpu.dma_semaphore, #tpu.memory_space<semaphore_mem>>)
      %add3A_1783 = arith.constant 1 : i32
      %add3A_1784 = arith.addi %scan3A_887, %add3A_1783 : i32
      %lt3A_1785 = arith.constant 32 : i32
      %lt3A_1786 = arith.cmpi slt, %add3A_1784, %lt3A_1785 : i32
      %convert_element_type3A_1787 = arith.extui %lt3A_1786 : i1 to i32
      %cond3A_1788 = arith.constant 0 : i32
      %cond3A_1789 = arith.cmpi ne, %convert_element_type3A_1787, %cond3A_1788 : i32
      scf.if %cond3A_1789 {
        %slice3A_1790 = vector.extract_strided_slice %get3A_898 {offsets = [8], sizes = [1], strides = [1]} : vector<16xi32> to vector<1xi32>
        %squeeze3A_1791 = vector.extract %slice3A_1790[0] : i32 from vector<1xi32>
        %shift_right_arithmetic3A_1792 = arith.constant 7 : i32
        %shift_right_arithmetic3A_1793 = arith.shrsi %squeeze3A_1791, %shift_right_arithmetic3A_1792 : i32
        %shift_left3A_1794 = arith.constant 7 : i32
        %shift_left3A_1795 = arith.shli %shift_right_arithmetic3A_1793, %shift_left3A_1794 : i32
        %multiple_of3A_1796 = tpu.assume_multiple %shift_left3A_1795, 128 : i32
        %dma_start3A_1797 = arith.constant 1 : i32
        %dma_start3A_1798 = arith.constant 0 : i32
        %dma_start3A_1799 = arith.constant 1 : i32
        %dma_start3A_1800 = arith.constant 0 : i32
        %dma_start3A_1801 = arith.constant 0 : i32
        %dma_start3A_1802 = arith.constant 0 : i32
        %dma_start3A_1803 = tpu.memref_slice %arg9[%dma_start3A_1797, %dma_start3A_1798, %dma_start3A_1801, %dma_start3A_1802] : memref<2x8x32x128xf32, #tpu.memory_space<vmem>> -> memref<1x1x32x128xf32, #tpu.memory_space<vmem>>
        %dma_start3A_1804 = tpu.memref_squeeze %dma_start3A_1803 : memref<1x1x32x128xf32, #tpu.memory_space<vmem>> -> memref<32x128xf32, #tpu.memory_space<vmem>>
        %dma_start3A_1805 = arith.constant 0 : i32
        %dma_start3A_1806 = tpu.memref_slice %arg4[%dma_start3A_1805, %multiple_of3A_1796] : memref<32x1000000xf32, #tpu.memory_space<hbm>> -> memref<32x128xf32, #tpu.memory_space<hbm>>
        %dma_start3A_1807 = tpu.memref_slice %arg11[%dma_start3A_1799, %dma_start3A_1800] : memref<2x8x!tpu.dma_semaphore, #tpu.memory_space<semaphore_mem>> -> memref<1x1x!tpu.dma_semaphore, #tpu.memory_space<semaphore_mem>>
        %dma_start3A_1808 = tpu.memref_squeeze %dma_start3A_1807 : memref<1x1x!tpu.dma_semaphore, #tpu.memory_space<semaphore_mem>> -> memref<!tpu.dma_semaphore, #tpu.memory_space<semaphore_mem>>
        %dma_start3A_1809 = arith.constant 0 : i32
        %dma_start3A_1810 = arith.constant 0 : i32
        %dma_start3A_1811 = tpu.memref_slice %arg9[%dma_start3A_1797, %dma_start3A_1798, %dma_start3A_1809, %dma_start3A_1810] : memref<2x8x32x128xf32, #tpu.memory_space<vmem>> -> memref<1x1x32x128xf32, #tpu.memory_space<vmem>>
        %dma_start3A_1812 = tpu.memref_squeeze %dma_start3A_1811 : memref<1x1x32x128xf32, #tpu.memory_space<vmem>> -> memref<32x128xf32, #tpu.memory_space<vmem>>
        %dma_start3A_1813 = arith.constant 0 : i32
        %dma_start3A_1814 = tpu.memref_slice %arg4[%dma_start3A_1813, %multiple_of3A_1796] : memref<32x1000000xf32, #tpu.memory_space<hbm>> -> memref<32x128xf32, #tpu.memory_space<hbm>>
        tpu.enqueue_dma source(%dma_start3A_1814 : memref<32x128xf32, #tpu.memory_space<hbm>>) target(%dma_start3A_1812 : memref<32x128xf32, #tpu.memory_space<vmem>>) target_semaphore(%dma_start3A_1808 : memref<!tpu.dma_semaphore, #tpu.memory_space<semaphore_mem>>)
        %slice3A_1815 = vector.extract_strided_slice %get3A_898 {offsets = [9], sizes = [1], strides = [1]} : vector<16xi32> to vector<1xi32>
        %squeeze3A_1816 = vector.extract %slice3A_1815[0] : i32 from vector<1xi32>
        %shift_right_arithmetic3A_1817 = arith.constant 7 : i32
        %shift_right_arithmetic3A_1818 = arith.shrsi %squeeze3A_1816, %shift_right_arithmetic3A_1817 : i32
        %shift_left3A_1819 = arith.constant 7 : i32
        %shift_left3A_1820 = arith.shli %shift_right_arithmetic3A_1818, %shift_left3A_1819 : i32
        %multiple_of3A_1821 = tpu.assume_multiple %shift_left3A_1820, 128 : i32
        %dma_start3A_1822 = arith.constant 1 : i32
        %dma_start3A_1823 = arith.constant 1 : i32
        %dma_start3A_1824 = arith.constant 1 : i32
        %dma_start3A_1825 = arith.constant 1 : i32
        %dma_start3A_1826 = arith.constant 0 : i32
        %dma_start3A_1827 = arith.constant 0 : i32
        %dma_start3A_1828 = tpu.memref_slice %arg9[%dma_start3A_1822, %dma_start3A_1823, %dma_start3A_1826, %dma_start3A_1827] : memref<2x8x32x128xf32, #tpu.memory_space<vmem>> -> memref<1x1x32x128xf32, #tpu.memory_space<vmem>>
        %dma_start3A_1829 = tpu.memref_squeeze %dma_start3A_1828 : memref<1x1x32x128xf32, #tpu.memory_space<vmem>> -> memref<32x128xf32, #tpu.memory_space<vmem>>
        %dma_start3A_1830 = arith.constant 0 : i32
        %dma_start3A_1831 = tpu.memref_slice %arg4[%dma_start3A_1830, %multiple_of3A_1821] : memref<32x1000000xf32, #tpu.memory_space<hbm>> -> memref<32x128xf32, #tpu.memory_space<hbm>>
        %dma_start3A_1832 = tpu.memref_slice %arg11[%dma_start3A_1824, %dma_start3A_1825] : memref<2x8x!tpu.dma_semaphore, #tpu.memory_space<semaphore_mem>> -> memref<1x1x!tpu.dma_semaphore, #tpu.memory_space<semaphore_mem>>
        %dma_start3A_1833 = tpu.memref_squeeze %dma_start3A_1832 : memref<1x1x!tpu.dma_semaphore, #tpu.memory_space<semaphore_mem>> -> memref<!tpu.dma_semaphore, #tpu.memory_space<semaphore_mem>>
        %dma_start3A_1834 = arith.constant 0 : i32
        %dma_start3A_1835 = arith.constant 0 : i32
        %dma_start3A_1836 = tpu.memref_slice %arg9[%dma_start3A_1822, %dma_start3A_1823, %dma_start3A_1834, %dma_start3A_1835] : memref<2x8x32x128xf32, #tpu.memory_space<vmem>> -> memref<1x1x32x128xf32, #tpu.memory_space<vmem>>
        %dma_start3A_1837 = tpu.memref_squeeze %dma_start3A_1836 : memref<1x1x32x128xf32, #tpu.memory_space<vmem>> -> memref<32x128xf32, #tpu.memory_space<vmem>>
        %dma_start3A_1838 = arith.constant 0 : i32
        %dma_start3A_1839 = tpu.memref_slice %arg4[%dma_start3A_1838, %multiple_of3A_1821] : memref<32x1000000xf32, #tpu.memory_space<hbm>> -> memref<32x128xf32, #tpu.memory_space<hbm>>
        tpu.enqueue_dma source(%dma_start3A_1839 : memref<32x128xf32, #tpu.memory_space<hbm>>) target(%dma_start3A_1837 : memref<32x128xf32, #tpu.memory_space<vmem>>) target_semaphore(%dma_start3A_1833 : memref<!tpu.dma_semaphore, #tpu.memory_space<semaphore_mem>>)
        %slice3A_1840 = vector.extract_strided_slice %get3A_898 {offsets = [10], sizes = [1], strides = [1]} : vector<16xi32> to vector<1xi32>
        %squeeze3A_1841 = vector.extract %slice3A_1840[0] : i32 from vector<1xi32>
        %shift_right_arithmetic3A_1842 = arith.constant 7 : i32
        %shift_right_arithmetic3A_1843 = arith.shrsi %squeeze3A_1841, %shift_right_arithmetic3A_1842 : i32
        %shift_left3A_1844 = arith.constant 7 : i32
        %shift_left3A_1845 = arith.shli %shift_right_arithmetic3A_1843, %shift_left3A_1844 : i32
        %multiple_of3A_1846 = tpu.assume_multiple %shift_left3A_1845, 128 : i32
        %dma_start3A_1847 = arith.constant 1 : i32
        %dma_start3A_1848 = arith.constant 2 : i32
        %dma_start3A_1849 = arith.constant 1 : i32
        %dma_start3A_1850 = arith.constant 2 : i32
        %dma_start3A_1851 = arith.constant 0 : i32
        %dma_start3A_1852 = arith.constant 0 : i32
        %dma_start3A_1853 = tpu.memref_slice %arg9[%dma_start3A_1847, %dma_start3A_1848, %dma_start3A_1851, %dma_start3A_1852] : memref<2x8x32x128xf32, #tpu.memory_space<vmem>> -> memref<1x1x32x128xf32, #tpu.memory_space<vmem>>
        %dma_start3A_1854 = tpu.memref_squeeze %dma_start3A_1853 : memref<1x1x32x128xf32, #tpu.memory_space<vmem>> -> memref<32x128xf32, #tpu.memory_space<vmem>>
        %dma_start3A_1855 = arith.constant 0 : i32
        %dma_start3A_1856 = tpu.memref_slice %arg4[%dma_start3A_1855, %multiple_of3A_1846] : memref<32x1000000xf32, #tpu.memory_space<hbm>> -> memref<32x128xf32, #tpu.memory_space<hbm>>
        %dma_start3A_1857 = tpu.memref_slice %arg11[%dma_start3A_1849, %dma_start3A_1850] : memref<2x8x!tpu.dma_semaphore, #tpu.memory_space<semaphore_mem>> -> memref<1x1x!tpu.dma_semaphore, #tpu.memory_space<semaphore_mem>>
        %dma_start3A_1858 = tpu.memref_squeeze %dma_start3A_1857 : memref<1x1x!tpu.dma_semaphore, #tpu.memory_space<semaphore_mem>> -> memref<!tpu.dma_semaphore, #tpu.memory_space<semaphore_mem>>
        %dma_start3A_1859 = arith.constant 0 : i32
        %dma_start3A_1860 = arith.constant 0 : i32
        %dma_start3A_1861 = tpu.memref_slice %arg9[%dma_start3A_1847, %dma_start3A_1848, %dma_start3A_1859, %dma_start3A_1860] : memref<2x8x32x128xf32, #tpu.memory_space<vmem>> -> memref<1x1x32x128xf32, #tpu.memory_space<vmem>>
        %dma_start3A_1862 = tpu.memref_squeeze %dma_start3A_1861 : memref<1x1x32x128xf32, #tpu.memory_space<vmem>> -> memref<32x128xf32, #tpu.memory_space<vmem>>
        %dma_start3A_1863 = arith.constant 0 : i32
        %dma_start3A_1864 = tpu.memref_slice %arg4[%dma_start3A_1863, %multiple_of3A_1846] : memref<32x1000000xf32, #tpu.memory_space<hbm>> -> memref<32x128xf32, #tpu.memory_space<hbm>>
        tpu.enqueue_dma source(%dma_start3A_1864 : memref<32x128xf32, #tpu.memory_space<hbm>>) target(%dma_start3A_1862 : memref<32x128xf32, #tpu.memory_space<vmem>>) target_semaphore(%dma_start3A_1858 : memref<!tpu.dma_semaphore, #tpu.memory_space<semaphore_mem>>)
        %slice3A_1865 = vector.extract_strided_slice %get3A_898 {offsets = [11], sizes = [1], strides = [1]} : vector<16xi32> to vector<1xi32>
        %squeeze3A_1866 = vector.extract %slice3A_1865[0] : i32 from vector<1xi32>
        %shift_right_arithmetic3A_1867 = arith.constant 7 : i32
        %shift_right_arithmetic3A_1868 = arith.shrsi %squeeze3A_1866, %shift_right_arithmetic3A_1867 : i32
        %shift_left3A_1869 = arith.constant 7 : i32
        %shift_left3A_1870 = arith.shli %shift_right_arithmetic3A_1868, %shift_left3A_1869 : i32
        %multiple_of3A_1871 = tpu.assume_multiple %shift_left3A_1870, 128 : i32
        %dma_start3A_1872 = arith.constant 1 : i32
        %dma_start3A_1873 = arith.constant 3 : i32
        %dma_start3A_1874 = arith.constant 1 : i32
        %dma_start3A_1875 = arith.constant 3 : i32
        %dma_start3A_1876 = arith.constant 0 : i32
        %dma_start3A_1877 = arith.constant 0 : i32
        %dma_start3A_1878 = tpu.memref_slice %arg9[%dma_start3A_1872, %dma_start3A_1873, %dma_start3A_1876, %dma_start3A_1877] : memref<2x8x32x128xf32, #tpu.memory_space<vmem>> -> memref<1x1x32x128xf32, #tpu.memory_space<vmem>>
        %dma_start3A_1879 = tpu.memref_squeeze %dma_start3A_1878 : memref<1x1x32x128xf32, #tpu.memory_space<vmem>> -> memref<32x128xf32, #tpu.memory_space<vmem>>
        %dma_start3A_1880 = arith.constant 0 : i32
        %dma_start3A_1881 = tpu.memref_slice %arg4[%dma_start3A_1880, %multiple_of3A_1871] : memref<32x1000000xf32, #tpu.memory_space<hbm>> -> memref<32x128xf32, #tpu.memory_space<hbm>>
        %dma_start3A_1882 = tpu.memref_slice %arg11[%dma_start3A_1874, %dma_start3A_1875] : memref<2x8x!tpu.dma_semaphore, #tpu.memory_space<semaphore_mem>> -> memref<1x1x!tpu.dma_semaphore, #tpu.memory_space<semaphore_mem>>
        %dma_start3A_1883 = tpu.memref_squeeze %dma_start3A_1882 : memref<1x1x!tpu.dma_semaphore, #tpu.memory_space<semaphore_mem>> -> memref<!tpu.dma_semaphore, #tpu.memory_space<semaphore_mem>>
        %dma_start3A_1884 = arith.constant 0 : i32
        %dma_start3A_1885 = arith.constant 0 : i32
        %dma_start3A_1886 = tpu.memref_slice %arg9[%dma_start3A_1872, %dma_start3A_1873, %dma_start3A_1884, %dma_start3A_1885] : memref<2x8x32x128xf32, #tpu.memory_space<vmem>> -> memref<1x1x32x128xf32, #tpu.memory_space<vmem>>
        %dma_start3A_1887 = tpu.memref_squeeze %dma_start3A_1886 : memref<1x1x32x128xf32, #tpu.memory_space<vmem>> -> memref<32x128xf32, #tpu.memory_space<vmem>>
        %dma_start3A_1888 = arith.constant 0 : i32
        %dma_start3A_1889 = tpu.memref_slice %arg4[%dma_start3A_1888, %multiple_of3A_1871] : memref<32x1000000xf32, #tpu.memory_space<hbm>> -> memref<32x128xf32, #tpu.memory_space<hbm>>
        tpu.enqueue_dma source(%dma_start3A_1889 : memref<32x128xf32, #tpu.memory_space<hbm>>) target(%dma_start3A_1887 : memref<32x128xf32, #tpu.memory_space<vmem>>) target_semaphore(%dma_start3A_1883 : memref<!tpu.dma_semaphore, #tpu.memory_space<semaphore_mem>>)
        %slice3A_1890 = vector.extract_strided_slice %get3A_898 {offsets = [12], sizes = [1], strides = [1]} : vector<16xi32> to vector<1xi32>
        %squeeze3A_1891 = vector.extract %slice3A_1890[0] : i32 from vector<1xi32>
        %shift_right_arithmetic3A_1892 = arith.constant 7 : i32
        %shift_right_arithmetic3A_1893 = arith.shrsi %squeeze3A_1891, %shift_right_arithmetic3A_1892 : i32
        %shift_left3A_1894 = arith.constant 7 : i32
        %shift_left3A_1895 = arith.shli %shift_right_arithmetic3A_1893, %shift_left3A_1894 : i32
        %multiple_of3A_1896 = tpu.assume_multiple %shift_left3A_1895, 128 : i32
        %dma_start3A_1897 = arith.constant 1 : i32
        %dma_start3A_1898 = arith.constant 4 : i32
        %dma_start3A_1899 = arith.constant 1 : i32
        %dma_start3A_1900 = arith.constant 4 : i32
        %dma_start3A_1901 = arith.constant 0 : i32
        %dma_start3A_1902 = arith.constant 0 : i32
        %dma_start3A_1903 = tpu.memref_slice %arg9[%dma_start3A_1897, %dma_start3A_1898, %dma_start3A_1901, %dma_start3A_1902] : memref<2x8x32x128xf32, #tpu.memory_space<vmem>> -> memref<1x1x32x128xf32, #tpu.memory_space<vmem>>
        %dma_start3A_1904 = tpu.memref_squeeze %dma_start3A_1903 : memref<1x1x32x128xf32, #tpu.memory_space<vmem>> -> memref<32x128xf32, #tpu.memory_space<vmem>>
        %dma_start3A_1905 = arith.constant 0 : i32
        %dma_start3A_1906 = tpu.memref_slice %arg4[%dma_start3A_1905, %multiple_of3A_1896] : memref<32x1000000xf32, #tpu.memory_space<hbm>> -> memref<32x128xf32, #tpu.memory_space<hbm>>
        %dma_start3A_1907 = tpu.memref_slice %arg11[%dma_start3A_1899, %dma_start3A_1900] : memref<2x8x!tpu.dma_semaphore, #tpu.memory_space<semaphore_mem>> -> memref<1x1x!tpu.dma_semaphore, #tpu.memory_space<semaphore_mem>>
        %dma_start3A_1908 = tpu.memref_squeeze %dma_start3A_1907 : memref<1x1x!tpu.dma_semaphore, #tpu.memory_space<semaphore_mem>> -> memref<!tpu.dma_semaphore, #tpu.memory_space<semaphore_mem>>
        %dma_start3A_1909 = arith.constant 0 : i32
        %dma_start3A_1910 = arith.constant 0 : i32
        %dma_start3A_1911 = tpu.memref_slice %arg9[%dma_start3A_1897, %dma_start3A_1898, %dma_start3A_1909, %dma_start3A_1910] : memref<2x8x32x128xf32, #tpu.memory_space<vmem>> -> memref<1x1x32x128xf32, #tpu.memory_space<vmem>>
        %dma_start3A_1912 = tpu.memref_squeeze %dma_start3A_1911 : memref<1x1x32x128xf32, #tpu.memory_space<vmem>> -> memref<32x128xf32, #tpu.memory_space<vmem>>
        %dma_start3A_1913 = arith.constant 0 : i32
        %dma_start3A_1914 = tpu.memref_slice %arg4[%dma_start3A_1913, %multiple_of3A_1896] : memref<32x1000000xf32, #tpu.memory_space<hbm>> -> memref<32x128xf32, #tpu.memory_space<hbm>>
        tpu.enqueue_dma source(%dma_start3A_1914 : memref<32x128xf32, #tpu.memory_space<hbm>>) target(%dma_start3A_1912 : memref<32x128xf32, #tpu.memory_space<vmem>>) target_semaphore(%dma_start3A_1908 : memref<!tpu.dma_semaphore, #tpu.memory_space<semaphore_mem>>)
        %slice3A_1915 = vector.extract_strided_slice %get3A_898 {offsets = [13], sizes = [1], strides = [1]} : vector<16xi32> to vector<1xi32>
        %squeeze3A_1916 = vector.extract %slice3A_1915[0] : i32 from vector<1xi32>
        %shift_right_arithmetic3A_1917 = arith.constant 7 : i32
        %shift_right_arithmetic3A_1918 = arith.shrsi %squeeze3A_1916, %shift_right_arithmetic3A_1917 : i32
        %shift_left3A_1919 = arith.constant 7 : i32
        %shift_left3A_1920 = arith.shli %shift_right_arithmetic3A_1918, %shift_left3A_1919 : i32
        %multiple_of3A_1921 = tpu.assume_multiple %shift_left3A_1920, 128 : i32
        %dma_start3A_1922 = arith.constant 1 : i32
        %dma_start3A_1923 = arith.constant 5 : i32
        %dma_start3A_1924 = arith.constant 1 : i32
        %dma_start3A_1925 = arith.constant 5 : i32
        %dma_start3A_1926 = arith.constant 0 : i32
        %dma_start3A_1927 = arith.constant 0 : i32
        %dma_start3A_1928 = tpu.memref_slice %arg9[%dma_start3A_1922, %dma_start3A_1923, %dma_start3A_1926, %dma_start3A_1927] : memref<2x8x32x128xf32, #tpu.memory_space<vmem>> -> memref<1x1x32x128xf32, #tpu.memory_space<vmem>>
        %dma_start3A_1929 = tpu.memref_squeeze %dma_start3A_1928 : memref<1x1x32x128xf32, #tpu.memory_space<vmem>> -> memref<32x128xf32, #tpu.memory_space<vmem>>
        %dma_start3A_1930 = arith.constant 0 : i32
        %dma_start3A_1931 = tpu.memref_slice %arg4[%dma_start3A_1930, %multiple_of3A_1921] : memref<32x1000000xf32, #tpu.memory_space<hbm>> -> memref<32x128xf32, #tpu.memory_space<hbm>>
        %dma_start3A_1932 = tpu.memref_slice %arg11[%dma_start3A_1924, %dma_start3A_1925] : memref<2x8x!tpu.dma_semaphore, #tpu.memory_space<semaphore_mem>> -> memref<1x1x!tpu.dma_semaphore, #tpu.memory_space<semaphore_mem>>
        %dma_start3A_1933 = tpu.memref_squeeze %dma_start3A_1932 : memref<1x1x!tpu.dma_semaphore, #tpu.memory_space<semaphore_mem>> -> memref<!tpu.dma_semaphore, #tpu.memory_space<semaphore_mem>>
        %dma_start3A_1934 = arith.constant 0 : i32
        %dma_start3A_1935 = arith.constant 0 : i32
        %dma_start3A_1936 = tpu.memref_slice %arg9[%dma_start3A_1922, %dma_start3A_1923, %dma_start3A_1934, %dma_start3A_1935] : memref<2x8x32x128xf32, #tpu.memory_space<vmem>> -> memref<1x1x32x128xf32, #tpu.memory_space<vmem>>
        %dma_start3A_1937 = tpu.memref_squeeze %dma_start3A_1936 : memref<1x1x32x128xf32, #tpu.memory_space<vmem>> -> memref<32x128xf32, #tpu.memory_space<vmem>>
        %dma_start3A_1938 = arith.constant 0 : i32
        %dma_start3A_1939 = tpu.memref_slice %arg4[%dma_start3A_1938, %multiple_of3A_1921] : memref<32x1000000xf32, #tpu.memory_space<hbm>> -> memref<32x128xf32, #tpu.memory_space<hbm>>
        tpu.enqueue_dma source(%dma_start3A_1939 : memref<32x128xf32, #tpu.memory_space<hbm>>) target(%dma_start3A_1937 : memref<32x128xf32, #tpu.memory_space<vmem>>) target_semaphore(%dma_start3A_1933 : memref<!tpu.dma_semaphore, #tpu.memory_space<semaphore_mem>>)
        %slice3A_1940 = vector.extract_strided_slice %get3A_898 {offsets = [14], sizes = [1], strides = [1]} : vector<16xi32> to vector<1xi32>
        %squeeze3A_1941 = vector.extract %slice3A_1940[0] : i32 from vector<1xi32>
        %shift_right_arithmetic3A_1942 = arith.constant 7 : i32
        %shift_right_arithmetic3A_1943 = arith.shrsi %squeeze3A_1941, %shift_right_arithmetic3A_1942 : i32
        %shift_left3A_1944 = arith.constant 7 : i32
        %shift_left3A_1945 = arith.shli %shift_right_arithmetic3A_1943, %shift_left3A_1944 : i32
        %multiple_of3A_1946 = tpu.assume_multiple %shift_left3A_1945, 128 : i32
        %dma_start3A_1947 = arith.constant 1 : i32
        %dma_start3A_1948 = arith.constant 6 : i32
        %dma_start3A_1949 = arith.constant 1 : i32
        %dma_start3A_1950 = arith.constant 6 : i32
        %dma_start3A_1951 = arith.constant 0 : i32
        %dma_start3A_1952 = arith.constant 0 : i32
        %dma_start3A_1953 = tpu.memref_slice %arg9[%dma_start3A_1947, %dma_start3A_1948, %dma_start3A_1951, %dma_start3A_1952] : memref<2x8x32x128xf32, #tpu.memory_space<vmem>> -> memref<1x1x32x128xf32, #tpu.memory_space<vmem>>
        %dma_start3A_1954 = tpu.memref_squeeze %dma_start3A_1953 : memref<1x1x32x128xf32, #tpu.memory_space<vmem>> -> memref<32x128xf32, #tpu.memory_space<vmem>>
        %dma_start3A_1955 = arith.constant 0 : i32
        %dma_start3A_1956 = tpu.memref_slice %arg4[%dma_start3A_1955, %multiple_of3A_1946] : memref<32x1000000xf32, #tpu.memory_space<hbm>> -> memref<32x128xf32, #tpu.memory_space<hbm>>
        %dma_start3A_1957 = tpu.memref_slice %arg11[%dma_start3A_1949, %dma_start3A_1950] : memref<2x8x!tpu.dma_semaphore, #tpu.memory_space<semaphore_mem>> -> memref<1x1x!tpu.dma_semaphore, #tpu.memory_space<semaphore_mem>>
        %dma_start3A_1958 = tpu.memref_squeeze %dma_start3A_1957 : memref<1x1x!tpu.dma_semaphore, #tpu.memory_space<semaphore_mem>> -> memref<!tpu.dma_semaphore, #tpu.memory_space<semaphore_mem>>
        %dma_start3A_1959 = arith.constant 0 : i32
        %dma_start3A_1960 = arith.constant 0 : i32
        %dma_start3A_1961 = tpu.memref_slice %arg9[%dma_start3A_1947, %dma_start3A_1948, %dma_start3A_1959, %dma_start3A_1960] : memref<2x8x32x128xf32, #tpu.memory_space<vmem>> -> memref<1x1x32x128xf32, #tpu.memory_space<vmem>>
        %dma_start3A_1962 = tpu.memref_squeeze %dma_start3A_1961 : memref<1x1x32x128xf32, #tpu.memory_space<vmem>> -> memref<32x128xf32, #tpu.memory_space<vmem>>
        %dma_start3A_1963 = arith.constant 0 : i32
        %dma_start3A_1964 = tpu.memref_slice %arg4[%dma_start3A_1963, %multiple_of3A_1946] : memref<32x1000000xf32, #tpu.memory_space<hbm>> -> memref<32x128xf32, #tpu.memory_space<hbm>>
        tpu.enqueue_dma source(%dma_start3A_1964 : memref<32x128xf32, #tpu.memory_space<hbm>>) target(%dma_start3A_1962 : memref<32x128xf32, #tpu.memory_space<vmem>>) target_semaphore(%dma_start3A_1958 : memref<!tpu.dma_semaphore, #tpu.memory_space<semaphore_mem>>)
        %slice3A_1965 = vector.extract_strided_slice %get3A_898 {offsets = [15], sizes = [1], strides = [1]} : vector<16xi32> to vector<1xi32>
        %squeeze3A_1966 = vector.extract %slice3A_1965[0] : i32 from vector<1xi32>
        %shift_right_arithmetic3A_1967 = arith.constant 7 : i32
        %shift_right_arithmetic3A_1968 = arith.shrsi %squeeze3A_1966, %shift_right_arithmetic3A_1967 : i32
        %shift_left3A_1969 = arith.constant 7 : i32
        %shift_left3A_1970 = arith.shli %shift_right_arithmetic3A_1968, %shift_left3A_1969 : i32
        %multiple_of3A_1971 = tpu.assume_multiple %shift_left3A_1970, 128 : i32
        %dma_start3A_1972 = arith.constant 1 : i32
        %dma_start3A_1973 = arith.constant 7 : i32
        %dma_start3A_1974 = arith.constant 1 : i32
        %dma_start3A_1975 = arith.constant 7 : i32
        %dma_start3A_1976 = arith.constant 0 : i32
        %dma_start3A_1977 = arith.constant 0 : i32
        %dma_start3A_1978 = tpu.memref_slice %arg9[%dma_start3A_1972, %dma_start3A_1973, %dma_start3A_1976, %dma_start3A_1977] : memref<2x8x32x128xf32, #tpu.memory_space<vmem>> -> memref<1x1x32x128xf32, #tpu.memory_space<vmem>>
        %dma_start3A_1979 = tpu.memref_squeeze %dma_start3A_1978 : memref<1x1x32x128xf32, #tpu.memory_space<vmem>> -> memref<32x128xf32, #tpu.memory_space<vmem>>
        %dma_start3A_1980 = arith.constant 0 : i32
        %dma_start3A_1981 = tpu.memref_slice %arg4[%dma_start3A_1980, %multiple_of3A_1971] : memref<32x1000000xf32, #tpu.memory_space<hbm>> -> memref<32x128xf32, #tpu.memory_space<hbm>>
        %dma_start3A_1982 = tpu.memref_slice %arg11[%dma_start3A_1974, %dma_start3A_1975] : memref<2x8x!tpu.dma_semaphore, #tpu.memory_space<semaphore_mem>> -> memref<1x1x!tpu.dma_semaphore, #tpu.memory_space<semaphore_mem>>
        %dma_start3A_1983 = tpu.memref_squeeze %dma_start3A_1982 : memref<1x1x!tpu.dma_semaphore, #tpu.memory_space<semaphore_mem>> -> memref<!tpu.dma_semaphore, #tpu.memory_space<semaphore_mem>>
        %dma_start3A_1984 = arith.constant 0 : i32
        %dma_start3A_1985 = arith.constant 0 : i32
        %dma_start3A_1986 = tpu.memref_slice %arg9[%dma_start3A_1972, %dma_start3A_1973, %dma_start3A_1984, %dma_start3A_1985] : memref<2x8x32x128xf32, #tpu.memory_space<vmem>> -> memref<1x1x32x128xf32, #tpu.memory_space<vmem>>
        %dma_start3A_1987 = tpu.memref_squeeze %dma_start3A_1986 : memref<1x1x32x128xf32, #tpu.memory_space<vmem>> -> memref<32x128xf32, #tpu.memory_space<vmem>>
        %dma_start3A_1988 = arith.constant 0 : i32
        %dma_start3A_1989 = tpu.memref_slice %arg4[%dma_start3A_1988, %multiple_of3A_1971] : memref<32x1000000xf32, #tpu.memory_space<hbm>> -> memref<32x128xf32, #tpu.memory_space<hbm>>
        tpu.enqueue_dma source(%dma_start3A_1989 : memref<32x128xf32, #tpu.memory_space<hbm>>) target(%dma_start3A_1987 : memref<32x128xf32, #tpu.memory_space<vmem>>) target_semaphore(%dma_start3A_1983 : memref<!tpu.dma_semaphore, #tpu.memory_space<semaphore_mem>>)
      } else {
      }
      scf.yield %get3A_898 : vector<16xi32>
    }
    %scan3A_405 = arith.constant 32 : i32
    %dma_wait3A = arith.constant 0 : i32
    %dma_wait3A_406 = arith.constant 0 : i32
    %dma_wait3A_407 = arith.constant 0 : i32
    %dma_wait3A_408 = arith.constant 0 : i32
    %dma_wait3A_409 = tpu.memref_slice %arg10[%dma_wait3A, %dma_wait3A_407, %dma_wait3A_408] : memref<2x8x32xf32, #tpu.memory_space<vmem>> -> memref<1x8x32xf32, #tpu.memory_space<vmem>>
    %dma_wait3A_410 = tpu.memref_squeeze %dma_wait3A_409 : memref<1x8x32xf32, #tpu.memory_space<vmem>> -> memref<8x32xf32, #tpu.memory_space<vmem>>
    %dma_wait3A_411 = arith.constant 0 : i32
    %dma_wait3A_412 = arith.constant 0 : i32
    %dma_wait3A_413 = tpu.memref_slice %arg6[%dma_wait3A_411, %dma_wait3A_412] : memref<16384x32xf32, #tpu.memory_space<hbm>> -> memref<8x32xf32, #tpu.memory_space<hbm>>
    %dma_wait3A_414 = tpu.memref_slice %arg12[%dma_wait3A_406] : memref<2x!tpu.dma_semaphore, #tpu.memory_space<semaphore_mem>> -> memref<1x!tpu.dma_semaphore, #tpu.memory_space<semaphore_mem>>
    %dma_wait3A_415 = tpu.memref_squeeze %dma_wait3A_414 : memref<1x!tpu.dma_semaphore, #tpu.memory_space<semaphore_mem>> -> memref<!tpu.dma_semaphore, #tpu.memory_space<semaphore_mem>>
    %dma_wait3A_416 = arith.constant 0 : i32
    %dma_wait3A_417 = arith.constant 0 : i32
    %dma_wait3A_418 = tpu.memref_slice %arg6[%dma_wait3A_416, %dma_wait3A_417] : memref<16384x32xf32, #tpu.memory_space<hbm>> -> memref<8x32xf32, #tpu.memory_space<hbm>>
    %dma_wait3A_419 = arith.constant 0 : i32
    %dma_wait3A_420 = arith.constant 0 : i32
    %dma_wait3A_421 = tpu.memref_slice %arg10[%dma_wait3A, %dma_wait3A_419, %dma_wait3A_420] : memref<2x8x32xf32, #tpu.memory_space<vmem>> -> memref<1x8x32xf32, #tpu.memory_space<vmem>>
    %dma_wait3A_422 = tpu.memref_squeeze %dma_wait3A_421 : memref<1x8x32xf32, #tpu.memory_space<vmem>> -> memref<8x32xf32, #tpu.memory_space<vmem>>
    tpu.wait_dma2 semaphore(%dma_wait3A_415 : memref<!tpu.dma_semaphore, #tpu.memory_space<semaphore_mem>>) src(%dma_wait3A_422 : memref<8x32xf32, #tpu.memory_space<vmem>>) dst(%dma_wait3A_418 : memref<8x32xf32, #tpu.memory_space<hbm>>)
    %dma_wait3A_423 = arith.constant 1 : i32
    %dma_wait3A_424 = arith.constant 1 : i32
    %dma_wait3A_425 = arith.constant 0 : i32
    %dma_wait3A_426 = arith.constant 0 : i32
    %dma_wait3A_427 = tpu.memref_slice %arg10[%dma_wait3A_423, %dma_wait3A_425, %dma_wait3A_426] : memref<2x8x32xf32, #tpu.memory_space<vmem>> -> memref<1x8x32xf32, #tpu.memory_space<vmem>>
    %dma_wait3A_428 = tpu.memref_squeeze %dma_wait3A_427 : memref<1x8x32xf32, #tpu.memory_space<vmem>> -> memref<8x32xf32, #tpu.memory_space<vmem>>
    %dma_wait3A_429 = arith.constant 0 : i32
    %dma_wait3A_430 = arith.constant 0 : i32
    %dma_wait3A_431 = tpu.memref_slice %arg6[%dma_wait3A_429, %dma_wait3A_430] : memref<16384x32xf32, #tpu.memory_space<hbm>> -> memref<8x32xf32, #tpu.memory_space<hbm>>
    %dma_wait3A_432 = tpu.memref_slice %arg12[%dma_wait3A_424] : memref<2x!tpu.dma_semaphore, #tpu.memory_space<semaphore_mem>> -> memref<1x!tpu.dma_semaphore, #tpu.memory_space<semaphore_mem>>
    %dma_wait3A_433 = tpu.memref_squeeze %dma_wait3A_432 : memref<1x!tpu.dma_semaphore, #tpu.memory_space<semaphore_mem>> -> memref<!tpu.dma_semaphore, #tpu.memory_space<semaphore_mem>>
    %dma_wait3A_434 = arith.constant 0 : i32
    %dma_wait3A_435 = arith.constant 0 : i32
    %dma_wait3A_436 = tpu.memref_slice %arg6[%dma_wait3A_434, %dma_wait3A_435] : memref<16384x32xf32, #tpu.memory_space<hbm>> -> memref<8x32xf32, #tpu.memory_space<hbm>>
    %dma_wait3A_437 = arith.constant 0 : i32
    %dma_wait3A_438 = arith.constant 0 : i32
    %dma_wait3A_439 = tpu.memref_slice %arg10[%dma_wait3A_423, %dma_wait3A_437, %dma_wait3A_438] : memref<2x8x32xf32, #tpu.memory_space<vmem>> -> memref<1x8x32xf32, #tpu.memory_space<vmem>>
    %dma_wait3A_440 = tpu.memref_squeeze %dma_wait3A_439 : memref<1x8x32xf32, #tpu.memory_space<vmem>> -> memref<8x32xf32, #tpu.memory_space<vmem>>
    tpu.wait_dma2 semaphore(%dma_wait3A_433 : memref<!tpu.dma_semaphore, #tpu.memory_space<semaphore_mem>>) src(%dma_wait3A_440 : memref<8x32xf32, #tpu.memory_space<vmem>>) dst(%dma_wait3A_436 : memref<8x32xf32, #tpu.memory_space<hbm>>)
    %get3A_441 = arith.constant 1 : i32
    %get3A_442 = arith.index_cast %get3A_441 : i32 to index
    %get3A_443 = arith.constant 0 : index
    %get3A_444 = tpu.vector_load %arg8[%get3A_442, %get3A_443] {strides = array<i32>} : memref<2x528xi32, #tpu.memory_space<vmem>>, vector<16xi32>,
    %slice3A_445 = vector.extract_strided_slice %get3A_444 {offsets = [0], sizes = [1], strides = [1]} : vector<16xi32> to vector<1xi32>
    %squeeze3A_446 = vector.extract %slice3A_445[0] : i32 from vector<1xi32>
    %shift_right_arithmetic3A_447 = arith.constant 7 : i32
    %shift_right_arithmetic3A_448 = arith.shrsi %squeeze3A_446, %shift_right_arithmetic3A_447 : i32
    %shift_left3A_449 = arith.constant 7 : i32
    %shift_left3A_450 = arith.shli %shift_right_arithmetic3A_448, %shift_left3A_449 : i32
    %multiple_of3A_451 = tpu.assume_multiple %shift_left3A_450, 128 : i32
    %dma_start3A_452 = arith.constant 0 : i32
    %dma_start3A_453 = arith.constant 0 : i32
    %dma_start3A_454 = arith.constant 0 : i32
    %dma_start3A_455 = arith.constant 0 : i32
    %dma_start3A_456 = arith.constant 0 : i32
    %dma_start3A_457 = arith.constant 0 : i32
    %dma_start3A_458 = tpu.memref_slice %arg9[%dma_start3A_452, %dma_start3A_453, %dma_start3A_456, %dma_start3A_457] : memref<2x8x32x128xf32, #tpu.memory_space<vmem>> -> memref<1x1x32x128xf32, #tpu.memory_space<vmem>>
    %dma_start3A_459 = tpu.memref_squeeze %dma_start3A_458 : memref<1x1x32x128xf32, #tpu.memory_space<vmem>> -> memref<32x128xf32, #tpu.memory_space<vmem>>
    %dma_start3A_460 = arith.constant 0 : i32
    %dma_start3A_461 = tpu.memref_slice %arg5[%dma_start3A_460, %multiple_of3A_451] : memref<32x1000000xf32, #tpu.memory_space<hbm>> -> memref<32x128xf32, #tpu.memory_space<hbm>>
    %dma_start3A_462 = tpu.memref_slice %arg11[%dma_start3A_454, %dma_start3A_455] : memref<2x8x!tpu.dma_semaphore, #tpu.memory_space<semaphore_mem>> -> memref<1x1x!tpu.dma_semaphore, #tpu.memory_space<semaphore_mem>>
    %dma_start3A_463 = tpu.memref_squeeze %dma_start3A_462 : memref<1x1x!tpu.dma_semaphore, #tpu.memory_space<semaphore_mem>> -> memref<!tpu.dma_semaphore, #tpu.memory_space<semaphore_mem>>
    %dma_start3A_464 = arith.constant 0 : i32
    %dma_start3A_465 = arith.constant 0 : i32
    %dma_start3A_466 = tpu.memref_slice %arg9[%dma_start3A_452, %dma_start3A_453, %dma_start3A_464, %dma_start3A_465] : memref<2x8x32x128xf32, #tpu.memory_space<vmem>> -> memref<1x1x32x128xf32, #tpu.memory_space<vmem>>
    %dma_start3A_467 = tpu.memref_squeeze %dma_start3A_466 : memref<1x1x32x128xf32, #tpu.memory_space<vmem>> -> memref<32x128xf32, #tpu.memory_space<vmem>>
    %dma_start3A_468 = arith.constant 0 : i32
    %dma_start3A_469 = tpu.memref_slice %arg5[%dma_start3A_468, %multiple_of3A_451] : memref<32x1000000xf32, #tpu.memory_space<hbm>> -> memref<32x128xf32, #tpu.memory_space<hbm>>
    tpu.enqueue_dma source(%dma_start3A_469 : memref<32x128xf32, #tpu.memory_space<hbm>>) target(%dma_start3A_467 : memref<32x128xf32, #tpu.memory_space<vmem>>) target_semaphore(%dma_start3A_463 : memref<!tpu.dma_semaphore, #tpu.memory_space<semaphore_mem>>)
    %slice3A_470 = vector.extract_strided_slice %get3A_444 {offsets = [1], sizes = [1], strides = [1]} : vector<16xi32> to vector<1xi32>
    %squeeze3A_471 = vector.extract %slice3A_470[0] : i32 from vector<1xi32>
    %shift_right_arithmetic3A_472 = arith.constant 7 : i32
    %shift_right_arithmetic3A_473 = arith.shrsi %squeeze3A_471, %shift_right_arithmetic3A_472 : i32
    %shift_left3A_474 = arith.constant 7 : i32
    %shift_left3A_475 = arith.shli %shift_right_arithmetic3A_473, %shift_left3A_474 : i32
    %multiple_of3A_476 = tpu.assume_multiple %shift_left3A_475, 128 : i32
    %dma_start3A_477 = arith.constant 0 : i32
    %dma_start3A_478 = arith.constant 1 : i32
    %dma_start3A_479 = arith.constant 0 : i32
    %dma_start3A_480 = arith.constant 1 : i32
    %dma_start3A_481 = arith.constant 0 : i32
    %dma_start3A_482 = arith.constant 0 : i32
    %dma_start3A_483 = tpu.memref_slice %arg9[%dma_start3A_477, %dma_start3A_478, %dma_start3A_481, %dma_start3A_482] : memref<2x8x32x128xf32, #tpu.memory_space<vmem>> -> memref<1x1x32x128xf32, #tpu.memory_space<vmem>>
    %dma_start3A_484 = tpu.memref_squeeze %dma_start3A_483 : memref<1x1x32x128xf32, #tpu.memory_space<vmem>> -> memref<32x128xf32, #tpu.memory_space<vmem>>
    %dma_start3A_485 = arith.constant 0 : i32
    %dma_start3A_486 = tpu.memref_slice %arg5[%dma_start3A_485, %multiple_of3A_476] : memref<32x1000000xf32, #tpu.memory_space<hbm>> -> memref<32x128xf32, #tpu.memory_space<hbm>>
    %dma_start3A_487 = tpu.memref_slice %arg11[%dma_start3A_479, %dma_start3A_480] : memref<2x8x!tpu.dma_semaphore, #tpu.memory_space<semaphore_mem>> -> memref<1x1x!tpu.dma_semaphore, #tpu.memory_space<semaphore_mem>>
    %dma_start3A_488 = tpu.memref_squeeze %dma_start3A_487 : memref<1x1x!tpu.dma_semaphore, #tpu.memory_space<semaphore_mem>> -> memref<!tpu.dma_semaphore, #tpu.memory_space<semaphore_mem>>
    %dma_start3A_489 = arith.constant 0 : i32
    %dma_start3A_490 = arith.constant 0 : i32
    %dma_start3A_491 = tpu.memref_slice %arg9[%dma_start3A_477, %dma_start3A_478, %dma_start3A_489, %dma_start3A_490] : memref<2x8x32x128xf32, #tpu.memory_space<vmem>> -> memref<1x1x32x128xf32, #tpu.memory_space<vmem>>
    %dma_start3A_492 = tpu.memref_squeeze %dma_start3A_491 : memref<1x1x32x128xf32, #tpu.memory_space<vmem>> -> memref<32x128xf32, #tpu.memory_space<vmem>>
    %dma_start3A_493 = arith.constant 0 : i32
    %dma_start3A_494 = tpu.memref_slice %arg5[%dma_start3A_493, %multiple_of3A_476] : memref<32x1000000xf32, #tpu.memory_space<hbm>> -> memref<32x128xf32, #tpu.memory_space<hbm>>
    tpu.enqueue_dma source(%dma_start3A_494 : memref<32x128xf32, #tpu.memory_space<hbm>>) target(%dma_start3A_492 : memref<32x128xf32, #tpu.memory_space<vmem>>) target_semaphore(%dma_start3A_488 : memref<!tpu.dma_semaphore, #tpu.memory_space<semaphore_mem>>)
    %slice3A_495 = vector.extract_strided_slice %get3A_444 {offsets = [2], sizes = [1], strides = [1]} : vector<16xi32> to vector<1xi32>
    %squeeze3A_496 = vector.extract %slice3A_495[0] : i32 from vector<1xi32>
    %shift_right_arithmetic3A_497 = arith.constant 7 : i32
    %shift_right_arithmetic3A_498 = arith.shrsi %squeeze3A_496, %shift_right_arithmetic3A_497 : i32
    %shift_left3A_499 = arith.constant 7 : i32
    %shift_left3A_500 = arith.shli %shift_right_arithmetic3A_498, %shift_left3A_499 : i32
    %multiple_of3A_501 = tpu.assume_multiple %shift_left3A_500, 128 : i32
    %dma_start3A_502 = arith.constant 0 : i32
    %dma_start3A_503 = arith.constant 2 : i32
    %dma_start3A_504 = arith.constant 0 : i32
    %dma_start3A_505 = arith.constant 2 : i32
    %dma_start3A_506 = arith.constant 0 : i32
    %dma_start3A_507 = arith.constant 0 : i32
    %dma_start3A_508 = tpu.memref_slice %arg9[%dma_start3A_502, %dma_start3A_503, %dma_start3A_506, %dma_start3A_507] : memref<2x8x32x128xf32, #tpu.memory_space<vmem>> -> memref<1x1x32x128xf32, #tpu.memory_space<vmem>>
    %dma_start3A_509 = tpu.memref_squeeze %dma_start3A_508 : memref<1x1x32x128xf32, #tpu.memory_space<vmem>> -> memref<32x128xf32, #tpu.memory_space<vmem>>
    %dma_start3A_510 = arith.constant 0 : i32
    %dma_start3A_511 = tpu.memref_slice %arg5[%dma_start3A_510, %multiple_of3A_501] : memref<32x1000000xf32, #tpu.memory_space<hbm>> -> memref<32x128xf32, #tpu.memory_space<hbm>>
    %dma_start3A_512 = tpu.memref_slice %arg11[%dma_start3A_504, %dma_start3A_505] : memref<2x8x!tpu.dma_semaphore, #tpu.memory_space<semaphore_mem>> -> memref<1x1x!tpu.dma_semaphore, #tpu.memory_space<semaphore_mem>>
    %dma_start3A_513 = tpu.memref_squeeze %dma_start3A_512 : memref<1x1x!tpu.dma_semaphore, #tpu.memory_space<semaphore_mem>> -> memref<!tpu.dma_semaphore, #tpu.memory_space<semaphore_mem>>
    %dma_start3A_514 = arith.constant 0 : i32
    %dma_start3A_515 = arith.constant 0 : i32
    %dma_start3A_516 = tpu.memref_slice %arg9[%dma_start3A_502, %dma_start3A_503, %dma_start3A_514, %dma_start3A_515] : memref<2x8x32x128xf32, #tpu.memory_space<vmem>> -> memref<1x1x32x128xf32, #tpu.memory_space<vmem>>
    %dma_start3A_517 = tpu.memref_squeeze %dma_start3A_516 : memref<1x1x32x128xf32, #tpu.memory_space<vmem>> -> memref<32x128xf32, #tpu.memory_space<vmem>>
    %dma_start3A_518 = arith.constant 0 : i32
    %dma_start3A_519 = tpu.memref_slice %arg5[%dma_start3A_518, %multiple_of3A_501] : memref<32x1000000xf32, #tpu.memory_space<hbm>> -> memref<32x128xf32, #tpu.memory_space<hbm>>
    tpu.enqueue_dma source(%dma_start3A_519 : memref<32x128xf32, #tpu.memory_space<hbm>>) target(%dma_start3A_517 : memref<32x128xf32, #tpu.memory_space<vmem>>) target_semaphore(%dma_start3A_513 : memref<!tpu.dma_semaphore, #tpu.memory_space<semaphore_mem>>)
    %slice3A_520 = vector.extract_strided_slice %get3A_444 {offsets = [3], sizes = [1], strides = [1]} : vector<16xi32> to vector<1xi32>
    %squeeze3A_521 = vector.extract %slice3A_520[0] : i32 from vector<1xi32>
    %shift_right_arithmetic3A_522 = arith.constant 7 : i32
    %shift_right_arithmetic3A_523 = arith.shrsi %squeeze3A_521, %shift_right_arithmetic3A_522 : i32
    %shift_left3A_524 = arith.constant 7 : i32
    %shift_left3A_525 = arith.shli %shift_right_arithmetic3A_523, %shift_left3A_524 : i32
    %multiple_of3A_526 = tpu.assume_multiple %shift_left3A_525, 128 : i32
    %dma_start3A_527 = arith.constant 0 : i32
    %dma_start3A_528 = arith.constant 3 : i32
    %dma_start3A_529 = arith.constant 0 : i32
    %dma_start3A_530 = arith.constant 3 : i32
    %dma_start3A_531 = arith.constant 0 : i32
    %dma_start3A_532 = arith.constant 0 : i32
    %dma_start3A_533 = tpu.memref_slice %arg9[%dma_start3A_527, %dma_start3A_528, %dma_start3A_531, %dma_start3A_532] : memref<2x8x32x128xf32, #tpu.memory_space<vmem>> -> memref<1x1x32x128xf32, #tpu.memory_space<vmem>>
    %dma_start3A_534 = tpu.memref_squeeze %dma_start3A_533 : memref<1x1x32x128xf32, #tpu.memory_space<vmem>> -> memref<32x128xf32, #tpu.memory_space<vmem>>
    %dma_start3A_535 = arith.constant 0 : i32
    %dma_start3A_536 = tpu.memref_slice %arg5[%dma_start3A_535, %multiple_of3A_526] : memref<32x1000000xf32, #tpu.memory_space<hbm>> -> memref<32x128xf32, #tpu.memory_space<hbm>>
    %dma_start3A_537 = tpu.memref_slice %arg11[%dma_start3A_529, %dma_start3A_530] : memref<2x8x!tpu.dma_semaphore, #tpu.memory_space<semaphore_mem>> -> memref<1x1x!tpu.dma_semaphore, #tpu.memory_space<semaphore_mem>>
    %dma_start3A_538 = tpu.memref_squeeze %dma_start3A_537 : memref<1x1x!tpu.dma_semaphore, #tpu.memory_space<semaphore_mem>> -> memref<!tpu.dma_semaphore, #tpu.memory_space<semaphore_mem>>
    %dma_start3A_539 = arith.constant 0 : i32
    %dma_start3A_540 = arith.constant 0 : i32
    %dma_start3A_541 = tpu.memref_slice %arg9[%dma_start3A_527, %dma_start3A_528, %dma_start3A_539, %dma_start3A_540] : memref<2x8x32x128xf32, #tpu.memory_space<vmem>> -> memref<1x1x32x128xf32, #tpu.memory_space<vmem>>
    %dma_start3A_542 = tpu.memref_squeeze %dma_start3A_541 : memref<1x1x32x128xf32, #tpu.memory_space<vmem>> -> memref<32x128xf32, #tpu.memory_space<vmem>>
    %dma_start3A_543 = arith.constant 0 : i32
    %dma_start3A_544 = tpu.memref_slice %arg5[%dma_start3A_543, %multiple_of3A_526] : memref<32x1000000xf32, #tpu.memory_space<hbm>> -> memref<32x128xf32, #tpu.memory_space<hbm>>
    tpu.enqueue_dma source(%dma_start3A_544 : memref<32x128xf32, #tpu.memory_space<hbm>>) target(%dma_start3A_542 : memref<32x128xf32, #tpu.memory_space<vmem>>) target_semaphore(%dma_start3A_538 : memref<!tpu.dma_semaphore, #tpu.memory_space<semaphore_mem>>)
    %slice3A_545 = vector.extract_strided_slice %get3A_444 {offsets = [4], sizes = [1], strides = [1]} : vector<16xi32> to vector<1xi32>
    %squeeze3A_546 = vector.extract %slice3A_545[0] : i32 from vector<1xi32>
    %shift_right_arithmetic3A_547 = arith.constant 7 : i32
    %shift_right_arithmetic3A_548 = arith.shrsi %squeeze3A_546, %shift_right_arithmetic3A_547 : i32
    %shift_left3A_549 = arith.constant 7 : i32
    %shift_left3A_550 = arith.shli %shift_right_arithmetic3A_548, %shift_left3A_549 : i32
    %multiple_of3A_551 = tpu.assume_multiple %shift_left3A_550, 128 : i32
    %dma_start3A_552 = arith.constant 0 : i32
    %dma_start3A_553 = arith.constant 4 : i32
    %dma_start3A_554 = arith.constant 0 : i32
    %dma_start3A_555 = arith.constant 4 : i32
    %dma_start3A_556 = arith.constant 0 : i32
    %dma_start3A_557 = arith.constant 0 : i32
    %dma_start3A_558 = tpu.memref_slice %arg9[%dma_start3A_552, %dma_start3A_553, %dma_start3A_556, %dma_start3A_557] : memref<2x8x32x128xf32, #tpu.memory_space<vmem>> -> memref<1x1x32x128xf32, #tpu.memory_space<vmem>>
    %dma_start3A_559 = tpu.memref_squeeze %dma_start3A_558 : memref<1x1x32x128xf32, #tpu.memory_space<vmem>> -> memref<32x128xf32, #tpu.memory_space<vmem>>
    %dma_start3A_560 = arith.constant 0 : i32
    %dma_start3A_561 = tpu.memref_slice %arg5[%dma_start3A_560, %multiple_of3A_551] : memref<32x1000000xf32, #tpu.memory_space<hbm>> -> memref<32x128xf32, #tpu.memory_space<hbm>>
    %dma_start3A_562 = tpu.memref_slice %arg11[%dma_start3A_554, %dma_start3A_555] : memref<2x8x!tpu.dma_semaphore, #tpu.memory_space<semaphore_mem>> -> memref<1x1x!tpu.dma_semaphore, #tpu.memory_space<semaphore_mem>>
    %dma_start3A_563 = tpu.memref_squeeze %dma_start3A_562 : memref<1x1x!tpu.dma_semaphore, #tpu.memory_space<semaphore_mem>> -> memref<!tpu.dma_semaphore, #tpu.memory_space<semaphore_mem>>
    %dma_start3A_564 = arith.constant 0 : i32
    %dma_start3A_565 = arith.constant 0 : i32
    %dma_start3A_566 = tpu.memref_slice %arg9[%dma_start3A_552, %dma_start3A_553, %dma_start3A_564, %dma_start3A_565] : memref<2x8x32x128xf32, #tpu.memory_space<vmem>> -> memref<1x1x32x128xf32, #tpu.memory_space<vmem>>
    %dma_start3A_567 = tpu.memref_squeeze %dma_start3A_566 : memref<1x1x32x128xf32, #tpu.memory_space<vmem>> -> memref<32x128xf32, #tpu.memory_space<vmem>>
    %dma_start3A_568 = arith.constant 0 : i32
    %dma_start3A_569 = tpu.memref_slice %arg5[%dma_start3A_568, %multiple_of3A_551] : memref<32x1000000xf32, #tpu.memory_space<hbm>> -> memref<32x128xf32, #tpu.memory_space<hbm>>
    tpu.enqueue_dma source(%dma_start3A_569 : memref<32x128xf32, #tpu.memory_space<hbm>>) target(%dma_start3A_567 : memref<32x128xf32, #tpu.memory_space<vmem>>) target_semaphore(%dma_start3A_563 : memref<!tpu.dma_semaphore, #tpu.memory_space<semaphore_mem>>)
    %slice3A_570 = vector.extract_strided_slice %get3A_444 {offsets = [5], sizes = [1], strides = [1]} : vector<16xi32> to vector<1xi32>
    %squeeze3A_571 = vector.extract %slice3A_570[0] : i32 from vector<1xi32>
    %shift_right_arithmetic3A_572 = arith.constant 7 : i32
    %shift_right_arithmetic3A_573 = arith.shrsi %squeeze3A_571, %shift_right_arithmetic3A_572 : i32
    %shift_left3A_574 = arith.constant 7 : i32
    %shift_left3A_575 = arith.shli %shift_right_arithmetic3A_573, %shift_left3A_574 : i32
    %multiple_of3A_576 = tpu.assume_multiple %shift_left3A_575, 128 : i32
    %dma_start3A_577 = arith.constant 0 : i32
    %dma_start3A_578 = arith.constant 5 : i32
    %dma_start3A_579 = arith.constant 0 : i32
    %dma_start3A_580 = arith.constant 5 : i32
    %dma_start3A_581 = arith.constant 0 : i32
    %dma_start3A_582 = arith.constant 0 : i32
    %dma_start3A_583 = tpu.memref_slice %arg9[%dma_start3A_577, %dma_start3A_578, %dma_start3A_581, %dma_start3A_582] : memref<2x8x32x128xf32, #tpu.memory_space<vmem>> -> memref<1x1x32x128xf32, #tpu.memory_space<vmem>>
    %dma_start3A_584 = tpu.memref_squeeze %dma_start3A_583 : memref<1x1x32x128xf32, #tpu.memory_space<vmem>> -> memref<32x128xf32, #tpu.memory_space<vmem>>
    %dma_start3A_585 = arith.constant 0 : i32
    %dma_start3A_586 = tpu.memref_slice %arg5[%dma_start3A_585, %multiple_of3A_576] : memref<32x1000000xf32, #tpu.memory_space<hbm>> -> memref<32x128xf32, #tpu.memory_space<hbm>>
    %dma_start3A_587 = tpu.memref_slice %arg11[%dma_start3A_579, %dma_start3A_580] : memref<2x8x!tpu.dma_semaphore, #tpu.memory_space<semaphore_mem>> -> memref<1x1x!tpu.dma_semaphore, #tpu.memory_space<semaphore_mem>>
    %dma_start3A_588 = tpu.memref_squeeze %dma_start3A_587 : memref<1x1x!tpu.dma_semaphore, #tpu.memory_space<semaphore_mem>> -> memref<!tpu.dma_semaphore, #tpu.memory_space<semaphore_mem>>
    %dma_start3A_589 = arith.constant 0 : i32
    %dma_start3A_590 = arith.constant 0 : i32
    %dma_start3A_591 = tpu.memref_slice %arg9[%dma_start3A_577, %dma_start3A_578, %dma_start3A_589, %dma_start3A_590] : memref<2x8x32x128xf32, #tpu.memory_space<vmem>> -> memref<1x1x32x128xf32, #tpu.memory_space<vmem>>
    %dma_start3A_592 = tpu.memref_squeeze %dma_start3A_591 : memref<1x1x32x128xf32, #tpu.memory_space<vmem>> -> memref<32x128xf32, #tpu.memory_space<vmem>>
    %dma_start3A_593 = arith.constant 0 : i32
    %dma_start3A_594 = tpu.memref_slice %arg5[%dma_start3A_593, %multiple_of3A_576] : memref<32x1000000xf32, #tpu.memory_space<hbm>> -> memref<32x128xf32, #tpu.memory_space<hbm>>
    tpu.enqueue_dma source(%dma_start3A_594 : memref<32x128xf32, #tpu.memory_space<hbm>>) target(%dma_start3A_592 : memref<32x128xf32, #tpu.memory_space<vmem>>) target_semaphore(%dma_start3A_588 : memref<!tpu.dma_semaphore, #tpu.memory_space<semaphore_mem>>)
    %slice3A_595 = vector.extract_strided_slice %get3A_444 {offsets = [6], sizes = [1], strides = [1]} : vector<16xi32> to vector<1xi32>
    %squeeze3A_596 = vector.extract %slice3A_595[0] : i32 from vector<1xi32>
    %shift_right_arithmetic3A_597 = arith.constant 7 : i32
    %shift_right_arithmetic3A_598 = arith.shrsi %squeeze3A_596, %shift_right_arithmetic3A_597 : i32
    %shift_left3A_599 = arith.constant 7 : i32
    %shift_left3A_600 = arith.shli %shift_right_arithmetic3A_598, %shift_left3A_599 : i32
    %multiple_of3A_601 = tpu.assume_multiple %shift_left3A_600, 128 : i32
    %dma_start3A_602 = arith.constant 0 : i32
    %dma_start3A_603 = arith.constant 6 : i32
    %dma_start3A_604 = arith.constant 0 : i32
    %dma_start3A_605 = arith.constant 6 : i32
    %dma_start3A_606 = arith.constant 0 : i32
    %dma_start3A_607 = arith.constant 0 : i32
    %dma_start3A_608 = tpu.memref_slice %arg9[%dma_start3A_602, %dma_start3A_603, %dma_start3A_606, %dma_start3A_607] : memref<2x8x32x128xf32, #tpu.memory_space<vmem>> -> memref<1x1x32x128xf32, #tpu.memory_space<vmem>>
    %dma_start3A_609 = tpu.memref_squeeze %dma_start3A_608 : memref<1x1x32x128xf32, #tpu.memory_space<vmem>> -> memref<32x128xf32, #tpu.memory_space<vmem>>
    %dma_start3A_610 = arith.constant 0 : i32
    %dma_start3A_611 = tpu.memref_slice %arg5[%dma_start3A_610, %multiple_of3A_601] : memref<32x1000000xf32, #tpu.memory_space<hbm>> -> memref<32x128xf32, #tpu.memory_space<hbm>>
    %dma_start3A_612 = tpu.memref_slice %arg11[%dma_start3A_604, %dma_start3A_605] : memref<2x8x!tpu.dma_semaphore, #tpu.memory_space<semaphore_mem>> -> memref<1x1x!tpu.dma_semaphore, #tpu.memory_space<semaphore_mem>>
    %dma_start3A_613 = tpu.memref_squeeze %dma_start3A_612 : memref<1x1x!tpu.dma_semaphore, #tpu.memory_space<semaphore_mem>> -> memref<!tpu.dma_semaphore, #tpu.memory_space<semaphore_mem>>
    %dma_start3A_614 = arith.constant 0 : i32
    %dma_start3A_615 = arith.constant 0 : i32
    %dma_start3A_616 = tpu.memref_slice %arg9[%dma_start3A_602, %dma_start3A_603, %dma_start3A_614, %dma_start3A_615] : memref<2x8x32x128xf32, #tpu.memory_space<vmem>> -> memref<1x1x32x128xf32, #tpu.memory_space<vmem>>
    %dma_start3A_617 = tpu.memref_squeeze %dma_start3A_616 : memref<1x1x32x128xf32, #tpu.memory_space<vmem>> -> memref<32x128xf32, #tpu.memory_space<vmem>>
    %dma_start3A_618 = arith.constant 0 : i32
    %dma_start3A_619 = tpu.memref_slice %arg5[%dma_start3A_618, %multiple_of3A_601] : memref<32x1000000xf32, #tpu.memory_space<hbm>> -> memref<32x128xf32, #tpu.memory_space<hbm>>
    tpu.enqueue_dma source(%dma_start3A_619 : memref<32x128xf32, #tpu.memory_space<hbm>>) target(%dma_start3A_617 : memref<32x128xf32, #tpu.memory_space<vmem>>) target_semaphore(%dma_start3A_613 : memref<!tpu.dma_semaphore, #tpu.memory_space<semaphore_mem>>)
    %slice3A_620 = vector.extract_strided_slice %get3A_444 {offsets = [7], sizes = [1], strides = [1]} : vector<16xi32> to vector<1xi32>
    %squeeze3A_621 = vector.extract %slice3A_620[0] : i32 from vector<1xi32>
    %shift_right_arithmetic3A_622 = arith.constant 7 : i32
    %shift_right_arithmetic3A_623 = arith.shrsi %squeeze3A_621, %shift_right_arithmetic3A_622 : i32
    %shift_left3A_624 = arith.constant 7 : i32
    %shift_left3A_625 = arith.shli %shift_right_arithmetic3A_623, %shift_left3A_624 : i32
    %multiple_of3A_626 = tpu.assume_multiple %shift_left3A_625, 128 : i32
    %dma_start3A_627 = arith.constant 0 : i32
    %dma_start3A_628 = arith.constant 7 : i32
    %dma_start3A_629 = arith.constant 0 : i32
    %dma_start3A_630 = arith.constant 7 : i32
    %dma_start3A_631 = arith.constant 0 : i32
    %dma_start3A_632 = arith.constant 0 : i32
    %dma_start3A_633 = tpu.memref_slice %arg9[%dma_start3A_627, %dma_start3A_628, %dma_start3A_631, %dma_start3A_632] : memref<2x8x32x128xf32, #tpu.memory_space<vmem>> -> memref<1x1x32x128xf32, #tpu.memory_space<vmem>>
    %dma_start3A_634 = tpu.memref_squeeze %dma_start3A_633 : memref<1x1x32x128xf32, #tpu.memory_space<vmem>> -> memref<32x128xf32, #tpu.memory_space<vmem>>
    %dma_start3A_635 = arith.constant 0 : i32
    %dma_start3A_636 = tpu.memref_slice %arg5[%dma_start3A_635, %multiple_of3A_626] : memref<32x1000000xf32, #tpu.memory_space<hbm>> -> memref<32x128xf32, #tpu.memory_space<hbm>>
    %dma_start3A_637 = tpu.memref_slice %arg11[%dma_start3A_629, %dma_start3A_630] : memref<2x8x!tpu.dma_semaphore, #tpu.memory_space<semaphore_mem>> -> memref<1x1x!tpu.dma_semaphore, #tpu.memory_space<semaphore_mem>>
    %dma_start3A_638 = tpu.memref_squeeze %dma_start3A_637 : memref<1x1x!tpu.dma_semaphore, #tpu.memory_space<semaphore_mem>> -> memref<!tpu.dma_semaphore, #tpu.memory_space<semaphore_mem>>
    %dma_start3A_639 = arith.constant 0 : i32
    %dma_start3A_640 = arith.constant 0 : i32
    %dma_start3A_641 = tpu.memref_slice %arg9[%dma_start3A_627, %dma_start3A_628, %dma_start3A_639, %dma_start3A_640] : memref<2x8x32x128xf32, #tpu.memory_space<vmem>> -> memref<1x1x32x128xf32, #tpu.memory_space<vmem>>
    %dma_start3A_642 = tpu.memref_squeeze %dma_start3A_641 : memref<1x1x32x128xf32, #tpu.memory_space<vmem>> -> memref<32x128xf32, #tpu.memory_space<vmem>>
    %dma_start3A_643 = arith.constant 0 : i32
    %dma_start3A_644 = tpu.memref_slice %arg5[%dma_start3A_643, %multiple_of3A_626] : memref<32x1000000xf32, #tpu.memory_space<hbm>> -> memref<32x128xf32, #tpu.memory_space<hbm>>
    tpu.enqueue_dma source(%dma_start3A_644 : memref<32x128xf32, #tpu.memory_space<hbm>>) target(%dma_start3A_642 : memref<32x128xf32, #tpu.memory_space<vmem>>) target_semaphore(%dma_start3A_638 : memref<!tpu.dma_semaphore, #tpu.memory_space<semaphore_mem>>)
    %slice3A_645 = vector.extract_strided_slice %get3A_444 {offsets = [8], sizes = [1], strides = [1]} : vector<16xi32> to vector<1xi32>
    %squeeze3A_646 = vector.extract %slice3A_645[0] : i32 from vector<1xi32>
    %shift_right_arithmetic3A_647 = arith.constant 7 : i32
    %shift_right_arithmetic3A_648 = arith.shrsi %squeeze3A_646, %shift_right_arithmetic3A_647 : i32
    %shift_left3A_649 = arith.constant 7 : i32
    %shift_left3A_650 = arith.shli %shift_right_arithmetic3A_648, %shift_left3A_649 : i32
    %multiple_of3A_651 = tpu.assume_multiple %shift_left3A_650, 128 : i32
    %dma_start3A_652 = arith.constant 1 : i32
    %dma_start3A_653 = arith.constant 0 : i32
    %dma_start3A_654 = arith.constant 1 : i32
    %dma_start3A_655 = arith.constant 0 : i32
    %dma_start3A_656 = arith.constant 0 : i32
    %dma_start3A_657 = arith.constant 0 : i32
    %dma_start3A_658 = tpu.memref_slice %arg9[%dma_start3A_652, %dma_start3A_653, %dma_start3A_656, %dma_start3A_657] : memref<2x8x32x128xf32, #tpu.memory_space<vmem>> -> memref<1x1x32x128xf32, #tpu.memory_space<vmem>>
    %dma_start3A_659 = tpu.memref_squeeze %dma_start3A_658 : memref<1x1x32x128xf32, #tpu.memory_space<vmem>> -> memref<32x128xf32, #tpu.memory_space<vmem>>
    %dma_start3A_660 = arith.constant 0 : i32
    %dma_start3A_661 = tpu.memref_slice %arg5[%dma_start3A_660, %multiple_of3A_651] : memref<32x1000000xf32, #tpu.memory_space<hbm>> -> memref<32x128xf32, #tpu.memory_space<hbm>>
    %dma_start3A_662 = tpu.memref_slice %arg11[%dma_start3A_654, %dma_start3A_655] : memref<2x8x!tpu.dma_semaphore, #tpu.memory_space<semaphore_mem>> -> memref<1x1x!tpu.dma_semaphore, #tpu.memory_space<semaphore_mem>>
    %dma_start3A_663 = tpu.memref_squeeze %dma_start3A_662 : memref<1x1x!tpu.dma_semaphore, #tpu.memory_space<semaphore_mem>> -> memref<!tpu.dma_semaphore, #tpu.memory_space<semaphore_mem>>
    %dma_start3A_664 = arith.constant 0 : i32
    %dma_start3A_665 = arith.constant 0 : i32
    %dma_start3A_666 = tpu.memref_slice %arg9[%dma_start3A_652, %dma_start3A_653, %dma_start3A_664, %dma_start3A_665] : memref<2x8x32x128xf32, #tpu.memory_space<vmem>> -> memref<1x1x32x128xf32, #tpu.memory_space<vmem>>
    %dma_start3A_667 = tpu.memref_squeeze %dma_start3A_666 : memref<1x1x32x128xf32, #tpu.memory_space<vmem>> -> memref<32x128xf32, #tpu.memory_space<vmem>>
    %dma_start3A_668 = arith.constant 0 : i32
    %dma_start3A_669 = tpu.memref_slice %arg5[%dma_start3A_668, %multiple_of3A_651] : memref<32x1000000xf32, #tpu.memory_space<hbm>> -> memref<32x128xf32, #tpu.memory_space<hbm>>
    tpu.enqueue_dma source(%dma_start3A_669 : memref<32x128xf32, #tpu.memory_space<hbm>>) target(%dma_start3A_667 : memref<32x128xf32, #tpu.memory_space<vmem>>) target_semaphore(%dma_start3A_663 : memref<!tpu.dma_semaphore, #tpu.memory_space<semaphore_mem>>)
    %slice3A_670 = vector.extract_strided_slice %get3A_444 {offsets = [9], sizes = [1], strides = [1]} : vector<16xi32> to vector<1xi32>
    %squeeze3A_671 = vector.extract %slice3A_670[0] : i32 from vector<1xi32>
    %shift_right_arithmetic3A_672 = arith.constant 7 : i32
    %shift_right_arithmetic3A_673 = arith.shrsi %squeeze3A_671, %shift_right_arithmetic3A_672 : i32
    %shift_left3A_674 = arith.constant 7 : i32
    %shift_left3A_675 = arith.shli %shift_right_arithmetic3A_673, %shift_left3A_674 : i32
    %multiple_of3A_676 = tpu.assume_multiple %shift_left3A_675, 128 : i32
    %dma_start3A_677 = arith.constant 1 : i32
    %dma_start3A_678 = arith.constant 1 : i32
    %dma_start3A_679 = arith.constant 1 : i32
    %dma_start3A_680 = arith.constant 1 : i32
    %dma_start3A_681 = arith.constant 0 : i32
    %dma_start3A_682 = arith.constant 0 : i32
    %dma_start3A_683 = tpu.memref_slice %arg9[%dma_start3A_677, %dma_start3A_678, %dma_start3A_681, %dma_start3A_682] : memref<2x8x32x128xf32, #tpu.memory_space<vmem>> -> memref<1x1x32x128xf32, #tpu.memory_space<vmem>>
    %dma_start3A_684 = tpu.memref_squeeze %dma_start3A_683 : memref<1x1x32x128xf32, #tpu.memory_space<vmem>> -> memref<32x128xf32, #tpu.memory_space<vmem>>
    %dma_start3A_685 = arith.constant 0 : i32
    %dma_start3A_686 = tpu.memref_slice %arg5[%dma_start3A_685, %multiple_of3A_676] : memref<32x1000000xf32, #tpu.memory_space<hbm>> -> memref<32x128xf32, #tpu.memory_space<hbm>>
    %dma_start3A_687 = tpu.memref_slice %arg11[%dma_start3A_679, %dma_start3A_680] : memref<2x8x!tpu.dma_semaphore, #tpu.memory_space<semaphore_mem>> -> memref<1x1x!tpu.dma_semaphore, #tpu.memory_space<semaphore_mem>>
    %dma_start3A_688 = tpu.memref_squeeze %dma_start3A_687 : memref<1x1x!tpu.dma_semaphore, #tpu.memory_space<semaphore_mem>> -> memref<!tpu.dma_semaphore, #tpu.memory_space<semaphore_mem>>
    %dma_start3A_689 = arith.constant 0 : i32
    %dma_start3A_690 = arith.constant 0 : i32
    %dma_start3A_691 = tpu.memref_slice %arg9[%dma_start3A_677, %dma_start3A_678, %dma_start3A_689, %dma_start3A_690] : memref<2x8x32x128xf32, #tpu.memory_space<vmem>> -> memref<1x1x32x128xf32, #tpu.memory_space<vmem>>
    %dma_start3A_692 = tpu.memref_squeeze %dma_start3A_691 : memref<1x1x32x128xf32, #tpu.memory_space<vmem>> -> memref<32x128xf32, #tpu.memory_space<vmem>>
    %dma_start3A_693 = arith.constant 0 : i32
    %dma_start3A_694 = tpu.memref_slice %arg5[%dma_start3A_693, %multiple_of3A_676] : memref<32x1000000xf32, #tpu.memory_space<hbm>> -> memref<32x128xf32, #tpu.memory_space<hbm>>
    tpu.enqueue_dma source(%dma_start3A_694 : memref<32x128xf32, #tpu.memory_space<hbm>>) target(%dma_start3A_692 : memref<32x128xf32, #tpu.memory_space<vmem>>) target_semaphore(%dma_start3A_688 : memref<!tpu.dma_semaphore, #tpu.memory_space<semaphore_mem>>)
    %slice3A_695 = vector.extract_strided_slice %get3A_444 {offsets = [10], sizes = [1], strides = [1]} : vector<16xi32> to vector<1xi32>
    %squeeze3A_696 = vector.extract %slice3A_695[0] : i32 from vector<1xi32>
    %shift_right_arithmetic3A_697 = arith.constant 7 : i32
    %shift_right_arithmetic3A_698 = arith.shrsi %squeeze3A_696, %shift_right_arithmetic3A_697 : i32
    %shift_left3A_699 = arith.constant 7 : i32
    %shift_left3A_700 = arith.shli %shift_right_arithmetic3A_698, %shift_left3A_699 : i32
    %multiple_of3A_701 = tpu.assume_multiple %shift_left3A_700, 128 : i32
    %dma_start3A_702 = arith.constant 1 : i32
    %dma_start3A_703 = arith.constant 2 : i32
    %dma_start3A_704 = arith.constant 1 : i32
    %dma_start3A_705 = arith.constant 2 : i32
    %dma_start3A_706 = arith.constant 0 : i32
    %dma_start3A_707 = arith.constant 0 : i32
    %dma_start3A_708 = tpu.memref_slice %arg9[%dma_start3A_702, %dma_start3A_703, %dma_start3A_706, %dma_start3A_707] : memref<2x8x32x128xf32, #tpu.memory_space<vmem>> -> memref<1x1x32x128xf32, #tpu.memory_space<vmem>>
    %dma_start3A_709 = tpu.memref_squeeze %dma_start3A_708 : memref<1x1x32x128xf32, #tpu.memory_space<vmem>> -> memref<32x128xf32, #tpu.memory_space<vmem>>
    %dma_start3A_710 = arith.constant 0 : i32
    %dma_start3A_711 = tpu.memref_slice %arg5[%dma_start3A_710, %multiple_of3A_701] : memref<32x1000000xf32, #tpu.memory_space<hbm>> -> memref<32x128xf32, #tpu.memory_space<hbm>>
    %dma_start3A_712 = tpu.memref_slice %arg11[%dma_start3A_704, %dma_start3A_705] : memref<2x8x!tpu.dma_semaphore, #tpu.memory_space<semaphore_mem>> -> memref<1x1x!tpu.dma_semaphore, #tpu.memory_space<semaphore_mem>>
    %dma_start3A_713 = tpu.memref_squeeze %dma_start3A_712 : memref<1x1x!tpu.dma_semaphore, #tpu.memory_space<semaphore_mem>> -> memref<!tpu.dma_semaphore, #tpu.memory_space<semaphore_mem>>
    %dma_start3A_714 = arith.constant 0 : i32
    %dma_start3A_715 = arith.constant 0 : i32
    %dma_start3A_716 = tpu.memref_slice %arg9[%dma_start3A_702, %dma_start3A_703, %dma_start3A_714, %dma_start3A_715] : memref<2x8x32x128xf32, #tpu.memory_space<vmem>> -> memref<1x1x32x128xf32, #tpu.memory_space<vmem>>
    %dma_start3A_717 = tpu.memref_squeeze %dma_start3A_716 : memref<1x1x32x128xf32, #tpu.memory_space<vmem>> -> memref<32x128xf32, #tpu.memory_space<vmem>>
    %dma_start3A_718 = arith.constant 0 : i32
    %dma_start3A_719 = tpu.memref_slice %arg5[%dma_start3A_718, %multiple_of3A_701] : memref<32x1000000xf32, #tpu.memory_space<hbm>> -> memref<32x128xf32, #tpu.memory_space<hbm>>
    tpu.enqueue_dma source(%dma_start3A_719 : memref<32x128xf32, #tpu.memory_space<hbm>>) target(%dma_start3A_717 : memref<32x128xf32, #tpu.memory_space<vmem>>) target_semaphore(%dma_start3A_713 : memref<!tpu.dma_semaphore, #tpu.memory_space<semaphore_mem>>)
    %slice3A_720 = vector.extract_strided_slice %get3A_444 {offsets = [11], sizes = [1], strides = [1]} : vector<16xi32> to vector<1xi32>
    %squeeze3A_721 = vector.extract %slice3A_720[0] : i32 from vector<1xi32>
    %shift_right_arithmetic3A_722 = arith.constant 7 : i32
    %shift_right_arithmetic3A_723 = arith.shrsi %squeeze3A_721, %shift_right_arithmetic3A_722 : i32
    %shift_left3A_724 = arith.constant 7 : i32
    %shift_left3A_725 = arith.shli %shift_right_arithmetic3A_723, %shift_left3A_724 : i32
    %multiple_of3A_726 = tpu.assume_multiple %shift_left3A_725, 128 : i32
    %dma_start3A_727 = arith.constant 1 : i32
    %dma_start3A_728 = arith.constant 3 : i32
    %dma_start3A_729 = arith.constant 1 : i32
    %dma_start3A_730 = arith.constant 3 : i32
    %dma_start3A_731 = arith.constant 0 : i32
    %dma_start3A_732 = arith.constant 0 : i32
    %dma_start3A_733 = tpu.memref_slice %arg9[%dma_start3A_727, %dma_start3A_728, %dma_start3A_731, %dma_start3A_732] : memref<2x8x32x128xf32, #tpu.memory_space<vmem>> -> memref<1x1x32x128xf32, #tpu.memory_space<vmem>>
    %dma_start3A_734 = tpu.memref_squeeze %dma_start3A_733 : memref<1x1x32x128xf32, #tpu.memory_space<vmem>> -> memref<32x128xf32, #tpu.memory_space<vmem>>
    %dma_start3A_735 = arith.constant 0 : i32
    %dma_start3A_736 = tpu.memref_slice %arg5[%dma_start3A_735, %multiple_of3A_726] : memref<32x1000000xf32, #tpu.memory_space<hbm>> -> memref<32x128xf32, #tpu.memory_space<hbm>>
    %dma_start3A_737 = tpu.memref_slice %arg11[%dma_start3A_729, %dma_start3A_730] : memref<2x8x!tpu.dma_semaphore, #tpu.memory_space<semaphore_mem>> -> memref<1x1x!tpu.dma_semaphore, #tpu.memory_space<semaphore_mem>>
    %dma_start3A_738 = tpu.memref_squeeze %dma_start3A_737 : memref<1x1x!tpu.dma_semaphore, #tpu.memory_space<semaphore_mem>> -> memref<!tpu.dma_semaphore, #tpu.memory_space<semaphore_mem>>
    %dma_start3A_739 = arith.constant 0 : i32
    %dma_start3A_740 = arith.constant 0 : i32
    %dma_start3A_741 = tpu.memref_slice %arg9[%dma_start3A_727, %dma_start3A_728, %dma_start3A_739, %dma_start3A_740] : memref<2x8x32x128xf32, #tpu.memory_space<vmem>> -> memref<1x1x32x128xf32, #tpu.memory_space<vmem>>
    %dma_start3A_742 = tpu.memref_squeeze %dma_start3A_741 : memref<1x1x32x128xf32, #tpu.memory_space<vmem>> -> memref<32x128xf32, #tpu.memory_space<vmem>>
    %dma_start3A_743 = arith.constant 0 : i32
    %dma_start3A_744 = tpu.memref_slice %arg5[%dma_start3A_743, %multiple_of3A_726] : memref<32x1000000xf32, #tpu.memory_space<hbm>> -> memref<32x128xf32, #tpu.memory_space<hbm>>
    tpu.enqueue_dma source(%dma_start3A_744 : memref<32x128xf32, #tpu.memory_space<hbm>>) target(%dma_start3A_742 : memref<32x128xf32, #tpu.memory_space<vmem>>) target_semaphore(%dma_start3A_738 : memref<!tpu.dma_semaphore, #tpu.memory_space<semaphore_mem>>)
    %slice3A_745 = vector.extract_strided_slice %get3A_444 {offsets = [12], sizes = [1], strides = [1]} : vector<16xi32> to vector<1xi32>
    %squeeze3A_746 = vector.extract %slice3A_745[0] : i32 from vector<1xi32>
    %shift_right_arithmetic3A_747 = arith.constant 7 : i32
    %shift_right_arithmetic3A_748 = arith.shrsi %squeeze3A_746, %shift_right_arithmetic3A_747 : i32
    %shift_left3A_749 = arith.constant 7 : i32
    %shift_left3A_750 = arith.shli %shift_right_arithmetic3A_748, %shift_left3A_749 : i32
    %multiple_of3A_751 = tpu.assume_multiple %shift_left3A_750, 128 : i32
    %dma_start3A_752 = arith.constant 1 : i32
    %dma_start3A_753 = arith.constant 4 : i32
    %dma_start3A_754 = arith.constant 1 : i32
    %dma_start3A_755 = arith.constant 4 : i32
    %dma_start3A_756 = arith.constant 0 : i32
    %dma_start3A_757 = arith.constant 0 : i32
    %dma_start3A_758 = tpu.memref_slice %arg9[%dma_start3A_752, %dma_start3A_753, %dma_start3A_756, %dma_start3A_757] : memref<2x8x32x128xf32, #tpu.memory_space<vmem>> -> memref<1x1x32x128xf32, #tpu.memory_space<vmem>>
    %dma_start3A_759 = tpu.memref_squeeze %dma_start3A_758 : memref<1x1x32x128xf32, #tpu.memory_space<vmem>> -> memref<32x128xf32, #tpu.memory_space<vmem>>
    %dma_start3A_760 = arith.constant 0 : i32
    %dma_start3A_761 = tpu.memref_slice %arg5[%dma_start3A_760, %multiple_of3A_751] : memref<32x1000000xf32, #tpu.memory_space<hbm>> -> memref<32x128xf32, #tpu.memory_space<hbm>>
    %dma_start3A_762 = tpu.memref_slice %arg11[%dma_start3A_754, %dma_start3A_755] : memref<2x8x!tpu.dma_semaphore, #tpu.memory_space<semaphore_mem>> -> memref<1x1x!tpu.dma_semaphore, #tpu.memory_space<semaphore_mem>>
    %dma_start3A_763 = tpu.memref_squeeze %dma_start3A_762 : memref<1x1x!tpu.dma_semaphore, #tpu.memory_space<semaphore_mem>> -> memref<!tpu.dma_semaphore, #tpu.memory_space<semaphore_mem>>
    %dma_start3A_764 = arith.constant 0 : i32
    %dma_start3A_765 = arith.constant 0 : i32
    %dma_start3A_766 = tpu.memref_slice %arg9[%dma_start3A_752, %dma_start3A_753, %dma_start3A_764, %dma_start3A_765] : memref<2x8x32x128xf32, #tpu.memory_space<vmem>> -> memref<1x1x32x128xf32, #tpu.memory_space<vmem>>
    %dma_start3A_767 = tpu.memref_squeeze %dma_start3A_766 : memref<1x1x32x128xf32, #tpu.memory_space<vmem>> -> memref<32x128xf32, #tpu.memory_space<vmem>>
    %dma_start3A_768 = arith.constant 0 : i32
    %dma_start3A_769 = tpu.memref_slice %arg5[%dma_start3A_768, %multiple_of3A_751] : memref<32x1000000xf32, #tpu.memory_space<hbm>> -> memref<32x128xf32, #tpu.memory_space<hbm>>
    tpu.enqueue_dma source(%dma_start3A_769 : memref<32x128xf32, #tpu.memory_space<hbm>>) target(%dma_start3A_767 : memref<32x128xf32, #tpu.memory_space<vmem>>) target_semaphore(%dma_start3A_763 : memref<!tpu.dma_semaphore, #tpu.memory_space<semaphore_mem>>)
    %slice3A_770 = vector.extract_strided_slice %get3A_444 {offsets = [13], sizes = [1], strides = [1]} : vector<16xi32> to vector<1xi32>
    %squeeze3A_771 = vector.extract %slice3A_770[0] : i32 from vector<1xi32>
    %shift_right_arithmetic3A_772 = arith.constant 7 : i32
    %shift_right_arithmetic3A_773 = arith.shrsi %squeeze3A_771, %shift_right_arithmetic3A_772 : i32
    %shift_left3A_774 = arith.constant 7 : i32
    %shift_left3A_775 = arith.shli %shift_right_arithmetic3A_773, %shift_left3A_774 : i32
    %multiple_of3A_776 = tpu.assume_multiple %shift_left3A_775, 128 : i32
    %dma_start3A_777 = arith.constant 1 : i32
    %dma_start3A_778 = arith.constant 5 : i32
    %dma_start3A_779 = arith.constant 1 : i32
    %dma_start3A_780 = arith.constant 5 : i32
    %dma_start3A_781 = arith.constant 0 : i32
    %dma_start3A_782 = arith.constant 0 : i32
    %dma_start3A_783 = tpu.memref_slice %arg9[%dma_start3A_777, %dma_start3A_778, %dma_start3A_781, %dma_start3A_782] : memref<2x8x32x128xf32, #tpu.memory_space<vmem>> -> memref<1x1x32x128xf32, #tpu.memory_space<vmem>>
    %dma_start3A_784 = tpu.memref_squeeze %dma_start3A_783 : memref<1x1x32x128xf32, #tpu.memory_space<vmem>> -> memref<32x128xf32, #tpu.memory_space<vmem>>
    %dma_start3A_785 = arith.constant 0 : i32
    %dma_start3A_786 = tpu.memref_slice %arg5[%dma_start3A_785, %multiple_of3A_776] : memref<32x1000000xf32, #tpu.memory_space<hbm>> -> memref<32x128xf32, #tpu.memory_space<hbm>>
    %dma_start3A_787 = tpu.memref_slice %arg11[%dma_start3A_779, %dma_start3A_780] : memref<2x8x!tpu.dma_semaphore, #tpu.memory_space<semaphore_mem>> -> memref<1x1x!tpu.dma_semaphore, #tpu.memory_space<semaphore_mem>>
    %dma_start3A_788 = tpu.memref_squeeze %dma_start3A_787 : memref<1x1x!tpu.dma_semaphore, #tpu.memory_space<semaphore_mem>> -> memref<!tpu.dma_semaphore, #tpu.memory_space<semaphore_mem>>
    %dma_start3A_789 = arith.constant 0 : i32
    %dma_start3A_790 = arith.constant 0 : i32
    %dma_start3A_791 = tpu.memref_slice %arg9[%dma_start3A_777, %dma_start3A_778, %dma_start3A_789, %dma_start3A_790] : memref<2x8x32x128xf32, #tpu.memory_space<vmem>> -> memref<1x1x32x128xf32, #tpu.memory_space<vmem>>
    %dma_start3A_792 = tpu.memref_squeeze %dma_start3A_791 : memref<1x1x32x128xf32, #tpu.memory_space<vmem>> -> memref<32x128xf32, #tpu.memory_space<vmem>>
    %dma_start3A_793 = arith.constant 0 : i32
    %dma_start3A_794 = tpu.memref_slice %arg5[%dma_start3A_793, %multiple_of3A_776] : memref<32x1000000xf32, #tpu.memory_space<hbm>> -> memref<32x128xf32, #tpu.memory_space<hbm>>
    tpu.enqueue_dma source(%dma_start3A_794 : memref<32x128xf32, #tpu.memory_space<hbm>>) target(%dma_start3A_792 : memref<32x128xf32, #tpu.memory_space<vmem>>) target_semaphore(%dma_start3A_788 : memref<!tpu.dma_semaphore, #tpu.memory_space<semaphore_mem>>)
    %slice3A_795 = vector.extract_strided_slice %get3A_444 {offsets = [14], sizes = [1], strides = [1]} : vector<16xi32> to vector<1xi32>
    %squeeze3A_796 = vector.extract %slice3A_795[0] : i32 from vector<1xi32>
    %shift_right_arithmetic3A_797 = arith.constant 7 : i32
    %shift_right_arithmetic3A_798 = arith.shrsi %squeeze3A_796, %shift_right_arithmetic3A_797 : i32
    %shift_left3A_799 = arith.constant 7 : i32
    %shift_left3A_800 = arith.shli %shift_right_arithmetic3A_798, %shift_left3A_799 : i32
    %multiple_of3A_801 = tpu.assume_multiple %shift_left3A_800, 128 : i32
    %dma_start3A_802 = arith.constant 1 : i32
    %dma_start3A_803 = arith.constant 6 : i32
    %dma_start3A_804 = arith.constant 1 : i32
    %dma_start3A_805 = arith.constant 6 : i32
    %dma_start3A_806 = arith.constant 0 : i32
    %dma_start3A_807 = arith.constant 0 : i32
    %dma_start3A_808 = tpu.memref_slice %arg9[%dma_start3A_802, %dma_start3A_803, %dma_start3A_806, %dma_start3A_807] : memref<2x8x32x128xf32, #tpu.memory_space<vmem>> -> memref<1x1x32x128xf32, #tpu.memory_space<vmem>>
    %dma_start3A_809 = tpu.memref_squeeze %dma_start3A_808 : memref<1x1x32x128xf32, #tpu.memory_space<vmem>> -> memref<32x128xf32, #tpu.memory_space<vmem>>
    %dma_start3A_810 = arith.constant 0 : i32
    %dma_start3A_811 = tpu.memref_slice %arg5[%dma_start3A_810, %multiple_of3A_801] : memref<32x1000000xf32, #tpu.memory_space<hbm>> -> memref<32x128xf32, #tpu.memory_space<hbm>>
    %dma_start3A_812 = tpu.memref_slice %arg11[%dma_start3A_804, %dma_start3A_805] : memref<2x8x!tpu.dma_semaphore, #tpu.memory_space<semaphore_mem>> -> memref<1x1x!tpu.dma_semaphore, #tpu.memory_space<semaphore_mem>>
    %dma_start3A_813 = tpu.memref_squeeze %dma_start3A_812 : memref<1x1x!tpu.dma_semaphore, #tpu.memory_space<semaphore_mem>> -> memref<!tpu.dma_semaphore, #tpu.memory_space<semaphore_mem>>
    %dma_start3A_814 = arith.constant 0 : i32
    %dma_start3A_815 = arith.constant 0 : i32
    %dma_start3A_816 = tpu.memref_slice %arg9[%dma_start3A_802, %dma_start3A_803, %dma_start3A_814, %dma_start3A_815] : memref<2x8x32x128xf32, #tpu.memory_space<vmem>> -> memref<1x1x32x128xf32, #tpu.memory_space<vmem>>
    %dma_start3A_817 = tpu.memref_squeeze %dma_start3A_816 : memref<1x1x32x128xf32, #tpu.memory_space<vmem>> -> memref<32x128xf32, #tpu.memory_space<vmem>>
    %dma_start3A_818 = arith.constant 0 : i32
    %dma_start3A_819 = tpu.memref_slice %arg5[%dma_start3A_818, %multiple_of3A_801] : memref<32x1000000xf32, #tpu.memory_space<hbm>> -> memref<32x128xf32, #tpu.memory_space<hbm>>
    tpu.enqueue_dma source(%dma_start3A_819 : memref<32x128xf32, #tpu.memory_space<hbm>>) target(%dma_start3A_817 : memref<32x128xf32, #tpu.memory_space<vmem>>) target_semaphore(%dma_start3A_813 : memref<!tpu.dma_semaphore, #tpu.memory_space<semaphore_mem>>)
    %slice3A_820 = vector.extract_strided_slice %get3A_444 {offsets = [15], sizes = [1], strides = [1]} : vector<16xi32> to vector<1xi32>
    %squeeze3A_821 = vector.extract %slice3A_820[0] : i32 from vector<1xi32>
    %shift_right_arithmetic3A_822 = arith.constant 7 : i32
    %shift_right_arithmetic3A_823 = arith.shrsi %squeeze3A_821, %shift_right_arithmetic3A_822 : i32
    %shift_left3A_824 = arith.constant 7 : i32
    %shift_left3A_825 = arith.shli %shift_right_arithmetic3A_823, %shift_left3A_824 : i32
    %multiple_of3A_826 = tpu.assume_multiple %shift_left3A_825, 128 : i32
    %dma_start3A_827 = arith.constant 1 : i32
    %dma_start3A_828 = arith.constant 7 : i32
    %dma_start3A_829 = arith.constant 1 : i32
    %dma_start3A_830 = arith.constant 7 : i32
    %dma_start3A_831 = arith.constant 0 : i32
    %dma_start3A_832 = arith.constant 0 : i32
    %dma_start3A_833 = tpu.memref_slice %arg9[%dma_start3A_827, %dma_start3A_828, %dma_start3A_831, %dma_start3A_832] : memref<2x8x32x128xf32, #tpu.memory_space<vmem>> -> memref<1x1x32x128xf32, #tpu.memory_space<vmem>>
    %dma_start3A_834 = tpu.memref_squeeze %dma_start3A_833 : memref<1x1x32x128xf32, #tpu.memory_space<vmem>> -> memref<32x128xf32, #tpu.memory_space<vmem>>
    %dma_start3A_835 = arith.constant 0 : i32
    %dma_start3A_836 = tpu.memref_slice %arg5[%dma_start3A_835, %multiple_of3A_826] : memref<32x1000000xf32, #tpu.memory_space<hbm>> -> memref<32x128xf32, #tpu.memory_space<hbm>>
    %dma_start3A_837 = tpu.memref_slice %arg11[%dma_start3A_829, %dma_start3A_830] : memref<2x8x!tpu.dma_semaphore, #tpu.memory_space<semaphore_mem>> -> memref<1x1x!tpu.dma_semaphore, #tpu.memory_space<semaphore_mem>>
    %dma_start3A_838 = tpu.memref_squeeze %dma_start3A_837 : memref<1x1x!tpu.dma_semaphore, #tpu.memory_space<semaphore_mem>> -> memref<!tpu.dma_semaphore, #tpu.memory_space<semaphore_mem>>
    %dma_start3A_839 = arith.constant 0 : i32
    %dma_start3A_840 = arith.constant 0 : i32
    %dma_start3A_841 = tpu.memref_slice %arg9[%dma_start3A_827, %dma_start3A_828, %dma_start3A_839, %dma_start3A_840] : memref<2x8x32x128xf32, #tpu.memory_space<vmem>> -> memref<1x1x32x128xf32, #tpu.memory_space<vmem>>
    %dma_start3A_842 = tpu.memref_squeeze %dma_start3A_841 : memref<1x1x32x128xf32, #tpu.memory_space<vmem>> -> memref<32x128xf32, #tpu.memory_space<vmem>>
    %dma_start3A_843 = arith.constant 0 : i32
    %dma_start3A_844 = tpu.memref_slice %arg5[%dma_start3A_843, %multiple_of3A_826] : memref<32x1000000xf32, #tpu.memory_space<hbm>> -> memref<32x128xf32, #tpu.memory_space<hbm>>
    tpu.enqueue_dma source(%dma_start3A_844 : memref<32x128xf32, #tpu.memory_space<hbm>>) target(%dma_start3A_842 : memref<32x128xf32, #tpu.memory_space<vmem>>) target_semaphore(%dma_start3A_838 : memref<!tpu.dma_semaphore, #tpu.memory_space<semaphore_mem>>)
    %scan3A_845 = arith.constant 0 : i32
    %scan3A_846 = arith.constant 32 : i32
    %scan3A_847 = arith.addi %scan3A_845, %scan3A_846 : i32
    %scan3A_848 = arith.constant 1 : i32
    %scan3A_849 = scf.for %scan3A_887 = %scan3A_845 to %scan3A_847 step %scan3A_848 iter_args(%scan3A_888 = %get3A_444) -> (vector<16xi32>)  : i32 {
      %and3A = arith.constant 127 : i32
      %and3A_889 = vector.broadcast %and3A : i32 to vector<16xi32>
      %and3A_890 = arith.andi %scan3A_888, %and3A_889 : vector<16xi32>
      %add3A_891 = arith.constant 1 : i32
      %add3A_892 = arith.addi %scan3A_887, %add3A_891 : i32
      %mul3A_893 = arith.constant 16 : i32
      %mul3A_894 = arith.muli %add3A_892, %mul3A_893 : i32
      %get3A_895 = arith.constant 1 : i32
      %get3A_896 = arith.index_cast %get3A_895 : i32 to index
      %get3A_897 = arith.index_cast %mul3A_894 : i32 to index
      %get3A_898 = tpu.vector_load %arg8[%get3A_896, %get3A_897] {strides = array<i32>} : memref<2x528xi32, #tpu.memory_space<vmem>>, vector<16xi32>,
      %gt3A = arith.constant 0 : i32
      %gt3A_899 = arith.cmpi sgt, %scan3A_887, %gt3A : i32
      %convert_element_type3A = arith.extui %gt3A_899 : i1 to i32
      %cond3A = arith.constant 0 : i32
      %cond3A_900 = arith.cmpi ne, %convert_element_type3A, %cond3A : i32
      scf.if %cond3A_900 {
        %dma_wait3A_1790 = arith.constant 0 : i32
        %dma_wait3A_1791 = arith.constant 0 : i32
        %dma_wait3A_1792 = arith.constant 0 : i32
        %dma_wait3A_1793 = arith.constant 0 : i32
        %dma_wait3A_1794 = tpu.memref_slice %arg10[%dma_wait3A_1790, %dma_wait3A_1792, %dma_wait3A_1793] : memref<2x8x32xf32, #tpu.memory_space<vmem>> -> memref<1x8x32xf32, #tpu.memory_space<vmem>>
        %dma_wait3A_1795 = tpu.memref_squeeze %dma_wait3A_1794 : memref<1x8x32xf32, #tpu.memory_space<vmem>> -> memref<8x32xf32, #tpu.memory_space<vmem>>
        %dma_wait3A_1796 = arith.constant 0 : i32
        %dma_wait3A_1797 = arith.constant 0 : i32
        %dma_wait3A_1798 = tpu.memref_slice %arg7[%dma_wait3A_1796, %dma_wait3A_1797] : memref<16384x32xf32, #tpu.memory_space<hbm>> -> memref<8x32xf32, #tpu.memory_space<hbm>>
        %dma_wait3A_1799 = tpu.memref_slice %arg12[%dma_wait3A_1791] : memref<2x!tpu.dma_semaphore, #tpu.memory_space<semaphore_mem>> -> memref<1x!tpu.dma_semaphore, #tpu.memory_space<semaphore_mem>>
        %dma_wait3A_1800 = tpu.memref_squeeze %dma_wait3A_1799 : memref<1x!tpu.dma_semaphore, #tpu.memory_space<semaphore_mem>> -> memref<!tpu.dma_semaphore, #tpu.memory_space<semaphore_mem>>
        %dma_wait3A_1801 = arith.constant 0 : i32
        %dma_wait3A_1802 = arith.constant 0 : i32
        %dma_wait3A_1803 = tpu.memref_slice %arg7[%dma_wait3A_1801, %dma_wait3A_1802] : memref<16384x32xf32, #tpu.memory_space<hbm>> -> memref<8x32xf32, #tpu.memory_space<hbm>>
        %dma_wait3A_1804 = arith.constant 0 : i32
        %dma_wait3A_1805 = arith.constant 0 : i32
        %dma_wait3A_1806 = tpu.memref_slice %arg10[%dma_wait3A_1790, %dma_wait3A_1804, %dma_wait3A_1805] : memref<2x8x32xf32, #tpu.memory_space<vmem>> -> memref<1x8x32xf32, #tpu.memory_space<vmem>>
        %dma_wait3A_1807 = tpu.memref_squeeze %dma_wait3A_1806 : memref<1x8x32xf32, #tpu.memory_space<vmem>> -> memref<8x32xf32, #tpu.memory_space<vmem>>
        tpu.wait_dma2 semaphore(%dma_wait3A_1800 : memref<!tpu.dma_semaphore, #tpu.memory_space<semaphore_mem>>) src(%dma_wait3A_1807 : memref<8x32xf32, #tpu.memory_space<vmem>>) dst(%dma_wait3A_1803 : memref<8x32xf32, #tpu.memory_space<hbm>>)
      } else {
      }
      %dma_wait3A_901 = arith.constant 0 : i32
      %dma_wait3A_902 = arith.constant 0 : i32
      %dma_wait3A_903 = arith.constant 0 : i32
      %dma_wait3A_904 = arith.constant 0 : i32
      %dma_wait3A_905 = arith.constant 0 : i32
      %dma_wait3A_906 = arith.constant 0 : i32
      %dma_wait3A_907 = tpu.memref_slice %arg9[%dma_wait3A_901, %dma_wait3A_902, %dma_wait3A_905, %dma_wait3A_906] : memref<2x8x32x128xf32, #tpu.memory_space<vmem>> -> memref<1x1x32x128xf32, #tpu.memory_space<vmem>>
      %dma_wait3A_908 = tpu.memref_squeeze %dma_wait3A_907 : memref<1x1x32x128xf32, #tpu.memory_space<vmem>> -> memref<32x128xf32, #tpu.memory_space<vmem>>
      %dma_wait3A_909 = arith.constant 0 : i32
      %dma_wait3A_910 = arith.constant 0 : i32
      %dma_wait3A_911 = tpu.memref_slice %arg5[%dma_wait3A_909, %dma_wait3A_910] : memref<32x1000000xf32, #tpu.memory_space<hbm>> -> memref<32x128xf32, #tpu.memory_space<hbm>>
      %dma_wait3A_912 = tpu.memref_slice %arg11[%dma_wait3A_903, %dma_wait3A_904] : memref<2x8x!tpu.dma_semaphore, #tpu.memory_space<semaphore_mem>> -> memref<1x1x!tpu.dma_semaphore, #tpu.memory_space<semaphore_mem>>
      %dma_wait3A_913 = tpu.memref_squeeze %dma_wait3A_912 : memref<1x1x!tpu.dma_semaphore, #tpu.memory_space<semaphore_mem>> -> memref<!tpu.dma_semaphore, #tpu.memory_space<semaphore_mem>>
      %dma_wait3A_914 = arith.constant 0 : i32
      %dma_wait3A_915 = arith.constant 0 : i32
      %dma_wait3A_916 = tpu.memref_slice %arg9[%dma_wait3A_901, %dma_wait3A_902, %dma_wait3A_914, %dma_wait3A_915] : memref<2x8x32x128xf32, #tpu.memory_space<vmem>> -> memref<1x1x32x128xf32, #tpu.memory_space<vmem>>
      %dma_wait3A_917 = tpu.memref_squeeze %dma_wait3A_916 : memref<1x1x32x128xf32, #tpu.memory_space<vmem>> -> memref<32x128xf32, #tpu.memory_space<vmem>>
      %dma_wait3A_918 = arith.constant 0 : i32
      %dma_wait3A_919 = arith.constant 0 : i32
      %dma_wait3A_920 = tpu.memref_slice %arg5[%dma_wait3A_918, %dma_wait3A_919] : memref<32x1000000xf32, #tpu.memory_space<hbm>> -> memref<32x128xf32, #tpu.memory_space<hbm>>
      tpu.wait_dma2 semaphore(%dma_wait3A_913 : memref<!tpu.dma_semaphore, #tpu.memory_space<semaphore_mem>>) src(%dma_wait3A_920 : memref<32x128xf32, #tpu.memory_space<hbm>>) dst(%dma_wait3A_917 : memref<32x128xf32, #tpu.memory_space<vmem>>)
      %slice3A_921 = vector.extract_strided_slice %and3A_890 {offsets = [0], sizes = [1], strides = [1]} : vector<16xi32> to vector<1xi32>
      %squeeze3A_922 = vector.extract %slice3A_921[0] : i32 from vector<1xi32>
      %broadcast_in_dim3A = vector.broadcast %squeeze3A_922 : i32 to vector<16xi32>
      %gather3A = arith.constant 0 : i32
      %gather3A_923 = arith.constant 0 : i32
      %gather3A_924 = arith.constant 0 : i32
      %gather3A_925 = arith.constant 0 : i32
      %gather3A_926 = tpu.memref_slice %arg9[%gather3A, %gather3A_923, %gather3A_924, %gather3A_925] : memref<2x8x32x128xf32, #tpu.memory_space<vmem>> -> memref<1x1x32x128xf32, #tpu.memory_space<vmem>>
      %gather3A_927 = tpu.memref_squeeze %gather3A_926 : memref<1x1x32x128xf32, #tpu.memory_space<vmem>> -> memref<32x128xf32, #tpu.memory_space<vmem>>
      %gather3A_928 = tpu.vector_load_idx %gather3A_927[%iota3A, %broadcast_in_dim3A] : memref<32x128xf32, #tpu.memory_space<vmem>>[vector<16xi32>, vector<16xi32>], vector<16xf32>,
      %add3A_929 = arith.constant 16 : i32
      %add3A_930 = vector.broadcast %add3A_929 : i32 to vector<16xi32>
      %add3A_931 = arith.addi %iota3A, %add3A_930 : vector<16xi32>
      %gather3A_932 = arith.constant 0 : i32
      %gather3A_933 = arith.constant 0 : i32
      %gather3A_934 = arith.constant 0 : i32
      %gather3A_935 = arith.constant 0 : i32
      %gather3A_936 = tpu.memref_slice %arg9[%gather3A_932, %gather3A_933, %gather3A_934, %gather3A_935] : memref<2x8x32x128xf32, #tpu.memory_space<vmem>> -> memref<1x1x32x128xf32, #tpu.memory_space<vmem>>
      %gather3A_937 = tpu.memref_squeeze %gather3A_936 : memref<1x1x32x128xf32, #tpu.memory_space<vmem>> -> memref<32x128xf32, #tpu.memory_space<vmem>>
      %gather3A_938 = tpu.vector_load_idx %gather3A_937[%add3A_931, %broadcast_in_dim3A] : memref<32x128xf32, #tpu.memory_space<vmem>>[vector<16xi32>, vector<16xi32>], vector<16xf32>,
      %swap3A = arith.constant 0 : i32
      %swap3A_939 = arith.constant 0 : i32
      %swap3A_940 = arith.index_cast %swap3A : i32 to index
      %swap3A_941 = arith.index_cast %swap3A_939 : i32 to index
      %swap3A_942 = arith.constant 0 : index
      %swap3A_943 = tpu.vector_load %arg10[%swap3A_940, %swap3A_941, %swap3A_942] {strides = array<i32>} : memref<2x8x32xf32, #tpu.memory_space<vmem>>, vector<16xf32>,
      tpu.vector_store %arg10[%swap3A_940, %swap3A_941, %swap3A_942], %gather3A_928 {strides = array<i32>} : memref<2x8x32xf32, #tpu.memory_space<vmem>>, vector<16xf32>,
      %swap3A_944 = arith.constant 0 : i32
      %swap3A_945 = arith.constant 0 : i32
      %swap3A_946 = arith.index_cast %swap3A_944 : i32 to index
      %swap3A_947 = arith.index_cast %swap3A_945 : i32 to index
      %swap3A_948 = arith.constant 16 : index
      %swap3A_949 = tpu.vector_load %arg10[%swap3A_946, %swap3A_947, %swap3A_948] {strides = array<i32>} : memref<2x8x32xf32, #tpu.memory_space<vmem>>, vector<16xf32>,
      tpu.vector_store %arg10[%swap3A_946, %swap3A_947, %swap3A_948], %gather3A_938 {strides = array<i32>} : memref<2x8x32xf32, #tpu.memory_space<vmem>>, vector<16xf32>,
      %dma_wait3A_950 = arith.constant 0 : i32
      %dma_wait3A_951 = arith.constant 1 : i32
      %dma_wait3A_952 = arith.constant 0 : i32
      %dma_wait3A_953 = arith.constant 1 : i32
      %dma_wait3A_954 = arith.constant 0 : i32
      %dma_wait3A_955 = arith.constant 0 : i32
      %dma_wait3A_956 = tpu.memref_slice %arg9[%dma_wait3A_950, %dma_wait3A_951, %dma_wait3A_954, %dma_wait3A_955] : memref<2x8x32x128xf32, #tpu.memory_space<vmem>> -> memref<1x1x32x128xf32, #tpu.memory_space<vmem>>
      %dma_wait3A_957 = tpu.memref_squeeze %dma_wait3A_956 : memref<1x1x32x128xf32, #tpu.memory_space<vmem>> -> memref<32x128xf32, #tpu.memory_space<vmem>>
      %dma_wait3A_958 = arith.constant 0 : i32
      %dma_wait3A_959 = arith.constant 0 : i32
      %dma_wait3A_960 = tpu.memref_slice %arg5[%dma_wait3A_958, %dma_wait3A_959] : memref<32x1000000xf32, #tpu.memory_space<hbm>> -> memref<32x128xf32, #tpu.memory_space<hbm>>
      %dma_wait3A_961 = tpu.memref_slice %arg11[%dma_wait3A_952, %dma_wait3A_953] : memref<2x8x!tpu.dma_semaphore, #tpu.memory_space<semaphore_mem>> -> memref<1x1x!tpu.dma_semaphore, #tpu.memory_space<semaphore_mem>>
      %dma_wait3A_962 = tpu.memref_squeeze %dma_wait3A_961 : memref<1x1x!tpu.dma_semaphore, #tpu.memory_space<semaphore_mem>> -> memref<!tpu.dma_semaphore, #tpu.memory_space<semaphore_mem>>
      %dma_wait3A_963 = arith.constant 0 : i32
      %dma_wait3A_964 = arith.constant 0 : i32
      %dma_wait3A_965 = tpu.memref_slice %arg9[%dma_wait3A_950, %dma_wait3A_951, %dma_wait3A_963, %dma_wait3A_964] : memref<2x8x32x128xf32, #tpu.memory_space<vmem>> -> memref<1x1x32x128xf32, #tpu.memory_space<vmem>>
      %dma_wait3A_966 = tpu.memref_squeeze %dma_wait3A_965 : memref<1x1x32x128xf32, #tpu.memory_space<vmem>> -> memref<32x128xf32, #tpu.memory_space<vmem>>
      %dma_wait3A_967 = arith.constant 0 : i32
      %dma_wait3A_968 = arith.constant 0 : i32
      %dma_wait3A_969 = tpu.memref_slice %arg5[%dma_wait3A_967, %dma_wait3A_968] : memref<32x1000000xf32, #tpu.memory_space<hbm>> -> memref<32x128xf32, #tpu.memory_space<hbm>>
      tpu.wait_dma2 semaphore(%dma_wait3A_962 : memref<!tpu.dma_semaphore, #tpu.memory_space<semaphore_mem>>) src(%dma_wait3A_969 : memref<32x128xf32, #tpu.memory_space<hbm>>) dst(%dma_wait3A_966 : memref<32x128xf32, #tpu.memory_space<vmem>>)
      %slice3A_970 = vector.extract_strided_slice %and3A_890 {offsets = [1], sizes = [1], strides = [1]} : vector<16xi32> to vector<1xi32>
      %squeeze3A_971 = vector.extract %slice3A_970[0] : i32 from vector<1xi32>
      %broadcast_in_dim3A_972 = vector.broadcast %squeeze3A_971 : i32 to vector<16xi32>
      %gather3A_973 = arith.constant 0 : i32
      %gather3A_974 = arith.constant 1 : i32
      %gather3A_975 = arith.constant 0 : i32
      %gather3A_976 = arith.constant 0 : i32
      %gather3A_977 = tpu.memref_slice %arg9[%gather3A_973, %gather3A_974, %gather3A_975, %gather3A_976] : memref<2x8x32x128xf32, #tpu.memory_space<vmem>> -> memref<1x1x32x128xf32, #tpu.memory_space<vmem>>
      %gather3A_978 = tpu.memref_squeeze %gather3A_977 : memref<1x1x32x128xf32, #tpu.memory_space<vmem>> -> memref<32x128xf32, #tpu.memory_space<vmem>>
      %gather3A_979 = tpu.vector_load_idx %gather3A_978[%iota3A, %broadcast_in_dim3A_972] : memref<32x128xf32, #tpu.memory_space<vmem>>[vector<16xi32>, vector<16xi32>], vector<16xf32>,
      %add3A_980 = arith.constant 16 : i32
      %add3A_981 = vector.broadcast %add3A_980 : i32 to vector<16xi32>
      %add3A_982 = arith.addi %iota3A, %add3A_981 : vector<16xi32>
      %gather3A_983 = arith.constant 0 : i32
      %gather3A_984 = arith.constant 1 : i32
      %gather3A_985 = arith.constant 0 : i32
      %gather3A_986 = arith.constant 0 : i32
      %gather3A_987 = tpu.memref_slice %arg9[%gather3A_983, %gather3A_984, %gather3A_985, %gather3A_986] : memref<2x8x32x128xf32, #tpu.memory_space<vmem>> -> memref<1x1x32x128xf32, #tpu.memory_space<vmem>>
      %gather3A_988 = tpu.memref_squeeze %gather3A_987 : memref<1x1x32x128xf32, #tpu.memory_space<vmem>> -> memref<32x128xf32, #tpu.memory_space<vmem>>
      %gather3A_989 = tpu.vector_load_idx %gather3A_988[%add3A_982, %broadcast_in_dim3A_972] : memref<32x128xf32, #tpu.memory_space<vmem>>[vector<16xi32>, vector<16xi32>], vector<16xf32>,
      %swap3A_990 = arith.constant 0 : i32
      %swap3A_991 = arith.constant 1 : i32
      %swap3A_992 = arith.index_cast %swap3A_990 : i32 to index
      %swap3A_993 = arith.index_cast %swap3A_991 : i32 to index
      %swap3A_994 = arith.constant 0 : index
      %swap3A_995 = tpu.vector_load %arg10[%swap3A_992, %swap3A_993, %swap3A_994] {strides = array<i32>} : memref<2x8x32xf32, #tpu.memory_space<vmem>>, vector<16xf32>,
      tpu.vector_store %arg10[%swap3A_992, %swap3A_993, %swap3A_994], %gather3A_979 {strides = array<i32>} : memref<2x8x32xf32, #tpu.memory_space<vmem>>, vector<16xf32>,
      %swap3A_996 = arith.constant 0 : i32
      %swap3A_997 = arith.constant 1 : i32
      %swap3A_998 = arith.index_cast %swap3A_996 : i32 to index
      %swap3A_999 = arith.index_cast %swap3A_997 : i32 to index
      %swap3A_1000 = arith.constant 16 : index
      %swap3A_1001 = tpu.vector_load %arg10[%swap3A_998, %swap3A_999, %swap3A_1000] {strides = array<i32>} : memref<2x8x32xf32, #tpu.memory_space<vmem>>, vector<16xf32>,
      tpu.vector_store %arg10[%swap3A_998, %swap3A_999, %swap3A_1000], %gather3A_989 {strides = array<i32>} : memref<2x8x32xf32, #tpu.memory_space<vmem>>, vector<16xf32>,
      %dma_wait3A_1002 = arith.constant 0 : i32
      %dma_wait3A_1003 = arith.constant 2 : i32
      %dma_wait3A_1004 = arith.constant 0 : i32
      %dma_wait3A_1005 = arith.constant 2 : i32
      %dma_wait3A_1006 = arith.constant 0 : i32
      %dma_wait3A_1007 = arith.constant 0 : i32
      %dma_wait3A_1008 = tpu.memref_slice %arg9[%dma_wait3A_1002, %dma_wait3A_1003, %dma_wait3A_1006, %dma_wait3A_1007] : memref<2x8x32x128xf32, #tpu.memory_space<vmem>> -> memref<1x1x32x128xf32, #tpu.memory_space<vmem>>
      %dma_wait3A_1009 = tpu.memref_squeeze %dma_wait3A_1008 : memref<1x1x32x128xf32, #tpu.memory_space<vmem>> -> memref<32x128xf32, #tpu.memory_space<vmem>>
      %dma_wait3A_1010 = arith.constant 0 : i32
      %dma_wait3A_1011 = arith.constant 0 : i32
      %dma_wait3A_1012 = tpu.memref_slice %arg5[%dma_wait3A_1010, %dma_wait3A_1011] : memref<32x1000000xf32, #tpu.memory_space<hbm>> -> memref<32x128xf32, #tpu.memory_space<hbm>>
      %dma_wait3A_1013 = tpu.memref_slice %arg11[%dma_wait3A_1004, %dma_wait3A_1005] : memref<2x8x!tpu.dma_semaphore, #tpu.memory_space<semaphore_mem>> -> memref<1x1x!tpu.dma_semaphore, #tpu.memory_space<semaphore_mem>>
      %dma_wait3A_1014 = tpu.memref_squeeze %dma_wait3A_1013 : memref<1x1x!tpu.dma_semaphore, #tpu.memory_space<semaphore_mem>> -> memref<!tpu.dma_semaphore, #tpu.memory_space<semaphore_mem>>
      %dma_wait3A_1015 = arith.constant 0 : i32
      %dma_wait3A_1016 = arith.constant 0 : i32
      %dma_wait3A_1017 = tpu.memref_slice %arg9[%dma_wait3A_1002, %dma_wait3A_1003, %dma_wait3A_1015, %dma_wait3A_1016] : memref<2x8x32x128xf32, #tpu.memory_space<vmem>> -> memref<1x1x32x128xf32, #tpu.memory_space<vmem>>
      %dma_wait3A_1018 = tpu.memref_squeeze %dma_wait3A_1017 : memref<1x1x32x128xf32, #tpu.memory_space<vmem>> -> memref<32x128xf32, #tpu.memory_space<vmem>>
      %dma_wait3A_1019 = arith.constant 0 : i32
      %dma_wait3A_1020 = arith.constant 0 : i32
      %dma_wait3A_1021 = tpu.memref_slice %arg5[%dma_wait3A_1019, %dma_wait3A_1020] : memref<32x1000000xf32, #tpu.memory_space<hbm>> -> memref<32x128xf32, #tpu.memory_space<hbm>>
      tpu.wait_dma2 semaphore(%dma_wait3A_1014 : memref<!tpu.dma_semaphore, #tpu.memory_space<semaphore_mem>>) src(%dma_wait3A_1021 : memref<32x128xf32, #tpu.memory_space<hbm>>) dst(%dma_wait3A_1018 : memref<32x128xf32, #tpu.memory_space<vmem>>)
      %slice3A_1022 = vector.extract_strided_slice %and3A_890 {offsets = [2], sizes = [1], strides = [1]} : vector<16xi32> to vector<1xi32>
      %squeeze3A_1023 = vector.extract %slice3A_1022[0] : i32 from vector<1xi32>
      %broadcast_in_dim3A_1024 = vector.broadcast %squeeze3A_1023 : i32 to vector<16xi32>
      %gather3A_1025 = arith.constant 0 : i32
      %gather3A_1026 = arith.constant 2 : i32
      %gather3A_1027 = arith.constant 0 : i32
      %gather3A_1028 = arith.constant 0 : i32
      %gather3A_1029 = tpu.memref_slice %arg9[%gather3A_1025, %gather3A_1026, %gather3A_1027, %gather3A_1028] : memref<2x8x32x128xf32, #tpu.memory_space<vmem>> -> memref<1x1x32x128xf32, #tpu.memory_space<vmem>>
      %gather3A_1030 = tpu.memref_squeeze %gather3A_1029 : memref<1x1x32x128xf32, #tpu.memory_space<vmem>> -> memref<32x128xf32, #tpu.memory_space<vmem>>
      %gather3A_1031 = tpu.vector_load_idx %gather3A_1030[%iota3A, %broadcast_in_dim3A_1024] : memref<32x128xf32, #tpu.memory_space<vmem>>[vector<16xi32>, vector<16xi32>], vector<16xf32>,
      %add3A_1032 = arith.constant 16 : i32
      %add3A_1033 = vector.broadcast %add3A_1032 : i32 to vector<16xi32>
      %add3A_1034 = arith.addi %iota3A, %add3A_1033 : vector<16xi32>
      %gather3A_1035 = arith.constant 0 : i32
      %gather3A_1036 = arith.constant 2 : i32
      %gather3A_1037 = arith.constant 0 : i32
      %gather3A_1038 = arith.constant 0 : i32
      %gather3A_1039 = tpu.memref_slice %arg9[%gather3A_1035, %gather3A_1036, %gather3A_1037, %gather3A_1038] : memref<2x8x32x128xf32, #tpu.memory_space<vmem>> -> memref<1x1x32x128xf32, #tpu.memory_space<vmem>>
      %gather3A_1040 = tpu.memref_squeeze %gather3A_1039 : memref<1x1x32x128xf32, #tpu.memory_space<vmem>> -> memref<32x128xf32, #tpu.memory_space<vmem>>
      %gather3A_1041 = tpu.vector_load_idx %gather3A_1040[%add3A_1034, %broadcast_in_dim3A_1024] : memref<32x128xf32, #tpu.memory_space<vmem>>[vector<16xi32>, vector<16xi32>], vector<16xf32>,
      %swap3A_1042 = arith.constant 0 : i32
      %swap3A_1043 = arith.constant 2 : i32
      %swap3A_1044 = arith.index_cast %swap3A_1042 : i32 to index
      %swap3A_1045 = arith.index_cast %swap3A_1043 : i32 to index
      %swap3A_1046 = arith.constant 0 : index
      %swap3A_1047 = tpu.vector_load %arg10[%swap3A_1044, %swap3A_1045, %swap3A_1046] {strides = array<i32>} : memref<2x8x32xf32, #tpu.memory_space<vmem>>, vector<16xf32>,
      tpu.vector_store %arg10[%swap3A_1044, %swap3A_1045, %swap3A_1046], %gather3A_1031 {strides = array<i32>} : memref<2x8x32xf32, #tpu.memory_space<vmem>>, vector<16xf32>,
      %swap3A_1048 = arith.constant 0 : i32
      %swap3A_1049 = arith.constant 2 : i32
      %swap3A_1050 = arith.index_cast %swap3A_1048 : i32 to index
      %swap3A_1051 = arith.index_cast %swap3A_1049 : i32 to index
      %swap3A_1052 = arith.constant 16 : index
      %swap3A_1053 = tpu.vector_load %arg10[%swap3A_1050, %swap3A_1051, %swap3A_1052] {strides = array<i32>} : memref<2x8x32xf32, #tpu.memory_space<vmem>>, vector<16xf32>,
      tpu.vector_store %arg10[%swap3A_1050, %swap3A_1051, %swap3A_1052], %gather3A_1041 {strides = array<i32>} : memref<2x8x32xf32, #tpu.memory_space<vmem>>, vector<16xf32>,
      %dma_wait3A_1054 = arith.constant 0 : i32
      %dma_wait3A_1055 = arith.constant 3 : i32
      %dma_wait3A_1056 = arith.constant 0 : i32
      %dma_wait3A_1057 = arith.constant 3 : i32
      %dma_wait3A_1058 = arith.constant 0 : i32
      %dma_wait3A_1059 = arith.constant 0 : i32
      %dma_wait3A_1060 = tpu.memref_slice %arg9[%dma_wait3A_1054, %dma_wait3A_1055, %dma_wait3A_1058, %dma_wait3A_1059] : memref<2x8x32x128xf32, #tpu.memory_space<vmem>> -> memref<1x1x32x128xf32, #tpu.memory_space<vmem>>
      %dma_wait3A_1061 = tpu.memref_squeeze %dma_wait3A_1060 : memref<1x1x32x128xf32, #tpu.memory_space<vmem>> -> memref<32x128xf32, #tpu.memory_space<vmem>>
      %dma_wait3A_1062 = arith.constant 0 : i32
      %dma_wait3A_1063 = arith.constant 0 : i32
      %dma_wait3A_1064 = tpu.memref_slice %arg5[%dma_wait3A_1062, %dma_wait3A_1063] : memref<32x1000000xf32, #tpu.memory_space<hbm>> -> memref<32x128xf32, #tpu.memory_space<hbm>>
      %dma_wait3A_1065 = tpu.memref_slice %arg11[%dma_wait3A_1056, %dma_wait3A_1057] : memref<2x8x!tpu.dma_semaphore, #tpu.memory_space<semaphore_mem>> -> memref<1x1x!tpu.dma_semaphore, #tpu.memory_space<semaphore_mem>>
      %dma_wait3A_1066 = tpu.memref_squeeze %dma_wait3A_1065 : memref<1x1x!tpu.dma_semaphore, #tpu.memory_space<semaphore_mem>> -> memref<!tpu.dma_semaphore, #tpu.memory_space<semaphore_mem>>
      %dma_wait3A_1067 = arith.constant 0 : i32
      %dma_wait3A_1068 = arith.constant 0 : i32
      %dma_wait3A_1069 = tpu.memref_slice %arg9[%dma_wait3A_1054, %dma_wait3A_1055, %dma_wait3A_1067, %dma_wait3A_1068] : memref<2x8x32x128xf32, #tpu.memory_space<vmem>> -> memref<1x1x32x128xf32, #tpu.memory_space<vmem>>
      %dma_wait3A_1070 = tpu.memref_squeeze %dma_wait3A_1069 : memref<1x1x32x128xf32, #tpu.memory_space<vmem>> -> memref<32x128xf32, #tpu.memory_space<vmem>>
      %dma_wait3A_1071 = arith.constant 0 : i32
      %dma_wait3A_1072 = arith.constant 0 : i32
      %dma_wait3A_1073 = tpu.memref_slice %arg5[%dma_wait3A_1071, %dma_wait3A_1072] : memref<32x1000000xf32, #tpu.memory_space<hbm>> -> memref<32x128xf32, #tpu.memory_space<hbm>>
      tpu.wait_dma2 semaphore(%dma_wait3A_1066 : memref<!tpu.dma_semaphore, #tpu.memory_space<semaphore_mem>>) src(%dma_wait3A_1073 : memref<32x128xf32, #tpu.memory_space<hbm>>) dst(%dma_wait3A_1070 : memref<32x128xf32, #tpu.memory_space<vmem>>)
      %slice3A_1074 = vector.extract_strided_slice %and3A_890 {offsets = [3], sizes = [1], strides = [1]} : vector<16xi32> to vector<1xi32>
      %squeeze3A_1075 = vector.extract %slice3A_1074[0] : i32 from vector<1xi32>
      %broadcast_in_dim3A_1076 = vector.broadcast %squeeze3A_1075 : i32 to vector<16xi32>
      %gather3A_1077 = arith.constant 0 : i32
      %gather3A_1078 = arith.constant 3 : i32
      %gather3A_1079 = arith.constant 0 : i32
      %gather3A_1080 = arith.constant 0 : i32
      %gather3A_1081 = tpu.memref_slice %arg9[%gather3A_1077, %gather3A_1078, %gather3A_1079, %gather3A_1080] : memref<2x8x32x128xf32, #tpu.memory_space<vmem>> -> memref<1x1x32x128xf32, #tpu.memory_space<vmem>>
      %gather3A_1082 = tpu.memref_squeeze %gather3A_1081 : memref<1x1x32x128xf32, #tpu.memory_space<vmem>> -> memref<32x128xf32, #tpu.memory_space<vmem>>
      %gather3A_1083 = tpu.vector_load_idx %gather3A_1082[%iota3A, %broadcast_in_dim3A_1076] : memref<32x128xf32, #tpu.memory_space<vmem>>[vector<16xi32>, vector<16xi32>], vector<16xf32>,
      %add3A_1084 = arith.constant 16 : i32
      %add3A_1085 = vector.broadcast %add3A_1084 : i32 to vector<16xi32>
      %add3A_1086 = arith.addi %iota3A, %add3A_1085 : vector<16xi32>
      %gather3A_1087 = arith.constant 0 : i32
      %gather3A_1088 = arith.constant 3 : i32
      %gather3A_1089 = arith.constant 0 : i32
      %gather3A_1090 = arith.constant 0 : i32
      %gather3A_1091 = tpu.memref_slice %arg9[%gather3A_1087, %gather3A_1088, %gather3A_1089, %gather3A_1090] : memref<2x8x32x128xf32, #tpu.memory_space<vmem>> -> memref<1x1x32x128xf32, #tpu.memory_space<vmem>>
      %gather3A_1092 = tpu.memref_squeeze %gather3A_1091 : memref<1x1x32x128xf32, #tpu.memory_space<vmem>> -> memref<32x128xf32, #tpu.memory_space<vmem>>
      %gather3A_1093 = tpu.vector_load_idx %gather3A_1092[%add3A_1086, %broadcast_in_dim3A_1076] : memref<32x128xf32, #tpu.memory_space<vmem>>[vector<16xi32>, vector<16xi32>], vector<16xf32>,
      %swap3A_1094 = arith.constant 0 : i32
      %swap3A_1095 = arith.constant 3 : i32
      %swap3A_1096 = arith.index_cast %swap3A_1094 : i32 to index
      %swap3A_1097 = arith.index_cast %swap3A_1095 : i32 to index
      %swap3A_1098 = arith.constant 0 : index
      %swap3A_1099 = tpu.vector_load %arg10[%swap3A_1096, %swap3A_1097, %swap3A_1098] {strides = array<i32>} : memref<2x8x32xf32, #tpu.memory_space<vmem>>, vector<16xf32>,
      tpu.vector_store %arg10[%swap3A_1096, %swap3A_1097, %swap3A_1098], %gather3A_1083 {strides = array<i32>} : memref<2x8x32xf32, #tpu.memory_space<vmem>>, vector<16xf32>,
      %swap3A_1100 = arith.constant 0 : i32
      %swap3A_1101 = arith.constant 3 : i32
      %swap3A_1102 = arith.index_cast %swap3A_1100 : i32 to index
      %swap3A_1103 = arith.index_cast %swap3A_1101 : i32 to index
      %swap3A_1104 = arith.constant 16 : index
      %swap3A_1105 = tpu.vector_load %arg10[%swap3A_1102, %swap3A_1103, %swap3A_1104] {strides = array<i32>} : memref<2x8x32xf32, #tpu.memory_space<vmem>>, vector<16xf32>,
      tpu.vector_store %arg10[%swap3A_1102, %swap3A_1103, %swap3A_1104], %gather3A_1093 {strides = array<i32>} : memref<2x8x32xf32, #tpu.memory_space<vmem>>, vector<16xf32>,
      %dma_wait3A_1106 = arith.constant 0 : i32
      %dma_wait3A_1107 = arith.constant 4 : i32
      %dma_wait3A_1108 = arith.constant 0 : i32
      %dma_wait3A_1109 = arith.constant 4 : i32
      %dma_wait3A_1110 = arith.constant 0 : i32
      %dma_wait3A_1111 = arith.constant 0 : i32
      %dma_wait3A_1112 = tpu.memref_slice %arg9[%dma_wait3A_1106, %dma_wait3A_1107, %dma_wait3A_1110, %dma_wait3A_1111] : memref<2x8x32x128xf32, #tpu.memory_space<vmem>> -> memref<1x1x32x128xf32, #tpu.memory_space<vmem>>
      %dma_wait3A_1113 = tpu.memref_squeeze %dma_wait3A_1112 : memref<1x1x32x128xf32, #tpu.memory_space<vmem>> -> memref<32x128xf32, #tpu.memory_space<vmem>>
      %dma_wait3A_1114 = arith.constant 0 : i32
      %dma_wait3A_1115 = arith.constant 0 : i32
      %dma_wait3A_1116 = tpu.memref_slice %arg5[%dma_wait3A_1114, %dma_wait3A_1115] : memref<32x1000000xf32, #tpu.memory_space<hbm>> -> memref<32x128xf32, #tpu.memory_space<hbm>>
      %dma_wait3A_1117 = tpu.memref_slice %arg11[%dma_wait3A_1108, %dma_wait3A_1109] : memref<2x8x!tpu.dma_semaphore, #tpu.memory_space<semaphore_mem>> -> memref<1x1x!tpu.dma_semaphore, #tpu.memory_space<semaphore_mem>>
      %dma_wait3A_1118 = tpu.memref_squeeze %dma_wait3A_1117 : memref<1x1x!tpu.dma_semaphore, #tpu.memory_space<semaphore_mem>> -> memref<!tpu.dma_semaphore, #tpu.memory_space<semaphore_mem>>
      %dma_wait3A_1119 = arith.constant 0 : i32
      %dma_wait3A_1120 = arith.constant 0 : i32
      %dma_wait3A_1121 = tpu.memref_slice %arg9[%dma_wait3A_1106, %dma_wait3A_1107, %dma_wait3A_1119, %dma_wait3A_1120] : memref<2x8x32x128xf32, #tpu.memory_space<vmem>> -> memref<1x1x32x128xf32, #tpu.memory_space<vmem>>
      %dma_wait3A_1122 = tpu.memref_squeeze %dma_wait3A_1121 : memref<1x1x32x128xf32, #tpu.memory_space<vmem>> -> memref<32x128xf32, #tpu.memory_space<vmem>>
      %dma_wait3A_1123 = arith.constant 0 : i32
      %dma_wait3A_1124 = arith.constant 0 : i32
      %dma_wait3A_1125 = tpu.memref_slice %arg5[%dma_wait3A_1123, %dma_wait3A_1124] : memref<32x1000000xf32, #tpu.memory_space<hbm>> -> memref<32x128xf32, #tpu.memory_space<hbm>>
      tpu.wait_dma2 semaphore(%dma_wait3A_1118 : memref<!tpu.dma_semaphore, #tpu.memory_space<semaphore_mem>>) src(%dma_wait3A_1125 : memref<32x128xf32, #tpu.memory_space<hbm>>) dst(%dma_wait3A_1122 : memref<32x128xf32, #tpu.memory_space<vmem>>)
      %slice3A_1126 = vector.extract_strided_slice %and3A_890 {offsets = [4], sizes = [1], strides = [1]} : vector<16xi32> to vector<1xi32>
      %squeeze3A_1127 = vector.extract %slice3A_1126[0] : i32 from vector<1xi32>
      %broadcast_in_dim3A_1128 = vector.broadcast %squeeze3A_1127 : i32 to vector<16xi32>
      %gather3A_1129 = arith.constant 0 : i32
      %gather3A_1130 = arith.constant 4 : i32
      %gather3A_1131 = arith.constant 0 : i32
      %gather3A_1132 = arith.constant 0 : i32
      %gather3A_1133 = tpu.memref_slice %arg9[%gather3A_1129, %gather3A_1130, %gather3A_1131, %gather3A_1132] : memref<2x8x32x128xf32, #tpu.memory_space<vmem>> -> memref<1x1x32x128xf32, #tpu.memory_space<vmem>>
      %gather3A_1134 = tpu.memref_squeeze %gather3A_1133 : memref<1x1x32x128xf32, #tpu.memory_space<vmem>> -> memref<32x128xf32, #tpu.memory_space<vmem>>
      %gather3A_1135 = tpu.vector_load_idx %gather3A_1134[%iota3A, %broadcast_in_dim3A_1128] : memref<32x128xf32, #tpu.memory_space<vmem>>[vector<16xi32>, vector<16xi32>], vector<16xf32>,
      %add3A_1136 = arith.constant 16 : i32
      %add3A_1137 = vector.broadcast %add3A_1136 : i32 to vector<16xi32>
      %add3A_1138 = arith.addi %iota3A, %add3A_1137 : vector<16xi32>
      %gather3A_1139 = arith.constant 0 : i32
      %gather3A_1140 = arith.constant 4 : i32
      %gather3A_1141 = arith.constant 0 : i32
      %gather3A_1142 = arith.constant 0 : i32
      %gather3A_1143 = tpu.memref_slice %arg9[%gather3A_1139, %gather3A_1140, %gather3A_1141, %gather3A_1142] : memref<2x8x32x128xf32, #tpu.memory_space<vmem>> -> memref<1x1x32x128xf32, #tpu.memory_space<vmem>>
      %gather3A_1144 = tpu.memref_squeeze %gather3A_1143 : memref<1x1x32x128xf32, #tpu.memory_space<vmem>> -> memref<32x128xf32, #tpu.memory_space<vmem>>
      %gather3A_1145 = tpu.vector_load_idx %gather3A_1144[%add3A_1138, %broadcast_in_dim3A_1128] : memref<32x128xf32, #tpu.memory_space<vmem>>[vector<16xi32>, vector<16xi32>], vector<16xf32>,
      %swap3A_1146 = arith.constant 0 : i32
      %swap3A_1147 = arith.constant 4 : i32
      %swap3A_1148 = arith.index_cast %swap3A_1146 : i32 to index
      %swap3A_1149 = arith.index_cast %swap3A_1147 : i32 to index
      %swap3A_1150 = arith.constant 0 : index
      %swap3A_1151 = tpu.vector_load %arg10[%swap3A_1148, %swap3A_1149, %swap3A_1150] {strides = array<i32>} : memref<2x8x32xf32, #tpu.memory_space<vmem>>, vector<16xf32>,
      tpu.vector_store %arg10[%swap3A_1148, %swap3A_1149, %swap3A_1150], %gather3A_1135 {strides = array<i32>} : memref<2x8x32xf32, #tpu.memory_space<vmem>>, vector<16xf32>,
      %swap3A_1152 = arith.constant 0 : i32
      %swap3A_1153 = arith.constant 4 : i32
      %swap3A_1154 = arith.index_cast %swap3A_1152 : i32 to index
      %swap3A_1155 = arith.index_cast %swap3A_1153 : i32 to index
      %swap3A_1156 = arith.constant 16 : index
      %swap3A_1157 = tpu.vector_load %arg10[%swap3A_1154, %swap3A_1155, %swap3A_1156] {strides = array<i32>} : memref<2x8x32xf32, #tpu.memory_space<vmem>>, vector<16xf32>,
      tpu.vector_store %arg10[%swap3A_1154, %swap3A_1155, %swap3A_1156], %gather3A_1145 {strides = array<i32>} : memref<2x8x32xf32, #tpu.memory_space<vmem>>, vector<16xf32>,
      %dma_wait3A_1158 = arith.constant 0 : i32
      %dma_wait3A_1159 = arith.constant 5 : i32
      %dma_wait3A_1160 = arith.constant 0 : i32
      %dma_wait3A_1161 = arith.constant 5 : i32
      %dma_wait3A_1162 = arith.constant 0 : i32
      %dma_wait3A_1163 = arith.constant 0 : i32
      %dma_wait3A_1164 = tpu.memref_slice %arg9[%dma_wait3A_1158, %dma_wait3A_1159, %dma_wait3A_1162, %dma_wait3A_1163] : memref<2x8x32x128xf32, #tpu.memory_space<vmem>> -> memref<1x1x32x128xf32, #tpu.memory_space<vmem>>
      %dma_wait3A_1165 = tpu.memref_squeeze %dma_wait3A_1164 : memref<1x1x32x128xf32, #tpu.memory_space<vmem>> -> memref<32x128xf32, #tpu.memory_space<vmem>>
      %dma_wait3A_1166 = arith.constant 0 : i32
      %dma_wait3A_1167 = arith.constant 0 : i32
      %dma_wait3A_1168 = tpu.memref_slice %arg5[%dma_wait3A_1166, %dma_wait3A_1167] : memref<32x1000000xf32, #tpu.memory_space<hbm>> -> memref<32x128xf32, #tpu.memory_space<hbm>>
      %dma_wait3A_1169 = tpu.memref_slice %arg11[%dma_wait3A_1160, %dma_wait3A_1161] : memref<2x8x!tpu.dma_semaphore, #tpu.memory_space<semaphore_mem>> -> memref<1x1x!tpu.dma_semaphore, #tpu.memory_space<semaphore_mem>>
      %dma_wait3A_1170 = tpu.memref_squeeze %dma_wait3A_1169 : memref<1x1x!tpu.dma_semaphore, #tpu.memory_space<semaphore_mem>> -> memref<!tpu.dma_semaphore, #tpu.memory_space<semaphore_mem>>
      %dma_wait3A_1171 = arith.constant 0 : i32
      %dma_wait3A_1172 = arith.constant 0 : i32
      %dma_wait3A_1173 = tpu.memref_slice %arg9[%dma_wait3A_1158, %dma_wait3A_1159, %dma_wait3A_1171, %dma_wait3A_1172] : memref<2x8x32x128xf32, #tpu.memory_space<vmem>> -> memref<1x1x32x128xf32, #tpu.memory_space<vmem>>
      %dma_wait3A_1174 = tpu.memref_squeeze %dma_wait3A_1173 : memref<1x1x32x128xf32, #tpu.memory_space<vmem>> -> memref<32x128xf32, #tpu.memory_space<vmem>>
      %dma_wait3A_1175 = arith.constant 0 : i32
      %dma_wait3A_1176 = arith.constant 0 : i32
      %dma_wait3A_1177 = tpu.memref_slice %arg5[%dma_wait3A_1175, %dma_wait3A_1176] : memref<32x1000000xf32, #tpu.memory_space<hbm>> -> memref<32x128xf32, #tpu.memory_space<hbm>>
      tpu.wait_dma2 semaphore(%dma_wait3A_1170 : memref<!tpu.dma_semaphore, #tpu.memory_space<semaphore_mem>>) src(%dma_wait3A_1177 : memref<32x128xf32, #tpu.memory_space<hbm>>) dst(%dma_wait3A_1174 : memref<32x128xf32, #tpu.memory_space<vmem>>)
      %slice3A_1178 = vector.extract_strided_slice %and3A_890 {offsets = [5], sizes = [1], strides = [1]} : vector<16xi32> to vector<1xi32>
      %squeeze3A_1179 = vector.extract %slice3A_1178[0] : i32 from vector<1xi32>
      %broadcast_in_dim3A_1180 = vector.broadcast %squeeze3A_1179 : i32 to vector<16xi32>
      %gather3A_1181 = arith.constant 0 : i32
      %gather3A_1182 = arith.constant 5 : i32
      %gather3A_1183 = arith.constant 0 : i32
      %gather3A_1184 = arith.constant 0 : i32
      %gather3A_1185 = tpu.memref_slice %arg9[%gather3A_1181, %gather3A_1182, %gather3A_1183, %gather3A_1184] : memref<2x8x32x128xf32, #tpu.memory_space<vmem>> -> memref<1x1x32x128xf32, #tpu.memory_space<vmem>>
      %gather3A_1186 = tpu.memref_squeeze %gather3A_1185 : memref<1x1x32x128xf32, #tpu.memory_space<vmem>> -> memref<32x128xf32, #tpu.memory_space<vmem>>
      %gather3A_1187 = tpu.vector_load_idx %gather3A_1186[%iota3A, %broadcast_in_dim3A_1180] : memref<32x128xf32, #tpu.memory_space<vmem>>[vector<16xi32>, vector<16xi32>], vector<16xf32>,
      %add3A_1188 = arith.constant 16 : i32
      %add3A_1189 = vector.broadcast %add3A_1188 : i32 to vector<16xi32>
      %add3A_1190 = arith.addi %iota3A, %add3A_1189 : vector<16xi32>
      %gather3A_1191 = arith.constant 0 : i32
      %gather3A_1192 = arith.constant 5 : i32
      %gather3A_1193 = arith.constant 0 : i32
      %gather3A_1194 = arith.constant 0 : i32
      %gather3A_1195 = tpu.memref_slice %arg9[%gather3A_1191, %gather3A_1192, %gather3A_1193, %gather3A_1194] : memref<2x8x32x128xf32, #tpu.memory_space<vmem>> -> memref<1x1x32x128xf32, #tpu.memory_space<vmem>>
      %gather3A_1196 = tpu.memref_squeeze %gather3A_1195 : memref<1x1x32x128xf32, #tpu.memory_space<vmem>> -> memref<32x128xf32, #tpu.memory_space<vmem>>
      %gather3A_1197 = tpu.vector_load_idx %gather3A_1196[%add3A_1190, %broadcast_in_dim3A_1180] : memref<32x128xf32, #tpu.memory_space<vmem>>[vector<16xi32>, vector<16xi32>], vector<16xf32>,
      %swap3A_1198 = arith.constant 0 : i32
      %swap3A_1199 = arith.constant 5 : i32
      %swap3A_1200 = arith.index_cast %swap3A_1198 : i32 to index
      %swap3A_1201 = arith.index_cast %swap3A_1199 : i32 to index
      %swap3A_1202 = arith.constant 0 : index
      %swap3A_1203 = tpu.vector_load %arg10[%swap3A_1200, %swap3A_1201, %swap3A_1202] {strides = array<i32>} : memref<2x8x32xf32, #tpu.memory_space<vmem>>, vector<16xf32>,
      tpu.vector_store %arg10[%swap3A_1200, %swap3A_1201, %swap3A_1202], %gather3A_1187 {strides = array<i32>} : memref<2x8x32xf32, #tpu.memory_space<vmem>>, vector<16xf32>,
      %swap3A_1204 = arith.constant 0 : i32
      %swap3A_1205 = arith.constant 5 : i32
      %swap3A_1206 = arith.index_cast %swap3A_1204 : i32 to index
      %swap3A_1207 = arith.index_cast %swap3A_1205 : i32 to index
      %swap3A_1208 = arith.constant 16 : index
      %swap3A_1209 = tpu.vector_load %arg10[%swap3A_1206, %swap3A_1207, %swap3A_1208] {strides = array<i32>} : memref<2x8x32xf32, #tpu.memory_space<vmem>>, vector<16xf32>,
      tpu.vector_store %arg10[%swap3A_1206, %swap3A_1207, %swap3A_1208], %gather3A_1197 {strides = array<i32>} : memref<2x8x32xf32, #tpu.memory_space<vmem>>, vector<16xf32>,
      %dma_wait3A_1210 = arith.constant 0 : i32
      %dma_wait3A_1211 = arith.constant 6 : i32
      %dma_wait3A_1212 = arith.constant 0 : i32
      %dma_wait3A_1213 = arith.constant 6 : i32
      %dma_wait3A_1214 = arith.constant 0 : i32
      %dma_wait3A_1215 = arith.constant 0 : i32
      %dma_wait3A_1216 = tpu.memref_slice %arg9[%dma_wait3A_1210, %dma_wait3A_1211, %dma_wait3A_1214, %dma_wait3A_1215] : memref<2x8x32x128xf32, #tpu.memory_space<vmem>> -> memref<1x1x32x128xf32, #tpu.memory_space<vmem>>
      %dma_wait3A_1217 = tpu.memref_squeeze %dma_wait3A_1216 : memref<1x1x32x128xf32, #tpu.memory_space<vmem>> -> memref<32x128xf32, #tpu.memory_space<vmem>>
      %dma_wait3A_1218 = arith.constant 0 : i32
      %dma_wait3A_1219 = arith.constant 0 : i32
      %dma_wait3A_1220 = tpu.memref_slice %arg5[%dma_wait3A_1218, %dma_wait3A_1219] : memref<32x1000000xf32, #tpu.memory_space<hbm>> -> memref<32x128xf32, #tpu.memory_space<hbm>>
      %dma_wait3A_1221 = tpu.memref_slice %arg11[%dma_wait3A_1212, %dma_wait3A_1213] : memref<2x8x!tpu.dma_semaphore, #tpu.memory_space<semaphore_mem>> -> memref<1x1x!tpu.dma_semaphore, #tpu.memory_space<semaphore_mem>>
      %dma_wait3A_1222 = tpu.memref_squeeze %dma_wait3A_1221 : memref<1x1x!tpu.dma_semaphore, #tpu.memory_space<semaphore_mem>> -> memref<!tpu.dma_semaphore, #tpu.memory_space<semaphore_mem>>
      %dma_wait3A_1223 = arith.constant 0 : i32
      %dma_wait3A_1224 = arith.constant 0 : i32
      %dma_wait3A_1225 = tpu.memref_slice %arg9[%dma_wait3A_1210, %dma_wait3A_1211, %dma_wait3A_1223, %dma_wait3A_1224] : memref<2x8x32x128xf32, #tpu.memory_space<vmem>> -> memref<1x1x32x128xf32, #tpu.memory_space<vmem>>
      %dma_wait3A_1226 = tpu.memref_squeeze %dma_wait3A_1225 : memref<1x1x32x128xf32, #tpu.memory_space<vmem>> -> memref<32x128xf32, #tpu.memory_space<vmem>>
      %dma_wait3A_1227 = arith.constant 0 : i32
      %dma_wait3A_1228 = arith.constant 0 : i32
      %dma_wait3A_1229 = tpu.memref_slice %arg5[%dma_wait3A_1227, %dma_wait3A_1228] : memref<32x1000000xf32, #tpu.memory_space<hbm>> -> memref<32x128xf32, #tpu.memory_space<hbm>>
      tpu.wait_dma2 semaphore(%dma_wait3A_1222 : memref<!tpu.dma_semaphore, #tpu.memory_space<semaphore_mem>>) src(%dma_wait3A_1229 : memref<32x128xf32, #tpu.memory_space<hbm>>) dst(%dma_wait3A_1226 : memref<32x128xf32, #tpu.memory_space<vmem>>)
      %slice3A_1230 = vector.extract_strided_slice %and3A_890 {offsets = [6], sizes = [1], strides = [1]} : vector<16xi32> to vector<1xi32>
      %squeeze3A_1231 = vector.extract %slice3A_1230[0] : i32 from vector<1xi32>
      %broadcast_in_dim3A_1232 = vector.broadcast %squeeze3A_1231 : i32 to vector<16xi32>
      %gather3A_1233 = arith.constant 0 : i32
      %gather3A_1234 = arith.constant 6 : i32
      %gather3A_1235 = arith.constant 0 : i32
      %gather3A_1236 = arith.constant 0 : i32
      %gather3A_1237 = tpu.memref_slice %arg9[%gather3A_1233, %gather3A_1234, %gather3A_1235, %gather3A_1236] : memref<2x8x32x128xf32, #tpu.memory_space<vmem>> -> memref<1x1x32x128xf32, #tpu.memory_space<vmem>>
      %gather3A_1238 = tpu.memref_squeeze %gather3A_1237 : memref<1x1x32x128xf32, #tpu.memory_space<vmem>> -> memref<32x128xf32, #tpu.memory_space<vmem>>
      %gather3A_1239 = tpu.vector_load_idx %gather3A_1238[%iota3A, %broadcast_in_dim3A_1232] : memref<32x128xf32, #tpu.memory_space<vmem>>[vector<16xi32>, vector<16xi32>], vector<16xf32>,
      %add3A_1240 = arith.constant 16 : i32
      %add3A_1241 = vector.broadcast %add3A_1240 : i32 to vector<16xi32>
      %add3A_1242 = arith.addi %iota3A, %add3A_1241 : vector<16xi32>
      %gather3A_1243 = arith.constant 0 : i32
      %gather3A_1244 = arith.constant 6 : i32
      %gather3A_1245 = arith.constant 0 : i32
      %gather3A_1246 = arith.constant 0 : i32
      %gather3A_1247 = tpu.memref_slice %arg9[%gather3A_1243, %gather3A_1244, %gather3A_1245, %gather3A_1246] : memref<2x8x32x128xf32, #tpu.memory_space<vmem>> -> memref<1x1x32x128xf32, #tpu.memory_space<vmem>>
      %gather3A_1248 = tpu.memref_squeeze %gather3A_1247 : memref<1x1x32x128xf32, #tpu.memory_space<vmem>> -> memref<32x128xf32, #tpu.memory_space<vmem>>
      %gather3A_1249 = tpu.vector_load_idx %gather3A_1248[%add3A_1242, %broadcast_in_dim3A_1232] : memref<32x128xf32, #tpu.memory_space<vmem>>[vector<16xi32>, vector<16xi32>], vector<16xf32>,
      %swap3A_1250 = arith.constant 0 : i32
      %swap3A_1251 = arith.constant 6 : i32
      %swap3A_1252 = arith.index_cast %swap3A_1250 : i32 to index
      %swap3A_1253 = arith.index_cast %swap3A_1251 : i32 to index
      %swap3A_1254 = arith.constant 0 : index
      %swap3A_1255 = tpu.vector_load %arg10[%swap3A_1252, %swap3A_1253, %swap3A_1254] {strides = array<i32>} : memref<2x8x32xf32, #tpu.memory_space<vmem>>, vector<16xf32>,
      tpu.vector_store %arg10[%swap3A_1252, %swap3A_1253, %swap3A_1254], %gather3A_1239 {strides = array<i32>} : memref<2x8x32xf32, #tpu.memory_space<vmem>>, vector<16xf32>,
      %swap3A_1256 = arith.constant 0 : i32
      %swap3A_1257 = arith.constant 6 : i32
      %swap3A_1258 = arith.index_cast %swap3A_1256 : i32 to index
      %swap3A_1259 = arith.index_cast %swap3A_1257 : i32 to index
      %swap3A_1260 = arith.constant 16 : index
      %swap3A_1261 = tpu.vector_load %arg10[%swap3A_1258, %swap3A_1259, %swap3A_1260] {strides = array<i32>} : memref<2x8x32xf32, #tpu.memory_space<vmem>>, vector<16xf32>,
      tpu.vector_store %arg10[%swap3A_1258, %swap3A_1259, %swap3A_1260], %gather3A_1249 {strides = array<i32>} : memref<2x8x32xf32, #tpu.memory_space<vmem>>, vector<16xf32>,
      %dma_wait3A_1262 = arith.constant 0 : i32
      %dma_wait3A_1263 = arith.constant 7 : i32
      %dma_wait3A_1264 = arith.constant 0 : i32
      %dma_wait3A_1265 = arith.constant 7 : i32
      %dma_wait3A_1266 = arith.constant 0 : i32
      %dma_wait3A_1267 = arith.constant 0 : i32
      %dma_wait3A_1268 = tpu.memref_slice %arg9[%dma_wait3A_1262, %dma_wait3A_1263, %dma_wait3A_1266, %dma_wait3A_1267] : memref<2x8x32x128xf32, #tpu.memory_space<vmem>> -> memref<1x1x32x128xf32, #tpu.memory_space<vmem>>
      %dma_wait3A_1269 = tpu.memref_squeeze %dma_wait3A_1268 : memref<1x1x32x128xf32, #tpu.memory_space<vmem>> -> memref<32x128xf32, #tpu.memory_space<vmem>>
      %dma_wait3A_1270 = arith.constant 0 : i32
      %dma_wait3A_1271 = arith.constant 0 : i32
      %dma_wait3A_1272 = tpu.memref_slice %arg5[%dma_wait3A_1270, %dma_wait3A_1271] : memref<32x1000000xf32, #tpu.memory_space<hbm>> -> memref<32x128xf32, #tpu.memory_space<hbm>>
      %dma_wait3A_1273 = tpu.memref_slice %arg11[%dma_wait3A_1264, %dma_wait3A_1265] : memref<2x8x!tpu.dma_semaphore, #tpu.memory_space<semaphore_mem>> -> memref<1x1x!tpu.dma_semaphore, #tpu.memory_space<semaphore_mem>>
      %dma_wait3A_1274 = tpu.memref_squeeze %dma_wait3A_1273 : memref<1x1x!tpu.dma_semaphore, #tpu.memory_space<semaphore_mem>> -> memref<!tpu.dma_semaphore, #tpu.memory_space<semaphore_mem>>
      %dma_wait3A_1275 = arith.constant 0 : i32
      %dma_wait3A_1276 = arith.constant 0 : i32
      %dma_wait3A_1277 = tpu.memref_slice %arg9[%dma_wait3A_1262, %dma_wait3A_1263, %dma_wait3A_1275, %dma_wait3A_1276] : memref<2x8x32x128xf32, #tpu.memory_space<vmem>> -> memref<1x1x32x128xf32, #tpu.memory_space<vmem>>
      %dma_wait3A_1278 = tpu.memref_squeeze %dma_wait3A_1277 : memref<1x1x32x128xf32, #tpu.memory_space<vmem>> -> memref<32x128xf32, #tpu.memory_space<vmem>>
      %dma_wait3A_1279 = arith.constant 0 : i32
      %dma_wait3A_1280 = arith.constant 0 : i32
      %dma_wait3A_1281 = tpu.memref_slice %arg5[%dma_wait3A_1279, %dma_wait3A_1280] : memref<32x1000000xf32, #tpu.memory_space<hbm>> -> memref<32x128xf32, #tpu.memory_space<hbm>>
      tpu.wait_dma2 semaphore(%dma_wait3A_1274 : memref<!tpu.dma_semaphore, #tpu.memory_space<semaphore_mem>>) src(%dma_wait3A_1281 : memref<32x128xf32, #tpu.memory_space<hbm>>) dst(%dma_wait3A_1278 : memref<32x128xf32, #tpu.memory_space<vmem>>)
      %slice3A_1282 = vector.extract_strided_slice %and3A_890 {offsets = [7], sizes = [1], strides = [1]} : vector<16xi32> to vector<1xi32>
      %squeeze3A_1283 = vector.extract %slice3A_1282[0] : i32 from vector<1xi32>
      %broadcast_in_dim3A_1284 = vector.broadcast %squeeze3A_1283 : i32 to vector<16xi32>
      %gather3A_1285 = arith.constant 0 : i32
      %gather3A_1286 = arith.constant 7 : i32
      %gather3A_1287 = arith.constant 0 : i32
      %gather3A_1288 = arith.constant 0 : i32
      %gather3A_1289 = tpu.memref_slice %arg9[%gather3A_1285, %gather3A_1286, %gather3A_1287, %gather3A_1288] : memref<2x8x32x128xf32, #tpu.memory_space<vmem>> -> memref<1x1x32x128xf32, #tpu.memory_space<vmem>>
      %gather3A_1290 = tpu.memref_squeeze %gather3A_1289 : memref<1x1x32x128xf32, #tpu.memory_space<vmem>> -> memref<32x128xf32, #tpu.memory_space<vmem>>
      %gather3A_1291 = tpu.vector_load_idx %gather3A_1290[%iota3A, %broadcast_in_dim3A_1284] : memref<32x128xf32, #tpu.memory_space<vmem>>[vector<16xi32>, vector<16xi32>], vector<16xf32>,
      %add3A_1292 = arith.constant 16 : i32
      %add3A_1293 = vector.broadcast %add3A_1292 : i32 to vector<16xi32>
      %add3A_1294 = arith.addi %iota3A, %add3A_1293 : vector<16xi32>
      %gather3A_1295 = arith.constant 0 : i32
      %gather3A_1296 = arith.constant 7 : i32
      %gather3A_1297 = arith.constant 0 : i32
      %gather3A_1298 = arith.constant 0 : i32
      %gather3A_1299 = tpu.memref_slice %arg9[%gather3A_1295, %gather3A_1296, %gather3A_1297, %gather3A_1298] : memref<2x8x32x128xf32, #tpu.memory_space<vmem>> -> memref<1x1x32x128xf32, #tpu.memory_space<vmem>>
      %gather3A_1300 = tpu.memref_squeeze %gather3A_1299 : memref<1x1x32x128xf32, #tpu.memory_space<vmem>> -> memref<32x128xf32, #tpu.memory_space<vmem>>
      %gather3A_1301 = tpu.vector_load_idx %gather3A_1300[%add3A_1294, %broadcast_in_dim3A_1284] : memref<32x128xf32, #tpu.memory_space<vmem>>[vector<16xi32>, vector<16xi32>], vector<16xf32>,
      %swap3A_1302 = arith.constant 0 : i32
      %swap3A_1303 = arith.constant 7 : i32
      %swap3A_1304 = arith.index_cast %swap3A_1302 : i32 to index
      %swap3A_1305 = arith.index_cast %swap3A_1303 : i32 to index
      %swap3A_1306 = arith.constant 0 : index
      %swap3A_1307 = tpu.vector_load %arg10[%swap3A_1304, %swap3A_1305, %swap3A_1306] {strides = array<i32>} : memref<2x8x32xf32, #tpu.memory_space<vmem>>, vector<16xf32>,
      tpu.vector_store %arg10[%swap3A_1304, %swap3A_1305, %swap3A_1306], %gather3A_1291 {strides = array<i32>} : memref<2x8x32xf32, #tpu.memory_space<vmem>>, vector<16xf32>,
      %swap3A_1308 = arith.constant 0 : i32
      %swap3A_1309 = arith.constant 7 : i32
      %swap3A_1310 = arith.index_cast %swap3A_1308 : i32 to index
      %swap3A_1311 = arith.index_cast %swap3A_1309 : i32 to index
      %swap3A_1312 = arith.constant 16 : index
      %swap3A_1313 = tpu.vector_load %arg10[%swap3A_1310, %swap3A_1311, %swap3A_1312] {strides = array<i32>} : memref<2x8x32xf32, #tpu.memory_space<vmem>>, vector<16xf32>,
      tpu.vector_store %arg10[%swap3A_1310, %swap3A_1311, %swap3A_1312], %gather3A_1301 {strides = array<i32>} : memref<2x8x32xf32, #tpu.memory_space<vmem>>, vector<16xf32>,
      %mul3A_1314 = arith.constant 16 : i32
      %mul3A_1315 = arith.muli %scan3A_887, %mul3A_1314 : i32
      %add3A_1316 = arith.addi %mul3A_3, %mul3A_1315 : i32
      %add3A_1317 = arith.constant 0 : i32
      %add3A_1318 = arith.addi %add3A_1316, %add3A_1317 : i32
      %dma_start3A_1319 = arith.constant 0 : i32
      %dma_start3A_1320 = arith.constant 0 : i32
      %dma_start3A_1321 = arith.constant 0 : i32
      %dma_start3A_1322 = arith.constant 0 : i32
      %dma_start3A_1323 = tpu.memref_slice %arg10[%dma_start3A_1319, %dma_start3A_1321, %dma_start3A_1322] : memref<2x8x32xf32, #tpu.memory_space<vmem>> -> memref<1x8x32xf32, #tpu.memory_space<vmem>>
      %dma_start3A_1324 = tpu.memref_squeeze %dma_start3A_1323 : memref<1x8x32xf32, #tpu.memory_space<vmem>> -> memref<8x32xf32, #tpu.memory_space<vmem>>
      %dma_start3A_1325 = arith.constant 0 : i32
      %dma_start3A_1326 = tpu.memref_slice %arg7[%add3A_1318, %dma_start3A_1325] : memref<16384x32xf32, #tpu.memory_space<hbm>> -> memref<8x32xf32, #tpu.memory_space<hbm>>
      %dma_start3A_1327 = tpu.memref_slice %arg12[%dma_start3A_1320] : memref<2x!tpu.dma_semaphore, #tpu.memory_space<semaphore_mem>> -> memref<1x!tpu.dma_semaphore, #tpu.memory_space<semaphore_mem>>
      %dma_start3A_1328 = tpu.memref_squeeze %dma_start3A_1327 : memref<1x!tpu.dma_semaphore, #tpu.memory_space<semaphore_mem>> -> memref<!tpu.dma_semaphore, #tpu.memory_space<semaphore_mem>>
      %dma_start3A_1329 = arith.constant 0 : i32
      %dma_start3A_1330 = tpu.memref_slice %arg7[%add3A_1318, %dma_start3A_1329] : memref<16384x32xf32, #tpu.memory_space<hbm>> -> memref<8x32xf32, #tpu.memory_space<hbm>>
      %dma_start3A_1331 = arith.constant 0 : i32
      %dma_start3A_1332 = arith.constant 0 : i32
      %dma_start3A_1333 = tpu.memref_slice %arg10[%dma_start3A_1319, %dma_start3A_1331, %dma_start3A_1332] : memref<2x8x32xf32, #tpu.memory_space<vmem>> -> memref<1x8x32xf32, #tpu.memory_space<vmem>>
      %dma_start3A_1334 = tpu.memref_squeeze %dma_start3A_1333 : memref<1x8x32xf32, #tpu.memory_space<vmem>> -> memref<8x32xf32, #tpu.memory_space<vmem>>
      tpu.enqueue_dma source(%dma_start3A_1334 : memref<8x32xf32, #tpu.memory_space<vmem>>) target(%dma_start3A_1330 : memref<8x32xf32, #tpu.memory_space<hbm>>) target_semaphore(%dma_start3A_1328 : memref<!tpu.dma_semaphore, #tpu.memory_space<semaphore_mem>>)
      %add3A_1335 = arith.constant 1 : i32
      %add3A_1336 = arith.addi %scan3A_887, %add3A_1335 : i32
      %lt3A = arith.constant 32 : i32
      %lt3A_1337 = arith.cmpi slt, %add3A_1336, %lt3A : i32
      %convert_element_type3A_1338 = arith.extui %lt3A_1337 : i1 to i32
      %cond3A_1339 = arith.constant 0 : i32
      %cond3A_1340 = arith.cmpi ne, %convert_element_type3A_1338, %cond3A_1339 : i32
      scf.if %cond3A_1340 {
        %slice3A_1790 = vector.extract_strided_slice %get3A_898 {offsets = [0], sizes = [1], strides = [1]} : vector<16xi32> to vector<1xi32>
        %squeeze3A_1791 = vector.extract %slice3A_1790[0] : i32 from vector<1xi32>
        %shift_right_arithmetic3A_1792 = arith.constant 7 : i32
        %shift_right_arithmetic3A_1793 = arith.shrsi %squeeze3A_1791, %shift_right_arithmetic3A_1792 : i32
        %shift_left3A_1794 = arith.constant 7 : i32
        %shift_left3A_1795 = arith.shli %shift_right_arithmetic3A_1793, %shift_left3A_1794 : i32
        %multiple_of3A_1796 = tpu.assume_multiple %shift_left3A_1795, 128 : i32
        %dma_start3A_1797 = arith.constant 0 : i32
        %dma_start3A_1798 = arith.constant 0 : i32
        %dma_start3A_1799 = arith.constant 0 : i32
        %dma_start3A_1800 = arith.constant 0 : i32
        %dma_start3A_1801 = arith.constant 0 : i32
        %dma_start3A_1802 = arith.constant 0 : i32
        %dma_start3A_1803 = tpu.memref_slice %arg9[%dma_start3A_1797, %dma_start3A_1798, %dma_start3A_1801, %dma_start3A_1802] : memref<2x8x32x128xf32, #tpu.memory_space<vmem>> -> memref<1x1x32x128xf32, #tpu.memory_space<vmem>>
        %dma_start3A_1804 = tpu.memref_squeeze %dma_start3A_1803 : memref<1x1x32x128xf32, #tpu.memory_space<vmem>> -> memref<32x128xf32, #tpu.memory_space<vmem>>
        %dma_start3A_1805 = arith.constant 0 : i32
        %dma_start3A_1806 = tpu.memref_slice %arg5[%dma_start3A_1805, %multiple_of3A_1796] : memref<32x1000000xf32, #tpu.memory_space<hbm>> -> memref<32x128xf32, #tpu.memory_space<hbm>>
        %dma_start3A_1807 = tpu.memref_slice %arg11[%dma_start3A_1799, %dma_start3A_1800] : memref<2x8x!tpu.dma_semaphore, #tpu.memory_space<semaphore_mem>> -> memref<1x1x!tpu.dma_semaphore, #tpu.memory_space<semaphore_mem>>
        %dma_start3A_1808 = tpu.memref_squeeze %dma_start3A_1807 : memref<1x1x!tpu.dma_semaphore, #tpu.memory_space<semaphore_mem>> -> memref<!tpu.dma_semaphore, #tpu.memory_space<semaphore_mem>>
        %dma_start3A_1809 = arith.constant 0 : i32
        %dma_start3A_1810 = arith.constant 0 : i32
        %dma_start3A_1811 = tpu.memref_slice %arg9[%dma_start3A_1797, %dma_start3A_1798, %dma_start3A_1809, %dma_start3A_1810] : memref<2x8x32x128xf32, #tpu.memory_space<vmem>> -> memref<1x1x32x128xf32, #tpu.memory_space<vmem>>
        %dma_start3A_1812 = tpu.memref_squeeze %dma_start3A_1811 : memref<1x1x32x128xf32, #tpu.memory_space<vmem>> -> memref<32x128xf32, #tpu.memory_space<vmem>>
        %dma_start3A_1813 = arith.constant 0 : i32
        %dma_start3A_1814 = tpu.memref_slice %arg5[%dma_start3A_1813, %multiple_of3A_1796] : memref<32x1000000xf32, #tpu.memory_space<hbm>> -> memref<32x128xf32, #tpu.memory_space<hbm>>
        tpu.enqueue_dma source(%dma_start3A_1814 : memref<32x128xf32, #tpu.memory_space<hbm>>) target(%dma_start3A_1812 : memref<32x128xf32, #tpu.memory_space<vmem>>) target_semaphore(%dma_start3A_1808 : memref<!tpu.dma_semaphore, #tpu.memory_space<semaphore_mem>>)
        %slice3A_1815 = vector.extract_strided_slice %get3A_898 {offsets = [1], sizes = [1], strides = [1]} : vector<16xi32> to vector<1xi32>
        %squeeze3A_1816 = vector.extract %slice3A_1815[0] : i32 from vector<1xi32>
        %shift_right_arithmetic3A_1817 = arith.constant 7 : i32
        %shift_right_arithmetic3A_1818 = arith.shrsi %squeeze3A_1816, %shift_right_arithmetic3A_1817 : i32
        %shift_left3A_1819 = arith.constant 7 : i32
        %shift_left3A_1820 = arith.shli %shift_right_arithmetic3A_1818, %shift_left3A_1819 : i32
        %multiple_of3A_1821 = tpu.assume_multiple %shift_left3A_1820, 128 : i32
        %dma_start3A_1822 = arith.constant 0 : i32
        %dma_start3A_1823 = arith.constant 1 : i32
        %dma_start3A_1824 = arith.constant 0 : i32
        %dma_start3A_1825 = arith.constant 1 : i32
        %dma_start3A_1826 = arith.constant 0 : i32
        %dma_start3A_1827 = arith.constant 0 : i32
        %dma_start3A_1828 = tpu.memref_slice %arg9[%dma_start3A_1822, %dma_start3A_1823, %dma_start3A_1826, %dma_start3A_1827] : memref<2x8x32x128xf32, #tpu.memory_space<vmem>> -> memref<1x1x32x128xf32, #tpu.memory_space<vmem>>
        %dma_start3A_1829 = tpu.memref_squeeze %dma_start3A_1828 : memref<1x1x32x128xf32, #tpu.memory_space<vmem>> -> memref<32x128xf32, #tpu.memory_space<vmem>>
        %dma_start3A_1830 = arith.constant 0 : i32
        %dma_start3A_1831 = tpu.memref_slice %arg5[%dma_start3A_1830, %multiple_of3A_1821] : memref<32x1000000xf32, #tpu.memory_space<hbm>> -> memref<32x128xf32, #tpu.memory_space<hbm>>
        %dma_start3A_1832 = tpu.memref_slice %arg11[%dma_start3A_1824, %dma_start3A_1825] : memref<2x8x!tpu.dma_semaphore, #tpu.memory_space<semaphore_mem>> -> memref<1x1x!tpu.dma_semaphore, #tpu.memory_space<semaphore_mem>>
        %dma_start3A_1833 = tpu.memref_squeeze %dma_start3A_1832 : memref<1x1x!tpu.dma_semaphore, #tpu.memory_space<semaphore_mem>> -> memref<!tpu.dma_semaphore, #tpu.memory_space<semaphore_mem>>
        %dma_start3A_1834 = arith.constant 0 : i32
        %dma_start3A_1835 = arith.constant 0 : i32
        %dma_start3A_1836 = tpu.memref_slice %arg9[%dma_start3A_1822, %dma_start3A_1823, %dma_start3A_1834, %dma_start3A_1835] : memref<2x8x32x128xf32, #tpu.memory_space<vmem>> -> memref<1x1x32x128xf32, #tpu.memory_space<vmem>>
        %dma_start3A_1837 = tpu.memref_squeeze %dma_start3A_1836 : memref<1x1x32x128xf32, #tpu.memory_space<vmem>> -> memref<32x128xf32, #tpu.memory_space<vmem>>
        %dma_start3A_1838 = arith.constant 0 : i32
        %dma_start3A_1839 = tpu.memref_slice %arg5[%dma_start3A_1838, %multiple_of3A_1821] : memref<32x1000000xf32, #tpu.memory_space<hbm>> -> memref<32x128xf32, #tpu.memory_space<hbm>>
        tpu.enqueue_dma source(%dma_start3A_1839 : memref<32x128xf32, #tpu.memory_space<hbm>>) target(%dma_start3A_1837 : memref<32x128xf32, #tpu.memory_space<vmem>>) target_semaphore(%dma_start3A_1833 : memref<!tpu.dma_semaphore, #tpu.memory_space<semaphore_mem>>)
        %slice3A_1840 = vector.extract_strided_slice %get3A_898 {offsets = [2], sizes = [1], strides = [1]} : vector<16xi32> to vector<1xi32>
        %squeeze3A_1841 = vector.extract %slice3A_1840[0] : i32 from vector<1xi32>
        %shift_right_arithmetic3A_1842 = arith.constant 7 : i32
        %shift_right_arithmetic3A_1843 = arith.shrsi %squeeze3A_1841, %shift_right_arithmetic3A_1842 : i32
        %shift_left3A_1844 = arith.constant 7 : i32
        %shift_left3A_1845 = arith.shli %shift_right_arithmetic3A_1843, %shift_left3A_1844 : i32
        %multiple_of3A_1846 = tpu.assume_multiple %shift_left3A_1845, 128 : i32
        %dma_start3A_1847 = arith.constant 0 : i32
        %dma_start3A_1848 = arith.constant 2 : i32
        %dma_start3A_1849 = arith.constant 0 : i32
        %dma_start3A_1850 = arith.constant 2 : i32
        %dma_start3A_1851 = arith.constant 0 : i32
        %dma_start3A_1852 = arith.constant 0 : i32
        %dma_start3A_1853 = tpu.memref_slice %arg9[%dma_start3A_1847, %dma_start3A_1848, %dma_start3A_1851, %dma_start3A_1852] : memref<2x8x32x128xf32, #tpu.memory_space<vmem>> -> memref<1x1x32x128xf32, #tpu.memory_space<vmem>>
        %dma_start3A_1854 = tpu.memref_squeeze %dma_start3A_1853 : memref<1x1x32x128xf32, #tpu.memory_space<vmem>> -> memref<32x128xf32, #tpu.memory_space<vmem>>
        %dma_start3A_1855 = arith.constant 0 : i32
        %dma_start3A_1856 = tpu.memref_slice %arg5[%dma_start3A_1855, %multiple_of3A_1846] : memref<32x1000000xf32, #tpu.memory_space<hbm>> -> memref<32x128xf32, #tpu.memory_space<hbm>>
        %dma_start3A_1857 = tpu.memref_slice %arg11[%dma_start3A_1849, %dma_start3A_1850] : memref<2x8x!tpu.dma_semaphore, #tpu.memory_space<semaphore_mem>> -> memref<1x1x!tpu.dma_semaphore, #tpu.memory_space<semaphore_mem>>
        %dma_start3A_1858 = tpu.memref_squeeze %dma_start3A_1857 : memref<1x1x!tpu.dma_semaphore, #tpu.memory_space<semaphore_mem>> -> memref<!tpu.dma_semaphore, #tpu.memory_space<semaphore_mem>>
        %dma_start3A_1859 = arith.constant 0 : i32
        %dma_start3A_1860 = arith.constant 0 : i32
        %dma_start3A_1861 = tpu.memref_slice %arg9[%dma_start3A_1847, %dma_start3A_1848, %dma_start3A_1859, %dma_start3A_1860] : memref<2x8x32x128xf32, #tpu.memory_space<vmem>> -> memref<1x1x32x128xf32, #tpu.memory_space<vmem>>
        %dma_start3A_1862 = tpu.memref_squeeze %dma_start3A_1861 : memref<1x1x32x128xf32, #tpu.memory_space<vmem>> -> memref<32x128xf32, #tpu.memory_space<vmem>>
        %dma_start3A_1863 = arith.constant 0 : i32
        %dma_start3A_1864 = tpu.memref_slice %arg5[%dma_start3A_1863, %multiple_of3A_1846] : memref<32x1000000xf32, #tpu.memory_space<hbm>> -> memref<32x128xf32, #tpu.memory_space<hbm>>
        tpu.enqueue_dma source(%dma_start3A_1864 : memref<32x128xf32, #tpu.memory_space<hbm>>) target(%dma_start3A_1862 : memref<32x128xf32, #tpu.memory_space<vmem>>) target_semaphore(%dma_start3A_1858 : memref<!tpu.dma_semaphore, #tpu.memory_space<semaphore_mem>>)
        %slice3A_1865 = vector.extract_strided_slice %get3A_898 {offsets = [3], sizes = [1], strides = [1]} : vector<16xi32> to vector<1xi32>
        %squeeze3A_1866 = vector.extract %slice3A_1865[0] : i32 from vector<1xi32>
        %shift_right_arithmetic3A_1867 = arith.constant 7 : i32
        %shift_right_arithmetic3A_1868 = arith.shrsi %squeeze3A_1866, %shift_right_arithmetic3A_1867 : i32
        %shift_left3A_1869 = arith.constant 7 : i32
        %shift_left3A_1870 = arith.shli %shift_right_arithmetic3A_1868, %shift_left3A_1869 : i32
        %multiple_of3A_1871 = tpu.assume_multiple %shift_left3A_1870, 128 : i32
        %dma_start3A_1872 = arith.constant 0 : i32
        %dma_start3A_1873 = arith.constant 3 : i32
        %dma_start3A_1874 = arith.constant 0 : i32
        %dma_start3A_1875 = arith.constant 3 : i32
        %dma_start3A_1876 = arith.constant 0 : i32
        %dma_start3A_1877 = arith.constant 0 : i32
        %dma_start3A_1878 = tpu.memref_slice %arg9[%dma_start3A_1872, %dma_start3A_1873, %dma_start3A_1876, %dma_start3A_1877] : memref<2x8x32x128xf32, #tpu.memory_space<vmem>> -> memref<1x1x32x128xf32, #tpu.memory_space<vmem>>
        %dma_start3A_1879 = tpu.memref_squeeze %dma_start3A_1878 : memref<1x1x32x128xf32, #tpu.memory_space<vmem>> -> memref<32x128xf32, #tpu.memory_space<vmem>>
        %dma_start3A_1880 = arith.constant 0 : i32
        %dma_start3A_1881 = tpu.memref_slice %arg5[%dma_start3A_1880, %multiple_of3A_1871] : memref<32x1000000xf32, #tpu.memory_space<hbm>> -> memref<32x128xf32, #tpu.memory_space<hbm>>
        %dma_start3A_1882 = tpu.memref_slice %arg11[%dma_start3A_1874, %dma_start3A_1875] : memref<2x8x!tpu.dma_semaphore, #tpu.memory_space<semaphore_mem>> -> memref<1x1x!tpu.dma_semaphore, #tpu.memory_space<semaphore_mem>>
        %dma_start3A_1883 = tpu.memref_squeeze %dma_start3A_1882 : memref<1x1x!tpu.dma_semaphore, #tpu.memory_space<semaphore_mem>> -> memref<!tpu.dma_semaphore, #tpu.memory_space<semaphore_mem>>
        %dma_start3A_1884 = arith.constant 0 : i32
        %dma_start3A_1885 = arith.constant 0 : i32
        %dma_start3A_1886 = tpu.memref_slice %arg9[%dma_start3A_1872, %dma_start3A_1873, %dma_start3A_1884, %dma_start3A_1885] : memref<2x8x32x128xf32, #tpu.memory_space<vmem>> -> memref<1x1x32x128xf32, #tpu.memory_space<vmem>>
        %dma_start3A_1887 = tpu.memref_squeeze %dma_start3A_1886 : memref<1x1x32x128xf32, #tpu.memory_space<vmem>> -> memref<32x128xf32, #tpu.memory_space<vmem>>
        %dma_start3A_1888 = arith.constant 0 : i32
        %dma_start3A_1889 = tpu.memref_slice %arg5[%dma_start3A_1888, %multiple_of3A_1871] : memref<32x1000000xf32, #tpu.memory_space<hbm>> -> memref<32x128xf32, #tpu.memory_space<hbm>>
        tpu.enqueue_dma source(%dma_start3A_1889 : memref<32x128xf32, #tpu.memory_space<hbm>>) target(%dma_start3A_1887 : memref<32x128xf32, #tpu.memory_space<vmem>>) target_semaphore(%dma_start3A_1883 : memref<!tpu.dma_semaphore, #tpu.memory_space<semaphore_mem>>)
        %slice3A_1890 = vector.extract_strided_slice %get3A_898 {offsets = [4], sizes = [1], strides = [1]} : vector<16xi32> to vector<1xi32>
        %squeeze3A_1891 = vector.extract %slice3A_1890[0] : i32 from vector<1xi32>
        %shift_right_arithmetic3A_1892 = arith.constant 7 : i32
        %shift_right_arithmetic3A_1893 = arith.shrsi %squeeze3A_1891, %shift_right_arithmetic3A_1892 : i32
        %shift_left3A_1894 = arith.constant 7 : i32
        %shift_left3A_1895 = arith.shli %shift_right_arithmetic3A_1893, %shift_left3A_1894 : i32
        %multiple_of3A_1896 = tpu.assume_multiple %shift_left3A_1895, 128 : i32
        %dma_start3A_1897 = arith.constant 0 : i32
        %dma_start3A_1898 = arith.constant 4 : i32
        %dma_start3A_1899 = arith.constant 0 : i32
        %dma_start3A_1900 = arith.constant 4 : i32
        %dma_start3A_1901 = arith.constant 0 : i32
        %dma_start3A_1902 = arith.constant 0 : i32
        %dma_start3A_1903 = tpu.memref_slice %arg9[%dma_start3A_1897, %dma_start3A_1898, %dma_start3A_1901, %dma_start3A_1902] : memref<2x8x32x128xf32, #tpu.memory_space<vmem>> -> memref<1x1x32x128xf32, #tpu.memory_space<vmem>>
        %dma_start3A_1904 = tpu.memref_squeeze %dma_start3A_1903 : memref<1x1x32x128xf32, #tpu.memory_space<vmem>> -> memref<32x128xf32, #tpu.memory_space<vmem>>
        %dma_start3A_1905 = arith.constant 0 : i32
        %dma_start3A_1906 = tpu.memref_slice %arg5[%dma_start3A_1905, %multiple_of3A_1896] : memref<32x1000000xf32, #tpu.memory_space<hbm>> -> memref<32x128xf32, #tpu.memory_space<hbm>>
        %dma_start3A_1907 = tpu.memref_slice %arg11[%dma_start3A_1899, %dma_start3A_1900] : memref<2x8x!tpu.dma_semaphore, #tpu.memory_space<semaphore_mem>> -> memref<1x1x!tpu.dma_semaphore, #tpu.memory_space<semaphore_mem>>
        %dma_start3A_1908 = tpu.memref_squeeze %dma_start3A_1907 : memref<1x1x!tpu.dma_semaphore, #tpu.memory_space<semaphore_mem>> -> memref<!tpu.dma_semaphore, #tpu.memory_space<semaphore_mem>>
        %dma_start3A_1909 = arith.constant 0 : i32
        %dma_start3A_1910 = arith.constant 0 : i32
        %dma_start3A_1911 = tpu.memref_slice %arg9[%dma_start3A_1897, %dma_start3A_1898, %dma_start3A_1909, %dma_start3A_1910] : memref<2x8x32x128xf32, #tpu.memory_space<vmem>> -> memref<1x1x32x128xf32, #tpu.memory_space<vmem>>
        %dma_start3A_1912 = tpu.memref_squeeze %dma_start3A_1911 : memref<1x1x32x128xf32, #tpu.memory_space<vmem>> -> memref<32x128xf32, #tpu.memory_space<vmem>>
        %dma_start3A_1913 = arith.constant 0 : i32
        %dma_start3A_1914 = tpu.memref_slice %arg5[%dma_start3A_1913, %multiple_of3A_1896] : memref<32x1000000xf32, #tpu.memory_space<hbm>> -> memref<32x128xf32, #tpu.memory_space<hbm>>
        tpu.enqueue_dma source(%dma_start3A_1914 : memref<32x128xf32, #tpu.memory_space<hbm>>) target(%dma_start3A_1912 : memref<32x128xf32, #tpu.memory_space<vmem>>) target_semaphore(%dma_start3A_1908 : memref<!tpu.dma_semaphore, #tpu.memory_space<semaphore_mem>>)
        %slice3A_1915 = vector.extract_strided_slice %get3A_898 {offsets = [5], sizes = [1], strides = [1]} : vector<16xi32> to vector<1xi32>
        %squeeze3A_1916 = vector.extract %slice3A_1915[0] : i32 from vector<1xi32>
        %shift_right_arithmetic3A_1917 = arith.constant 7 : i32
        %shift_right_arithmetic3A_1918 = arith.shrsi %squeeze3A_1916, %shift_right_arithmetic3A_1917 : i32
        %shift_left3A_1919 = arith.constant 7 : i32
        %shift_left3A_1920 = arith.shli %shift_right_arithmetic3A_1918, %shift_left3A_1919 : i32
        %multiple_of3A_1921 = tpu.assume_multiple %shift_left3A_1920, 128 : i32
        %dma_start3A_1922 = arith.constant 0 : i32
        %dma_start3A_1923 = arith.constant 5 : i32
        %dma_start3A_1924 = arith.constant 0 : i32
        %dma_start3A_1925 = arith.constant 5 : i32
        %dma_start3A_1926 = arith.constant 0 : i32
        %dma_start3A_1927 = arith.constant 0 : i32
        %dma_start3A_1928 = tpu.memref_slice %arg9[%dma_start3A_1922, %dma_start3A_1923, %dma_start3A_1926, %dma_start3A_1927] : memref<2x8x32x128xf32, #tpu.memory_space<vmem>> -> memref<1x1x32x128xf32, #tpu.memory_space<vmem>>
        %dma_start3A_1929 = tpu.memref_squeeze %dma_start3A_1928 : memref<1x1x32x128xf32, #tpu.memory_space<vmem>> -> memref<32x128xf32, #tpu.memory_space<vmem>>
        %dma_start3A_1930 = arith.constant 0 : i32
        %dma_start3A_1931 = tpu.memref_slice %arg5[%dma_start3A_1930, %multiple_of3A_1921] : memref<32x1000000xf32, #tpu.memory_space<hbm>> -> memref<32x128xf32, #tpu.memory_space<hbm>>
        %dma_start3A_1932 = tpu.memref_slice %arg11[%dma_start3A_1924, %dma_start3A_1925] : memref<2x8x!tpu.dma_semaphore, #tpu.memory_space<semaphore_mem>> -> memref<1x1x!tpu.dma_semaphore, #tpu.memory_space<semaphore_mem>>
        %dma_start3A_1933 = tpu.memref_squeeze %dma_start3A_1932 : memref<1x1x!tpu.dma_semaphore, #tpu.memory_space<semaphore_mem>> -> memref<!tpu.dma_semaphore, #tpu.memory_space<semaphore_mem>>
        %dma_start3A_1934 = arith.constant 0 : i32
        %dma_start3A_1935 = arith.constant 0 : i32
        %dma_start3A_1936 = tpu.memref_slice %arg9[%dma_start3A_1922, %dma_start3A_1923, %dma_start3A_1934, %dma_start3A_1935] : memref<2x8x32x128xf32, #tpu.memory_space<vmem>> -> memref<1x1x32x128xf32, #tpu.memory_space<vmem>>
        %dma_start3A_1937 = tpu.memref_squeeze %dma_start3A_1936 : memref<1x1x32x128xf32, #tpu.memory_space<vmem>> -> memref<32x128xf32, #tpu.memory_space<vmem>>
        %dma_start3A_1938 = arith.constant 0 : i32
        %dma_start3A_1939 = tpu.memref_slice %arg5[%dma_start3A_1938, %multiple_of3A_1921] : memref<32x1000000xf32, #tpu.memory_space<hbm>> -> memref<32x128xf32, #tpu.memory_space<hbm>>
        tpu.enqueue_dma source(%dma_start3A_1939 : memref<32x128xf32, #tpu.memory_space<hbm>>) target(%dma_start3A_1937 : memref<32x128xf32, #tpu.memory_space<vmem>>) target_semaphore(%dma_start3A_1933 : memref<!tpu.dma_semaphore, #tpu.memory_space<semaphore_mem>>)
        %slice3A_1940 = vector.extract_strided_slice %get3A_898 {offsets = [6], sizes = [1], strides = [1]} : vector<16xi32> to vector<1xi32>
        %squeeze3A_1941 = vector.extract %slice3A_1940[0] : i32 from vector<1xi32>
        %shift_right_arithmetic3A_1942 = arith.constant 7 : i32
        %shift_right_arithmetic3A_1943 = arith.shrsi %squeeze3A_1941, %shift_right_arithmetic3A_1942 : i32
        %shift_left3A_1944 = arith.constant 7 : i32
        %shift_left3A_1945 = arith.shli %shift_right_arithmetic3A_1943, %shift_left3A_1944 : i32
        %multiple_of3A_1946 = tpu.assume_multiple %shift_left3A_1945, 128 : i32
        %dma_start3A_1947 = arith.constant 0 : i32
        %dma_start3A_1948 = arith.constant 6 : i32
        %dma_start3A_1949 = arith.constant 0 : i32
        %dma_start3A_1950 = arith.constant 6 : i32
        %dma_start3A_1951 = arith.constant 0 : i32
        %dma_start3A_1952 = arith.constant 0 : i32
        %dma_start3A_1953 = tpu.memref_slice %arg9[%dma_start3A_1947, %dma_start3A_1948, %dma_start3A_1951, %dma_start3A_1952] : memref<2x8x32x128xf32, #tpu.memory_space<vmem>> -> memref<1x1x32x128xf32, #tpu.memory_space<vmem>>
        %dma_start3A_1954 = tpu.memref_squeeze %dma_start3A_1953 : memref<1x1x32x128xf32, #tpu.memory_space<vmem>> -> memref<32x128xf32, #tpu.memory_space<vmem>>
        %dma_start3A_1955 = arith.constant 0 : i32
        %dma_start3A_1956 = tpu.memref_slice %arg5[%dma_start3A_1955, %multiple_of3A_1946] : memref<32x1000000xf32, #tpu.memory_space<hbm>> -> memref<32x128xf32, #tpu.memory_space<hbm>>
        %dma_start3A_1957 = tpu.memref_slice %arg11[%dma_start3A_1949, %dma_start3A_1950] : memref<2x8x!tpu.dma_semaphore, #tpu.memory_space<semaphore_mem>> -> memref<1x1x!tpu.dma_semaphore, #tpu.memory_space<semaphore_mem>>
        %dma_start3A_1958 = tpu.memref_squeeze %dma_start3A_1957 : memref<1x1x!tpu.dma_semaphore, #tpu.memory_space<semaphore_mem>> -> memref<!tpu.dma_semaphore, #tpu.memory_space<semaphore_mem>>
        %dma_start3A_1959 = arith.constant 0 : i32
        %dma_start3A_1960 = arith.constant 0 : i32
        %dma_start3A_1961 = tpu.memref_slice %arg9[%dma_start3A_1947, %dma_start3A_1948, %dma_start3A_1959, %dma_start3A_1960] : memref<2x8x32x128xf32, #tpu.memory_space<vmem>> -> memref<1x1x32x128xf32, #tpu.memory_space<vmem>>
        %dma_start3A_1962 = tpu.memref_squeeze %dma_start3A_1961 : memref<1x1x32x128xf32, #tpu.memory_space<vmem>> -> memref<32x128xf32, #tpu.memory_space<vmem>>
        %dma_start3A_1963 = arith.constant 0 : i32
        %dma_start3A_1964 = tpu.memref_slice %arg5[%dma_start3A_1963, %multiple_of3A_1946] : memref<32x1000000xf32, #tpu.memory_space<hbm>> -> memref<32x128xf32, #tpu.memory_space<hbm>>
        tpu.enqueue_dma source(%dma_start3A_1964 : memref<32x128xf32, #tpu.memory_space<hbm>>) target(%dma_start3A_1962 : memref<32x128xf32, #tpu.memory_space<vmem>>) target_semaphore(%dma_start3A_1958 : memref<!tpu.dma_semaphore, #tpu.memory_space<semaphore_mem>>)
        %slice3A_1965 = vector.extract_strided_slice %get3A_898 {offsets = [7], sizes = [1], strides = [1]} : vector<16xi32> to vector<1xi32>
        %squeeze3A_1966 = vector.extract %slice3A_1965[0] : i32 from vector<1xi32>
        %shift_right_arithmetic3A_1967 = arith.constant 7 : i32
        %shift_right_arithmetic3A_1968 = arith.shrsi %squeeze3A_1966, %shift_right_arithmetic3A_1967 : i32
        %shift_left3A_1969 = arith.constant 7 : i32
        %shift_left3A_1970 = arith.shli %shift_right_arithmetic3A_1968, %shift_left3A_1969 : i32
        %multiple_of3A_1971 = tpu.assume_multiple %shift_left3A_1970, 128 : i32
        %dma_start3A_1972 = arith.constant 0 : i32
        %dma_start3A_1973 = arith.constant 7 : i32
        %dma_start3A_1974 = arith.constant 0 : i32
        %dma_start3A_1975 = arith.constant 7 : i32
        %dma_start3A_1976 = arith.constant 0 : i32
        %dma_start3A_1977 = arith.constant 0 : i32
        %dma_start3A_1978 = tpu.memref_slice %arg9[%dma_start3A_1972, %dma_start3A_1973, %dma_start3A_1976, %dma_start3A_1977] : memref<2x8x32x128xf32, #tpu.memory_space<vmem>> -> memref<1x1x32x128xf32, #tpu.memory_space<vmem>>
        %dma_start3A_1979 = tpu.memref_squeeze %dma_start3A_1978 : memref<1x1x32x128xf32, #tpu.memory_space<vmem>> -> memref<32x128xf32, #tpu.memory_space<vmem>>
        %dma_start3A_1980 = arith.constant 0 : i32
        %dma_start3A_1981 = tpu.memref_slice %arg5[%dma_start3A_1980, %multiple_of3A_1971] : memref<32x1000000xf32, #tpu.memory_space<hbm>> -> memref<32x128xf32, #tpu.memory_space<hbm>>
        %dma_start3A_1982 = tpu.memref_slice %arg11[%dma_start3A_1974, %dma_start3A_1975] : memref<2x8x!tpu.dma_semaphore, #tpu.memory_space<semaphore_mem>> -> memref<1x1x!tpu.dma_semaphore, #tpu.memory_space<semaphore_mem>>
        %dma_start3A_1983 = tpu.memref_squeeze %dma_start3A_1982 : memref<1x1x!tpu.dma_semaphore, #tpu.memory_space<semaphore_mem>> -> memref<!tpu.dma_semaphore, #tpu.memory_space<semaphore_mem>>
        %dma_start3A_1984 = arith.constant 0 : i32
        %dma_start3A_1985 = arith.constant 0 : i32
        %dma_start3A_1986 = tpu.memref_slice %arg9[%dma_start3A_1972, %dma_start3A_1973, %dma_start3A_1984, %dma_start3A_1985] : memref<2x8x32x128xf32, #tpu.memory_space<vmem>> -> memref<1x1x32x128xf32, #tpu.memory_space<vmem>>
        %dma_start3A_1987 = tpu.memref_squeeze %dma_start3A_1986 : memref<1x1x32x128xf32, #tpu.memory_space<vmem>> -> memref<32x128xf32, #tpu.memory_space<vmem>>
        %dma_start3A_1988 = arith.constant 0 : i32
        %dma_start3A_1989 = tpu.memref_slice %arg5[%dma_start3A_1988, %multiple_of3A_1971] : memref<32x1000000xf32, #tpu.memory_space<hbm>> -> memref<32x128xf32, #tpu.memory_space<hbm>>
        tpu.enqueue_dma source(%dma_start3A_1989 : memref<32x128xf32, #tpu.memory_space<hbm>>) target(%dma_start3A_1987 : memref<32x128xf32, #tpu.memory_space<vmem>>) target_semaphore(%dma_start3A_1983 : memref<!tpu.dma_semaphore, #tpu.memory_space<semaphore_mem>>)
      } else {
      }
      %gt3A_1341 = arith.constant 0 : i32
      %gt3A_1342 = arith.cmpi sgt, %scan3A_887, %gt3A_1341 : i32
      %convert_element_type3A_1343 = arith.extui %gt3A_1342 : i1 to i32
      %cond3A_1344 = arith.constant 0 : i32
      %cond3A_1345 = arith.cmpi ne, %convert_element_type3A_1343, %cond3A_1344 : i32
      scf.if %cond3A_1345 {
        %dma_wait3A_1790 = arith.constant 1 : i32
        %dma_wait3A_1791 = arith.constant 1 : i32
        %dma_wait3A_1792 = arith.constant 0 : i32
        %dma_wait3A_1793 = arith.constant 0 : i32
        %dma_wait3A_1794 = tpu.memref_slice %arg10[%dma_wait3A_1790, %dma_wait3A_1792, %dma_wait3A_1793] : memref<2x8x32xf32, #tpu.memory_space<vmem>> -> memref<1x8x32xf32, #tpu.memory_space<vmem>>
        %dma_wait3A_1795 = tpu.memref_squeeze %dma_wait3A_1794 : memref<1x8x32xf32, #tpu.memory_space<vmem>> -> memref<8x32xf32, #tpu.memory_space<vmem>>
        %dma_wait3A_1796 = arith.constant 0 : i32
        %dma_wait3A_1797 = arith.constant 0 : i32
        %dma_wait3A_1798 = tpu.memref_slice %arg7[%dma_wait3A_1796, %dma_wait3A_1797] : memref<16384x32xf32, #tpu.memory_space<hbm>> -> memref<8x32xf32, #tpu.memory_space<hbm>>
        %dma_wait3A_1799 = tpu.memref_slice %arg12[%dma_wait3A_1791] : memref<2x!tpu.dma_semaphore, #tpu.memory_space<semaphore_mem>> -> memref<1x!tpu.dma_semaphore, #tpu.memory_space<semaphore_mem>>
        %dma_wait3A_1800 = tpu.memref_squeeze %dma_wait3A_1799 : memref<1x!tpu.dma_semaphore, #tpu.memory_space<semaphore_mem>> -> memref<!tpu.dma_semaphore, #tpu.memory_space<semaphore_mem>>
        %dma_wait3A_1801 = arith.constant 0 : i32
        %dma_wait3A_1802 = arith.constant 0 : i32
        %dma_wait3A_1803 = tpu.memref_slice %arg7[%dma_wait3A_1801, %dma_wait3A_1802] : memref<16384x32xf32, #tpu.memory_space<hbm>> -> memref<8x32xf32, #tpu.memory_space<hbm>>
        %dma_wait3A_1804 = arith.constant 0 : i32
        %dma_wait3A_1805 = arith.constant 0 : i32
        %dma_wait3A_1806 = tpu.memref_slice %arg10[%dma_wait3A_1790, %dma_wait3A_1804, %dma_wait3A_1805] : memref<2x8x32xf32, #tpu.memory_space<vmem>> -> memref<1x8x32xf32, #tpu.memory_space<vmem>>
        %dma_wait3A_1807 = tpu.memref_squeeze %dma_wait3A_1806 : memref<1x8x32xf32, #tpu.memory_space<vmem>> -> memref<8x32xf32, #tpu.memory_space<vmem>>
        tpu.wait_dma2 semaphore(%dma_wait3A_1800 : memref<!tpu.dma_semaphore, #tpu.memory_space<semaphore_mem>>) src(%dma_wait3A_1807 : memref<8x32xf32, #tpu.memory_space<vmem>>) dst(%dma_wait3A_1803 : memref<8x32xf32, #tpu.memory_space<hbm>>)
      } else {
      }
      %dma_wait3A_1346 = arith.constant 1 : i32
      %dma_wait3A_1347 = arith.constant 0 : i32
      %dma_wait3A_1348 = arith.constant 1 : i32
      %dma_wait3A_1349 = arith.constant 0 : i32
      %dma_wait3A_1350 = arith.constant 0 : i32
      %dma_wait3A_1351 = arith.constant 0 : i32
      %dma_wait3A_1352 = tpu.memref_slice %arg9[%dma_wait3A_1346, %dma_wait3A_1347, %dma_wait3A_1350, %dma_wait3A_1351] : memref<2x8x32x128xf32, #tpu.memory_space<vmem>> -> memref<1x1x32x128xf32, #tpu.memory_space<vmem>>
      %dma_wait3A_1353 = tpu.memref_squeeze %dma_wait3A_1352 : memref<1x1x32x128xf32, #tpu.memory_space<vmem>> -> memref<32x128xf32, #tpu.memory_space<vmem>>
      %dma_wait3A_1354 = arith.constant 0 : i32
      %dma_wait3A_1355 = arith.constant 0 : i32
      %dma_wait3A_1356 = tpu.memref_slice %arg5[%dma_wait3A_1354, %dma_wait3A_1355] : memref<32x1000000xf32, #tpu.memory_space<hbm>> -> memref<32x128xf32, #tpu.memory_space<hbm>>
      %dma_wait3A_1357 = tpu.memref_slice %arg11[%dma_wait3A_1348, %dma_wait3A_1349] : memref<2x8x!tpu.dma_semaphore, #tpu.memory_space<semaphore_mem>> -> memref<1x1x!tpu.dma_semaphore, #tpu.memory_space<semaphore_mem>>
      %dma_wait3A_1358 = tpu.memref_squeeze %dma_wait3A_1357 : memref<1x1x!tpu.dma_semaphore, #tpu.memory_space<semaphore_mem>> -> memref<!tpu.dma_semaphore, #tpu.memory_space<semaphore_mem>>
      %dma_wait3A_1359 = arith.constant 0 : i32
      %dma_wait3A_1360 = arith.constant 0 : i32
      %dma_wait3A_1361 = tpu.memref_slice %arg9[%dma_wait3A_1346, %dma_wait3A_1347, %dma_wait3A_1359, %dma_wait3A_1360] : memref<2x8x32x128xf32, #tpu.memory_space<vmem>> -> memref<1x1x32x128xf32, #tpu.memory_space<vmem>>
      %dma_wait3A_1362 = tpu.memref_squeeze %dma_wait3A_1361 : memref<1x1x32x128xf32, #tpu.memory_space<vmem>> -> memref<32x128xf32, #tpu.memory_space<vmem>>
      %dma_wait3A_1363 = arith.constant 0 : i32
      %dma_wait3A_1364 = arith.constant 0 : i32
      %dma_wait3A_1365 = tpu.memref_slice %arg5[%dma_wait3A_1363, %dma_wait3A_1364] : memref<32x1000000xf32, #tpu.memory_space<hbm>> -> memref<32x128xf32, #tpu.memory_space<hbm>>
      tpu.wait_dma2 semaphore(%dma_wait3A_1358 : memref<!tpu.dma_semaphore, #tpu.memory_space<semaphore_mem>>) src(%dma_wait3A_1365 : memref<32x128xf32, #tpu.memory_space<hbm>>) dst(%dma_wait3A_1362 : memref<32x128xf32, #tpu.memory_space<vmem>>)
      %slice3A_1366 = vector.extract_strided_slice %and3A_890 {offsets = [8], sizes = [1], strides = [1]} : vector<16xi32> to vector<1xi32>
      %squeeze3A_1367 = vector.extract %slice3A_1366[0] : i32 from vector<1xi32>
      %broadcast_in_dim3A_1368 = vector.broadcast %squeeze3A_1367 : i32 to vector<16xi32>
      %gather3A_1369 = arith.constant 1 : i32
      %gather3A_1370 = arith.constant 0 : i32
      %gather3A_1371 = arith.constant 0 : i32
      %gather3A_1372 = arith.constant 0 : i32
      %gather3A_1373 = tpu.memref_slice %arg9[%gather3A_1369, %gather3A_1370, %gather3A_1371, %gather3A_1372] : memref<2x8x32x128xf32, #tpu.memory_space<vmem>> -> memref<1x1x32x128xf32, #tpu.memory_space<vmem>>
      %gather3A_1374 = tpu.memref_squeeze %gather3A_1373 : memref<1x1x32x128xf32, #tpu.memory_space<vmem>> -> memref<32x128xf32, #tpu.memory_space<vmem>>
      %gather3A_1375 = tpu.vector_load_idx %gather3A_1374[%iota3A, %broadcast_in_dim3A_1368] : memref<32x128xf32, #tpu.memory_space<vmem>>[vector<16xi32>, vector<16xi32>], vector<16xf32>,
      %add3A_1376 = arith.constant 16 : i32
      %add3A_1377 = vector.broadcast %add3A_1376 : i32 to vector<16xi32>
      %add3A_1378 = arith.addi %iota3A, %add3A_1377 : vector<16xi32>
      %gather3A_1379 = arith.constant 1 : i32
      %gather3A_1380 = arith.constant 0 : i32
      %gather3A_1381 = arith.constant 0 : i32
      %gather3A_1382 = arith.constant 0 : i32
      %gather3A_1383 = tpu.memref_slice %arg9[%gather3A_1379, %gather3A_1380, %gather3A_1381, %gather3A_1382] : memref<2x8x32x128xf32, #tpu.memory_space<vmem>> -> memref<1x1x32x128xf32, #tpu.memory_space<vmem>>
      %gather3A_1384 = tpu.memref_squeeze %gather3A_1383 : memref<1x1x32x128xf32, #tpu.memory_space<vmem>> -> memref<32x128xf32, #tpu.memory_space<vmem>>
      %gather3A_1385 = tpu.vector_load_idx %gather3A_1384[%add3A_1378, %broadcast_in_dim3A_1368] : memref<32x128xf32, #tpu.memory_space<vmem>>[vector<16xi32>, vector<16xi32>], vector<16xf32>,
      %swap3A_1386 = arith.constant 1 : i32
      %swap3A_1387 = arith.constant 0 : i32
      %swap3A_1388 = arith.index_cast %swap3A_1386 : i32 to index
      %swap3A_1389 = arith.index_cast %swap3A_1387 : i32 to index
      %swap3A_1390 = arith.constant 0 : index
      %swap3A_1391 = tpu.vector_load %arg10[%swap3A_1388, %swap3A_1389, %swap3A_1390] {strides = array<i32>} : memref<2x8x32xf32, #tpu.memory_space<vmem>>, vector<16xf32>,
      tpu.vector_store %arg10[%swap3A_1388, %swap3A_1389, %swap3A_1390], %gather3A_1375 {strides = array<i32>} : memref<2x8x32xf32, #tpu.memory_space<vmem>>, vector<16xf32>,
      %swap3A_1392 = arith.constant 1 : i32
      %swap3A_1393 = arith.constant 0 : i32
      %swap3A_1394 = arith.index_cast %swap3A_1392 : i32 to index
      %swap3A_1395 = arith.index_cast %swap3A_1393 : i32 to index
      %swap3A_1396 = arith.constant 16 : index
      %swap3A_1397 = tpu.vector_load %arg10[%swap3A_1394, %swap3A_1395, %swap3A_1396] {strides = array<i32>} : memref<2x8x32xf32, #tpu.memory_space<vmem>>, vector<16xf32>,
      tpu.vector_store %arg10[%swap3A_1394, %swap3A_1395, %swap3A_1396], %gather3A_1385 {strides = array<i32>} : memref<2x8x32xf32, #tpu.memory_space<vmem>>, vector<16xf32>,
      %dma_wait3A_1398 = arith.constant 1 : i32
      %dma_wait3A_1399 = arith.constant 1 : i32
      %dma_wait3A_1400 = arith.constant 1 : i32
      %dma_wait3A_1401 = arith.constant 1 : i32
      %dma_wait3A_1402 = arith.constant 0 : i32
      %dma_wait3A_1403 = arith.constant 0 : i32
      %dma_wait3A_1404 = tpu.memref_slice %arg9[%dma_wait3A_1398, %dma_wait3A_1399, %dma_wait3A_1402, %dma_wait3A_1403] : memref<2x8x32x128xf32, #tpu.memory_space<vmem>> -> memref<1x1x32x128xf32, #tpu.memory_space<vmem>>
      %dma_wait3A_1405 = tpu.memref_squeeze %dma_wait3A_1404 : memref<1x1x32x128xf32, #tpu.memory_space<vmem>> -> memref<32x128xf32, #tpu.memory_space<vmem>>
      %dma_wait3A_1406 = arith.constant 0 : i32
      %dma_wait3A_1407 = arith.constant 0 : i32
      %dma_wait3A_1408 = tpu.memref_slice %arg5[%dma_wait3A_1406, %dma_wait3A_1407] : memref<32x1000000xf32, #tpu.memory_space<hbm>> -> memref<32x128xf32, #tpu.memory_space<hbm>>
      %dma_wait3A_1409 = tpu.memref_slice %arg11[%dma_wait3A_1400, %dma_wait3A_1401] : memref<2x8x!tpu.dma_semaphore, #tpu.memory_space<semaphore_mem>> -> memref<1x1x!tpu.dma_semaphore, #tpu.memory_space<semaphore_mem>>
      %dma_wait3A_1410 = tpu.memref_squeeze %dma_wait3A_1409 : memref<1x1x!tpu.dma_semaphore, #tpu.memory_space<semaphore_mem>> -> memref<!tpu.dma_semaphore, #tpu.memory_space<semaphore_mem>>
      %dma_wait3A_1411 = arith.constant 0 : i32
      %dma_wait3A_1412 = arith.constant 0 : i32
      %dma_wait3A_1413 = tpu.memref_slice %arg9[%dma_wait3A_1398, %dma_wait3A_1399, %dma_wait3A_1411, %dma_wait3A_1412] : memref<2x8x32x128xf32, #tpu.memory_space<vmem>> -> memref<1x1x32x128xf32, #tpu.memory_space<vmem>>
      %dma_wait3A_1414 = tpu.memref_squeeze %dma_wait3A_1413 : memref<1x1x32x128xf32, #tpu.memory_space<vmem>> -> memref<32x128xf32, #tpu.memory_space<vmem>>
      %dma_wait3A_1415 = arith.constant 0 : i32
      %dma_wait3A_1416 = arith.constant 0 : i32
      %dma_wait3A_1417 = tpu.memref_slice %arg5[%dma_wait3A_1415, %dma_wait3A_1416] : memref<32x1000000xf32, #tpu.memory_space<hbm>> -> memref<32x128xf32, #tpu.memory_space<hbm>>
      tpu.wait_dma2 semaphore(%dma_wait3A_1410 : memref<!tpu.dma_semaphore, #tpu.memory_space<semaphore_mem>>) src(%dma_wait3A_1417 : memref<32x128xf32, #tpu.memory_space<hbm>>) dst(%dma_wait3A_1414 : memref<32x128xf32, #tpu.memory_space<vmem>>)
      %slice3A_1418 = vector.extract_strided_slice %and3A_890 {offsets = [9], sizes = [1], strides = [1]} : vector<16xi32> to vector<1xi32>
      %squeeze3A_1419 = vector.extract %slice3A_1418[0] : i32 from vector<1xi32>
      %broadcast_in_dim3A_1420 = vector.broadcast %squeeze3A_1419 : i32 to vector<16xi32>
      %gather3A_1421 = arith.constant 1 : i32
      %gather3A_1422 = arith.constant 1 : i32
      %gather3A_1423 = arith.constant 0 : i32
      %gather3A_1424 = arith.constant 0 : i32
      %gather3A_1425 = tpu.memref_slice %arg9[%gather3A_1421, %gather3A_1422, %gather3A_1423, %gather3A_1424] : memref<2x8x32x128xf32, #tpu.memory_space<vmem>> -> memref<1x1x32x128xf32, #tpu.memory_space<vmem>>
      %gather3A_1426 = tpu.memref_squeeze %gather3A_1425 : memref<1x1x32x128xf32, #tpu.memory_space<vmem>> -> memref<32x128xf32, #tpu.memory_space<vmem>>
      %gather3A_1427 = tpu.vector_load_idx %gather3A_1426[%iota3A, %broadcast_in_dim3A_1420] : memref<32x128xf32, #tpu.memory_space<vmem>>[vector<16xi32>, vector<16xi32>], vector<16xf32>,
      %add3A_1428 = arith.constant 16 : i32
      %add3A_1429 = vector.broadcast %add3A_1428 : i32 to vector<16xi32>
      %add3A_1430 = arith.addi %iota3A, %add3A_1429 : vector<16xi32>
      %gather3A_1431 = arith.constant 1 : i32
      %gather3A_1432 = arith.constant 1 : i32
      %gather3A_1433 = arith.constant 0 : i32
      %gather3A_1434 = arith.constant 0 : i32
      %gather3A_1435 = tpu.memref_slice %arg9[%gather3A_1431, %gather3A_1432, %gather3A_1433, %gather3A_1434] : memref<2x8x32x128xf32, #tpu.memory_space<vmem>> -> memref<1x1x32x128xf32, #tpu.memory_space<vmem>>
      %gather3A_1436 = tpu.memref_squeeze %gather3A_1435 : memref<1x1x32x128xf32, #tpu.memory_space<vmem>> -> memref<32x128xf32, #tpu.memory_space<vmem>>
      %gather3A_1437 = tpu.vector_load_idx %gather3A_1436[%add3A_1430, %broadcast_in_dim3A_1420] : memref<32x128xf32, #tpu.memory_space<vmem>>[vector<16xi32>, vector<16xi32>], vector<16xf32>,
      %swap3A_1438 = arith.constant 1 : i32
      %swap3A_1439 = arith.constant 1 : i32
      %swap3A_1440 = arith.index_cast %swap3A_1438 : i32 to index
      %swap3A_1441 = arith.index_cast %swap3A_1439 : i32 to index
      %swap3A_1442 = arith.constant 0 : index
      %swap3A_1443 = tpu.vector_load %arg10[%swap3A_1440, %swap3A_1441, %swap3A_1442] {strides = array<i32>} : memref<2x8x32xf32, #tpu.memory_space<vmem>>, vector<16xf32>,
      tpu.vector_store %arg10[%swap3A_1440, %swap3A_1441, %swap3A_1442], %gather3A_1427 {strides = array<i32>} : memref<2x8x32xf32, #tpu.memory_space<vmem>>, vector<16xf32>,
      %swap3A_1444 = arith.constant 1 : i32
      %swap3A_1445 = arith.constant 1 : i32
      %swap3A_1446 = arith.index_cast %swap3A_1444 : i32 to index
      %swap3A_1447 = arith.index_cast %swap3A_1445 : i32 to index
      %swap3A_1448 = arith.constant 16 : index
      %swap3A_1449 = tpu.vector_load %arg10[%swap3A_1446, %swap3A_1447, %swap3A_1448] {strides = array<i32>} : memref<2x8x32xf32, #tpu.memory_space<vmem>>, vector<16xf32>,
      tpu.vector_store %arg10[%swap3A_1446, %swap3A_1447, %swap3A_1448], %gather3A_1437 {strides = array<i32>} : memref<2x8x32xf32, #tpu.memory_space<vmem>>, vector<16xf32>,
      %dma_wait3A_1450 = arith.constant 1 : i32
      %dma_wait3A_1451 = arith.constant 2 : i32
      %dma_wait3A_1452 = arith.constant 1 : i32
      %dma_wait3A_1453 = arith.constant 2 : i32
      %dma_wait3A_1454 = arith.constant 0 : i32
      %dma_wait3A_1455 = arith.constant 0 : i32
      %dma_wait3A_1456 = tpu.memref_slice %arg9[%dma_wait3A_1450, %dma_wait3A_1451, %dma_wait3A_1454, %dma_wait3A_1455] : memref<2x8x32x128xf32, #tpu.memory_space<vmem>> -> memref<1x1x32x128xf32, #tpu.memory_space<vmem>>
      %dma_wait3A_1457 = tpu.memref_squeeze %dma_wait3A_1456 : memref<1x1x32x128xf32, #tpu.memory_space<vmem>> -> memref<32x128xf32, #tpu.memory_space<vmem>>
      %dma_wait3A_1458 = arith.constant 0 : i32
      %dma_wait3A_1459 = arith.constant 0 : i32
      %dma_wait3A_1460 = tpu.memref_slice %arg5[%dma_wait3A_1458, %dma_wait3A_1459] : memref<32x1000000xf32, #tpu.memory_space<hbm>> -> memref<32x128xf32, #tpu.memory_space<hbm>>
      %dma_wait3A_1461 = tpu.memref_slice %arg11[%dma_wait3A_1452, %dma_wait3A_1453] : memref<2x8x!tpu.dma_semaphore, #tpu.memory_space<semaphore_mem>> -> memref<1x1x!tpu.dma_semaphore, #tpu.memory_space<semaphore_mem>>
      %dma_wait3A_1462 = tpu.memref_squeeze %dma_wait3A_1461 : memref<1x1x!tpu.dma_semaphore, #tpu.memory_space<semaphore_mem>> -> memref<!tpu.dma_semaphore, #tpu.memory_space<semaphore_mem>>
      %dma_wait3A_1463 = arith.constant 0 : i32
      %dma_wait3A_1464 = arith.constant 0 : i32
      %dma_wait3A_1465 = tpu.memref_slice %arg9[%dma_wait3A_1450, %dma_wait3A_1451, %dma_wait3A_1463, %dma_wait3A_1464] : memref<2x8x32x128xf32, #tpu.memory_space<vmem>> -> memref<1x1x32x128xf32, #tpu.memory_space<vmem>>
      %dma_wait3A_1466 = tpu.memref_squeeze %dma_wait3A_1465 : memref<1x1x32x128xf32, #tpu.memory_space<vmem>> -> memref<32x128xf32, #tpu.memory_space<vmem>>
      %dma_wait3A_1467 = arith.constant 0 : i32
      %dma_wait3A_1468 = arith.constant 0 : i32
      %dma_wait3A_1469 = tpu.memref_slice %arg5[%dma_wait3A_1467, %dma_wait3A_1468] : memref<32x1000000xf32, #tpu.memory_space<hbm>> -> memref<32x128xf32, #tpu.memory_space<hbm>>
      tpu.wait_dma2 semaphore(%dma_wait3A_1462 : memref<!tpu.dma_semaphore, #tpu.memory_space<semaphore_mem>>) src(%dma_wait3A_1469 : memref<32x128xf32, #tpu.memory_space<hbm>>) dst(%dma_wait3A_1466 : memref<32x128xf32, #tpu.memory_space<vmem>>)
      %slice3A_1470 = vector.extract_strided_slice %and3A_890 {offsets = [10], sizes = [1], strides = [1]} : vector<16xi32> to vector<1xi32>
      %squeeze3A_1471 = vector.extract %slice3A_1470[0] : i32 from vector<1xi32>
      %broadcast_in_dim3A_1472 = vector.broadcast %squeeze3A_1471 : i32 to vector<16xi32>
      %gather3A_1473 = arith.constant 1 : i32
      %gather3A_1474 = arith.constant 2 : i32
      %gather3A_1475 = arith.constant 0 : i32
      %gather3A_1476 = arith.constant 0 : i32
      %gather3A_1477 = tpu.memref_slice %arg9[%gather3A_1473, %gather3A_1474, %gather3A_1475, %gather3A_1476] : memref<2x8x32x128xf32, #tpu.memory_space<vmem>> -> memref<1x1x32x128xf32, #tpu.memory_space<vmem>>
      %gather3A_1478 = tpu.memref_squeeze %gather3A_1477 : memref<1x1x32x128xf32, #tpu.memory_space<vmem>> -> memref<32x128xf32, #tpu.memory_space<vmem>>
      %gather3A_1479 = tpu.vector_load_idx %gather3A_1478[%iota3A, %broadcast_in_dim3A_1472] : memref<32x128xf32, #tpu.memory_space<vmem>>[vector<16xi32>, vector<16xi32>], vector<16xf32>,
      %add3A_1480 = arith.constant 16 : i32
      %add3A_1481 = vector.broadcast %add3A_1480 : i32 to vector<16xi32>
      %add3A_1482 = arith.addi %iota3A, %add3A_1481 : vector<16xi32>
      %gather3A_1483 = arith.constant 1 : i32
      %gather3A_1484 = arith.constant 2 : i32
      %gather3A_1485 = arith.constant 0 : i32
      %gather3A_1486 = arith.constant 0 : i32
      %gather3A_1487 = tpu.memref_slice %arg9[%gather3A_1483, %gather3A_1484, %gather3A_1485, %gather3A_1486] : memref<2x8x32x128xf32, #tpu.memory_space<vmem>> -> memref<1x1x32x128xf32, #tpu.memory_space<vmem>>
      %gather3A_1488 = tpu.memref_squeeze %gather3A_1487 : memref<1x1x32x128xf32, #tpu.memory_space<vmem>> -> memref<32x128xf32, #tpu.memory_space<vmem>>
      %gather3A_1489 = tpu.vector_load_idx %gather3A_1488[%add3A_1482, %broadcast_in_dim3A_1472] : memref<32x128xf32, #tpu.memory_space<vmem>>[vector<16xi32>, vector<16xi32>], vector<16xf32>,
      %swap3A_1490 = arith.constant 1 : i32
      %swap3A_1491 = arith.constant 2 : i32
      %swap3A_1492 = arith.index_cast %swap3A_1490 : i32 to index
      %swap3A_1493 = arith.index_cast %swap3A_1491 : i32 to index
      %swap3A_1494 = arith.constant 0 : index
      %swap3A_1495 = tpu.vector_load %arg10[%swap3A_1492, %swap3A_1493, %swap3A_1494] {strides = array<i32>} : memref<2x8x32xf32, #tpu.memory_space<vmem>>, vector<16xf32>,
      tpu.vector_store %arg10[%swap3A_1492, %swap3A_1493, %swap3A_1494], %gather3A_1479 {strides = array<i32>} : memref<2x8x32xf32, #tpu.memory_space<vmem>>, vector<16xf32>,
      %swap3A_1496 = arith.constant 1 : i32
      %swap3A_1497 = arith.constant 2 : i32
      %swap3A_1498 = arith.index_cast %swap3A_1496 : i32 to index
      %swap3A_1499 = arith.index_cast %swap3A_1497 : i32 to index
      %swap3A_1500 = arith.constant 16 : index
      %swap3A_1501 = tpu.vector_load %arg10[%swap3A_1498, %swap3A_1499, %swap3A_1500] {strides = array<i32>} : memref<2x8x32xf32, #tpu.memory_space<vmem>>, vector<16xf32>,
      tpu.vector_store %arg10[%swap3A_1498, %swap3A_1499, %swap3A_1500], %gather3A_1489 {strides = array<i32>} : memref<2x8x32xf32, #tpu.memory_space<vmem>>, vector<16xf32>,
      %dma_wait3A_1502 = arith.constant 1 : i32
      %dma_wait3A_1503 = arith.constant 3 : i32
      %dma_wait3A_1504 = arith.constant 1 : i32
      %dma_wait3A_1505 = arith.constant 3 : i32
      %dma_wait3A_1506 = arith.constant 0 : i32
      %dma_wait3A_1507 = arith.constant 0 : i32
      %dma_wait3A_1508 = tpu.memref_slice %arg9[%dma_wait3A_1502, %dma_wait3A_1503, %dma_wait3A_1506, %dma_wait3A_1507] : memref<2x8x32x128xf32, #tpu.memory_space<vmem>> -> memref<1x1x32x128xf32, #tpu.memory_space<vmem>>
      %dma_wait3A_1509 = tpu.memref_squeeze %dma_wait3A_1508 : memref<1x1x32x128xf32, #tpu.memory_space<vmem>> -> memref<32x128xf32, #tpu.memory_space<vmem>>
      %dma_wait3A_1510 = arith.constant 0 : i32
      %dma_wait3A_1511 = arith.constant 0 : i32
      %dma_wait3A_1512 = tpu.memref_slice %arg5[%dma_wait3A_1510, %dma_wait3A_1511] : memref<32x1000000xf32, #tpu.memory_space<hbm>> -> memref<32x128xf32, #tpu.memory_space<hbm>>
      %dma_wait3A_1513 = tpu.memref_slice %arg11[%dma_wait3A_1504, %dma_wait3A_1505] : memref<2x8x!tpu.dma_semaphore, #tpu.memory_space<semaphore_mem>> -> memref<1x1x!tpu.dma_semaphore, #tpu.memory_space<semaphore_mem>>
      %dma_wait3A_1514 = tpu.memref_squeeze %dma_wait3A_1513 : memref<1x1x!tpu.dma_semaphore, #tpu.memory_space<semaphore_mem>> -> memref<!tpu.dma_semaphore, #tpu.memory_space<semaphore_mem>>
      %dma_wait3A_1515 = arith.constant 0 : i32
      %dma_wait3A_1516 = arith.constant 0 : i32
      %dma_wait3A_1517 = tpu.memref_slice %arg9[%dma_wait3A_1502, %dma_wait3A_1503, %dma_wait3A_1515, %dma_wait3A_1516] : memref<2x8x32x128xf32, #tpu.memory_space<vmem>> -> memref<1x1x32x128xf32, #tpu.memory_space<vmem>>
      %dma_wait3A_1518 = tpu.memref_squeeze %dma_wait3A_1517 : memref<1x1x32x128xf32, #tpu.memory_space<vmem>> -> memref<32x128xf32, #tpu.memory_space<vmem>>
      %dma_wait3A_1519 = arith.constant 0 : i32
      %dma_wait3A_1520 = arith.constant 0 : i32
      %dma_wait3A_1521 = tpu.memref_slice %arg5[%dma_wait3A_1519, %dma_wait3A_1520] : memref<32x1000000xf32, #tpu.memory_space<hbm>> -> memref<32x128xf32, #tpu.memory_space<hbm>>
      tpu.wait_dma2 semaphore(%dma_wait3A_1514 : memref<!tpu.dma_semaphore, #tpu.memory_space<semaphore_mem>>) src(%dma_wait3A_1521 : memref<32x128xf32, #tpu.memory_space<hbm>>) dst(%dma_wait3A_1518 : memref<32x128xf32, #tpu.memory_space<vmem>>)
      %slice3A_1522 = vector.extract_strided_slice %and3A_890 {offsets = [11], sizes = [1], strides = [1]} : vector<16xi32> to vector<1xi32>
      %squeeze3A_1523 = vector.extract %slice3A_1522[0] : i32 from vector<1xi32>
      %broadcast_in_dim3A_1524 = vector.broadcast %squeeze3A_1523 : i32 to vector<16xi32>
      %gather3A_1525 = arith.constant 1 : i32
      %gather3A_1526 = arith.constant 3 : i32
      %gather3A_1527 = arith.constant 0 : i32
      %gather3A_1528 = arith.constant 0 : i32
      %gather3A_1529 = tpu.memref_slice %arg9[%gather3A_1525, %gather3A_1526, %gather3A_1527, %gather3A_1528] : memref<2x8x32x128xf32, #tpu.memory_space<vmem>> -> memref<1x1x32x128xf32, #tpu.memory_space<vmem>>
      %gather3A_1530 = tpu.memref_squeeze %gather3A_1529 : memref<1x1x32x128xf32, #tpu.memory_space<vmem>> -> memref<32x128xf32, #tpu.memory_space<vmem>>
      %gather3A_1531 = tpu.vector_load_idx %gather3A_1530[%iota3A, %broadcast_in_dim3A_1524] : memref<32x128xf32, #tpu.memory_space<vmem>>[vector<16xi32>, vector<16xi32>], vector<16xf32>,
      %add3A_1532 = arith.constant 16 : i32
      %add3A_1533 = vector.broadcast %add3A_1532 : i32 to vector<16xi32>
      %add3A_1534 = arith.addi %iota3A, %add3A_1533 : vector<16xi32>
      %gather3A_1535 = arith.constant 1 : i32
      %gather3A_1536 = arith.constant 3 : i32
      %gather3A_1537 = arith.constant 0 : i32
      %gather3A_1538 = arith.constant 0 : i32
      %gather3A_1539 = tpu.memref_slice %arg9[%gather3A_1535, %gather3A_1536, %gather3A_1537, %gather3A_1538] : memref<2x8x32x128xf32, #tpu.memory_space<vmem>> -> memref<1x1x32x128xf32, #tpu.memory_space<vmem>>
      %gather3A_1540 = tpu.memref_squeeze %gather3A_1539 : memref<1x1x32x128xf32, #tpu.memory_space<vmem>> -> memref<32x128xf32, #tpu.memory_space<vmem>>
      %gather3A_1541 = tpu.vector_load_idx %gather3A_1540[%add3A_1534, %broadcast_in_dim3A_1524] : memref<32x128xf32, #tpu.memory_space<vmem>>[vector<16xi32>, vector<16xi32>], vector<16xf32>,
      %swap3A_1542 = arith.constant 1 : i32
      %swap3A_1543 = arith.constant 3 : i32
      %swap3A_1544 = arith.index_cast %swap3A_1542 : i32 to index
      %swap3A_1545 = arith.index_cast %swap3A_1543 : i32 to index
      %swap3A_1546 = arith.constant 0 : index
      %swap3A_1547 = tpu.vector_load %arg10[%swap3A_1544, %swap3A_1545, %swap3A_1546] {strides = array<i32>} : memref<2x8x32xf32, #tpu.memory_space<vmem>>, vector<16xf32>,
      tpu.vector_store %arg10[%swap3A_1544, %swap3A_1545, %swap3A_1546], %gather3A_1531 {strides = array<i32>} : memref<2x8x32xf32, #tpu.memory_space<vmem>>, vector<16xf32>,
      %swap3A_1548 = arith.constant 1 : i32
      %swap3A_1549 = arith.constant 3 : i32
      %swap3A_1550 = arith.index_cast %swap3A_1548 : i32 to index
      %swap3A_1551 = arith.index_cast %swap3A_1549 : i32 to index
      %swap3A_1552 = arith.constant 16 : index
      %swap3A_1553 = tpu.vector_load %arg10[%swap3A_1550, %swap3A_1551, %swap3A_1552] {strides = array<i32>} : memref<2x8x32xf32, #tpu.memory_space<vmem>>, vector<16xf32>,
      tpu.vector_store %arg10[%swap3A_1550, %swap3A_1551, %swap3A_1552], %gather3A_1541 {strides = array<i32>} : memref<2x8x32xf32, #tpu.memory_space<vmem>>, vector<16xf32>,
      %dma_wait3A_1554 = arith.constant 1 : i32
      %dma_wait3A_1555 = arith.constant 4 : i32
      %dma_wait3A_1556 = arith.constant 1 : i32
      %dma_wait3A_1557 = arith.constant 4 : i32
      %dma_wait3A_1558 = arith.constant 0 : i32
      %dma_wait3A_1559 = arith.constant 0 : i32
      %dma_wait3A_1560 = tpu.memref_slice %arg9[%dma_wait3A_1554, %dma_wait3A_1555, %dma_wait3A_1558, %dma_wait3A_1559] : memref<2x8x32x128xf32, #tpu.memory_space<vmem>> -> memref<1x1x32x128xf32, #tpu.memory_space<vmem>>
      %dma_wait3A_1561 = tpu.memref_squeeze %dma_wait3A_1560 : memref<1x1x32x128xf32, #tpu.memory_space<vmem>> -> memref<32x128xf32, #tpu.memory_space<vmem>>
      %dma_wait3A_1562 = arith.constant 0 : i32
      %dma_wait3A_1563 = arith.constant 0 : i32
      %dma_wait3A_1564 = tpu.memref_slice %arg5[%dma_wait3A_1562, %dma_wait3A_1563] : memref<32x1000000xf32, #tpu.memory_space<hbm>> -> memref<32x128xf32, #tpu.memory_space<hbm>>
      %dma_wait3A_1565 = tpu.memref_slice %arg11[%dma_wait3A_1556, %dma_wait3A_1557] : memref<2x8x!tpu.dma_semaphore, #tpu.memory_space<semaphore_mem>> -> memref<1x1x!tpu.dma_semaphore, #tpu.memory_space<semaphore_mem>>
      %dma_wait3A_1566 = tpu.memref_squeeze %dma_wait3A_1565 : memref<1x1x!tpu.dma_semaphore, #tpu.memory_space<semaphore_mem>> -> memref<!tpu.dma_semaphore, #tpu.memory_space<semaphore_mem>>
      %dma_wait3A_1567 = arith.constant 0 : i32
      %dma_wait3A_1568 = arith.constant 0 : i32
      %dma_wait3A_1569 = tpu.memref_slice %arg9[%dma_wait3A_1554, %dma_wait3A_1555, %dma_wait3A_1567, %dma_wait3A_1568] : memref<2x8x32x128xf32, #tpu.memory_space<vmem>> -> memref<1x1x32x128xf32, #tpu.memory_space<vmem>>
      %dma_wait3A_1570 = tpu.memref_squeeze %dma_wait3A_1569 : memref<1x1x32x128xf32, #tpu.memory_space<vmem>> -> memref<32x128xf32, #tpu.memory_space<vmem>>
      %dma_wait3A_1571 = arith.constant 0 : i32
      %dma_wait3A_1572 = arith.constant 0 : i32
      %dma_wait3A_1573 = tpu.memref_slice %arg5[%dma_wait3A_1571, %dma_wait3A_1572] : memref<32x1000000xf32, #tpu.memory_space<hbm>> -> memref<32x128xf32, #tpu.memory_space<hbm>>
      tpu.wait_dma2 semaphore(%dma_wait3A_1566 : memref<!tpu.dma_semaphore, #tpu.memory_space<semaphore_mem>>) src(%dma_wait3A_1573 : memref<32x128xf32, #tpu.memory_space<hbm>>) dst(%dma_wait3A_1570 : memref<32x128xf32, #tpu.memory_space<vmem>>)
      %slice3A_1574 = vector.extract_strided_slice %and3A_890 {offsets = [12], sizes = [1], strides = [1]} : vector<16xi32> to vector<1xi32>
      %squeeze3A_1575 = vector.extract %slice3A_1574[0] : i32 from vector<1xi32>
      %broadcast_in_dim3A_1576 = vector.broadcast %squeeze3A_1575 : i32 to vector<16xi32>
      %gather3A_1577 = arith.constant 1 : i32
      %gather3A_1578 = arith.constant 4 : i32
      %gather3A_1579 = arith.constant 0 : i32
      %gather3A_1580 = arith.constant 0 : i32
      %gather3A_1581 = tpu.memref_slice %arg9[%gather3A_1577, %gather3A_1578, %gather3A_1579, %gather3A_1580] : memref<2x8x32x128xf32, #tpu.memory_space<vmem>> -> memref<1x1x32x128xf32, #tpu.memory_space<vmem>>
      %gather3A_1582 = tpu.memref_squeeze %gather3A_1581 : memref<1x1x32x128xf32, #tpu.memory_space<vmem>> -> memref<32x128xf32, #tpu.memory_space<vmem>>
      %gather3A_1583 = tpu.vector_load_idx %gather3A_1582[%iota3A, %broadcast_in_dim3A_1576] : memref<32x128xf32, #tpu.memory_space<vmem>>[vector<16xi32>, vector<16xi32>], vector<16xf32>,
      %add3A_1584 = arith.constant 16 : i32
      %add3A_1585 = vector.broadcast %add3A_1584 : i32 to vector<16xi32>
      %add3A_1586 = arith.addi %iota3A, %add3A_1585 : vector<16xi32>
      %gather3A_1587 = arith.constant 1 : i32
      %gather3A_1588 = arith.constant 4 : i32
      %gather3A_1589 = arith.constant 0 : i32
      %gather3A_1590 = arith.constant 0 : i32
      %gather3A_1591 = tpu.memref_slice %arg9[%gather3A_1587, %gather3A_1588, %gather3A_1589, %gather3A_1590] : memref<2x8x32x128xf32, #tpu.memory_space<vmem>> -> memref<1x1x32x128xf32, #tpu.memory_space<vmem>>
      %gather3A_1592 = tpu.memref_squeeze %gather3A_1591 : memref<1x1x32x128xf32, #tpu.memory_space<vmem>> -> memref<32x128xf32, #tpu.memory_space<vmem>>
      %gather3A_1593 = tpu.vector_load_idx %gather3A_1592[%add3A_1586, %broadcast_in_dim3A_1576] : memref<32x128xf32, #tpu.memory_space<vmem>>[vector<16xi32>, vector<16xi32>], vector<16xf32>,
      %swap3A_1594 = arith.constant 1 : i32
      %swap3A_1595 = arith.constant 4 : i32
      %swap3A_1596 = arith.index_cast %swap3A_1594 : i32 to index
      %swap3A_1597 = arith.index_cast %swap3A_1595 : i32 to index
      %swap3A_1598 = arith.constant 0 : index
      %swap3A_1599 = tpu.vector_load %arg10[%swap3A_1596, %swap3A_1597, %swap3A_1598] {strides = array<i32>} : memref<2x8x32xf32, #tpu.memory_space<vmem>>, vector<16xf32>,
      tpu.vector_store %arg10[%swap3A_1596, %swap3A_1597, %swap3A_1598], %gather3A_1583 {strides = array<i32>} : memref<2x8x32xf32, #tpu.memory_space<vmem>>, vector<16xf32>,
      %swap3A_1600 = arith.constant 1 : i32
      %swap3A_1601 = arith.constant 4 : i32
      %swap3A_1602 = arith.index_cast %swap3A_1600 : i32 to index
      %swap3A_1603 = arith.index_cast %swap3A_1601 : i32 to index
      %swap3A_1604 = arith.constant 16 : index
      %swap3A_1605 = tpu.vector_load %arg10[%swap3A_1602, %swap3A_1603, %swap3A_1604] {strides = array<i32>} : memref<2x8x32xf32, #tpu.memory_space<vmem>>, vector<16xf32>,
      tpu.vector_store %arg10[%swap3A_1602, %swap3A_1603, %swap3A_1604], %gather3A_1593 {strides = array<i32>} : memref<2x8x32xf32, #tpu.memory_space<vmem>>, vector<16xf32>,
      %dma_wait3A_1606 = arith.constant 1 : i32
      %dma_wait3A_1607 = arith.constant 5 : i32
      %dma_wait3A_1608 = arith.constant 1 : i32
      %dma_wait3A_1609 = arith.constant 5 : i32
      %dma_wait3A_1610 = arith.constant 0 : i32
      %dma_wait3A_1611 = arith.constant 0 : i32
      %dma_wait3A_1612 = tpu.memref_slice %arg9[%dma_wait3A_1606, %dma_wait3A_1607, %dma_wait3A_1610, %dma_wait3A_1611] : memref<2x8x32x128xf32, #tpu.memory_space<vmem>> -> memref<1x1x32x128xf32, #tpu.memory_space<vmem>>
      %dma_wait3A_1613 = tpu.memref_squeeze %dma_wait3A_1612 : memref<1x1x32x128xf32, #tpu.memory_space<vmem>> -> memref<32x128xf32, #tpu.memory_space<vmem>>
      %dma_wait3A_1614 = arith.constant 0 : i32
      %dma_wait3A_1615 = arith.constant 0 : i32
      %dma_wait3A_1616 = tpu.memref_slice %arg5[%dma_wait3A_1614, %dma_wait3A_1615] : memref<32x1000000xf32, #tpu.memory_space<hbm>> -> memref<32x128xf32, #tpu.memory_space<hbm>>
      %dma_wait3A_1617 = tpu.memref_slice %arg11[%dma_wait3A_1608, %dma_wait3A_1609] : memref<2x8x!tpu.dma_semaphore, #tpu.memory_space<semaphore_mem>> -> memref<1x1x!tpu.dma_semaphore, #tpu.memory_space<semaphore_mem>>
      %dma_wait3A_1618 = tpu.memref_squeeze %dma_wait3A_1617 : memref<1x1x!tpu.dma_semaphore, #tpu.memory_space<semaphore_mem>> -> memref<!tpu.dma_semaphore, #tpu.memory_space<semaphore_mem>>
      %dma_wait3A_1619 = arith.constant 0 : i32
      %dma_wait3A_1620 = arith.constant 0 : i32
      %dma_wait3A_1621 = tpu.memref_slice %arg9[%dma_wait3A_1606, %dma_wait3A_1607, %dma_wait3A_1619, %dma_wait3A_1620] : memref<2x8x32x128xf32, #tpu.memory_space<vmem>> -> memref<1x1x32x128xf32, #tpu.memory_space<vmem>>
      %dma_wait3A_1622 = tpu.memref_squeeze %dma_wait3A_1621 : memref<1x1x32x128xf32, #tpu.memory_space<vmem>> -> memref<32x128xf32, #tpu.memory_space<vmem>>
      %dma_wait3A_1623 = arith.constant 0 : i32
      %dma_wait3A_1624 = arith.constant 0 : i32
      %dma_wait3A_1625 = tpu.memref_slice %arg5[%dma_wait3A_1623, %dma_wait3A_1624] : memref<32x1000000xf32, #tpu.memory_space<hbm>> -> memref<32x128xf32, #tpu.memory_space<hbm>>
      tpu.wait_dma2 semaphore(%dma_wait3A_1618 : memref<!tpu.dma_semaphore, #tpu.memory_space<semaphore_mem>>) src(%dma_wait3A_1625 : memref<32x128xf32, #tpu.memory_space<hbm>>) dst(%dma_wait3A_1622 : memref<32x128xf32, #tpu.memory_space<vmem>>)
      %slice3A_1626 = vector.extract_strided_slice %and3A_890 {offsets = [13], sizes = [1], strides = [1]} : vector<16xi32> to vector<1xi32>
      %squeeze3A_1627 = vector.extract %slice3A_1626[0] : i32 from vector<1xi32>
      %broadcast_in_dim3A_1628 = vector.broadcast %squeeze3A_1627 : i32 to vector<16xi32>
      %gather3A_1629 = arith.constant 1 : i32
      %gather3A_1630 = arith.constant 5 : i32
      %gather3A_1631 = arith.constant 0 : i32
      %gather3A_1632 = arith.constant 0 : i32
      %gather3A_1633 = tpu.memref_slice %arg9[%gather3A_1629, %gather3A_1630, %gather3A_1631, %gather3A_1632] : memref<2x8x32x128xf32, #tpu.memory_space<vmem>> -> memref<1x1x32x128xf32, #tpu.memory_space<vmem>>
      %gather3A_1634 = tpu.memref_squeeze %gather3A_1633 : memref<1x1x32x128xf32, #tpu.memory_space<vmem>> -> memref<32x128xf32, #tpu.memory_space<vmem>>
      %gather3A_1635 = tpu.vector_load_idx %gather3A_1634[%iota3A, %broadcast_in_dim3A_1628] : memref<32x128xf32, #tpu.memory_space<vmem>>[vector<16xi32>, vector<16xi32>], vector<16xf32>,
      %add3A_1636 = arith.constant 16 : i32
      %add3A_1637 = vector.broadcast %add3A_1636 : i32 to vector<16xi32>
      %add3A_1638 = arith.addi %iota3A, %add3A_1637 : vector<16xi32>
      %gather3A_1639 = arith.constant 1 : i32
      %gather3A_1640 = arith.constant 5 : i32
      %gather3A_1641 = arith.constant 0 : i32
      %gather3A_1642 = arith.constant 0 : i32
      %gather3A_1643 = tpu.memref_slice %arg9[%gather3A_1639, %gather3A_1640, %gather3A_1641, %gather3A_1642] : memref<2x8x32x128xf32, #tpu.memory_space<vmem>> -> memref<1x1x32x128xf32, #tpu.memory_space<vmem>>
      %gather3A_1644 = tpu.memref_squeeze %gather3A_1643 : memref<1x1x32x128xf32, #tpu.memory_space<vmem>> -> memref<32x128xf32, #tpu.memory_space<vmem>>
      %gather3A_1645 = tpu.vector_load_idx %gather3A_1644[%add3A_1638, %broadcast_in_dim3A_1628] : memref<32x128xf32, #tpu.memory_space<vmem>>[vector<16xi32>, vector<16xi32>], vector<16xf32>,
      %swap3A_1646 = arith.constant 1 : i32
      %swap3A_1647 = arith.constant 5 : i32
      %swap3A_1648 = arith.index_cast %swap3A_1646 : i32 to index
      %swap3A_1649 = arith.index_cast %swap3A_1647 : i32 to index
      %swap3A_1650 = arith.constant 0 : index
      %swap3A_1651 = tpu.vector_load %arg10[%swap3A_1648, %swap3A_1649, %swap3A_1650] {strides = array<i32>} : memref<2x8x32xf32, #tpu.memory_space<vmem>>, vector<16xf32>,
      tpu.vector_store %arg10[%swap3A_1648, %swap3A_1649, %swap3A_1650], %gather3A_1635 {strides = array<i32>} : memref<2x8x32xf32, #tpu.memory_space<vmem>>, vector<16xf32>,
      %swap3A_1652 = arith.constant 1 : i32
      %swap3A_1653 = arith.constant 5 : i32
      %swap3A_1654 = arith.index_cast %swap3A_1652 : i32 to index
      %swap3A_1655 = arith.index_cast %swap3A_1653 : i32 to index
      %swap3A_1656 = arith.constant 16 : index
      %swap3A_1657 = tpu.vector_load %arg10[%swap3A_1654, %swap3A_1655, %swap3A_1656] {strides = array<i32>} : memref<2x8x32xf32, #tpu.memory_space<vmem>>, vector<16xf32>,
      tpu.vector_store %arg10[%swap3A_1654, %swap3A_1655, %swap3A_1656], %gather3A_1645 {strides = array<i32>} : memref<2x8x32xf32, #tpu.memory_space<vmem>>, vector<16xf32>,
      %dma_wait3A_1658 = arith.constant 1 : i32
      %dma_wait3A_1659 = arith.constant 6 : i32
      %dma_wait3A_1660 = arith.constant 1 : i32
      %dma_wait3A_1661 = arith.constant 6 : i32
      %dma_wait3A_1662 = arith.constant 0 : i32
      %dma_wait3A_1663 = arith.constant 0 : i32
      %dma_wait3A_1664 = tpu.memref_slice %arg9[%dma_wait3A_1658, %dma_wait3A_1659, %dma_wait3A_1662, %dma_wait3A_1663] : memref<2x8x32x128xf32, #tpu.memory_space<vmem>> -> memref<1x1x32x128xf32, #tpu.memory_space<vmem>>
      %dma_wait3A_1665 = tpu.memref_squeeze %dma_wait3A_1664 : memref<1x1x32x128xf32, #tpu.memory_space<vmem>> -> memref<32x128xf32, #tpu.memory_space<vmem>>
      %dma_wait3A_1666 = arith.constant 0 : i32
      %dma_wait3A_1667 = arith.constant 0 : i32
      %dma_wait3A_1668 = tpu.memref_slice %arg5[%dma_wait3A_1666, %dma_wait3A_1667] : memref<32x1000000xf32, #tpu.memory_space<hbm>> -> memref<32x128xf32, #tpu.memory_space<hbm>>
      %dma_wait3A_1669 = tpu.memref_slice %arg11[%dma_wait3A_1660, %dma_wait3A_1661] : memref<2x8x!tpu.dma_semaphore, #tpu.memory_space<semaphore_mem>> -> memref<1x1x!tpu.dma_semaphore, #tpu.memory_space<semaphore_mem>>
      %dma_wait3A_1670 = tpu.memref_squeeze %dma_wait3A_1669 : memref<1x1x!tpu.dma_semaphore, #tpu.memory_space<semaphore_mem>> -> memref<!tpu.dma_semaphore, #tpu.memory_space<semaphore_mem>>
      %dma_wait3A_1671 = arith.constant 0 : i32
      %dma_wait3A_1672 = arith.constant 0 : i32
      %dma_wait3A_1673 = tpu.memref_slice %arg9[%dma_wait3A_1658, %dma_wait3A_1659, %dma_wait3A_1671, %dma_wait3A_1672] : memref<2x8x32x128xf32, #tpu.memory_space<vmem>> -> memref<1x1x32x128xf32, #tpu.memory_space<vmem>>
      %dma_wait3A_1674 = tpu.memref_squeeze %dma_wait3A_1673 : memref<1x1x32x128xf32, #tpu.memory_space<vmem>> -> memref<32x128xf32, #tpu.memory_space<vmem>>
      %dma_wait3A_1675 = arith.constant 0 : i32
      %dma_wait3A_1676 = arith.constant 0 : i32
      %dma_wait3A_1677 = tpu.memref_slice %arg5[%dma_wait3A_1675, %dma_wait3A_1676] : memref<32x1000000xf32, #tpu.memory_space<hbm>> -> memref<32x128xf32, #tpu.memory_space<hbm>>
      tpu.wait_dma2 semaphore(%dma_wait3A_1670 : memref<!tpu.dma_semaphore, #tpu.memory_space<semaphore_mem>>) src(%dma_wait3A_1677 : memref<32x128xf32, #tpu.memory_space<hbm>>) dst(%dma_wait3A_1674 : memref<32x128xf32, #tpu.memory_space<vmem>>)
      %slice3A_1678 = vector.extract_strided_slice %and3A_890 {offsets = [14], sizes = [1], strides = [1]} : vector<16xi32> to vector<1xi32>
      %squeeze3A_1679 = vector.extract %slice3A_1678[0] : i32 from vector<1xi32>
      %broadcast_in_dim3A_1680 = vector.broadcast %squeeze3A_1679 : i32 to vector<16xi32>
      %gather3A_1681 = arith.constant 1 : i32
      %gather3A_1682 = arith.constant 6 : i32
      %gather3A_1683 = arith.constant 0 : i32
      %gather3A_1684 = arith.constant 0 : i32
      %gather3A_1685 = tpu.memref_slice %arg9[%gather3A_1681, %gather3A_1682, %gather3A_1683, %gather3A_1684] : memref<2x8x32x128xf32, #tpu.memory_space<vmem>> -> memref<1x1x32x128xf32, #tpu.memory_space<vmem>>
      %gather3A_1686 = tpu.memref_squeeze %gather3A_1685 : memref<1x1x32x128xf32, #tpu.memory_space<vmem>> -> memref<32x128xf32, #tpu.memory_space<vmem>>
      %gather3A_1687 = tpu.vector_load_idx %gather3A_1686[%iota3A, %broadcast_in_dim3A_1680] : memref<32x128xf32, #tpu.memory_space<vmem>>[vector<16xi32>, vector<16xi32>], vector<16xf32>,
      %add3A_1688 = arith.constant 16 : i32
      %add3A_1689 = vector.broadcast %add3A_1688 : i32 to vector<16xi32>
      %add3A_1690 = arith.addi %iota3A, %add3A_1689 : vector<16xi32>
      %gather3A_1691 = arith.constant 1 : i32
      %gather3A_1692 = arith.constant 6 : i32
      %gather3A_1693 = arith.constant 0 : i32
      %gather3A_1694 = arith.constant 0 : i32
      %gather3A_1695 = tpu.memref_slice %arg9[%gather3A_1691, %gather3A_1692, %gather3A_1693, %gather3A_1694] : memref<2x8x32x128xf32, #tpu.memory_space<vmem>> -> memref<1x1x32x128xf32, #tpu.memory_space<vmem>>
      %gather3A_1696 = tpu.memref_squeeze %gather3A_1695 : memref<1x1x32x128xf32, #tpu.memory_space<vmem>> -> memref<32x128xf32, #tpu.memory_space<vmem>>
      %gather3A_1697 = tpu.vector_load_idx %gather3A_1696[%add3A_1690, %broadcast_in_dim3A_1680] : memref<32x128xf32, #tpu.memory_space<vmem>>[vector<16xi32>, vector<16xi32>], vector<16xf32>,
      %swap3A_1698 = arith.constant 1 : i32
      %swap3A_1699 = arith.constant 6 : i32
      %swap3A_1700 = arith.index_cast %swap3A_1698 : i32 to index
      %swap3A_1701 = arith.index_cast %swap3A_1699 : i32 to index
      %swap3A_1702 = arith.constant 0 : index
      %swap3A_1703 = tpu.vector_load %arg10[%swap3A_1700, %swap3A_1701, %swap3A_1702] {strides = array<i32>} : memref<2x8x32xf32, #tpu.memory_space<vmem>>, vector<16xf32>,
      tpu.vector_store %arg10[%swap3A_1700, %swap3A_1701, %swap3A_1702], %gather3A_1687 {strides = array<i32>} : memref<2x8x32xf32, #tpu.memory_space<vmem>>, vector<16xf32>,
      %swap3A_1704 = arith.constant 1 : i32
      %swap3A_1705 = arith.constant 6 : i32
      %swap3A_1706 = arith.index_cast %swap3A_1704 : i32 to index
      %swap3A_1707 = arith.index_cast %swap3A_1705 : i32 to index
      %swap3A_1708 = arith.constant 16 : index
      %swap3A_1709 = tpu.vector_load %arg10[%swap3A_1706, %swap3A_1707, %swap3A_1708] {strides = array<i32>} : memref<2x8x32xf32, #tpu.memory_space<vmem>>, vector<16xf32>,
      tpu.vector_store %arg10[%swap3A_1706, %swap3A_1707, %swap3A_1708], %gather3A_1697 {strides = array<i32>} : memref<2x8x32xf32, #tpu.memory_space<vmem>>, vector<16xf32>,
      %dma_wait3A_1710 = arith.constant 1 : i32
      %dma_wait3A_1711 = arith.constant 7 : i32
      %dma_wait3A_1712 = arith.constant 1 : i32
      %dma_wait3A_1713 = arith.constant 7 : i32
      %dma_wait3A_1714 = arith.constant 0 : i32
      %dma_wait3A_1715 = arith.constant 0 : i32
      %dma_wait3A_1716 = tpu.memref_slice %arg9[%dma_wait3A_1710, %dma_wait3A_1711, %dma_wait3A_1714, %dma_wait3A_1715] : memref<2x8x32x128xf32, #tpu.memory_space<vmem>> -> memref<1x1x32x128xf32, #tpu.memory_space<vmem>>
      %dma_wait3A_1717 = tpu.memref_squeeze %dma_wait3A_1716 : memref<1x1x32x128xf32, #tpu.memory_space<vmem>> -> memref<32x128xf32, #tpu.memory_space<vmem>>
      %dma_wait3A_1718 = arith.constant 0 : i32
      %dma_wait3A_1719 = arith.constant 0 : i32
      %dma_wait3A_1720 = tpu.memref_slice %arg5[%dma_wait3A_1718, %dma_wait3A_1719] : memref<32x1000000xf32, #tpu.memory_space<hbm>> -> memref<32x128xf32, #tpu.memory_space<hbm>>
      %dma_wait3A_1721 = tpu.memref_slice %arg11[%dma_wait3A_1712, %dma_wait3A_1713] : memref<2x8x!tpu.dma_semaphore, #tpu.memory_space<semaphore_mem>> -> memref<1x1x!tpu.dma_semaphore, #tpu.memory_space<semaphore_mem>>
      %dma_wait3A_1722 = tpu.memref_squeeze %dma_wait3A_1721 : memref<1x1x!tpu.dma_semaphore, #tpu.memory_space<semaphore_mem>> -> memref<!tpu.dma_semaphore, #tpu.memory_space<semaphore_mem>>
      %dma_wait3A_1723 = arith.constant 0 : i32
      %dma_wait3A_1724 = arith.constant 0 : i32
      %dma_wait3A_1725 = tpu.memref_slice %arg9[%dma_wait3A_1710, %dma_wait3A_1711, %dma_wait3A_1723, %dma_wait3A_1724] : memref<2x8x32x128xf32, #tpu.memory_space<vmem>> -> memref<1x1x32x128xf32, #tpu.memory_space<vmem>>
      %dma_wait3A_1726 = tpu.memref_squeeze %dma_wait3A_1725 : memref<1x1x32x128xf32, #tpu.memory_space<vmem>> -> memref<32x128xf32, #tpu.memory_space<vmem>>
      %dma_wait3A_1727 = arith.constant 0 : i32
      %dma_wait3A_1728 = arith.constant 0 : i32
      %dma_wait3A_1729 = tpu.memref_slice %arg5[%dma_wait3A_1727, %dma_wait3A_1728] : memref<32x1000000xf32, #tpu.memory_space<hbm>> -> memref<32x128xf32, #tpu.memory_space<hbm>>
      tpu.wait_dma2 semaphore(%dma_wait3A_1722 : memref<!tpu.dma_semaphore, #tpu.memory_space<semaphore_mem>>) src(%dma_wait3A_1729 : memref<32x128xf32, #tpu.memory_space<hbm>>) dst(%dma_wait3A_1726 : memref<32x128xf32, #tpu.memory_space<vmem>>)
      %slice3A_1730 = vector.extract_strided_slice %and3A_890 {offsets = [15], sizes = [1], strides = [1]} : vector<16xi32> to vector<1xi32>
      %squeeze3A_1731 = vector.extract %slice3A_1730[0] : i32 from vector<1xi32>
      %broadcast_in_dim3A_1732 = vector.broadcast %squeeze3A_1731 : i32 to vector<16xi32>
      %gather3A_1733 = arith.constant 1 : i32
      %gather3A_1734 = arith.constant 7 : i32
      %gather3A_1735 = arith.constant 0 : i32
      %gather3A_1736 = arith.constant 0 : i32
      %gather3A_1737 = tpu.memref_slice %arg9[%gather3A_1733, %gather3A_1734, %gather3A_1735, %gather3A_1736] : memref<2x8x32x128xf32, #tpu.memory_space<vmem>> -> memref<1x1x32x128xf32, #tpu.memory_space<vmem>>
      %gather3A_1738 = tpu.memref_squeeze %gather3A_1737 : memref<1x1x32x128xf32, #tpu.memory_space<vmem>> -> memref<32x128xf32, #tpu.memory_space<vmem>>
      %gather3A_1739 = tpu.vector_load_idx %gather3A_1738[%iota3A, %broadcast_in_dim3A_1732] : memref<32x128xf32, #tpu.memory_space<vmem>>[vector<16xi32>, vector<16xi32>], vector<16xf32>,
      %add3A_1740 = arith.constant 16 : i32
      %add3A_1741 = vector.broadcast %add3A_1740 : i32 to vector<16xi32>
      %add3A_1742 = arith.addi %iota3A, %add3A_1741 : vector<16xi32>
      %gather3A_1743 = arith.constant 1 : i32
      %gather3A_1744 = arith.constant 7 : i32
      %gather3A_1745 = arith.constant 0 : i32
      %gather3A_1746 = arith.constant 0 : i32
      %gather3A_1747 = tpu.memref_slice %arg9[%gather3A_1743, %gather3A_1744, %gather3A_1745, %gather3A_1746] : memref<2x8x32x128xf32, #tpu.memory_space<vmem>> -> memref<1x1x32x128xf32, #tpu.memory_space<vmem>>
      %gather3A_1748 = tpu.memref_squeeze %gather3A_1747 : memref<1x1x32x128xf32, #tpu.memory_space<vmem>> -> memref<32x128xf32, #tpu.memory_space<vmem>>
      %gather3A_1749 = tpu.vector_load_idx %gather3A_1748[%add3A_1742, %broadcast_in_dim3A_1732] : memref<32x128xf32, #tpu.memory_space<vmem>>[vector<16xi32>, vector<16xi32>], vector<16xf32>,
      %swap3A_1750 = arith.constant 1 : i32
      %swap3A_1751 = arith.constant 7 : i32
      %swap3A_1752 = arith.index_cast %swap3A_1750 : i32 to index
      %swap3A_1753 = arith.index_cast %swap3A_1751 : i32 to index
      %swap3A_1754 = arith.constant 0 : index
      %swap3A_1755 = tpu.vector_load %arg10[%swap3A_1752, %swap3A_1753, %swap3A_1754] {strides = array<i32>} : memref<2x8x32xf32, #tpu.memory_space<vmem>>, vector<16xf32>,
      tpu.vector_store %arg10[%swap3A_1752, %swap3A_1753, %swap3A_1754], %gather3A_1739 {strides = array<i32>} : memref<2x8x32xf32, #tpu.memory_space<vmem>>, vector<16xf32>,
      %swap3A_1756 = arith.constant 1 : i32
      %swap3A_1757 = arith.constant 7 : i32
      %swap3A_1758 = arith.index_cast %swap3A_1756 : i32 to index
      %swap3A_1759 = arith.index_cast %swap3A_1757 : i32 to index
      %swap3A_1760 = arith.constant 16 : index
      %swap3A_1761 = tpu.vector_load %arg10[%swap3A_1758, %swap3A_1759, %swap3A_1760] {strides = array<i32>} : memref<2x8x32xf32, #tpu.memory_space<vmem>>, vector<16xf32>,
      tpu.vector_store %arg10[%swap3A_1758, %swap3A_1759, %swap3A_1760], %gather3A_1749 {strides = array<i32>} : memref<2x8x32xf32, #tpu.memory_space<vmem>>, vector<16xf32>,
      %mul3A_1762 = arith.constant 16 : i32
      %mul3A_1763 = arith.muli %scan3A_887, %mul3A_1762 : i32
      %add3A_1764 = arith.addi %mul3A_3, %mul3A_1763 : i32
      %add3A_1765 = arith.constant 8 : i32
      %add3A_1766 = arith.addi %add3A_1764, %add3A_1765 : i32
      %dma_start3A_1767 = arith.constant 1 : i32
      %dma_start3A_1768 = arith.constant 1 : i32
      %dma_start3A_1769 = arith.constant 0 : i32
      %dma_start3A_1770 = arith.constant 0 : i32
      %dma_start3A_1771 = tpu.memref_slice %arg10[%dma_start3A_1767, %dma_start3A_1769, %dma_start3A_1770] : memref<2x8x32xf32, #tpu.memory_space<vmem>> -> memref<1x8x32xf32, #tpu.memory_space<vmem>>
      %dma_start3A_1772 = tpu.memref_squeeze %dma_start3A_1771 : memref<1x8x32xf32, #tpu.memory_space<vmem>> -> memref<8x32xf32, #tpu.memory_space<vmem>>
      %dma_start3A_1773 = arith.constant 0 : i32
      %dma_start3A_1774 = tpu.memref_slice %arg7[%add3A_1766, %dma_start3A_1773] : memref<16384x32xf32, #tpu.memory_space<hbm>> -> memref<8x32xf32, #tpu.memory_space<hbm>>
      %dma_start3A_1775 = tpu.memref_slice %arg12[%dma_start3A_1768] : memref<2x!tpu.dma_semaphore, #tpu.memory_space<semaphore_mem>> -> memref<1x!tpu.dma_semaphore, #tpu.memory_space<semaphore_mem>>
      %dma_start3A_1776 = tpu.memref_squeeze %dma_start3A_1775 : memref<1x!tpu.dma_semaphore, #tpu.memory_space<semaphore_mem>> -> memref<!tpu.dma_semaphore, #tpu.memory_space<semaphore_mem>>
      %dma_start3A_1777 = arith.constant 0 : i32
      %dma_start3A_1778 = tpu.memref_slice %arg7[%add3A_1766, %dma_start3A_1777] : memref<16384x32xf32, #tpu.memory_space<hbm>> -> memref<8x32xf32, #tpu.memory_space<hbm>>
      %dma_start3A_1779 = arith.constant 0 : i32
      %dma_start3A_1780 = arith.constant 0 : i32
      %dma_start3A_1781 = tpu.memref_slice %arg10[%dma_start3A_1767, %dma_start3A_1779, %dma_start3A_1780] : memref<2x8x32xf32, #tpu.memory_space<vmem>> -> memref<1x8x32xf32, #tpu.memory_space<vmem>>
      %dma_start3A_1782 = tpu.memref_squeeze %dma_start3A_1781 : memref<1x8x32xf32, #tpu.memory_space<vmem>> -> memref<8x32xf32, #tpu.memory_space<vmem>>
      tpu.enqueue_dma source(%dma_start3A_1782 : memref<8x32xf32, #tpu.memory_space<vmem>>) target(%dma_start3A_1778 : memref<8x32xf32, #tpu.memory_space<hbm>>) target_semaphore(%dma_start3A_1776 : memref<!tpu.dma_semaphore, #tpu.memory_space<semaphore_mem>>)
      %add3A_1783 = arith.constant 1 : i32
      %add3A_1784 = arith.addi %scan3A_887, %add3A_1783 : i32
      %lt3A_1785 = arith.constant 32 : i32
      %lt3A_1786 = arith.cmpi slt, %add3A_1784, %lt3A_1785 : i32
      %convert_element_type3A_1787 = arith.extui %lt3A_1786 : i1 to i32
      %cond3A_1788 = arith.constant 0 : i32
      %cond3A_1789 = arith.cmpi ne, %convert_element_type3A_1787, %cond3A_1788 : i32
      scf.if %cond3A_1789 {
        %slice3A_1790 = vector.extract_strided_slice %get3A_898 {offsets = [8], sizes = [1], strides = [1]} : vector<16xi32> to vector<1xi32>
        %squeeze3A_1791 = vector.extract %slice3A_1790[0] : i32 from vector<1xi32>
        %shift_right_arithmetic3A_1792 = arith.constant 7 : i32
        %shift_right_arithmetic3A_1793 = arith.shrsi %squeeze3A_1791, %shift_right_arithmetic3A_1792 : i32
        %shift_left3A_1794 = arith.constant 7 : i32
        %shift_left3A_1795 = arith.shli %shift_right_arithmetic3A_1793, %shift_left3A_1794 : i32
        %multiple_of3A_1796 = tpu.assume_multiple %shift_left3A_1795, 128 : i32
        %dma_start3A_1797 = arith.constant 1 : i32
        %dma_start3A_1798 = arith.constant 0 : i32
        %dma_start3A_1799 = arith.constant 1 : i32
        %dma_start3A_1800 = arith.constant 0 : i32
        %dma_start3A_1801 = arith.constant 0 : i32
        %dma_start3A_1802 = arith.constant 0 : i32
        %dma_start3A_1803 = tpu.memref_slice %arg9[%dma_start3A_1797, %dma_start3A_1798, %dma_start3A_1801, %dma_start3A_1802] : memref<2x8x32x128xf32, #tpu.memory_space<vmem>> -> memref<1x1x32x128xf32, #tpu.memory_space<vmem>>
        %dma_start3A_1804 = tpu.memref_squeeze %dma_start3A_1803 : memref<1x1x32x128xf32, #tpu.memory_space<vmem>> -> memref<32x128xf32, #tpu.memory_space<vmem>>
        %dma_start3A_1805 = arith.constant 0 : i32
        %dma_start3A_1806 = tpu.memref_slice %arg5[%dma_start3A_1805, %multiple_of3A_1796] : memref<32x1000000xf32, #tpu.memory_space<hbm>> -> memref<32x128xf32, #tpu.memory_space<hbm>>
        %dma_start3A_1807 = tpu.memref_slice %arg11[%dma_start3A_1799, %dma_start3A_1800] : memref<2x8x!tpu.dma_semaphore, #tpu.memory_space<semaphore_mem>> -> memref<1x1x!tpu.dma_semaphore, #tpu.memory_space<semaphore_mem>>
        %dma_start3A_1808 = tpu.memref_squeeze %dma_start3A_1807 : memref<1x1x!tpu.dma_semaphore, #tpu.memory_space<semaphore_mem>> -> memref<!tpu.dma_semaphore, #tpu.memory_space<semaphore_mem>>
        %dma_start3A_1809 = arith.constant 0 : i32
        %dma_start3A_1810 = arith.constant 0 : i32
        %dma_start3A_1811 = tpu.memref_slice %arg9[%dma_start3A_1797, %dma_start3A_1798, %dma_start3A_1809, %dma_start3A_1810] : memref<2x8x32x128xf32, #tpu.memory_space<vmem>> -> memref<1x1x32x128xf32, #tpu.memory_space<vmem>>
        %dma_start3A_1812 = tpu.memref_squeeze %dma_start3A_1811 : memref<1x1x32x128xf32, #tpu.memory_space<vmem>> -> memref<32x128xf32, #tpu.memory_space<vmem>>
        %dma_start3A_1813 = arith.constant 0 : i32
        %dma_start3A_1814 = tpu.memref_slice %arg5[%dma_start3A_1813, %multiple_of3A_1796] : memref<32x1000000xf32, #tpu.memory_space<hbm>> -> memref<32x128xf32, #tpu.memory_space<hbm>>
        tpu.enqueue_dma source(%dma_start3A_1814 : memref<32x128xf32, #tpu.memory_space<hbm>>) target(%dma_start3A_1812 : memref<32x128xf32, #tpu.memory_space<vmem>>) target_semaphore(%dma_start3A_1808 : memref<!tpu.dma_semaphore, #tpu.memory_space<semaphore_mem>>)
        %slice3A_1815 = vector.extract_strided_slice %get3A_898 {offsets = [9], sizes = [1], strides = [1]} : vector<16xi32> to vector<1xi32>
        %squeeze3A_1816 = vector.extract %slice3A_1815[0] : i32 from vector<1xi32>
        %shift_right_arithmetic3A_1817 = arith.constant 7 : i32
        %shift_right_arithmetic3A_1818 = arith.shrsi %squeeze3A_1816, %shift_right_arithmetic3A_1817 : i32
        %shift_left3A_1819 = arith.constant 7 : i32
        %shift_left3A_1820 = arith.shli %shift_right_arithmetic3A_1818, %shift_left3A_1819 : i32
        %multiple_of3A_1821 = tpu.assume_multiple %shift_left3A_1820, 128 : i32
        %dma_start3A_1822 = arith.constant 1 : i32
        %dma_start3A_1823 = arith.constant 1 : i32
        %dma_start3A_1824 = arith.constant 1 : i32
        %dma_start3A_1825 = arith.constant 1 : i32
        %dma_start3A_1826 = arith.constant 0 : i32
        %dma_start3A_1827 = arith.constant 0 : i32
        %dma_start3A_1828 = tpu.memref_slice %arg9[%dma_start3A_1822, %dma_start3A_1823, %dma_start3A_1826, %dma_start3A_1827] : memref<2x8x32x128xf32, #tpu.memory_space<vmem>> -> memref<1x1x32x128xf32, #tpu.memory_space<vmem>>
        %dma_start3A_1829 = tpu.memref_squeeze %dma_start3A_1828 : memref<1x1x32x128xf32, #tpu.memory_space<vmem>> -> memref<32x128xf32, #tpu.memory_space<vmem>>
        %dma_start3A_1830 = arith.constant 0 : i32
        %dma_start3A_1831 = tpu.memref_slice %arg5[%dma_start3A_1830, %multiple_of3A_1821] : memref<32x1000000xf32, #tpu.memory_space<hbm>> -> memref<32x128xf32, #tpu.memory_space<hbm>>
        %dma_start3A_1832 = tpu.memref_slice %arg11[%dma_start3A_1824, %dma_start3A_1825] : memref<2x8x!tpu.dma_semaphore, #tpu.memory_space<semaphore_mem>> -> memref<1x1x!tpu.dma_semaphore, #tpu.memory_space<semaphore_mem>>
        %dma_start3A_1833 = tpu.memref_squeeze %dma_start3A_1832 : memref<1x1x!tpu.dma_semaphore, #tpu.memory_space<semaphore_mem>> -> memref<!tpu.dma_semaphore, #tpu.memory_space<semaphore_mem>>
        %dma_start3A_1834 = arith.constant 0 : i32
        %dma_start3A_1835 = arith.constant 0 : i32
        %dma_start3A_1836 = tpu.memref_slice %arg9[%dma_start3A_1822, %dma_start3A_1823, %dma_start3A_1834, %dma_start3A_1835] : memref<2x8x32x128xf32, #tpu.memory_space<vmem>> -> memref<1x1x32x128xf32, #tpu.memory_space<vmem>>
        %dma_start3A_1837 = tpu.memref_squeeze %dma_start3A_1836 : memref<1x1x32x128xf32, #tpu.memory_space<vmem>> -> memref<32x128xf32, #tpu.memory_space<vmem>>
        %dma_start3A_1838 = arith.constant 0 : i32
        %dma_start3A_1839 = tpu.memref_slice %arg5[%dma_start3A_1838, %multiple_of3A_1821] : memref<32x1000000xf32, #tpu.memory_space<hbm>> -> memref<32x128xf32, #tpu.memory_space<hbm>>
        tpu.enqueue_dma source(%dma_start3A_1839 : memref<32x128xf32, #tpu.memory_space<hbm>>) target(%dma_start3A_1837 : memref<32x128xf32, #tpu.memory_space<vmem>>) target_semaphore(%dma_start3A_1833 : memref<!tpu.dma_semaphore, #tpu.memory_space<semaphore_mem>>)
        %slice3A_1840 = vector.extract_strided_slice %get3A_898 {offsets = [10], sizes = [1], strides = [1]} : vector<16xi32> to vector<1xi32>
        %squeeze3A_1841 = vector.extract %slice3A_1840[0] : i32 from vector<1xi32>
        %shift_right_arithmetic3A_1842 = arith.constant 7 : i32
        %shift_right_arithmetic3A_1843 = arith.shrsi %squeeze3A_1841, %shift_right_arithmetic3A_1842 : i32
        %shift_left3A_1844 = arith.constant 7 : i32
        %shift_left3A_1845 = arith.shli %shift_right_arithmetic3A_1843, %shift_left3A_1844 : i32
        %multiple_of3A_1846 = tpu.assume_multiple %shift_left3A_1845, 128 : i32
        %dma_start3A_1847 = arith.constant 1 : i32
        %dma_start3A_1848 = arith.constant 2 : i32
        %dma_start3A_1849 = arith.constant 1 : i32
        %dma_start3A_1850 = arith.constant 2 : i32
        %dma_start3A_1851 = arith.constant 0 : i32
        %dma_start3A_1852 = arith.constant 0 : i32
        %dma_start3A_1853 = tpu.memref_slice %arg9[%dma_start3A_1847, %dma_start3A_1848, %dma_start3A_1851, %dma_start3A_1852] : memref<2x8x32x128xf32, #tpu.memory_space<vmem>> -> memref<1x1x32x128xf32, #tpu.memory_space<vmem>>
        %dma_start3A_1854 = tpu.memref_squeeze %dma_start3A_1853 : memref<1x1x32x128xf32, #tpu.memory_space<vmem>> -> memref<32x128xf32, #tpu.memory_space<vmem>>
        %dma_start3A_1855 = arith.constant 0 : i32
        %dma_start3A_1856 = tpu.memref_slice %arg5[%dma_start3A_1855, %multiple_of3A_1846] : memref<32x1000000xf32, #tpu.memory_space<hbm>> -> memref<32x128xf32, #tpu.memory_space<hbm>>
        %dma_start3A_1857 = tpu.memref_slice %arg11[%dma_start3A_1849, %dma_start3A_1850] : memref<2x8x!tpu.dma_semaphore, #tpu.memory_space<semaphore_mem>> -> memref<1x1x!tpu.dma_semaphore, #tpu.memory_space<semaphore_mem>>
        %dma_start3A_1858 = tpu.memref_squeeze %dma_start3A_1857 : memref<1x1x!tpu.dma_semaphore, #tpu.memory_space<semaphore_mem>> -> memref<!tpu.dma_semaphore, #tpu.memory_space<semaphore_mem>>
        %dma_start3A_1859 = arith.constant 0 : i32
        %dma_start3A_1860 = arith.constant 0 : i32
        %dma_start3A_1861 = tpu.memref_slice %arg9[%dma_start3A_1847, %dma_start3A_1848, %dma_start3A_1859, %dma_start3A_1860] : memref<2x8x32x128xf32, #tpu.memory_space<vmem>> -> memref<1x1x32x128xf32, #tpu.memory_space<vmem>>
        %dma_start3A_1862 = tpu.memref_squeeze %dma_start3A_1861 : memref<1x1x32x128xf32, #tpu.memory_space<vmem>> -> memref<32x128xf32, #tpu.memory_space<vmem>>
        %dma_start3A_1863 = arith.constant 0 : i32
        %dma_start3A_1864 = tpu.memref_slice %arg5[%dma_start3A_1863, %multiple_of3A_1846] : memref<32x1000000xf32, #tpu.memory_space<hbm>> -> memref<32x128xf32, #tpu.memory_space<hbm>>
        tpu.enqueue_dma source(%dma_start3A_1864 : memref<32x128xf32, #tpu.memory_space<hbm>>) target(%dma_start3A_1862 : memref<32x128xf32, #tpu.memory_space<vmem>>) target_semaphore(%dma_start3A_1858 : memref<!tpu.dma_semaphore, #tpu.memory_space<semaphore_mem>>)
        %slice3A_1865 = vector.extract_strided_slice %get3A_898 {offsets = [11], sizes = [1], strides = [1]} : vector<16xi32> to vector<1xi32>
        %squeeze3A_1866 = vector.extract %slice3A_1865[0] : i32 from vector<1xi32>
        %shift_right_arithmetic3A_1867 = arith.constant 7 : i32
        %shift_right_arithmetic3A_1868 = arith.shrsi %squeeze3A_1866, %shift_right_arithmetic3A_1867 : i32
        %shift_left3A_1869 = arith.constant 7 : i32
        %shift_left3A_1870 = arith.shli %shift_right_arithmetic3A_1868, %shift_left3A_1869 : i32
        %multiple_of3A_1871 = tpu.assume_multiple %shift_left3A_1870, 128 : i32
        %dma_start3A_1872 = arith.constant 1 : i32
        %dma_start3A_1873 = arith.constant 3 : i32
        %dma_start3A_1874 = arith.constant 1 : i32
        %dma_start3A_1875 = arith.constant 3 : i32
        %dma_start3A_1876 = arith.constant 0 : i32
        %dma_start3A_1877 = arith.constant 0 : i32
        %dma_start3A_1878 = tpu.memref_slice %arg9[%dma_start3A_1872, %dma_start3A_1873, %dma_start3A_1876, %dma_start3A_1877] : memref<2x8x32x128xf32, #tpu.memory_space<vmem>> -> memref<1x1x32x128xf32, #tpu.memory_space<vmem>>
        %dma_start3A_1879 = tpu.memref_squeeze %dma_start3A_1878 : memref<1x1x32x128xf32, #tpu.memory_space<vmem>> -> memref<32x128xf32, #tpu.memory_space<vmem>>
        %dma_start3A_1880 = arith.constant 0 : i32
        %dma_start3A_1881 = tpu.memref_slice %arg5[%dma_start3A_1880, %multiple_of3A_1871] : memref<32x1000000xf32, #tpu.memory_space<hbm>> -> memref<32x128xf32, #tpu.memory_space<hbm>>
        %dma_start3A_1882 = tpu.memref_slice %arg11[%dma_start3A_1874, %dma_start3A_1875] : memref<2x8x!tpu.dma_semaphore, #tpu.memory_space<semaphore_mem>> -> memref<1x1x!tpu.dma_semaphore, #tpu.memory_space<semaphore_mem>>
        %dma_start3A_1883 = tpu.memref_squeeze %dma_start3A_1882 : memref<1x1x!tpu.dma_semaphore, #tpu.memory_space<semaphore_mem>> -> memref<!tpu.dma_semaphore, #tpu.memory_space<semaphore_mem>>
        %dma_start3A_1884 = arith.constant 0 : i32
        %dma_start3A_1885 = arith.constant 0 : i32
        %dma_start3A_1886 = tpu.memref_slice %arg9[%dma_start3A_1872, %dma_start3A_1873, %dma_start3A_1884, %dma_start3A_1885] : memref<2x8x32x128xf32, #tpu.memory_space<vmem>> -> memref<1x1x32x128xf32, #tpu.memory_space<vmem>>
        %dma_start3A_1887 = tpu.memref_squeeze %dma_start3A_1886 : memref<1x1x32x128xf32, #tpu.memory_space<vmem>> -> memref<32x128xf32, #tpu.memory_space<vmem>>
        %dma_start3A_1888 = arith.constant 0 : i32
        %dma_start3A_1889 = tpu.memref_slice %arg5[%dma_start3A_1888, %multiple_of3A_1871] : memref<32x1000000xf32, #tpu.memory_space<hbm>> -> memref<32x128xf32, #tpu.memory_space<hbm>>
        tpu.enqueue_dma source(%dma_start3A_1889 : memref<32x128xf32, #tpu.memory_space<hbm>>) target(%dma_start3A_1887 : memref<32x128xf32, #tpu.memory_space<vmem>>) target_semaphore(%dma_start3A_1883 : memref<!tpu.dma_semaphore, #tpu.memory_space<semaphore_mem>>)
        %slice3A_1890 = vector.extract_strided_slice %get3A_898 {offsets = [12], sizes = [1], strides = [1]} : vector<16xi32> to vector<1xi32>
        %squeeze3A_1891 = vector.extract %slice3A_1890[0] : i32 from vector<1xi32>
        %shift_right_arithmetic3A_1892 = arith.constant 7 : i32
        %shift_right_arithmetic3A_1893 = arith.shrsi %squeeze3A_1891, %shift_right_arithmetic3A_1892 : i32
        %shift_left3A_1894 = arith.constant 7 : i32
        %shift_left3A_1895 = arith.shli %shift_right_arithmetic3A_1893, %shift_left3A_1894 : i32
        %multiple_of3A_1896 = tpu.assume_multiple %shift_left3A_1895, 128 : i32
        %dma_start3A_1897 = arith.constant 1 : i32
        %dma_start3A_1898 = arith.constant 4 : i32
        %dma_start3A_1899 = arith.constant 1 : i32
        %dma_start3A_1900 = arith.constant 4 : i32
        %dma_start3A_1901 = arith.constant 0 : i32
        %dma_start3A_1902 = arith.constant 0 : i32
        %dma_start3A_1903 = tpu.memref_slice %arg9[%dma_start3A_1897, %dma_start3A_1898, %dma_start3A_1901, %dma_start3A_1902] : memref<2x8x32x128xf32, #tpu.memory_space<vmem>> -> memref<1x1x32x128xf32, #tpu.memory_space<vmem>>
        %dma_start3A_1904 = tpu.memref_squeeze %dma_start3A_1903 : memref<1x1x32x128xf32, #tpu.memory_space<vmem>> -> memref<32x128xf32, #tpu.memory_space<vmem>>
        %dma_start3A_1905 = arith.constant 0 : i32
        %dma_start3A_1906 = tpu.memref_slice %arg5[%dma_start3A_1905, %multiple_of3A_1896] : memref<32x1000000xf32, #tpu.memory_space<hbm>> -> memref<32x128xf32, #tpu.memory_space<hbm>>
        %dma_start3A_1907 = tpu.memref_slice %arg11[%dma_start3A_1899, %dma_start3A_1900] : memref<2x8x!tpu.dma_semaphore, #tpu.memory_space<semaphore_mem>> -> memref<1x1x!tpu.dma_semaphore, #tpu.memory_space<semaphore_mem>>
        %dma_start3A_1908 = tpu.memref_squeeze %dma_start3A_1907 : memref<1x1x!tpu.dma_semaphore, #tpu.memory_space<semaphore_mem>> -> memref<!tpu.dma_semaphore, #tpu.memory_space<semaphore_mem>>
        %dma_start3A_1909 = arith.constant 0 : i32
        %dma_start3A_1910 = arith.constant 0 : i32
        %dma_start3A_1911 = tpu.memref_slice %arg9[%dma_start3A_1897, %dma_start3A_1898, %dma_start3A_1909, %dma_start3A_1910] : memref<2x8x32x128xf32, #tpu.memory_space<vmem>> -> memref<1x1x32x128xf32, #tpu.memory_space<vmem>>
        %dma_start3A_1912 = tpu.memref_squeeze %dma_start3A_1911 : memref<1x1x32x128xf32, #tpu.memory_space<vmem>> -> memref<32x128xf32, #tpu.memory_space<vmem>>
        %dma_start3A_1913 = arith.constant 0 : i32
        %dma_start3A_1914 = tpu.memref_slice %arg5[%dma_start3A_1913, %multiple_of3A_1896] : memref<32x1000000xf32, #tpu.memory_space<hbm>> -> memref<32x128xf32, #tpu.memory_space<hbm>>
        tpu.enqueue_dma source(%dma_start3A_1914 : memref<32x128xf32, #tpu.memory_space<hbm>>) target(%dma_start3A_1912 : memref<32x128xf32, #tpu.memory_space<vmem>>) target_semaphore(%dma_start3A_1908 : memref<!tpu.dma_semaphore, #tpu.memory_space<semaphore_mem>>)
        %slice3A_1915 = vector.extract_strided_slice %get3A_898 {offsets = [13], sizes = [1], strides = [1]} : vector<16xi32> to vector<1xi32>
        %squeeze3A_1916 = vector.extract %slice3A_1915[0] : i32 from vector<1xi32>
        %shift_right_arithmetic3A_1917 = arith.constant 7 : i32
        %shift_right_arithmetic3A_1918 = arith.shrsi %squeeze3A_1916, %shift_right_arithmetic3A_1917 : i32
        %shift_left3A_1919 = arith.constant 7 : i32
        %shift_left3A_1920 = arith.shli %shift_right_arithmetic3A_1918, %shift_left3A_1919 : i32
        %multiple_of3A_1921 = tpu.assume_multiple %shift_left3A_1920, 128 : i32
        %dma_start3A_1922 = arith.constant 1 : i32
        %dma_start3A_1923 = arith.constant 5 : i32
        %dma_start3A_1924 = arith.constant 1 : i32
        %dma_start3A_1925 = arith.constant 5 : i32
        %dma_start3A_1926 = arith.constant 0 : i32
        %dma_start3A_1927 = arith.constant 0 : i32
        %dma_start3A_1928 = tpu.memref_slice %arg9[%dma_start3A_1922, %dma_start3A_1923, %dma_start3A_1926, %dma_start3A_1927] : memref<2x8x32x128xf32, #tpu.memory_space<vmem>> -> memref<1x1x32x128xf32, #tpu.memory_space<vmem>>
        %dma_start3A_1929 = tpu.memref_squeeze %dma_start3A_1928 : memref<1x1x32x128xf32, #tpu.memory_space<vmem>> -> memref<32x128xf32, #tpu.memory_space<vmem>>
        %dma_start3A_1930 = arith.constant 0 : i32
        %dma_start3A_1931 = tpu.memref_slice %arg5[%dma_start3A_1930, %multiple_of3A_1921] : memref<32x1000000xf32, #tpu.memory_space<hbm>> -> memref<32x128xf32, #tpu.memory_space<hbm>>
        %dma_start3A_1932 = tpu.memref_slice %arg11[%dma_start3A_1924, %dma_start3A_1925] : memref<2x8x!tpu.dma_semaphore, #tpu.memory_space<semaphore_mem>> -> memref<1x1x!tpu.dma_semaphore, #tpu.memory_space<semaphore_mem>>
        %dma_start3A_1933 = tpu.memref_squeeze %dma_start3A_1932 : memref<1x1x!tpu.dma_semaphore, #tpu.memory_space<semaphore_mem>> -> memref<!tpu.dma_semaphore, #tpu.memory_space<semaphore_mem>>
        %dma_start3A_1934 = arith.constant 0 : i32
        %dma_start3A_1935 = arith.constant 0 : i32
        %dma_start3A_1936 = tpu.memref_slice %arg9[%dma_start3A_1922, %dma_start3A_1923, %dma_start3A_1934, %dma_start3A_1935] : memref<2x8x32x128xf32, #tpu.memory_space<vmem>> -> memref<1x1x32x128xf32, #tpu.memory_space<vmem>>
        %dma_start3A_1937 = tpu.memref_squeeze %dma_start3A_1936 : memref<1x1x32x128xf32, #tpu.memory_space<vmem>> -> memref<32x128xf32, #tpu.memory_space<vmem>>
        %dma_start3A_1938 = arith.constant 0 : i32
        %dma_start3A_1939 = tpu.memref_slice %arg5[%dma_start3A_1938, %multiple_of3A_1921] : memref<32x1000000xf32, #tpu.memory_space<hbm>> -> memref<32x128xf32, #tpu.memory_space<hbm>>
        tpu.enqueue_dma source(%dma_start3A_1939 : memref<32x128xf32, #tpu.memory_space<hbm>>) target(%dma_start3A_1937 : memref<32x128xf32, #tpu.memory_space<vmem>>) target_semaphore(%dma_start3A_1933 : memref<!tpu.dma_semaphore, #tpu.memory_space<semaphore_mem>>)
        %slice3A_1940 = vector.extract_strided_slice %get3A_898 {offsets = [14], sizes = [1], strides = [1]} : vector<16xi32> to vector<1xi32>
        %squeeze3A_1941 = vector.extract %slice3A_1940[0] : i32 from vector<1xi32>
        %shift_right_arithmetic3A_1942 = arith.constant 7 : i32
        %shift_right_arithmetic3A_1943 = arith.shrsi %squeeze3A_1941, %shift_right_arithmetic3A_1942 : i32
        %shift_left3A_1944 = arith.constant 7 : i32
        %shift_left3A_1945 = arith.shli %shift_right_arithmetic3A_1943, %shift_left3A_1944 : i32
        %multiple_of3A_1946 = tpu.assume_multiple %shift_left3A_1945, 128 : i32
        %dma_start3A_1947 = arith.constant 1 : i32
        %dma_start3A_1948 = arith.constant 6 : i32
        %dma_start3A_1949 = arith.constant 1 : i32
        %dma_start3A_1950 = arith.constant 6 : i32
        %dma_start3A_1951 = arith.constant 0 : i32
        %dma_start3A_1952 = arith.constant 0 : i32
        %dma_start3A_1953 = tpu.memref_slice %arg9[%dma_start3A_1947, %dma_start3A_1948, %dma_start3A_1951, %dma_start3A_1952] : memref<2x8x32x128xf32, #tpu.memory_space<vmem>> -> memref<1x1x32x128xf32, #tpu.memory_space<vmem>>
        %dma_start3A_1954 = tpu.memref_squeeze %dma_start3A_1953 : memref<1x1x32x128xf32, #tpu.memory_space<vmem>> -> memref<32x128xf32, #tpu.memory_space<vmem>>
        %dma_start3A_1955 = arith.constant 0 : i32
        %dma_start3A_1956 = tpu.memref_slice %arg5[%dma_start3A_1955, %multiple_of3A_1946] : memref<32x1000000xf32, #tpu.memory_space<hbm>> -> memref<32x128xf32, #tpu.memory_space<hbm>>
        %dma_start3A_1957 = tpu.memref_slice %arg11[%dma_start3A_1949, %dma_start3A_1950] : memref<2x8x!tpu.dma_semaphore, #tpu.memory_space<semaphore_mem>> -> memref<1x1x!tpu.dma_semaphore, #tpu.memory_space<semaphore_mem>>
        %dma_start3A_1958 = tpu.memref_squeeze %dma_start3A_1957 : memref<1x1x!tpu.dma_semaphore, #tpu.memory_space<semaphore_mem>> -> memref<!tpu.dma_semaphore, #tpu.memory_space<semaphore_mem>>
        %dma_start3A_1959 = arith.constant 0 : i32
        %dma_start3A_1960 = arith.constant 0 : i32
        %dma_start3A_1961 = tpu.memref_slice %arg9[%dma_start3A_1947, %dma_start3A_1948, %dma_start3A_1959, %dma_start3A_1960] : memref<2x8x32x128xf32, #tpu.memory_space<vmem>> -> memref<1x1x32x128xf32, #tpu.memory_space<vmem>>
        %dma_start3A_1962 = tpu.memref_squeeze %dma_start3A_1961 : memref<1x1x32x128xf32, #tpu.memory_space<vmem>> -> memref<32x128xf32, #tpu.memory_space<vmem>>
        %dma_start3A_1963 = arith.constant 0 : i32
        %dma_start3A_1964 = tpu.memref_slice %arg5[%dma_start3A_1963, %multiple_of3A_1946] : memref<32x1000000xf32, #tpu.memory_space<hbm>> -> memref<32x128xf32, #tpu.memory_space<hbm>>
        tpu.enqueue_dma source(%dma_start3A_1964 : memref<32x128xf32, #tpu.memory_space<hbm>>) target(%dma_start3A_1962 : memref<32x128xf32, #tpu.memory_space<vmem>>) target_semaphore(%dma_start3A_1958 : memref<!tpu.dma_semaphore, #tpu.memory_space<semaphore_mem>>)
        %slice3A_1965 = vector.extract_strided_slice %get3A_898 {offsets = [15], sizes = [1], strides = [1]} : vector<16xi32> to vector<1xi32>
        %squeeze3A_1966 = vector.extract %slice3A_1965[0] : i32 from vector<1xi32>
        %shift_right_arithmetic3A_1967 = arith.constant 7 : i32
        %shift_right_arithmetic3A_1968 = arith.shrsi %squeeze3A_1966, %shift_right_arithmetic3A_1967 : i32
        %shift_left3A_1969 = arith.constant 7 : i32
        %shift_left3A_1970 = arith.shli %shift_right_arithmetic3A_1968, %shift_left3A_1969 : i32
        %multiple_of3A_1971 = tpu.assume_multiple %shift_left3A_1970, 128 : i32
        %dma_start3A_1972 = arith.constant 1 : i32
        %dma_start3A_1973 = arith.constant 7 : i32
        %dma_start3A_1974 = arith.constant 1 : i32
        %dma_start3A_1975 = arith.constant 7 : i32
        %dma_start3A_1976 = arith.constant 0 : i32
        %dma_start3A_1977 = arith.constant 0 : i32
        %dma_start3A_1978 = tpu.memref_slice %arg9[%dma_start3A_1972, %dma_start3A_1973, %dma_start3A_1976, %dma_start3A_1977] : memref<2x8x32x128xf32, #tpu.memory_space<vmem>> -> memref<1x1x32x128xf32, #tpu.memory_space<vmem>>
        %dma_start3A_1979 = tpu.memref_squeeze %dma_start3A_1978 : memref<1x1x32x128xf32, #tpu.memory_space<vmem>> -> memref<32x128xf32, #tpu.memory_space<vmem>>
        %dma_start3A_1980 = arith.constant 0 : i32
        %dma_start3A_1981 = tpu.memref_slice %arg5[%dma_start3A_1980, %multiple_of3A_1971] : memref<32x1000000xf32, #tpu.memory_space<hbm>> -> memref<32x128xf32, #tpu.memory_space<hbm>>
        %dma_start3A_1982 = tpu.memref_slice %arg11[%dma_start3A_1974, %dma_start3A_1975] : memref<2x8x!tpu.dma_semaphore, #tpu.memory_space<semaphore_mem>> -> memref<1x1x!tpu.dma_semaphore, #tpu.memory_space<semaphore_mem>>
        %dma_start3A_1983 = tpu.memref_squeeze %dma_start3A_1982 : memref<1x1x!tpu.dma_semaphore, #tpu.memory_space<semaphore_mem>> -> memref<!tpu.dma_semaphore, #tpu.memory_space<semaphore_mem>>
        %dma_start3A_1984 = arith.constant 0 : i32
        %dma_start3A_1985 = arith.constant 0 : i32
        %dma_start3A_1986 = tpu.memref_slice %arg9[%dma_start3A_1972, %dma_start3A_1973, %dma_start3A_1984, %dma_start3A_1985] : memref<2x8x32x128xf32, #tpu.memory_space<vmem>> -> memref<1x1x32x128xf32, #tpu.memory_space<vmem>>
        %dma_start3A_1987 = tpu.memref_squeeze %dma_start3A_1986 : memref<1x1x32x128xf32, #tpu.memory_space<vmem>> -> memref<32x128xf32, #tpu.memory_space<vmem>>
        %dma_start3A_1988 = arith.constant 0 : i32
        %dma_start3A_1989 = tpu.memref_slice %arg5[%dma_start3A_1988, %multiple_of3A_1971] : memref<32x1000000xf32, #tpu.memory_space<hbm>> -> memref<32x128xf32, #tpu.memory_space<hbm>>
        tpu.enqueue_dma source(%dma_start3A_1989 : memref<32x128xf32, #tpu.memory_space<hbm>>) target(%dma_start3A_1987 : memref<32x128xf32, #tpu.memory_space<vmem>>) target_semaphore(%dma_start3A_1983 : memref<!tpu.dma_semaphore, #tpu.memory_space<semaphore_mem>>)
      } else {
      }
      scf.yield %get3A_898 : vector<16xi32>
    }
    %scan3A_850 = arith.constant 32 : i32
    %dma_wait3A_851 = arith.constant 0 : i32
    %dma_wait3A_852 = arith.constant 0 : i32
    %dma_wait3A_853 = arith.constant 0 : i32
    %dma_wait3A_854 = arith.constant 0 : i32
    %dma_wait3A_855 = tpu.memref_slice %arg10[%dma_wait3A_851, %dma_wait3A_853, %dma_wait3A_854] : memref<2x8x32xf32, #tpu.memory_space<vmem>> -> memref<1x8x32xf32, #tpu.memory_space<vmem>>
    %dma_wait3A_856 = tpu.memref_squeeze %dma_wait3A_855 : memref<1x8x32xf32, #tpu.memory_space<vmem>> -> memref<8x32xf32, #tpu.memory_space<vmem>>
    %dma_wait3A_857 = arith.constant 0 : i32
    %dma_wait3A_858 = arith.constant 0 : i32
    %dma_wait3A_859 = tpu.memref_slice %arg7[%dma_wait3A_857, %dma_wait3A_858] : memref<16384x32xf32, #tpu.memory_space<hbm>> -> memref<8x32xf32, #tpu.memory_space<hbm>>
    %dma_wait3A_860 = tpu.memref_slice %arg12[%dma_wait3A_852] : memref<2x!tpu.dma_semaphore, #tpu.memory_space<semaphore_mem>> -> memref<1x!tpu.dma_semaphore, #tpu.memory_space<semaphore_mem>>
    %dma_wait3A_861 = tpu.memref_squeeze %dma_wait3A_860 : memref<1x!tpu.dma_semaphore, #tpu.memory_space<semaphore_mem>> -> memref<!tpu.dma_semaphore, #tpu.memory_space<semaphore_mem>>
    %dma_wait3A_862 = arith.constant 0 : i32
    %dma_wait3A_863 = arith.constant 0 : i32
    %dma_wait3A_864 = tpu.memref_slice %arg7[%dma_wait3A_862, %dma_wait3A_863] : memref<16384x32xf32, #tpu.memory_space<hbm>> -> memref<8x32xf32, #tpu.memory_space<hbm>>
    %dma_wait3A_865 = arith.constant 0 : i32
    %dma_wait3A_866 = arith.constant 0 : i32
    %dma_wait3A_867 = tpu.memref_slice %arg10[%dma_wait3A_851, %dma_wait3A_865, %dma_wait3A_866] : memref<2x8x32xf32, #tpu.memory_space<vmem>> -> memref<1x8x32xf32, #tpu.memory_space<vmem>>
    %dma_wait3A_868 = tpu.memref_squeeze %dma_wait3A_867 : memref<1x8x32xf32, #tpu.memory_space<vmem>> -> memref<8x32xf32, #tpu.memory_space<vmem>>
    tpu.wait_dma2 semaphore(%dma_wait3A_861 : memref<!tpu.dma_semaphore, #tpu.memory_space<semaphore_mem>>) src(%dma_wait3A_868 : memref<8x32xf32, #tpu.memory_space<vmem>>) dst(%dma_wait3A_864 : memref<8x32xf32, #tpu.memory_space<hbm>>)
    %dma_wait3A_869 = arith.constant 1 : i32
    %dma_wait3A_870 = arith.constant 1 : i32
    %dma_wait3A_871 = arith.constant 0 : i32
    %dma_wait3A_872 = arith.constant 0 : i32
    %dma_wait3A_873 = tpu.memref_slice %arg10[%dma_wait3A_869, %dma_wait3A_871, %dma_wait3A_872] : memref<2x8x32xf32, #tpu.memory_space<vmem>> -> memref<1x8x32xf32, #tpu.memory_space<vmem>>
    %dma_wait3A_874 = tpu.memref_squeeze %dma_wait3A_873 : memref<1x8x32xf32, #tpu.memory_space<vmem>> -> memref<8x32xf32, #tpu.memory_space<vmem>>
    %dma_wait3A_875 = arith.constant 0 : i32
    %dma_wait3A_876 = arith.constant 0 : i32
    %dma_wait3A_877 = tpu.memref_slice %arg7[%dma_wait3A_875, %dma_wait3A_876] : memref<16384x32xf32, #tpu.memory_space<hbm>> -> memref<8x32xf32, #tpu.memory_space<hbm>>
    %dma_wait3A_878 = tpu.memref_slice %arg12[%dma_wait3A_870] : memref<2x!tpu.dma_semaphore, #tpu.memory_space<semaphore_mem>> -> memref<1x!tpu.dma_semaphore, #tpu.memory_space<semaphore_mem>>
    %dma_wait3A_879 = tpu.memref_squeeze %dma_wait3A_878 : memref<1x!tpu.dma_semaphore, #tpu.memory_space<semaphore_mem>> -> memref<!tpu.dma_semaphore, #tpu.memory_space<semaphore_mem>>
    %dma_wait3A_880 = arith.constant 0 : i32
    %dma_wait3A_881 = arith.constant 0 : i32
    %dma_wait3A_882 = tpu.memref_slice %arg7[%dma_wait3A_880, %dma_wait3A_881] : memref<16384x32xf32, #tpu.memory_space<hbm>> -> memref<8x32xf32, #tpu.memory_space<hbm>>
    %dma_wait3A_883 = arith.constant 0 : i32
    %dma_wait3A_884 = arith.constant 0 : i32
    %dma_wait3A_885 = tpu.memref_slice %arg10[%dma_wait3A_869, %dma_wait3A_883, %dma_wait3A_884] : memref<2x8x32xf32, #tpu.memory_space<vmem>> -> memref<1x8x32xf32, #tpu.memory_space<vmem>>
    %dma_wait3A_886 = tpu.memref_squeeze %dma_wait3A_885 : memref<1x8x32xf32, #tpu.memory_space<vmem>> -> memref<8x32xf32, #tpu.memory_space<vmem>>
    tpu.wait_dma2 semaphore(%dma_wait3A_879 : memref<!tpu.dma_semaphore, #tpu.memory_space<semaphore_mem>>) src(%dma_wait3A_886 : memref<8x32xf32, #tpu.memory_space<vmem>>) dst(%dma_wait3A_882 : memref<8x32xf32, #tpu.memory_space<hbm>>)
    return
  }
}

module attributes {stable_mosaic.version = 14 : i64} {
  func.func @_mlp_body(%arg0: i32, %arg1: memref<2048x32xf32, #tpu.memory_space<vmem>>, %arg2: memref<2048x32xf32, #tpu.memory_space<vmem>>, %arg3: memref<128x32xf32, #tpu.memory_space<vmem>>, %arg4: memref<128x32xf32, #tpu.memory_space<vmem>>, %arg5: memref<1x128xf32, #tpu.memory_space<vmem>>, %arg6: memref<1x128xf32, #tpu.memory_space<vmem>>, %arg7: memref<1x1xf32, #tpu.memory_space<vmem>>, %arg8: memref<2048x1xf32, #tpu.memory_space<vmem>>) attributes {dimension_semantics = [#tpu.dimension_semantics<arbitrary>], iteration_bounds = array<i64: 8>, scalar_prefetch = 0 : i64, scratch_operands = 0 : i64, tpu.core_type = #tpu.core_type<tc>, window_params = [{transform_indices = @transform_0, window_bounds = array<i64: 2048, 32>}, {transform_indices = @transform_1, window_bounds = array<i64: 2048, 32>}, {pipeline_mode = #tpu.pipeline_mode<synchronous>, transform_indices = @transform_2, window_bounds = array<i64: 128, 32>}, {pipeline_mode = #tpu.pipeline_mode<synchronous>, transform_indices = @transform_3, window_bounds = array<i64: 128, 32>}, {pipeline_mode = #tpu.pipeline_mode<synchronous>, transform_indices = @transform_4, window_bounds = array<i64: 1, 128>}, {pipeline_mode = #tpu.pipeline_mode<synchronous>, transform_indices = @transform_5, window_bounds = array<i64: 1, 128>}, {pipeline_mode = #tpu.pipeline_mode<synchronous>, transform_indices = @transform_6, window_bounds = array<i64: 1, 1>}, {transform_indices = @transform_7, window_bounds = array<i64: 2048, 1>}]} {
    %get3A = arith.constant 0 : index
    %get3A_0 = arith.constant 0 : index
    %get3A_1 = vector.load %arg1[%get3A, %get3A_0] : memref<2048x32xf32, #tpu.memory_space<vmem>>, vector<2048x32xf32>
    %get3A_2 = arith.constant 0 : index
    %get3A_3 = arith.constant 0 : index
    %get3A_4 = vector.load %arg3[%get3A_2, %get3A_3] : memref<128x32xf32, #tpu.memory_space<vmem>>, vector<128x32xf32>
    %dot_general3A = arith.constant dense<0.000000e+00> : vector<2048x128xf32>
    %dot_general3A_5 = tpu.matmul %get3A_1, %get3A_4, %dot_general3A {dimension_numbers = #tpu.dot_dimension_numbers<[1], [1], [0], [0], [0, 0, 1, 0], [], []>, transpose_lhs_hint = false} : vector<2048x32xf32>, vector<128x32xf32>, vector<2048x128xf32> -> vector<2048x128xf32>
    %get3A_6 = arith.constant 0 : index
    %get3A_7 = arith.constant 0 : index
    %get3A_8 = vector.load %arg2[%get3A_6, %get3A_7] : memref<2048x32xf32, #tpu.memory_space<vmem>>, vector<2048x32xf32>
    %get3A_9 = arith.constant 0 : index
    %get3A_10 = arith.constant 0 : index
    %get3A_11 = vector.load %arg4[%get3A_9, %get3A_10] : memref<128x32xf32, #tpu.memory_space<vmem>>, vector<128x32xf32>
    %dot_general3A_12 = arith.constant dense<0.000000e+00> : vector<2048x128xf32>
    %dot_general3A_13 = tpu.matmul %get3A_8, %get3A_11, %dot_general3A_12 {dimension_numbers = #tpu.dot_dimension_numbers<[1], [1], [0], [0], [0, 0, 1, 0], [], []>, transpose_lhs_hint = false} : vector<2048x32xf32>, vector<128x32xf32>, vector<2048x128xf32> -> vector<2048x128xf32>
    %add3A = arith.addf %dot_general3A_5, %dot_general3A_13 : vector<2048x128xf32>
    %get3A_14 = arith.constant 0 : index
    %get3A_15 = arith.constant 0 : index
    %get3A_16 = vector.load %arg5[%get3A_14, %get3A_15] : memref<1x128xf32, #tpu.memory_space<vmem>>, vector<1x128xf32>
    %add3A_17 = vector.broadcast %get3A_16 : vector<1x128xf32> to vector<2048x128xf32>
    %add3A_18 = arith.addf %add3A, %add3A_17 : vector<2048x128xf32>
    %max3A = arith.constant 0.000000e+00 : f32
    %max3A_19 = vector.broadcast %max3A : f32 to vector<2048x128xf32>
    %max3A_20 = arith.maximumf %add3A_18, %max3A_19 : vector<2048x128xf32>
    %get3A_21 = arith.constant 0 : index
    %get3A_22 = arith.constant 0 : index
    %get3A_23 = vector.load %arg6[%get3A_21, %get3A_22] : memref<1x128xf32, #tpu.memory_space<vmem>>, vector<1x128xf32>
    %mul3A = vector.broadcast %get3A_23 : vector<1x128xf32> to vector<2048x128xf32>
    %mul3A_24 = arith.mulf %max3A_20, %mul3A : vector<2048x128xf32>
    %reduce_sum3A = arith.constant dense<0.000000e+00> : vector<2048xf32>
    %reduce_sum3A_25 = vector.multi_reduction <add>, %mul3A_24, %reduce_sum3A [1] : vector<2048x128xf32> to vector<2048xf32>
    %broadcast_in_dim3A = vector.shape_cast %reduce_sum3A_25 : vector<2048xf32> to vector<2048x1xf32>
    %get3A_26 = arith.constant 0 : index
    %get3A_27 = arith.constant 0 : index
    %get3A_28 = vector.load %arg7[%get3A_26, %get3A_27] : memref<1x1xf32, #tpu.memory_space<vmem>>, vector<1x1xf32>
    %add3A_29 = vector.broadcast %get3A_28 : vector<1x1xf32> to vector<2048x1xf32>
    %add3A_30 = arith.addf %broadcast_in_dim3A, %add3A_29 : vector<2048x1xf32>
    %swap3A = arith.constant 0 : index
    %swap3A_31 = arith.constant 0 : index
    %swap3A_32 = vector.load %arg8[%swap3A, %swap3A_31] : memref<2048x1xf32, #tpu.memory_space<vmem>>, vector<2048x1xf32>
    tpu.vector_store %arg8[%swap3A, %swap3A_31], %add3A_30 {strides = array<i32>} : memref<2048x1xf32, #tpu.memory_space<vmem>>, vector<2048x1xf32>,
    return
  }
  func.func @transform_0(%arg0: i32) -> (i32, i32) {
    %c0_i32 = arith.constant 0 : i32
    %c0_i32_0 = arith.constant 0 : i32
    return %arg0, %c0_i32 : i32, i32
  }
  func.func @transform_1(%arg0: i32) -> (i32, i32) {
    %c0_i32 = arith.constant 0 : i32
    %c0_i32_0 = arith.constant 0 : i32
    return %arg0, %c0_i32 : i32, i32
  }
  func.func @transform_2(%arg0: i32) -> (i32, i32) {
    %c0_i32 = arith.constant 0 : i32
    %c0_i32_0 = arith.constant 0 : i32
    %c0_i32_1 = arith.constant 0 : i32
    return %c0_i32, %c0_i32_0 : i32, i32
  }
  func.func @transform_3(%arg0: i32) -> (i32, i32) {
    %c0_i32 = arith.constant 0 : i32
    %c0_i32_0 = arith.constant 0 : i32
    %c0_i32_1 = arith.constant 0 : i32
    return %c0_i32, %c0_i32_0 : i32, i32
  }
  func.func @transform_4(%arg0: i32) -> (i32, i32) {
    %c0_i32 = arith.constant 0 : i32
    %c0_i32_0 = arith.constant 0 : i32
    %c0_i32_1 = arith.constant 0 : i32
    return %c0_i32, %c0_i32_0 : i32, i32
  }
  func.func @transform_5(%arg0: i32) -> (i32, i32) {
    %c0_i32 = arith.constant 0 : i32
    %c0_i32_0 = arith.constant 0 : i32
    %c0_i32_1 = arith.constant 0 : i32
    return %c0_i32, %c0_i32_0 : i32, i32
  }
  func.func @transform_6(%arg0: i32) -> (i32, i32) {
    %c0_i32 = arith.constant 0 : i32
    %c0_i32_0 = arith.constant 0 : i32
    %c0_i32_1 = arith.constant 0 : i32
    return %c0_i32, %c0_i32_0 : i32, i32
  }
  func.func @transform_7(%arg0: i32) -> (i32, i32) {
    %c0_i32 = arith.constant 0 : i32
    %c0_i32_0 = arith.constant 0 : i32
    return %arg0, %c0_i32 : i32, i32
  }
}

</mosaic_0001>

<sc_bundles>
// kernel: kernel.4.cloned.1.call-start
scs
__scs_entry_jumppad:
0x0: {  	(pc) =	sbr.rel $0x88, $3  }
0x1: {  	(tag) =	ssettag $0x0;
	lr =	simm.s32 $0x1  }
0x2: {  	[smem:$0x3F99] =	sst lr;
	_ =	strace $0xD0000000  }
0x3: {  	_ = 	snop  }
0x4: {  	_ = 	snop  }
0x5: {  	_ = 	snop  }
0x6: {  	_ = 	snop  }
0x7: {  	_ = 	snop  }
__scs_overlays_trampoline_lowered:
0x8: {  	[smem:$0x3FA8] =	sst s0  }
0x9: {  	[smem:$0x3FA9] =	sst s1  }
0xa: {  	[smem:$0x3FAA] =	sst s2  }
0xb: {  	[smem:$0x3FAB] =	sst s3  }
0xc: {  	[smem:$0x3FAC] =	sst s4  }
0xd: {  	[smem:$0x3FAD] =	sst s5  }
0xe: {  	[smem:$0x3FAE] =	sst s6  }
0xf: {  	[smem:$0x3FAF] =	sst s7  }
0x10: {  	[smem:$0x3FB0] =	sst s8  }
0x11: {  	[smem:$0x3FB1] =	sst s9;
	s0 =	simm.s32 @!p0 $0x0  }
0x12: {  	s1 =	sld [smem:$0x3F97];
	s0 =	simm.s32 @p0 $0x1  }
0x13: {  	[smem:$0x3FB2] =	sst s0;
	s0 =	simm.s32 @!p1 $0x0  }
0x14: {  	s2 =	sld [smem:$0x3F96];
	s0 =	simm.s32 @p1 $0x1  }
0x15: {  	[smem:$0x3FB3] =	sst s0;
	s0 =	simm.s32 @!p2 $0x0  }
0x16: {  	s3 =	sld [smem:$0x3FDB];
	s0 =	simm.s32 @p2 $0x1  }
0x17: {  	s4 =	simm.s32 $0x1BF5;
	[smem:$0x3FB5] =	sst s0  }
0x18: {  	s0 =	sld [smem:$0x3F98];
	_ =	swait.ge [sflag:s4], $0x0  }
0x19: {  	s7 =	sld [smem:$0x3F99]  }
0x1a: {  	s8 =	sadd.s32 $0xFFFFE003, lr  }
0x1b: {  	s9 =	sadd.s32 $0xFFFFFEF7, lr;
	s5 =	simm.s32 $0xFFFFFFFF;
	p2 =	slt.u32 s8, $0xFFFFF086  }
0x1c: {  	p1 =	slt.u32 s9, $0xF7A;
	s5 =	simm.s32 @!p2 $0x0  }
0x1d: {  	s5 =	simm.s32 @p1 $0x1;
	p0 =	seq.s32 s7, s2  }
0x1e: {  	s7 =	smul.u32 @!p0 $0xF7A, s2;
	p2 =	seq.s32 @!p0 s5, $0x0  }
0x1f: {  	s9 =	smul.u32 $0xF7A, s1;
	s8 =	simm.s32 @!p0 $0x1BF5;
	p2 =	por !p2, p0  }
0x20: {  	[sflag:s8] =	ssyncset.s32 @!p0 $0xFFFFF086;
	s6 =	sadd.s32 @!p0 s3, s7;
	s7 =	simm.s32 @!p0 $0x108  }
0x21: {  	s3 =	sadd.s32 s3, s9;
	s6 =	sadd.s32 @!p0 $0x88, s6;
	s7 =	simm.s32 @p2 $0x1082  }
0x22: {  	[simem:s7], [sflag:s8] =	dma.local @!p0 [hbm:s6], $0xF7A  }
0x23: {  	s9 =	sor.u32 $0xD0000000, s2;
	s6 =	simm.s32 $0x108;
	_ =	swait.ge @!p0 [sflag:s8], $0x0  }
0x24: {  	s3 =	sadd.s32 $0x88, s3;
	s6 =	simm.s32 @!p1 $0x1082;
	[sflag:s4] =	ssyncset.s32 $0xFFFFF086  }
0x25: {  	[simem:s6], [sflag:s4] =	dma.local [hbm:s3], $0xF7A  }
0x26: {  	[smem:$0x3F99] =	sst s1;
	(tag) =	ssettag s2;
	_ =	strace s9  }
0x27: {  	s1 =	sld [smem:$0x3FA9]  }
0x28: {  	s2 =	sld [smem:$0x3FAA]  }
0x29: {  	s4 =	sld [smem:$0x3FAC]  }
0x2a: {  	p0 =	seq.s32 s5, $0x0;
	s5 =	sld [smem:$0x3FAD]  }
0x2b: {  	s6 =	sld [smem:$0x3FAE]  }
0x2c: {  	s7 =	sld [smem:$0x3FAF]  }
0x2d: {  	s3 =	simm.s32 $0x108;
	s8 =	sld [smem:$0x3FB0]  }
0x2e: {  	s3 =	simm.s32 @!p0 $0x1082;
	s9 =	sld [smem:$0x3FB1]  }
0x2f: {  	lr =	sadd.s32 s0, s3;
	s0 =	sld [smem:$0x3FA8]  }
0x30: {  	s3 =	sld [smem:$0x3FAB]  }
0x31: {  	[smem:$0x3FB4] =	sst s10  }
0x32: {  	s10 =	sld [smem:$0x3FB2];
	_ =	sdelay $0x3  }
0x33: {  	p0 =	seq.s32 s10, $0x1;
	s10 =	sld [smem:$0x3FB4];
	_ =	sdelay $0x3  }
0x34: {  	[smem:$0x3FB4] =	sst s10  }
0x35: {  	s10 =	sld [smem:$0x3FB3];
	_ =	sdelay $0x3  }
0x36: {  	p1 =	seq.s32 s10, $0x1;
	s10 =	sld [smem:$0x3FB4];
	_ =	sdelay $0x3  }
0x37: {  	[smem:$0x3FB4] =	sst s10  }
0x38: {  	s10 =	sld [smem:$0x3FB5]  }
0x39: {  	_ = 	snop;
	(pc) =	sbr.ind lr, $3  }
0x3a: {  	_ = 	snop  }
0x3b: {  	_ = 	snop  }
0x3c: {  	p2 =	seq.s32 s10, $0x1;
	s10 =	sld [smem:$0x3FB4]  }
0x3d: {  	_ =	shalt  }
0x3e: {  	_ =	shalt  }
0x3f: {  	_ =	shalt  }
0x40: {  	_ =	shalt  }
0x41: {  	_ =	shalt  }
0x42: {  	_ =	shalt  }
0x43: {  	_ =	shalt  }
0x44: {  	_ =	shalt  }
0x45: {  	_ =	shalt  }
0x46: {  	_ =	shalt  }
0x47: {  	_ =	shalt  }
0x48: {  	_ =	shalt  }
0x49: {  	_ =	shalt  }
0x4a: {  	_ =	shalt  }
0x4b: {  	_ =	shalt  }
0x4c: {  	_ =	shalt  }
0x4d: {  	_ =	shalt  }
0x4e: {  	_ =	shalt  }
0x4f: {  	_ =	shalt  }
0x50: {  	_ =	shalt  }
0x51: {  	_ =	shalt  }
0x52: {  	_ =	shalt  }
0x53: {  	_ =	shalt  }
0x54: {  	_ =	shalt  }
0x55: {  	_ =	shalt  }
0x56: {  	_ =	shalt  }
0x57: {  	_ =	shalt  }
0x58: {  	_ =	shalt  }
0x59: {  	_ =	shalt  }
0x5a: {  	_ =	shalt  }
0x5b: {  	_ =	shalt  }
0x5c: {  	_ =	shalt  }
0x5d: {  	_ =	shalt  }
0x5e: {  	_ =	shalt  }
0x5f: {  	_ =	shalt  }
0x60: {  	_ =	shalt  }
0x61: {  	_ =	shalt  }
0x62: {  	_ =	shalt  }
0x63: {  	_ =	shalt  }
0x64: {  	_ =	shalt  }
0x65: {  	_ =	shalt  }
0x66: {  	_ =	shalt  }
0x67: {  	_ =	shalt  }
0x68: {  	_ =	shalt  }
0x69: {  	_ =	shalt  }
0x6a: {  	_ =	shalt  }
0x6b: {  	_ =	shalt  }
0x6c: {  	_ =	shalt  }
0x6d: {  	_ =	shalt  }
0x6e: {  	_ =	shalt  }
0x6f: {  	_ =	shalt  }
0x70: {  	_ =	shalt  }
0x71: {  	_ =	shalt  }
0x72: {  	_ =	shalt  }
0x73: {  	_ =	shalt  }
0x74: {  	_ =	shalt  }
0x75: {  	_ =	shalt  }
0x76: {  	_ =	shalt  }
0x77: {  	_ =	shalt  }
0x78: {  	_ =	shalt  }
0x79: {  	_ =	shalt  }
0x7a: {  	_ =	shalt  }
0x7b: {  	_ =	shalt  }
0x7c: {  	_ =	shalt  }
0x7d: {  	_ =	shalt  }
0x7e: {  	_ =	shalt  }
0x7f: {  	_ =	shalt  }
0x80: {  	_ =	shalt  }
0x81: {  	_ =	shalt  }
0x82: {  	_ =	shalt  }
0x83: {  	_ =	shalt  }
0x84: {  	_ =	shalt  }
0x85: {  	_ =	shalt  }
0x86: {  	_ =	shalt  }
0x87: {  	_ =	shalt  }
.Lfunc_end0:
.L_simem_size_0:
called_computation_lowered:
.L_overlay_start_0:
0x88: {  	s2 =	sld [smem:$0x3FD9]  }
0x89: {  	s3 =	sld [smem:$0x3FFE];
	_ =	sdelay $0x1  }
0x8a: {  	s1 =	srdreg.scid  }
0x8b: {  	s0 =	sand.u32 $0x1, s1  }
0x8c: {  	s17 =	sshll.u32 s0, $0xA;
	s2 =	sadd.s32 s3, s2  }
0x8d: {  	s2 =	sadd.s32 s2, s17  }
0x8e: {  	[smem:$0x3FC0] =	sst s2  }
0x8f: {  	_ = 	snop  }
0x90: {  	s2 =	sld [smem:$0x3FC7]  }
0x91: {  	s18 =	sld [smem:$0x3FC6]  }
0x92: {  	s4 =	sld [smem:$0x3FD0];
	(tm) =	ssettm $0x1  }
0x93: {  	s5 =	sld [smem:$0x3FFB];
	_ =	sdelay $0x3  }
0x94: {  	_ =	strace s5  }
0x95: {  	s5 =	sld [smem:$0x3FFC];
	_ =	sdelay $0x3  }
0x96: {  	_ =	strace s5  }
0x97: {  	s5 =	sld [smem:$0x3FFD];
	_ =	sdelay $0x3  }
0x98: {  	_ =	strace s5  }
0x99: {  	_ =	strace $0x8FFFFFFF  }
0x9a: {  	s19 =	sld [smem:$0x3FDB];
	_ =	sdelay $0x1  }
0x9b: {  	s6 =	simm.s32 $_scs_section_size  }
0x9c: {  	s7 =	simm.s32 $_size__tile_overlayer_lowered;
	s8 =	simm.s32 $_tile_overlayer_lowered  }
0x9d: {  	s22 =	simm.s32 $0x1BFF;
	s21 =	sshll.u32 s8, $0x1;
	s5 =	sadd.s32 s6, s19  }
0x9e: {  	s9 =	simm.s32 $0x0;
	s20 =	sshll.u32 s7, $0x1;
	s7 =	sadd.s32 s21, s5  }
0x9f: {  	[timem:s9], [sflag:s22] =	dma.local [hbm:s7], s20  }
0xa0: {  	_ =	swait.ge [sflag:s22], s20  }
0xa1: {  	s6 =	ssub.s32 $0x0, s20;
	[sflag:s22] =	ssyncset.done $0x0  }
0xa2: {  	[sflag:s22] =	ssyncadd.s32 s6;
	_ =	sdelay $0x1  }
0xa3: {  	s23 =	simm.s32 $0x1B8B  }
0xa4: {  	_ =	swait.ge [sflag:s23], $0x1  }
0xa5: {  	[sflag:s23] =	ssyncset.done $0x0  }
0xa6: {  	s25 =	simm.s32 $0x1B8E;
	s24 =	sld [smem:$0x3FFE];
	[sflag:s23] =	ssyncadd.s32 $0xFFFFFFFF  }
0xa7: {  	s26 =	simm.s32 $execute0_lowered;
	[smem:$0x3FD2] =	sst s25  }
0xa8: {  	s7 =	sshll.u32 s26, $0x1;
	_ =	strace $0x80000046;
	[dreg:$0x1] =	wrdreg $0xFFFFFFFF  }
0xa9: {  	s28 =	simm.s32 $_size_execute0_lowered;
	s5 =	sadd.s32 s5, s7;
	[dreg:$0x0] =	wrdreg $0x0  }
0xaa: {  	s7 =	sshll.u32 s28, $0x1;
	[dreg:$0x2] =	wrdreg s5  }
0xab: {  	[dreg:$0x3] =	wrdreg s7  }
0xac: {  	[dreg:$0x4] =	wrdreg $0xC0  }
0xad: {  	_ =	task [dreg:s9], $0x5FFFF  }
0xae: {  	[dreg:$0x1] =	wrdreg $0xFFFFFFFF  }
0xaf: {  	[dreg:$0x0] =	wrdreg $0x60  }
0xb0: {  	[dreg:$0x2] =	wrdreg s4  }
0xb1: {  	[dreg:$0x3] =	wrdreg s24  }
0xb2: {  	[dreg:$0x4] =	wrdreg s2  }
0xb3: {  	[dreg:$0x5] =	wrdreg s18  }
0xb4: {  	[dreg:$0x6] =	wrdreg $0x9  }
0xb5: {  	_ =	task.clear_ibuf [dreg:s9], $0x7FFFF;
	_ =	strace $0x90000046  }
0xb6: {  	s29 =	simm.s32 $0x9;
	_ =	strace $0x80000048  }
0xb7: {  	_ =	swait.ge [sflag:s29], $0x1  }
0xb8: {  	[sflag:s29] =	ssyncadd.s32 $0xFFFFFFFF  }
0xb9: {  	_ =	strace $0x90000048  }
0xba: {  	_ =	sfence  }
0xbb: {  	s30 =	sld [smem:$0x0];
	_ =	sdelay $0x2  }
0xbc: {  	s31 =	sshll.u32 s1, $0xD;
	s1 =	sshrl.u32 s1, $0x2  }
0xbd: {  	s3 =	sand.u32 $0x4000, s31;
	s1 =	sadd.s32 s1, s30  }
0xbe: {  	s0 =	sor.u32 s3, s0;
	s1 =	sshll.u32 s1, $0x11  }
0xbf: {  	s0 =	sor.u32 s1, s0  }
0xc0: {  	s0 =	sadd.s32 $0x8F2B, s0  }
0xc1: {  	[sflag:s0] =	ssyncadd.remote.s32 $0x1  }
0xc2: {  	_ =	sfence.sel $0xFFFF  }
0xc3: {  	[dreg:$0x0] =	wrdreg $0xFFFFFFFF;
	(pc) =	sbr.abs _section_cstart, $3  }
0xc4: {  	[dreg:$0x1] =	wrdreg $0xFFFFFFFF  }
0xc5: {  	_ =	task.clear_ibuf [dreg:s9], $0x2FFFF;
	_ =	strace $0x9FFFFFFF  }
0xc6: {  	(tm) =	ssettm $0x7FFFFFFF  }
0xc7: {  	_ =	shalt  }
tec
execute0_lowered:
.L_overlay_start_1:
0x0: {  	(tag) =	ssettag $0x1  }
0x1: {  	s0 =	rddreg [dreg:$0x0]  }
0x2: {  	s1 =	rddreg [dreg:$0x1]  }
0x3: {  	s2 =	rddreg [dreg:$0x2]  }
0x4: {  	s3 =	rddreg [dreg:$0x3];
	s4 =	srdreg.scid  }
0x5: {  	s8 =	stileid.u32;
	s19 =	simm.s32 $0x0;
	s30 =	simm.s32 $0xB500  }
0x6: {  	s10 =	simm.s32 $0xE500;
	s11 =	simm.s32 $0xA;
	s12 =	simm.s32 $0xB  }
0x7: {  	s28 =	simm.s32 $0xE;
	s29 =	simm.s32 $0x10;
	s13 =	simm.s32 $0x0  }
0x8: {  	s4 =	sand.u32 $0x1, s4;
	s5 =	sshll.u32 s8, $0x5;
	[smem:$0x7FF] =	sst s19  }
0x9: {  	s7 =	sshll.u32 s8, $0x7;
	s15 =	sshll.u32 s8, $0xE;
	s8 =	simm.s32 $0x9500  }
0xa: {  	s6 =	sshll.u32 s4, $0x4;
	_ =	strace $0x80000047;
	s14 =	ssub.s32 $0x2, s4  }
0xb: {  	s18 =	sshll.u32 s4, $0xD;
	s5 =	sor.u32 s6, s5;
	s16 =	sshrl.u32 s14, $0x1  }
0xc: {  	s4 =	simm.s32 $0xF;
	s5 =	sor.u32 s7, s5;
	s6 =	ssub.s32 s14, s16  }
0xd: {  	s7 =	simm.s32 $0x8500;
	s5 =	sand.u32 $0x670, s5;
	s20 =	smax.u32 s6, $0x1  }
0xe: {  	s9 =	sadd.s32 s5, s1;
	s5 =	sadd.s32 s0, s5;
	[dreg:$0x7] =	wrdreg s20  }
0xf: {  	s16 =	simm.s32 $0x8;
	s21 =	sadd.s32 $0x80, s5;
	[dreg:$0x5] =	wrdreg s5  }
0x10: {  	s6 =	simm.s32 $0x7;
	s22 =	sadd.s32 $0x100, s5;
	[dreg:$0x8] =	wrdreg s21  }
0x11: {  	s1 =	sadd.s32 s15, s1;
	s23 =	sadd.s32 $0x180, s5;
	[dreg:$0x9] =	wrdreg s22  }
0x12: {  	s17 =	sadd.s32 $0x1200, s9;
	s0 =	sadd.s32 s18, s1;
	[dreg:$0xa] =	wrdreg s23  }
0x13: {  	s20 =	simm.s32 $0x4;
	s24 =	sadd.s32 $0x1A00, s0;
	[dreg:$0x6] =	wrdreg s17  }
0x14: {  	s9 =	simm.s32 $0xD500;
	s0 =	sadd.s32 $0x41A00, s0;
	[dreg:$0xb] =	wrdreg s24  }
0x15: {  	s18 =	simm.s32 $0xF500;
	s25 =	sadd.s32 $0x80, s17;
	[dreg:$0xc] =	wrdreg s0  }
0x16: {  	v0 =	vlaneseq.u32;
	s5 =	simm.s32 $0x6;
	s26 =	sadd.s32 $0x100, s17;
	[dreg:$0xd] =	wrdreg s25  }
0x17: {  	v0 =	vmul.u32 $0x80, v0;
	s31 =	sadd.s32 $0x180, s17;
	s21 =	simm.s32 $0xA500;
	[dreg:$0xe] =	wrdreg s26  }
0x18: {  	s23 =	simm.s32 $0xC500;
	s22 =	simm.s32 $0x5;
	[dreg:$0xf] =	wrdreg s31  }
0x19: {  	v1 =	vor.u32 $0x800, v0;
	s25 =	simm.s32 $0x9;
	s24 =	simm.s32 $0xC;
	s26 =	simm.s32 $0xD  }
.LBB2_1:
0x1a: {  	[dreg:$0x10] =	wrdreg s13  }
0x1b: {  	s0 =	rddreg [dreg:$0x5]  }
0x1c: {  	[tilespmem:s19], [sflag:$0x13] =	stream.linear.gather [hbm4b:s0+s19], $0x80, $0x38;
	[tilespmem:$0x10D00] =	vst v63  }
0x1d: {  	s14 =	rddreg [dreg:$0x8];
	s1 =	simm.s32 $0x100  }
0x1e: {  	[tilespmem:s1], [sflag:$0x13] =	stream.linear.gather [hbm4b:s14+s19], $0x80, $0x38;
	[tilespmem:$0x10D00] =	vst v63  }
0x1f: {  	s15 =	rddreg [dreg:$0x9];
	s17 =	simm.s32 $0x200  }
0x20: {  	[tilespmem:s17], [sflag:$0x13] =	stream.linear.gather [hbm4b:s15+s19], $0x80, $0x38;
	[tilespmem:$0x10D00] =	vst v63  }
0x21: {  	s13 =	rddreg [dreg:$0xa];
	s14 =	simm.s32 $0x300;
	s1 =	simm.s32 $0x13  }
0x22: {  	[tilespmem:s14], [sflag:$0x13] =	stream.linear.gather [hbm4b:s13+s19], $0x80, $0x38;
	[tilespmem:$0x10D00] =	vst v63  }
0x23: {  	_ =	swait.ge [sflag:s1], $0x200  }
0x24: {  	[sflag:s1] =	ssyncset.done $0x0  }
0x25: {  	s17 =	simm.s32 $0x80;
	s15 =	rddreg [dreg:$0x6];
	[sflag:s1] =	ssyncadd.s32 $0xFFFFFE00  }
0x26: {  	[tilespmem:s17], [sflag:$0x13] =	stream.linear.gather [hbm4b:s15+s19], $0x80, $0x38;
	[tilespmem:$0x10D00] =	vst v63  }
0x27: {  	s14 =	simm.s32 $0x180;
	s13 =	rddreg [dreg:$0xd]  }
0x28: {  	[tilespmem:s14], [sflag:$0x13] =	stream.linear.gather [hbm4b:s13+s19], $0x80, $0x38;
	[tilespmem:$0x10D00] =	vst v63  }
0x29: {  	s15 =	rddreg [dreg:$0xe];
	s17 =	simm.s32 $0x280  }
0x2a: {  	[tilespmem:s17], [sflag:$0x13] =	stream.linear.gather [hbm4b:s15+s19], $0x80, $0x38;
	[tilespmem:$0x10D00] =	vst v63  }
0x2b: {  	s13 =	rddreg [dreg:$0xf];
	s14 =	simm.s32 $0x380  }
0x2c: {  	[tilespmem:s14], [sflag:$0x13] =	stream.linear.gather [hbm4b:s13+s19], $0x80, $0x38;
	[tilespmem:$0x10D00] =	vst v63  }
0x2d: {  	_ =	swait.ge [sflag:s1], $0x200  }
0x2e: {  	[sflag:s1] =	ssyncset.done $0x0  }
0x2f: {  	[sflag:s1] =	ssyncadd.s32 $0xFFFFFE00  }
0x30: {  	v2 =	vld [tilespmem:$0x0];
	_ =	sdelay $0x4  }
0x31: {  	(v2sf) =	vpush v2, $0x0;
	_ =	sdelay $0x3  }
0x32: {  	(v2sf) =	vpush v2, $0x1;
	_ =	sdelay $0x3  }
0x33: {  	(v2sf) =	vpush v2, $0x2;
	_ =	sdelay $0x1  }
0x34: {  	(v2sf) =	vpush v2, $0x3;
	_ =	sdelay $0x4  }
0x35: {  	s15 =	spop (v2sf);
	(v2sf) =	vpush v2, $0x4;
	_ =	sdelay $0x3  }
0x36: {  	s17 =	simm.s32 $0x500;
	s0 =	sand.u32 $0xFFFFF80, s15;
	s15 =	spop (v2sf);
	(v2sf) =	vpush v2, $0x5  }
0x37: {  	s13 =	simm.s32 $0x400;
	s14 =	simm.s32 $0x7A1400;
	s0 =	sadd.s32 s2, s0  }
0x38: {  	[tilespmem:s17], [sflag:$0x1] =	stream.strided.gather [hbm4b:s0+s13], $0x1000, s14, s13, $0x38;
	[tilespmem:$0x10D00] =	vst v63  }
0x39: {  	(v2sf) =	vpush v2, $0x6;
	s0 =	sand.u32 $0xFFFFF80, s15  }
0x3a: {  	s17 =	simm.s32 $0x1500;
	s15 =	spop (v2sf);
	s0 =	sadd.s32 s2, s0  }
0x3b: {  	[tilespmem:s17], [sflag:$0x2] =	stream.strided.gather [hbm4b:s0+s13], $0x1000, s14, s13, $0x38;
	[tilespmem:$0x10D00] =	vst v63  }
0x3c: {  	s0 =	sand.u32 $0xFFFFF80, s15;
	s15 =	spop (v2sf);
	(v2sf) =	vpush v2, $0x7;
	_ =	sdelay $0x2  }
0x3d: {  	s17 =	simm.s32 $0x2500;
	s0 =	sadd.s32 s2, s0  }
0x3e: {  	[tilespmem:s17], [sflag:$0x3] =	stream.strided.gather [hbm4b:s0+s13], $0x1000, s14, s13, $0x38;
	[tilespmem:$0x10D00] =	vst v63  }
0x3f: {  	s0 =	sand.u32 $0xFFFFF80, s15;
	s15 =	spop (v2sf);
	(v2sf) =	vpush v2, $0x8  }
0x40: {  	s17 =	simm.s32 $0x3500;
	s0 =	sadd.s32 s2, s0  }
0x41: {  	[tilespmem:s17], [sflag:$0x4] =	stream.strided.gather [hbm4b:s0+s13], $0x1000, s14, s13, $0x38;
	[tilespmem:$0x10D00] =	vst v63  }
0x42: {  	s0 =	sand.u32 $0xFFFFF80, s15  }
0x43: {  	s17 =	simm.s32 $0x4500;
	s15 =	spop (v2sf);
	(v2sf) =	vpush v2, $0x9;
	s0 =	sadd.s32 s2, s0  }
0x44: {  	[tilespmem:s17], [sflag:$0x5] =	stream.strided.gather [hbm4b:s0+s13], $0x1000, s14, s13, $0x38;
	[tilespmem:$0x10D00] =	vst v63  }
0x45: {  	s0 =	sand.u32 $0xFFFFF80, s15  }
0x46: {  	(v2sf) =	vpush v2, $0xA;
	s17 =	simm.s32 $0x5500;
	s15 =	spop (v2sf);
	s0 =	sadd.s32 s2, s0  }
0x47: {  	[tilespmem:s17], [sflag:$0x6] =	stream.strided.gather [hbm4b:s0+s13], $0x1000, s14, s13, $0x38;
	[tilespmem:$0x10D00] =	vst v63  }
0x48: {  	s0 =	sand.u32 $0xFFFFF80, s15  }
0x49: {  	(v2sf) =	vpush v2, $0xB;
	s17 =	simm.s32 $0x6500;
	s15 =	spop (v2sf);
	s0 =	sadd.s32 s2, s0  }
0x4a: {  	(v2sf) =	vpush v2, $0xC;
	[tilespmem:s17], [sflag:$0x7] =	stream.strided.gather [hbm4b:s0+s13], $0x1000, s14, s13, $0x38;
	[tilespmem:$0x10D00] =	vst v63  }
0x4b: {  	s0 =	sand.u32 $0xFFFFF80, s15  }
0x4c: {  	s17 =	simm.s32 $0x7500;
	s0 =	sadd.s32 s2, s0  }
0x4d: {  	[tilespmem:s17], [sflag:$0x8] =	stream.strided.gather [hbm4b:s0+s13], $0x1000, s14, s13, $0x38;
	[tilespmem:$0x10D00] =	vst v63  }
0x4e: {  	s1 =	spop (v2sf)  }
0x4f: {  	s0 =	sand.u32 $0xFFFFF80, s1  }
0x50: {  	(v2sf) =	vpush v2, $0xD;
	s0 =	sadd.s32 s2, s0  }
0x51: {  	[tilespmem:s7], [sflag:$0x9] =	stream.strided.gather [hbm4b:s0+s13], $0x1000, s14, s13, $0x38;
	[tilespmem:$0x10D00] =	vst v63  }
0x52: {  	s7 =	spop (v2sf);
	(v2sf) =	vpush v2, $0xE;
	_ =	sdelay $0x2  }
0x53: {  	s0 =	sand.u32 $0xFFFFF80, s7;
	s15 =	spop (v2sf);
	(v2sf) =	vpush v2, $0xF  }
0x54: {  	s0 =	sadd.s32 s2, s0  }
0x55: {  	[tilespmem:s8], [sflag:$0xA] =	stream.strided.gather [hbm4b:s0+s13], $0x1000, s14, s13, $0x38;
	[tilespmem:$0x10D00] =	vst v63  }
0x56: {  	s17 =	spop (v2sf);
	s0 =	sand.u32 $0xFFFFF80, s15  }
0x57: {  	s1 =	sand.u32 $0xFFFFF80, s17;
	s7 =	spop (v2sf);
	s0 =	sadd.s32 s2, s0  }
0x58: {  	[tilespmem:s21], [sflag:$0xB] =	stream.strided.gather [hbm4b:s0+s13], $0x1000, s14, s13, $0x38;
	[tilespmem:$0x10D00] =	vst v63  }
0x59: {  	s8 =	sand.u32 $0xFFFFF80, s7;
	s0 =	sadd.s32 s2, s1  }
0x5a: {  	[tilespmem:s30], [sflag:$0xC] =	stream.strided.gather [hbm4b:s0+s13], $0x1000, s14, s13, $0x38;
	[tilespmem:$0x10D00] =	vst v63  }
0x5b: {  	s0 =	sadd.s32 s2, s8  }
0x5c: {  	[tilespmem:s23], [sflag:$0xD] =	stream.strided.gather [hbm4b:s0+s13], $0x1000, s14, s13, $0x38;
	[tilespmem:$0x10D00] =	vst v63  }
0x5d: {  	s15 =	spop (v2sf)  }
0x5e: {  	s17 =	sand.u32 $0xFFFFF80, s15  }
0x5f: {  	s0 =	sadd.s32 s2, s17;
	s21 =	spop (v2sf)  }
0x60: {  	[tilespmem:s9], [sflag:$0xE] =	stream.strided.gather [hbm4b:s0+s13], $0x1000, s14, s13, $0x38;
	[tilespmem:$0x10D00] =	vst v63  }
0x61: {  	s23 =	sand.u32 $0xFFFFF80, s21  }
0x62: {  	s30 =	spop (v2sf);
	s0 =	sadd.s32 s2, s23  }
0x63: {  	[tilespmem:s10], [sflag:$0xF] =	stream.strided.gather [hbm4b:s0+s13], $0x1000, s14, s13, $0x38;
	[tilespmem:$0x10D00] =	vst v63  }
0x64: {  	s0 =	sand.u32 $0xFFFFF80, s30  }
0x65: {  	s0 =	sadd.s32 s2, s0  }
0x66: {  	[tilespmem:s18], [sflag:$0x10] =	stream.strided.gather [hbm4b:s0+s13], $0x1000, s14, s13, $0x38;
	[tilespmem:$0x10D00] =	vst v63  }
0x67: {  	s31 =	simm.s32 $0x20;
	s1 =	simm.s32 $0x0;
	s0 =	simm.s32 $0x10  }
.LBB2_2:
0x68: {  	s13 =	sand.u32 $0x70, s0;
	s14 =	sand.u32 $0x700, s31  }
0x69: {  	v3 =	vand.u32 $0x7F, v2;
	p0 =	seq.s32 s1, $0x0;
	s13 =	sor.u32 s13, s14  }
0x6a: {  	v4 =	vbroadcast v3, $0x0;
	v2 =	vld [tilespmem:s13+$0x0];
	s13 =	simm.s32 @!p0 $0x11  }
0x6b: {  	_ =	swait.ge @!p0 [sflag:s13], $0x400  }
0x6c: {  	v5 =	vor.u32 v0, v4;
	[sflag:s13] =	ssyncset.done @!p0 $0x0  }
0x6d: {  	s7 =	simm.s32 $0x1;
	v4 =	vor.u32 v1, v4;
	[sflag:s13] =	ssyncadd.s32 @!p0 $0xFFFFFC00  }
0x6e: {  	_ =	swait.ge [sflag:s7], $0x1000  }
0x6f: {  	[sflag:s7] =	ssyncset.done $0x0  }
0x70: {  	s8 =	simm.s32 $0x500;
	[sflag:s7] =	ssyncadd.s32 $0xFFFFF000  }
0x71: {  	v5 =	vld.idx.msk [tilespmem:v5+s8+$0x0], $0xffff  }
0x72: {  	v4 =	vld.idx.msk [tilespmem:v4+s8+$0x0], $0xffff;
	_ =	sdelay $0x1  }
0x73: {  	v6 =	vbroadcast v3, $0x1;
	_ =	sdelay $0x1  }
0x74: {  	v24 =	vor.u32 v0, v6;
	[tilespmem:$0x10500] =	vst v5  }
0x75: {  	s9 =	simm.s32 $0x2;
	v25 =	vor.u32 v1, v6;
	[tilespmem:$0x10510] =	vst v4  }
0x76: {  	_ =	swait.ge [sflag:s9], $0x1000  }
0x77: {  	[sflag:s9] =	ssyncset.done $0x0  }
0x78: {  	s10 =	simm.s32 $0x1500;
	[sflag:s9] =	ssyncadd.s32 $0xFFFFF000  }
0x79: {  	v5 =	vld.idx.msk [tilespmem:v24+s10+$0x0], $0xffff  }
0x7a: {  	v4 =	vld.idx.msk [tilespmem:v25+s10+$0x0], $0xffff;
	_ =	sdelay $0x1  }
0x7b: {  	v26 =	vbroadcast v3, $0x2;
	_ =	sdelay $0x1  }
0x7c: {  	v27 =	vor.u32 v0, v26;
	[tilespmem:$0x10580] =	vst v5  }
0x7d: {  	s14 =	simm.s32 $0x3;
	v28 =	vor.u32 v1, v26;
	[tilespmem:$0x10590] =	vst v4  }
0x7e: {  	_ =	swait.ge [sflag:s14], $0x1000  }
0x7f: {  	[sflag:s14] =	ssyncset.done $0x0  }
0x80: {  	s15 =	simm.s32 $0x2500;
	[sflag:s14] =	ssyncadd.s32 $0xFFFFF000  }
0x81: {  	v5 =	vld.idx.msk [tilespmem:v27+s15+$0x0], $0xffff  }
0x82: {  	v4 =	vld.idx.msk [tilespmem:v28+s15+$0x0], $0xffff;
	_ =	sdelay $0x1  }
0x83: {  	v29 =	vbroadcast v3, $0x3;
	_ =	sdelay $0x1  }
0x84: {  	v30 =	vor.u32 v0, v29;
	[tilespmem:$0x10600] =	vst v5  }
0x85: {  	v31 =	vor.u32 v1, v29;
	[tilespmem:$0x10610] =	vst v4  }
0x86: {  	_ =	swait.ge [sflag:s20], $0x1000  }
0x87: {  	[sflag:s20] =	ssyncset.done $0x0  }
0x88: {  	s17 =	simm.s32 $0x3500;
	[sflag:s20] =	ssyncadd.s32 $0xFFFFF000  }
0x89: {  	v5 =	vld.idx.msk [tilespmem:v30+s17+$0x0], $0xffff  }
0x8a: {  	v4 =	vld.idx.msk [tilespmem:v31+s17+$0x0], $0xffff;
	_ =	sdelay $0x1  }
0x8b: {  	v32 =	vbroadcast v3, $0x4;
	_ =	sdelay $0x1  }
0x8c: {  	v33 =	vor.u32 v0, v32;
	[tilespmem:$0x10680] =	vst v5  }
0x8d: {  	v34 =	vor.u32 v1, v32;
	[tilespmem:$0x10690] =	vst v4  }
0x8e: {  	_ =	swait.ge [sflag:s22], $0x1000  }
0x8f: {  	[sflag:s22] =	ssyncset.done $0x0  }
0x90: {  	s18 =	simm.s32 $0x4500;
	[sflag:s22] =	ssyncadd.s32 $0xFFFFF000  }
0x91: {  	v5 =	vld.idx.msk [tilespmem:v33+s18+$0x0], $0xffff  }
0x92: {  	v4 =	vld.idx.msk [tilespmem:v34+s18+$0x0], $0xffff;
	_ =	sdelay $0x1  }
0x93: {  	v35 =	vbroadcast v3, $0x5;
	_ =	sdelay $0x1  }
0x94: {  	v36 =	vor.u32 v0, v35;
	[tilespmem:$0x10700] =	vst v5  }
0x95: {  	v37 =	vor.u32 v1, v35;
	[tilespmem:$0x10710] =	vst v4  }
0x96: {  	_ =	swait.ge [sflag:s5], $0x1000  }
0x97: {  	[sflag:s5] =	ssyncset.done $0x0  }
0x98: {  	s21 =	simm.s32 $0x5500;
	[sflag:s5] =	ssyncadd.s32 $0xFFFFF000  }
0x99: {  	v5 =	vld.idx.msk [tilespmem:v36+s21+$0x0], $0xffff  }
0x9a: {  	v4 =	vld.idx.msk [tilespmem:v37+s21+$0x0], $0xffff;
	_ =	sdelay $0x1  }
0x9b: {  	v38 =	vbroadcast v3, $0x6;
	_ =	sdelay $0x1  }
0x9c: {  	v39 =	vor.u32 v0, v38;
	[tilespmem:$0x10780] =	vst v5  }
0x9d: {  	v40 =	vor.u32 v1, v38;
	[tilespmem:$0x10790] =	vst v4  }
0x9e: {  	_ =	swait.ge [sflag:s6], $0x1000  }
0x9f: {  	[sflag:s6] =	ssyncset.done $0x0  }
0xa0: {  	s23 =	simm.s32 $0x6500;
	[sflag:s6] =	ssyncadd.s32 $0xFFFFF000  }
0xa1: {  	v5 =	vld.idx.msk [tilespmem:v39+s23+$0x0], $0xffff  }
0xa2: {  	v4 =	vld.idx.msk [tilespmem:v40+s23+$0x0], $0xffff;
	_ =	sdelay $0x3  }
0xa3: {  	[tilespmem:$0x10800] =	vst v5  }
0xa4: {  	[tilespmem:$0x10810] =	vst v4  }
0xa5: {  	p0 =	seq.s32 s1, $0x1F00;
	_ =	swait.ge [sflag:s16], $0x1000  }
0xa6: {  	v41 =	vbroadcast v3, $0x7;
	(v2sf) =	vpush @!p0 v2, $0x0;
	_ =	sdelay $0x1  }
0xa7: {  	v42 =	vor.u32 v0, v41  }
0xa8: {  	v4 =	vor.u32 v1, v41  }
0xa9: {  	(v2sf) =	vpush @!p0 v2, $0x1  }
0xaa: {  	[sflag:s16] =	ssyncset.done $0x0  }
0xab: {  	s7 =	simm.s32 $0x7500;
	[sflag:s16] =	ssyncadd.s32 $0xFFFFF000  }
0xac: {  	v5 =	vld.idx.msk [tilespmem:v42+s7+$0x0], $0xffff  }
0xad: {  	(v2sf) =	vpush @!p0 v2, $0x2;
	v4 =	vld.idx.msk [tilespmem:v4+s7+$0x0], $0xffff;
	_ =	sdelay $0x3  }
0xae: {  	s8 =	rddreg [dreg:$0xb];
	(v2sf) =	vpush @!p0 v2, $0x3;
	[tilespmem:$0x10880] =	vst v5  }
0xaf: {  	s9 =	simm.s32 $0x10500;
	s15 =	sadd.s32 s1, s8;
	[tilespmem:$0x10890] =	vst v4  }
0xb0: {  	[hbm4b:s15+s19] =	stream.linear.scatter [tilespmem:s9], [sflag:$0x11], $0x400, $0x38;
	[tilespmem:$0x10D00] =	vst v63  }
0xb1: {  	s13 =	spop @!p0 (v2sf)  }
0xb2: {  	s14 =	simm.s32 @!p0 $0x7A1400;
	(v2sf) =	vpush @!p0 v2, $0x4;
	s13 =	sand.u32 @!p0 $0xFFFFF80, s13  }
0xb3: {  	s19 =	simm.s32 @!p0 $0x500;
	s17 =	sadd.s32 @!p0 s2, s13;
	s13 =	simm.s32 @!p0 $0x400  }
0xb4: {  	[tilespmem:s19], [sflag:$0x1] =	stream.strided.gather @!p0 [hbm4b:s17+s13], $0x1000, s14, s13, $0x38;
	[tilespmem:$0x10D00] =	vst v63  }
0xb5: {  	s17 =	spop @!p0 (v2sf)  }
0xb6: {  	(v2sf) =	vpush @!p0 v2, $0x5;
	s17 =	sand.u32 @!p0 $0xFFFFF80, s17  }
0xb7: {  	s19 =	simm.s32 @!p0 $0x1500;
	s17 =	sadd.s32 @!p0 s2, s17  }
0xb8: {  	[tilespmem:s19], [sflag:$0x2] =	stream.strided.gather @!p0 [hbm4b:s17+s13], $0x1000, s14, s13, $0x38;
	[tilespmem:$0x10D00] =	vst v63  }
0xb9: {  	s17 =	spop @!p0 (v2sf)  }
0xba: {  	(v2sf) =	vpush @!p0 v2, $0x6;
	s17 =	sand.u32 @!p0 $0xFFFFF80, s17  }
0xbb: {  	s19 =	simm.s32 @!p0 $0x2500;
	s17 =	sadd.s32 @!p0 s2, s17  }
0xbc: {  	[tilespmem:s19], [sflag:$0x3] =	stream.strided.gather @!p0 [hbm4b:s17+s13], $0x1000, s14, s13, $0x38;
	[tilespmem:$0x10D00] =	vst v63  }
0xbd: {  	s17 =	spop @!p0 (v2sf)  }
0xbe: {  	(v2sf) =	vpush @!p0 v2, $0x7;
	s17 =	sand.u32 @!p0 $0xFFFFF80, s17  }
0xbf: {  	s19 =	simm.s32 @!p0 $0x3500;
	s17 =	sadd.s32 @!p0 s2, s17  }
0xc0: {  	[tilespmem:s19], [sflag:$0x4] =	stream.strided.gather @!p0 [hbm4b:s17+s13], $0x1000, s14, s13, $0x38;
	[tilespmem:$0x10D00] =	vst v63  }
0xc1: {  	s17 =	spop @!p0 (v2sf)  }
0xc2: {  	s17 =	sand.u32 @!p0 $0xFFFFF80, s17  }
0xc3: {  	s19 =	simm.s32 @!p0 $0x4500;
	s17 =	sadd.s32 @!p0 s2, s17  }
0xc4: {  	[tilespmem:s19], [sflag:$0x5] =	stream.strided.gather @!p0 [hbm4b:s17+s13], $0x1000, s14, s13, $0x38;
	[tilespmem:$0x10D00] =	vst v63  }
0xc5: {  	s17 =	spop @!p0 (v2sf)  }
0xc6: {  	s17 =	sand.u32 @!p0 $0xFFFFF80, s17  }
0xc7: {  	s19 =	simm.s32 @!p0 $0x5500;
	s17 =	sadd.s32 @!p0 s2, s17  }
0xc8: {  	[tilespmem:s19], [sflag:$0x6] =	stream.strided.gather @!p0 [hbm4b:s17+s13], $0x1000, s14, s13, $0x38;
	[tilespmem:$0x10D00] =	vst v63  }
0xc9: {  	s17 =	spop @!p0 (v2sf)  }
0xca: {  	s17 =	sand.u32 @!p0 $0xFFFFF80, s17  }
0xcb: {  	s19 =	simm.s32 @!p0 $0x6500;
	s17 =	sadd.s32 @!p0 s2, s17  }
0xcc: {  	[tilespmem:s19], [sflag:$0x7] =	stream.strided.gather @!p0 [hbm4b:s17+s13], $0x1000, s14, s13, $0x38;
	[tilespmem:$0x10D00] =	vst v63  }
0xcd: {  	p1 =	seq.s32 @!p0 s1, $0x0;
	s17 =	spop @!p0 (v2sf)  }
0xce: {  	p1 =	por p0, !p1;
	s17 =	sand.u32 @!p0 $0xFFFFF80, s17  }
0xcf: {  	s7 =	simm.s32 @p1 $0x12;
	s19 =	simm.s32 @!p0 $0x7500;
	s17 =	sadd.s32 @!p0 s2, s17  }
0xd0: {  	v43 =	vbroadcast v3, $0x8;
	[tilespmem:s19], [sflag:$0x8] =	stream.strided.gather @!p0 [hbm4b:s17+s13], $0x1000, s14, s13, $0x38;
	[tilespmem:$0x10D00] =	vst v63  }
0xd1: {  	_ =	swait.ge @p1 [sflag:s7], $0x400  }
0xd2: {  	v44 =	vor.u32 v0, v43;
	[sflag:s7] =	ssyncset.done @p1 $0x0  }
0xd3: {  	v4 =	vor.u32 v1, v43;
	[sflag:s7] =	ssyncadd.s32 @p1 $0xFFFFFC00  }
0xd4: {  	_ =	swait.ge [sflag:s25], $0x1000  }
0xd5: {  	[sflag:s25] =	ssyncset.done $0x0  }
0xd6: {  	s10 =	simm.s32 $0x8500;
	[sflag:s25] =	ssyncadd.s32 $0xFFFFF000  }
0xd7: {  	v5 =	vld.idx.msk [tilespmem:v44+s10+$0x0], $0xffff  }
0xd8: {  	v4 =	vld.idx.msk [tilespmem:v4+s10+$0x0], $0xffff;
	_ =	sdelay $0x1  }
0xd9: {  	v45 =	vbroadcast v3, $0x9;
	_ =	sdelay $0x1  }
0xda: {  	v46 =	vor.u32 v0, v45;
	[tilespmem:$0x10900] =	vst v5  }
0xdb: {  	v47 =	vor.u32 v1, v45;
	[tilespmem:$0x10910] =	vst v4  }
0xdc: {  	_ =	swait.ge [sflag:s11], $0x1000  }
0xdd: {  	[sflag:s11] =	ssyncset.done $0x0  }
0xde: {  	s18 =	simm.s32 $0x9500;
	[sflag:s11] =	ssyncadd.s32 $0xFFFFF000  }
0xdf: {  	v5 =	vld.idx.msk [tilespmem:v46+s18+$0x0], $0xffff  }
0xe0: {  	v4 =	vld.idx.msk [tilespmem:v47+s18+$0x0], $0xffff;
	_ =	sdelay $0x1  }
0xe1: {  	v48 =	vbroadcast v3, $0xA;
	_ =	sdelay $0x1  }
0xe2: {  	v49 =	vor.u32 v0, v48;
	[tilespmem:$0x10980] =	vst v5  }
0xe3: {  	v50 =	vor.u32 v1, v48;
	[tilespmem:$0x10990] =	vst v4  }
0xe4: {  	_ =	swait.ge [sflag:s12], $0x1000  }
0xe5: {  	[sflag:s12] =	ssyncset.done $0x0  }
0xe6: {  	s19 =	simm.s32 $0xA500;
	[sflag:s12] =	ssyncadd.s32 $0xFFFFF000  }
0xe7: {  	v5 =	vld.idx.msk [tilespmem:v49+s19+$0x0], $0xffff  }
0xe8: {  	v4 =	vld.idx.msk [tilespmem:v50+s19+$0x0], $0xffff;
	_ =	sdelay $0x1  }
0xe9: {  	v51 =	vbroadcast v3, $0xB;
	_ =	sdelay $0x1  }
0xea: {  	v52 =	vor.u32 v0, v51;
	[tilespmem:$0x10A00] =	vst v5  }
0xeb: {  	v53 =	vor.u32 v1, v51;
	[tilespmem:$0x10A10] =	vst v4  }
0xec: {  	_ =	swait.ge [sflag:s24], $0x1000  }
0xed: {  	[sflag:s24] =	ssyncset.done $0x0  }
0xee: {  	s23 =	simm.s32 $0xB500;
	[sflag:s24] =	ssyncadd.s32 $0xFFFFF000  }
0xef: {  	v5 =	vld.idx.msk [tilespmem:v52+s23+$0x0], $0xffff  }
0xf0: {  	v4 =	vld.idx.msk [tilespmem:v53+s23+$0x0], $0xffff;
	_ =	sdelay $0x1  }
0xf1: {  	v54 =	vbroadcast v3, $0xC;
	_ =	sdelay $0x1  }
0xf2: {  	v55 =	vor.u32 v0, v54;
	[tilespmem:$0x10A80] =	vst v5  }
0xf3: {  	v56 =	vor.u32 v1, v54;
	[tilespmem:$0x10A90] =	vst v4  }
0xf4: {  	_ =	swait.ge [sflag:s26], $0x1000  }
0xf5: {  	[sflag:s26] =	ssyncset.done $0x0  }
0xf6: {  	s9 =	simm.s32 $0xC500;
	[sflag:s26] =	ssyncadd.s32 $0xFFFFF000  }
0xf7: {  	v5 =	vld.idx.msk [tilespmem:v55+s9+$0x0], $0xffff  }
0xf8: {  	v4 =	vld.idx.msk [tilespmem:v56+s9+$0x0], $0xffff;
	_ =	sdelay $0x1  }
0xf9: {  	v57 =	vbroadcast v3, $0xD;
	_ =	sdelay $0x1  }
0xfa: {  	v58 =	vor.u32 v0, v57;
	[tilespmem:$0x10B00] =	vst v5  }
0xfb: {  	v59 =	vor.u32 v1, v57;
	[tilespmem:$0x10B10] =	vst v4  }
0xfc: {  	_ =	swait.ge [sflag:s28], $0x1000  }
0xfd: {  	[sflag:s28] =	ssyncset.done $0x0  }
0xfe: {  	s10 =	simm.s32 $0xD500;
	[sflag:s28] =	ssyncadd.s32 $0xFFFFF000  }
0xff: {  	v5 =	vld.idx.msk [tilespmem:v58+s10+$0x0], $0xffff  }
0x100: {  	v4 =	vld.idx.msk [tilespmem:v59+s10+$0x0], $0xffff;
	_ =	sdelay $0x1  }
0x101: {  	v60 =	vbroadcast v3, $0xE;
	_ =	sdelay $0x1  }
0x102: {  	v61 =	vor.u32 v0, v60;
	[tilespmem:$0x10B80] =	vst v5  }
0x103: {  	v62 =	vor.u32 v1, v60;
	[tilespmem:$0x10B90] =	vst v4  }
0x104: {  	_ =	swait.ge [sflag:s4], $0x1000  }
0x105: {  	[sflag:s4] =	ssyncset.done $0x0  }
0x106: {  	s18 =	simm.s32 $0xE500;
	[sflag:s4] =	ssyncadd.s32 $0xFFFFF000  }
0x107: {  	v5 =	vld.idx.msk [tilespmem:v61+s18+$0x0], $0xffff  }
0x108: {  	v4 =	vld.idx.msk [tilespmem:v62+s18+$0x0], $0xffff;
	_ =	sdelay $0x3  }
0x109: {  	[tilespmem:$0x10C00] =	vst v5  }
0x10a: {  	[tilespmem:$0x10C10] =	vst v4  }
0x10b: {  	_ =	swait.ge [sflag:s29], $0x1000  }
0x10c: {  	v3 =	vbroadcast v3, $0xF;
	(v2sf) =	vpush @!p0 v2, $0x8;
	_ =	sdelay $0x1  }
0x10d: {  	v63 =	vor.u32 v0, v3  }
0x10e: {  	v3 =	vor.u32 v1, v3  }
0x10f: {  	(v2sf) =	vpush @!p0 v2, $0x9  }
0x110: {  	[sflag:s29] =	ssyncset.done $0x0  }
0x111: {  	s19 =	simm.s32 $0xF500;
	[sflag:s29] =	ssyncadd.s32 $0xFFFFF000  }
0x112: {  	v4 =	vld.idx.msk [tilespmem:v63+s19+$0x0], $0xffff  }
0x113: {  	v3 =	vld.idx.msk [tilespmem:v3+s19+$0x0], $0xffff;
	(v2sf) =	vpush @!p0 v2, $0xA;
	_ =	sdelay $0x3  }
0x114: {  	(v2sf) =	vpush @!p0 v2, $0xB;
	[tilespmem:$0x10C80] =	vst v4  }
0x115: {  	s15 =	sadd.s32 $0x80, s15;
	s17 =	simm.s32 $0x10900;
	s19 =	simm.s32 $0x0;
	[tilespmem:$0x10C90] =	vst v3  }
0x116: {  	[hbm4b:s15+s19] =	stream.linear.scatter [tilespmem:s17], [sflag:$0x12], $0x400, $0x38;
	[tilespmem:$0x10D00] =	vst v63  }
0x117: {  	s15 =	spop @!p0 (v2sf)  }
0x118: {  	(v2sf) =	vpush @!p0 v2, $0xC;
	s15 =	sand.u32 @!p0 $0xFFFFF80, s15  }
0x119: {  	s17 =	simm.s32 @!p0 $0x8500;
	s15 =	sadd.s32 @!p0 s2, s15  }
0x11a: {  	[tilespmem:s17], [sflag:$0x9] =	stream.strided.gather @!p0 [hbm4b:s15+s13], $0x1000, s14, s13, $0x38;
	[tilespmem:$0x10D00] =	vst v63  }
0x11b: {  	s15 =	spop @!p0 (v2sf)  }
0x11c: {  	(v2sf) =	vpush @!p0 v2, $0xD;
	s15 =	sand.u32 @!p0 $0xFFFFF80, s15  }
0x11d: {  	s17 =	simm.s32 @!p0 $0x9500;
	s15 =	sadd.s32 @!p0 s2, s15  }
0x11e: {  	[tilespmem:s17], [sflag:$0xA] =	stream.strided.gather @!p0 [hbm4b:s15+s13], $0x1000, s14, s13, $0x38;
	[tilespmem:$0x10D00] =	vst v63  }
0x11f: {  	s15 =	spop @!p0 (v2sf)  }
0x120: {  	(v2sf) =	vpush @!p0 v2, $0xE;
	s15 =	sand.u32 @!p0 $0xFFFFF80, s15  }
0x121: {  	s17 =	simm.s32 @!p0 $0xA500;
	s15 =	sadd.s32 @!p0 s2, s15  }
0x122: {  	[tilespmem:s17], [sflag:$0xB] =	stream.strided.gather @!p0 [hbm4b:s15+s13], $0x1000, s14, s13, $0x38;
	[tilespmem:$0x10D00] =	vst v63  }
0x123: {  	s15 =	spop @!p0 (v2sf)  }
0x124: {  	s15 =	sand.u32 @!p0 $0xFFFFF80, s15  }
0x125: {  	(v2sf) =	vpush @!p0 v2, $0xF;
	s17 =	simm.s32 @!p0 $0xB500;
	s15 =	sadd.s32 @!p0 s2, s15  }
0x126: {  	[tilespmem:s17], [sflag:$0xC] =	stream.strided.gather @!p0 [hbm4b:s15+s13], $0x1000, s14, s13, $0x38;
	[tilespmem:$0x10D00] =	vst v63  }
0x127: {  	s15 =	spop @!p0 (v2sf)  }
0x128: {  	s15 =	sand.u32 @!p0 $0xFFFFF80, s15  }
0x129: {  	s17 =	simm.s32 @!p0 $0xC500;
	s15 =	sadd.s32 @!p0 s2, s15  }
0x12a: {  	[tilespmem:s17], [sflag:$0xD] =	stream.strided.gather @!p0 [hbm4b:s15+s13], $0x1000, s14, s13, $0x38;
	[tilespmem:$0x10D00] =	vst v63  }
0x12b: {  	s15 =	spop @!p0 (v2sf)  }
0x12c: {  	s15 =	sand.u32 @!p0 $0xFFFFF80, s15  }
0x12d: {  	s30 =	simm.s32 $0xB500;
	s17 =	simm.s32 @!p0 $0xD500;
	s15 =	sadd.s32 @!p0 s2, s15  }
0x12e: {  	[tilespmem:s17], [sflag:$0xE] =	stream.strided.gather @!p0 [hbm4b:s15+s13], $0x1000, s14, s13, $0x38;
	[tilespmem:$0x10D00] =	vst v63  }
0x12f: {  	s31 =	sadd.s32 @!p0 $0x20, s31;
	s1 =	sadd.s32 @!p0 $0x100, s1;
	s15 =	spop @!p0 (v2sf)  }
0x130: {  	s0 =	sadd.s32 @!p0 $0x10, s0;
	p1 =	sne.s32 @!p0 s1, $0x2000;
	s15 =	sand.u32 @!p0 $0xFFFFF80, s15  }
0x131: {  	p1 =	por p0, !p1;
	s17 =	simm.s32 @!p0 $0xE500;
	s15 =	sadd.s32 @!p0 s2, s15  }
0x132: {  	[tilespmem:s17], [sflag:$0xF] =	stream.strided.gather @!p0 [hbm4b:s15+s13], $0x1000, s14, s13, $0x38;
	[tilespmem:$0x10D00] =	vst v63  }
.Ltmp0:
0x133: {  	s21 =	simm.s32 $0xA500;
	s8 =	simm.s32 $0x9500;
	(pc) =	sbr.rel @!p1 .LBB2_2-.Ltmp0, $4  }
0x134: {  	s7 =	simm.s32 $0x8500;
	s23 =	simm.s32 $0xC500;
	s15 =	spop @!p0 (v2sf)  }
0x135: {  	s9 =	simm.s32 $0xD500;
	s10 =	simm.s32 $0xE500;
	s15 =	sand.u32 @!p0 $0xFFFFF80, s15  }
0x136: {  	s18 =	simm.s32 $0xF500;
	s17 =	simm.s32 @!p0 $0xF500;
	s15 =	sadd.s32 @!p0 s2, s15  }
0x137: {  	[tilespmem:s17], [sflag:$0x10] =	stream.strided.gather @!p0 [hbm4b:s15+s13], $0x1000, s14, s13, $0x38;
	[tilespmem:$0x10D00] =	vst v63  }
0x138: {  	s0 =	simm.s32 $0x11  }
0x139: {  	_ =	swait.ge [sflag:s0], $0x400  }
0x13a: {  	[sflag:s0] =	ssyncset.done $0x0  }
0x13b: {  	s13 =	simm.s32 $0x12;
	[sflag:s0] =	ssyncadd.s32 $0xFFFFFC00  }
0x13c: {  	_ =	swait.ge [sflag:s13], $0x400  }
0x13d: {  	[sflag:s13] =	ssyncset.done $0x0  }
0x13e: {  	[sflag:s13] =	ssyncadd.s32 $0xFFFFFC00  }
0x13f: {  	v2 =	vld [tilespmem:$0x80];
	_ =	sdelay $0x4  }
0x140: {  	(v2sf) =	vpush v2, $0x0;
	_ =	sdelay $0x3  }
0x141: {  	(v2sf) =	vpush v2, $0x1;
	_ =	sdelay $0x3  }
0x142: {  	(v2sf) =	vpush v2, $0x2;
	_ =	sdelay $0x1  }
0x143: {  	(v2sf) =	vpush v2, $0x3;
	_ =	sdelay $0x4  }
0x144: {  	s14 =	spop (v2sf);
	(v2sf) =	vpush v2, $0x4;
	_ =	sdelay $0x3  }
0x145: {  	s1 =	simm.s32 $0x500;
	s0 =	sand.u32 $0xFFFFF80, s14;
	s15 =	spop (v2sf);
	(v2sf) =	vpush v2, $0x5  }
0x146: {  	s13 =	simm.s32 $0x400;
	s14 =	simm.s32 $0x7A1400;
	s0 =	sadd.s32 s3, s0  }
0x147: {  	[tilespmem:s1], [sflag:$0x1] =	stream.strided.gather [hbm4b:s0+s13], $0x1000, s14, s13, $0x38;
	[tilespmem:$0x10D00] =	vst v63  }
0x148: {  	(v2sf) =	vpush v2, $0x6;
	s0 =	sand.u32 $0xFFFFF80, s15  }
0x149: {  	s17 =	simm.s32 $0x1500;
	s15 =	spop (v2sf);
	s0 =	sadd.s32 s3, s0  }
0x14a: {  	[tilespmem:s17], [sflag:$0x2] =	stream.strided.gather [hbm4b:s0+s13], $0x1000, s14, s13, $0x38;
	[tilespmem:$0x10D00] =	vst v63  }
0x14b: {  	s0 =	sand.u32 $0xFFFFF80, s15;
	s15 =	spop (v2sf);
	(v2sf) =	vpush v2, $0x7;
	_ =	sdelay $0x2  }
0x14c: {  	s17 =	simm.s32 $0x2500;
	s0 =	sadd.s32 s3, s0  }
0x14d: {  	[tilespmem:s17], [sflag:$0x3] =	stream.strided.gather [hbm4b:s0+s13], $0x1000, s14, s13, $0x38;
	[tilespmem:$0x10D00] =	vst v63  }
0x14e: {  	s0 =	sand.u32 $0xFFFFF80, s15;
	s15 =	spop (v2sf);
	(v2sf) =	vpush v2, $0x8  }
0x14f: {  	s17 =	simm.s32 $0x3500;
	s0 =	sadd.s32 s3, s0  }
0x150: {  	[tilespmem:s17], [sflag:$0x4] =	stream.strided.gather [hbm4b:s0+s13], $0x1000, s14, s13, $0x38;
	[tilespmem:$0x10D00] =	vst v63  }
0x151: {  	s0 =	sand.u32 $0xFFFFF80, s15  }
0x152: {  	s17 =	simm.s32 $0x4500;
	s15 =	spop (v2sf);
	(v2sf) =	vpush v2, $0x9;
	s0 =	sadd.s32 s3, s0  }
0x153: {  	[tilespmem:s17], [sflag:$0x5] =	stream.strided.gather [hbm4b:s0+s13], $0x1000, s14, s13, $0x38;
	[tilespmem:$0x10D00] =	vst v63  }
0x154: {  	s0 =	sand.u32 $0xFFFFF80, s15  }
0x155: {  	(v2sf) =	vpush v2, $0xA;
	s17 =	simm.s32 $0x5500;
	s15 =	spop (v2sf);
	s0 =	sadd.s32 s3, s0  }
0x156: {  	[tilespmem:s17], [sflag:$0x6] =	stream.strided.gather [hbm4b:s0+s13], $0x1000, s14, s13, $0x38;
	[tilespmem:$0x10D00] =	vst v63  }
0x157: {  	s0 =	sand.u32 $0xFFFFF80, s15  }
0x158: {  	(v2sf) =	vpush v2, $0xB;
	s17 =	simm.s32 $0x6500;
	s15 =	spop (v2sf);
	s0 =	sadd.s32 s3, s0  }
0x159: {  	(v2sf) =	vpush v2, $0xC;
	[tilespmem:s17], [sflag:$0x7] =	stream.strided.gather [hbm4b:s0+s13], $0x1000, s14, s13, $0x38;
	[tilespmem:$0x10D00] =	vst v63  }
0x15a: {  	s0 =	sand.u32 $0xFFFFF80, s15  }
0x15b: {  	s17 =	simm.s32 $0x7500;
	s0 =	sadd.s32 s3, s0  }
0x15c: {  	[tilespmem:s17], [sflag:$0x8] =	stream.strided.gather [hbm4b:s0+s13], $0x1000, s14, s13, $0x38;
	[tilespmem:$0x10D00] =	vst v63  }
0x15d: {  	s1 =	spop (v2sf)  }
0x15e: {  	s0 =	sand.u32 $0xFFFFF80, s1  }
0x15f: {  	(v2sf) =	vpush v2, $0xD;
	s0 =	sadd.s32 s3, s0  }
0x160: {  	[tilespmem:s7], [sflag:$0x9] =	stream.strided.gather [hbm4b:s0+s13], $0x1000, s14, s13, $0x38;
	[tilespmem:$0x10D00] =	vst v63  }
0x161: {  	s7 =	spop (v2sf);
	(v2sf) =	vpush v2, $0xE;
	_ =	sdelay $0x2  }
0x162: {  	s0 =	sand.u32 $0xFFFFF80, s7;
	s15 =	spop (v2sf);
	(v2sf) =	vpush v2, $0xF  }
0x163: {  	s0 =	sadd.s32 s3, s0  }
0x164: {  	[tilespmem:s8], [sflag:$0xA] =	stream.strided.gather [hbm4b:s0+s13], $0x1000, s14, s13, $0x38;
	[tilespmem:$0x10D00] =	vst v63  }
0x165: {  	s17 =	spop (v2sf);
	s0 =	sand.u32 $0xFFFFF80, s15  }
0x166: {  	s1 =	sand.u32 $0xFFFFF80, s17;
	s7 =	spop (v2sf);
	s0 =	sadd.s32 s3, s0  }
0x167: {  	[tilespmem:s21], [sflag:$0xB] =	stream.strided.gather [hbm4b:s0+s13], $0x1000, s14, s13, $0x38;
	[tilespmem:$0x10D00] =	vst v63  }
0x168: {  	s8 =	sand.u32 $0xFFFFF80, s7;
	s0 =	sadd.s32 s3, s1  }
0x169: {  	[tilespmem:s30], [sflag:$0xC] =	stream.strided.gather [hbm4b:s0+s13], $0x1000, s14, s13, $0x38;
	[tilespmem:$0x10D00] =	vst v63  }
0x16a: {  	s0 =	sadd.s32 s3, s8  }
0x16b: {  	[tilespmem:s23], [sflag:$0xD] =	stream.strided.gather [hbm4b:s0+s13], $0x1000, s14, s13, $0x38;
	[tilespmem:$0x10D00] =	vst v63  }
0x16c: {  	s15 =	spop (v2sf)  }
0x16d: {  	s17 =	sand.u32 $0xFFFFF80, s15  }
0x16e: {  	s0 =	sadd.s32 s3, s17;
	s21 =	spop (v2sf)  }
0x16f: {  	[tilespmem:s9], [sflag:$0xE] =	stream.strided.gather [hbm4b:s0+s13], $0x1000, s14, s13, $0x38;
	[tilespmem:$0x10D00] =	vst v63  }
0x170: {  	s23 =	sand.u32 $0xFFFFF80, s21  }
0x171: {  	s30 =	spop (v2sf);
	s0 =	sadd.s32 s3, s23  }
0x172: {  	[tilespmem:s10], [sflag:$0xF] =	stream.strided.gather [hbm4b:s0+s13], $0x1000, s14, s13, $0x38;
	[tilespmem:$0x10D00] =	vst v63  }
0x173: {  	s0 =	sand.u32 $0xFFFFF80, s30  }
0x174: {  	s0 =	sadd.s32 s3, s0  }
0x175: {  	[tilespmem:s18], [sflag:$0x10] =	stream.strided.gather [hbm4b:s0+s13], $0x1000, s14, s13, $0x38;
	[tilespmem:$0x10D00] =	vst v63  }
0x176: {  	s31 =	simm.s32 $0x0;
	s1 =	simm.s32 $0x10;
	s0 =	simm.s32 $0x20  }
.LBB2_4:
0x177: {  	s13 =	sand.u32 $0x70, s1;
	s14 =	sand.u32 $0x700, s0  }
0x178: {  	v3 =	vand.u32 $0x7F, v2;
	p0 =	seq.s32 s31, $0x0;
	s13 =	sor.u32 s13, s14  }
0x179: {  	v4 =	vbroadcast v3, $0x0;
	v2 =	vld [tilespmem:s13+$0x80];
	s13 =	simm.s32 @!p0 $0x11  }
0x17a: {  	_ =	swait.ge @!p0 [sflag:s13], $0x400  }
0x17b: {  	v5 =	vor.u32 v0, v4;
	[sflag:s13] =	ssyncset.done @!p0 $0x0  }
0x17c: {  	s7 =	simm.s32 $0x1;
	v4 =	vor.u32 v1, v4;
	[sflag:s13] =	ssyncadd.s32 @!p0 $0xFFFFFC00  }
0x17d: {  	_ =	swait.ge [sflag:s7], $0x1000  }
0x17e: {  	[sflag:s7] =	ssyncset.done $0x0  }
0x17f: {  	s8 =	simm.s32 $0x500;
	[sflag:s7] =	ssyncadd.s32 $0xFFFFF000  }
0x180: {  	v5 =	vld.idx.msk [tilespmem:v5+s8+$0x0], $0xffff  }
0x181: {  	v4 =	vld.idx.msk [tilespmem:v4+s8+$0x0], $0xffff;
	_ =	sdelay $0x1  }
0x182: {  	v6 =	vbroadcast v3, $0x1;
	_ =	sdelay $0x1  }
0x183: {  	v24 =	vor.u32 v0, v6;
	[tilespmem:$0x10500] =	vst v5  }
0x184: {  	s9 =	simm.s32 $0x2;
	v25 =	vor.u32 v1, v6;
	[tilespmem:$0x10510] =	vst v4  }
0x185: {  	_ =	swait.ge [sflag:s9], $0x1000  }
0x186: {  	[sflag:s9] =	ssyncset.done $0x0  }
0x187: {  	s10 =	simm.s32 $0x1500;
	[sflag:s9] =	ssyncadd.s32 $0xFFFFF000  }
0x188: {  	v5 =	vld.idx.msk [tilespmem:v24+s10+$0x0], $0xffff  }
0x189: {  	v4 =	vld.idx.msk [tilespmem:v25+s10+$0x0], $0xffff;
	_ =	sdelay $0x1  }
0x18a: {  	v26 =	vbroadcast v3, $0x2;
	_ =	sdelay $0x1  }
0x18b: {  	v27 =	vor.u32 v0, v26;
	[tilespmem:$0x10580] =	vst v5  }
0x18c: {  	s14 =	simm.s32 $0x3;
	v28 =	vor.u32 v1, v26;
	[tilespmem:$0x10590] =	vst v4  }
0x18d: {  	_ =	swait.ge [sflag:s14], $0x1000  }
0x18e: {  	[sflag:s14] =	ssyncset.done $0x0  }
0x18f: {  	s15 =	simm.s32 $0x2500;
	[sflag:s14] =	ssyncadd.s32 $0xFFFFF000  }
0x190: {  	v5 =	vld.idx.msk [tilespmem:v27+s15+$0x0], $0xffff  }
0x191: {  	v4 =	vld.idx.msk [tilespmem:v28+s15+$0x0], $0xffff;
	_ =	sdelay $0x1  }
0x192: {  	v29 =	vbroadcast v3, $0x3;
	_ =	sdelay $0x1  }
0x193: {  	v30 =	vor.u32 v0, v29;
	[tilespmem:$0x10600] =	vst v5  }
0x194: {  	v31 =	vor.u32 v1, v29;
	[tilespmem:$0x10610] =	vst v4  }
0x195: {  	_ =	swait.ge [sflag:s20], $0x1000  }
0x196: {  	[sflag:s20] =	ssyncset.done $0x0  }
0x197: {  	s17 =	simm.s32 $0x3500;
	[sflag:s20] =	ssyncadd.s32 $0xFFFFF000  }
0x198: {  	v5 =	vld.idx.msk [tilespmem:v30+s17+$0x0], $0xffff  }
0x199: {  	v4 =	vld.idx.msk [tilespmem:v31+s17+$0x0], $0xffff;
	_ =	sdelay $0x1  }
0x19a: {  	v32 =	vbroadcast v3, $0x4;
	_ =	sdelay $0x1  }
0x19b: {  	v33 =	vor.u32 v0, v32;
	[tilespmem:$0x10680] =	vst v5  }
0x19c: {  	v34 =	vor.u32 v1, v32;
	[tilespmem:$0x10690] =	vst v4  }
0x19d: {  	_ =	swait.ge [sflag:s22], $0x1000  }
0x19e: {  	[sflag:s22] =	ssyncset.done $0x0  }
0x19f: {  	s18 =	simm.s32 $0x4500;
	[sflag:s22] =	ssyncadd.s32 $0xFFFFF000  }
0x1a0: {  	v5 =	vld.idx.msk [tilespmem:v33+s18+$0x0], $0xffff  }
0x1a1: {  	v4 =	vld.idx.msk [tilespmem:v34+s18+$0x0], $0xffff;
	_ =	sdelay $0x1  }
0x1a2: {  	v35 =	vbroadcast v3, $0x5;
	_ =	sdelay $0x1  }
0x1a3: {  	v36 =	vor.u32 v0, v35;
	[tilespmem:$0x10700] =	vst v5  }
0x1a4: {  	v37 =	vor.u32 v1, v35;
	[tilespmem:$0x10710] =	vst v4  }
0x1a5: {  	_ =	swait.ge [sflag:s5], $0x1000  }
0x1a6: {  	[sflag:s5] =	ssyncset.done $0x0  }
0x1a7: {  	s21 =	simm.s32 $0x5500;
	[sflag:s5] =	ssyncadd.s32 $0xFFFFF000  }
0x1a8: {  	v5 =	vld.idx.msk [tilespmem:v36+s21+$0x0], $0xffff  }
0x1a9: {  	v4 =	vld.idx.msk [tilespmem:v37+s21+$0x0], $0xffff;
	_ =	sdelay $0x1  }
0x1aa: {  	v38 =	vbroadcast v3, $0x6;
	_ =	sdelay $0x1  }
0x1ab: {  	v39 =	vor.u32 v0, v38;
	[tilespmem:$0x10780] =	vst v5  }
0x1ac: {  	v40 =	vor.u32 v1, v38;
	[tilespmem:$0x10790] =	vst v4  }
0x1ad: {  	_ =	swait.ge [sflag:s6], $0x1000  }
0x1ae: {  	[sflag:s6] =	ssyncset.done $0x0  }
0x1af: {  	s23 =	simm.s32 $0x6500;
	[sflag:s6] =	ssyncadd.s32 $0xFFFFF000  }
0x1b0: {  	v5 =	vld.idx.msk [tilespmem:v39+s23+$0x0], $0xffff  }
0x1b1: {  	v4 =	vld.idx.msk [tilespmem:v40+s23+$0x0], $0xffff;
	_ =	sdelay $0x3  }
0x1b2: {  	[tilespmem:$0x10800] =	vst v5  }
0x1b3: {  	[tilespmem:$0x10810] =	vst v4  }
0x1b4: {  	p0 =	seq.s32 s31, $0x1F00;
	_ =	swait.ge [sflag:s16], $0x1000  }
0x1b5: {  	v41 =	vbroadcast v3, $0x7;
	(v2sf) =	vpush @!p0 v2, $0x0;
	_ =	sdelay $0x1  }
0x1b6: {  	v42 =	vor.u32 v0, v41  }
0x1b7: {  	v4 =	vor.u32 v1, v41  }
0x1b8: {  	(v2sf) =	vpush @!p0 v2, $0x1  }
0x1b9: {  	[sflag:s16] =	ssyncset.done $0x0  }
0x1ba: {  	s7 =	simm.s32 $0x7500;
	[sflag:s16] =	ssyncadd.s32 $0xFFFFF000  }
0x1bb: {  	v5 =	vld.idx.msk [tilespmem:v42+s7+$0x0], $0xffff  }
0x1bc: {  	(v2sf) =	vpush @!p0 v2, $0x2;
	v4 =	vld.idx.msk [tilespmem:v4+s7+$0x0], $0xffff;
	_ =	sdelay $0x3  }
0x1bd: {  	s8 =	rddreg [dreg:$0xc];
	(v2sf) =	vpush @!p0 v2, $0x3;
	[tilespmem:$0x10880] =	vst v5  }
0x1be: {  	s9 =	simm.s32 $0x10500;
	s15 =	sadd.s32 s31, s8;
	[tilespmem:$0x10890] =	vst v4  }
0x1bf: {  	[hbm4b:s15+s19] =	stream.linear.scatter [tilespmem:s9], [sflag:$0x11], $0x400, $0x38;
	[tilespmem:$0x10D00] =	vst v63  }
0x1c0: {  	s13 =	spop @!p0 (v2sf)  }
0x1c1: {  	s14 =	simm.s32 @!p0 $0x7A1400;
	(v2sf) =	vpush @!p0 v2, $0x4;
	s13 =	sand.u32 @!p0 $0xFFFFF80, s13  }
0x1c2: {  	s19 =	simm.s32 @!p0 $0x500;
	s17 =	sadd.s32 @!p0 s3, s13;
	s13 =	simm.s32 @!p0 $0x400  }
0x1c3: {  	[tilespmem:s19], [sflag:$0x1] =	stream.strided.gather @!p0 [hbm4b:s17+s13], $0x1000, s14, s13, $0x38;
	[tilespmem:$0x10D00] =	vst v63  }
0x1c4: {  	s17 =	spop @!p0 (v2sf)  }
0x1c5: {  	(v2sf) =	vpush @!p0 v2, $0x5;
	s17 =	sand.u32 @!p0 $0xFFFFF80, s17  }
0x1c6: {  	s19 =	simm.s32 @!p0 $0x1500;
	s17 =	sadd.s32 @!p0 s3, s17  }
0x1c7: {  	[tilespmem:s19], [sflag:$0x2] =	stream.strided.gather @!p0 [hbm4b:s17+s13], $0x1000, s14, s13, $0x38;
	[tilespmem:$0x10D00] =	vst v63  }
0x1c8: {  	s17 =	spop @!p0 (v2sf)  }
0x1c9: {  	(v2sf) =	vpush @!p0 v2, $0x6;
	s17 =	sand.u32 @!p0 $0xFFFFF80, s17  }
0x1ca: {  	s19 =	simm.s32 @!p0 $0x2500;
	s17 =	sadd.s32 @!p0 s3, s17  }
0x1cb: {  	[tilespmem:s19], [sflag:$0x3] =	stream.strided.gather @!p0 [hbm4b:s17+s13], $0x1000, s14, s13, $0x38;
	[tilespmem:$0x10D00] =	vst v63  }
0x1cc: {  	s17 =	spop @!p0 (v2sf)  }
0x1cd: {  	(v2sf) =	vpush @!p0 v2, $0x7;
	s17 =	sand.u32 @!p0 $0xFFFFF80, s17  }
0x1ce: {  	s19 =	simm.s32 @!p0 $0x3500;
	s17 =	sadd.s32 @!p0 s3, s17  }
0x1cf: {  	[tilespmem:s19], [sflag:$0x4] =	stream.strided.gather @!p0 [hbm4b:s17+s13], $0x1000, s14, s13, $0x38;
	[tilespmem:$0x10D00] =	vst v63  }
0x1d0: {  	s17 =	spop @!p0 (v2sf)  }
0x1d1: {  	s17 =	sand.u32 @!p0 $0xFFFFF80, s17  }
0x1d2: {  	s19 =	simm.s32 @!p0 $0x4500;
	s17 =	sadd.s32 @!p0 s3, s17  }
0x1d3: {  	[tilespmem:s19], [sflag:$0x5] =	stream.strided.gather @!p0 [hbm4b:s17+s13], $0x1000, s14, s13, $0x38;
	[tilespmem:$0x10D00] =	vst v63  }
0x1d4: {  	s17 =	spop @!p0 (v2sf)  }
0x1d5: {  	s17 =	sand.u32 @!p0 $0xFFFFF80, s17  }
0x1d6: {  	s19 =	simm.s32 @!p0 $0x5500;
	s17 =	sadd.s32 @!p0 s3, s17  }
0x1d7: {  	[tilespmem:s19], [sflag:$0x6] =	stream.strided.gather @!p0 [hbm4b:s17+s13], $0x1000, s14, s13, $0x38;
	[tilespmem:$0x10D00] =	vst v63  }
0x1d8: {  	s17 =	spop @!p0 (v2sf)  }
0x1d9: {  	s17 =	sand.u32 @!p0 $0xFFFFF80, s17  }
0x1da: {  	s19 =	simm.s32 @!p0 $0x6500;
	s17 =	sadd.s32 @!p0 s3, s17  }
0x1db: {  	[tilespmem:s19], [sflag:$0x7] =	stream.strided.gather @!p0 [hbm4b:s17+s13], $0x1000, s14, s13, $0x38;
	[tilespmem:$0x10D00] =	vst v63  }
0x1dc: {  	p1 =	seq.s32 @!p0 s31, $0x0;
	s17 =	spop @!p0 (v2sf)  }
0x1dd: {  	p1 =	por p0, !p1;
	s17 =	sand.u32 @!p0 $0xFFFFF80, s17  }
0x1de: {  	s7 =	simm.s32 @p1 $0x12;
	s19 =	simm.s32 @!p0 $0x7500;
	s17 =	sadd.s32 @!p0 s3, s17  }
0x1df: {  	v43 =	vbroadcast v3, $0x8;
	[tilespmem:s19], [sflag:$0x8] =	stream.strided.gather @!p0 [hbm4b:s17+s13], $0x1000, s14, s13, $0x38;
	[tilespmem:$0x10D00] =	vst v63  }
0x1e0: {  	_ =	swait.ge @p1 [sflag:s7], $0x400  }
0x1e1: {  	v44 =	vor.u32 v0, v43;
	[sflag:s7] =	ssyncset.done @p1 $0x0  }
0x1e2: {  	v4 =	vor.u32 v1, v43;
	[sflag:s7] =	ssyncadd.s32 @p1 $0xFFFFFC00  }
0x1e3: {  	_ =	swait.ge [sflag:s25], $0x1000  }
0x1e4: {  	[sflag:s25] =	ssyncset.done $0x0  }
0x1e5: {  	s10 =	simm.s32 $0x8500;
	[sflag:s25] =	ssyncadd.s32 $0xFFFFF000  }
0x1e6: {  	v5 =	vld.idx.msk [tilespmem:v44+s10+$0x0], $0xffff  }
0x1e7: {  	v4 =	vld.idx.msk [tilespmem:v4+s10+$0x0], $0xffff;
	_ =	sdelay $0x1  }
0x1e8: {  	v45 =	vbroadcast v3, $0x9;
	_ =	sdelay $0x1  }
0x1e9: {  	v46 =	vor.u32 v0, v45;
	[tilespmem:$0x10900] =	vst v5  }
0x1ea: {  	v47 =	vor.u32 v1, v45;
	[tilespmem:$0x10910] =	vst v4  }
0x1eb: {  	_ =	swait.ge [sflag:s11], $0x1000  }
0x1ec: {  	[sflag:s11] =	ssyncset.done $0x0  }
0x1ed: {  	s18 =	simm.s32 $0x9500;
	[sflag:s11] =	ssyncadd.s32 $0xFFFFF000  }
0x1ee: {  	v5 =	vld.idx.msk [tilespmem:v46+s18+$0x0], $0xffff  }
0x1ef: {  	v4 =	vld.idx.msk [tilespmem:v47+s18+$0x0], $0xffff;
	_ =	sdelay $0x1  }
0x1f0: {  	v48 =	vbroadcast v3, $0xA;
	_ =	sdelay $0x1  }
0x1f1: {  	v49 =	vor.u32 v0, v48;
	[tilespmem:$0x10980] =	vst v5  }
0x1f2: {  	v50 =	vor.u32 v1, v48;
	[tilespmem:$0x10990] =	vst v4  }
0x1f3: {  	_ =	swait.ge [sflag:s12], $0x1000  }
0x1f4: {  	[sflag:s12] =	ssyncset.done $0x0  }
0x1f5: {  	s19 =	simm.s32 $0xA500;
	[sflag:s12] =	ssyncadd.s32 $0xFFFFF000  }
0x1f6: {  	v5 =	vld.idx.msk [tilespmem:v49+s19+$0x0], $0xffff  }
0x1f7: {  	v4 =	vld.idx.msk [tilespmem:v50+s19+$0x0], $0xffff;
	_ =	sdelay $0x1  }
0x1f8: {  	v51 =	vbroadcast v3, $0xB;
	_ =	sdelay $0x1  }
0x1f9: {  	v52 =	vor.u32 v0, v51;
	[tilespmem:$0x10A00] =	vst v5  }
0x1fa: {  	v53 =	vor.u32 v1, v51;
	[tilespmem:$0x10A10] =	vst v4  }
0x1fb: {  	_ =	swait.ge [sflag:s24], $0x1000  }
0x1fc: {  	[sflag:s24] =	ssyncset.done $0x0  }
0x1fd: {  	s23 =	simm.s32 $0xB500;
	[sflag:s24] =	ssyncadd.s32 $0xFFFFF000  }
0x1fe: {  	v5 =	vld.idx.msk [tilespmem:v52+s23+$0x0], $0xffff  }
0x1ff: {  	v4 =	vld.idx.msk [tilespmem:v53+s23+$0x0], $0xffff;
	_ =	sdelay $0x1  }
0x200: {  	v54 =	vbroadcast v3, $0xC;
	_ =	sdelay $0x1  }
0x201: {  	v55 =	vor.u32 v0, v54;
	[tilespmem:$0x10A80] =	vst v5  }
0x202: {  	v56 =	vor.u32 v1, v54;
	[tilespmem:$0x10A90] =	vst v4  }
0x203: {  	_ =	swait.ge [sflag:s26], $0x1000  }
0x204: {  	[sflag:s26] =	ssyncset.done $0x0  }
0x205: {  	s9 =	simm.s32 $0xC500;
	[sflag:s26] =	ssyncadd.s32 $0xFFFFF000  }
0x206: {  	v5 =	vld.idx.msk [tilespmem:v55+s9+$0x0], $0xffff  }
0x207: {  	v4 =	vld.idx.msk [tilespmem:v56+s9+$0x0], $0xffff;
	_ =	sdelay $0x1  }
0x208: {  	v57 =	vbroadcast v3, $0xD;
	_ =	sdelay $0x1  }
0x209: {  	v58 =	vor.u32 v0, v57;
	[tilespmem:$0x10B00] =	vst v5  }
0x20a: {  	v59 =	vor.u32 v1, v57;
	[tilespmem:$0x10B10] =	vst v4  }
0x20b: {  	_ =	swait.ge [sflag:s28], $0x1000  }
0x20c: {  	[sflag:s28] =	ssyncset.done $0x0  }
0x20d: {  	s10 =	simm.s32 $0xD500;
	[sflag:s28] =	ssyncadd.s32 $0xFFFFF000  }
0x20e: {  	v5 =	vld.idx.msk [tilespmem:v58+s10+$0x0], $0xffff  }
0x20f: {  	v4 =	vld.idx.msk [tilespmem:v59+s10+$0x0], $0xffff;
	_ =	sdelay $0x1  }
0x210: {  	v60 =	vbroadcast v3, $0xE;
	_ =	sdelay $0x1  }
0x211: {  	v61 =	vor.u32 v0, v60;
	[tilespmem:$0x10B80] =	vst v5  }
0x212: {  	v62 =	vor.u32 v1, v60;
	[tilespmem:$0x10B90] =	vst v4  }
0x213: {  	_ =	swait.ge [sflag:s4], $0x1000  }
0x214: {  	[sflag:s4] =	ssyncset.done $0x0  }
0x215: {  	s18 =	simm.s32 $0xE500;
	[sflag:s4] =	ssyncadd.s32 $0xFFFFF000  }
0x216: {  	v5 =	vld.idx.msk [tilespmem:v61+s18+$0x0], $0xffff  }
0x217: {  	v4 =	vld.idx.msk [tilespmem:v62+s18+$0x0], $0xffff;
	_ =	sdelay $0x3  }
0x218: {  	[tilespmem:$0x10C00] =	vst v5  }
0x219: {  	[tilespmem:$0x10C10] =	vst v4  }
0x21a: {  	_ =	swait.ge [sflag:s29], $0x1000  }
0x21b: {  	v3 =	vbroadcast v3, $0xF;
	(v2sf) =	vpush @!p0 v2, $0x8;
	_ =	sdelay $0x1  }
0x21c: {  	v63 =	vor.u32 v0, v3  }
0x21d: {  	v3 =	vor.u32 v1, v3  }
0x21e: {  	(v2sf) =	vpush @!p0 v2, $0x9  }
0x21f: {  	[sflag:s29] =	ssyncset.done $0x0  }
0x220: {  	s19 =	simm.s32 $0xF500;
	[sflag:s29] =	ssyncadd.s32 $0xFFFFF000  }
0x221: {  	v4 =	vld.idx.msk [tilespmem:v63+s19+$0x0], $0xffff  }
0x222: {  	v3 =	vld.idx.msk [tilespmem:v3+s19+$0x0], $0xffff;
	(v2sf) =	vpush @!p0 v2, $0xA;
	_ =	sdelay $0x3  }
0x223: {  	(v2sf) =	vpush @!p0 v2, $0xB;
	[tilespmem:$0x10C80] =	vst v4  }
0x224: {  	s15 =	sadd.s32 $0x80, s15;
	s17 =	simm.s32 $0x10900;
	s19 =	simm.s32 $0x0;
	[tilespmem:$0x10C90] =	vst v3  }
0x225: {  	[hbm4b:s15+s19] =	stream.linear.scatter [tilespmem:s17], [sflag:$0x12], $0x400, $0x38;
	[tilespmem:$0x10D00] =	vst v63  }
0x226: {  	s15 =	spop @!p0 (v2sf)  }
0x227: {  	(v2sf) =	vpush @!p0 v2, $0xC;
	s15 =	sand.u32 @!p0 $0xFFFFF80, s15  }
0x228: {  	s17 =	simm.s32 @!p0 $0x8500;
	s15 =	sadd.s32 @!p0 s3, s15  }
0x229: {  	[tilespmem:s17], [sflag:$0x9] =	stream.strided.gather @!p0 [hbm4b:s15+s13], $0x1000, s14, s13, $0x38;
	[tilespmem:$0x10D00] =	vst v63  }
0x22a: {  	s15 =	spop @!p0 (v2sf)  }
0x22b: {  	(v2sf) =	vpush @!p0 v2, $0xD;
	s15 =	sand.u32 @!p0 $0xFFFFF80, s15  }
0x22c: {  	s17 =	simm.s32 @!p0 $0x9500;
	s15 =	sadd.s32 @!p0 s3, s15  }
0x22d: {  	[tilespmem:s17], [sflag:$0xA] =	stream.strided.gather @!p0 [hbm4b:s15+s13], $0x1000, s14, s13, $0x38;
	[tilespmem:$0x10D00] =	vst v63  }
0x22e: {  	s15 =	spop @!p0 (v2sf)  }
0x22f: {  	(v2sf) =	vpush @!p0 v2, $0xE;
	s15 =	sand.u32 @!p0 $0xFFFFF80, s15  }
0x230: {  	s17 =	simm.s32 @!p0 $0xA500;
	s15 =	sadd.s32 @!p0 s3, s15  }
0x231: {  	[tilespmem:s17], [sflag:$0xB] =	stream.strided.gather @!p0 [hbm4b:s15+s13], $0x1000, s14, s13, $0x38;
	[tilespmem:$0x10D00] =	vst v63  }
0x232: {  	s15 =	spop @!p0 (v2sf)  }
0x233: {  	s15 =	sand.u32 @!p0 $0xFFFFF80, s15  }
0x234: {  	(v2sf) =	vpush @!p0 v2, $0xF;
	s17 =	simm.s32 @!p0 $0xB500;
	s15 =	sadd.s32 @!p0 s3, s15  }
0x235: {  	[tilespmem:s17], [sflag:$0xC] =	stream.strided.gather @!p0 [hbm4b:s15+s13], $0x1000, s14, s13, $0x38;
	[tilespmem:$0x10D00] =	vst v63  }
0x236: {  	s15 =	spop @!p0 (v2sf)  }
0x237: {  	s15 =	sand.u32 @!p0 $0xFFFFF80, s15  }
0x238: {  	s17 =	simm.s32 @!p0 $0xC500;
	s15 =	sadd.s32 @!p0 s3, s15  }
0x239: {  	[tilespmem:s17], [sflag:$0xD] =	stream.strided.gather @!p0 [hbm4b:s15+s13], $0x1000, s14, s13, $0x38;
	[tilespmem:$0x10D00] =	vst v63  }
0x23a: {  	s15 =	spop @!p0 (v2sf)  }
0x23b: {  	s15 =	sand.u32 @!p0 $0xFFFFF80, s15  }
0x23c: {  	s30 =	simm.s32 $0xB500;
	s17 =	simm.s32 @!p0 $0xD500;
	s15 =	sadd.s32 @!p0 s3, s15  }
0x23d: {  	[tilespmem:s17], [sflag:$0xE] =	stream.strided.gather @!p0 [hbm4b:s15+s13], $0x1000, s14, s13, $0x38;
	[tilespmem:$0x10D00] =	vst v63  }
0x23e: {  	s0 =	sadd.s32 @!p0 $0x20, s0;
	s31 =	sadd.s32 @!p0 $0x100, s31;
	s15 =	spop @!p0 (v2sf)  }
0x23f: {  	s1 =	sadd.s32 @!p0 $0x10, s1;
	p1 =	sne.s32 @!p0 s31, $0x2000;
	s15 =	sand.u32 @!p0 $0xFFFFF80, s15  }
0x240: {  	p1 =	por p0, !p1;
	s17 =	simm.s32 @!p0 $0xE500;
	s15 =	sadd.s32 @!p0 s3, s15  }
0x241: {  	[tilespmem:s17], [sflag:$0xF] =	stream.strided.gather @!p0 [hbm4b:s15+s13], $0x1000, s14, s13, $0x38;
	[tilespmem:$0x10D00] =	vst v63  }
.Ltmp1:
0x242: {  	s21 =	simm.s32 $0xA500;
	s8 =	simm.s32 $0x9500;
	(pc) =	sbr.rel @!p1 .LBB2_4-.Ltmp1, $4  }
0x243: {  	s7 =	simm.s32 $0x8500;
	s23 =	simm.s32 $0xC500;
	s15 =	spop @!p0 (v2sf)  }
0x244: {  	s9 =	simm.s32 $0xD500;
	s10 =	simm.s32 $0xE500;
	s15 =	sand.u32 @!p0 $0xFFFFF80, s15  }
0x245: {  	s18 =	simm.s32 $0xF500;
	s17 =	simm.s32 @!p0 $0xF500;
	s15 =	sadd.s32 @!p0 s3, s15  }
0x246: {  	[tilespmem:s17], [sflag:$0x10] =	stream.strided.gather @!p0 [hbm4b:s15+s13], $0x1000, s14, s13, $0x38;
	[tilespmem:$0x10D00] =	vst v63  }
0x247: {  	s0 =	simm.s32 $0x11  }
0x248: {  	_ =	swait.ge [sflag:s0], $0x400  }
0x249: {  	[sflag:s0] =	ssyncset.done $0x0  }
0x24a: {  	s1 =	simm.s32 $0x12;
	[sflag:s0] =	ssyncadd.s32 $0xFFFFFC00  }
0x24b: {  	_ =	swait.ge [sflag:s1], $0x400  }
0x24c: {  	s13 =	rddreg [dreg:$0x10]  }
0x24d: {  	s31 =	rddreg [dreg:$0x7];
	s13 =	sadd.s32 $0x1, s13  }
0x24e: {  	p0 =	sne.s32 s13, s31  }
.Ltmp2:
0x24f: {  	_ = 	snop;
	(pc) =	sbr.rel @p0 .LBB2_1-.Ltmp2, $3  }
0x250: {  	_ =	sdelay $0x1  }
0x251: {  	[sflag:s1] =	ssyncset.done $0x0  }
0x252: {  	[sflag:s1] =	ssyncadd.s32 $0xFFFFFC00  }
0x253: {  	_ =	sfence.sel $0x180000  }
0x254: {  	[bflag:$0x0] =	sbarrier.arrive $0xFFFF  }
0x255: {  	_ =	strace $0x90000047  }
0x256: {  	s0 =	stileid.u32;
	[bflag:$0x2] =	sbarrier.arrive $0xFFFF  }
0x257: {  	p0 =	sne.s32 s0, $0x0;
	s0 =	rddreg [dreg:$0x4]  }
0x258: {  	s0 =	sadd.s32 @!p0 $0x100000, s0  }
0x259: {  	[sflag:s0] =	ssyncadd.tile.s32 @!p0 $0x1;
	_ =	shalt  }
.Lfunc_end2:
_tile_overlayer_lowered:
.L_overlay_start_2:
0x25a: {  	(tag) =	ssettag $0x2  }
0x25b: {  	s0 =	rddreg [dreg:$0x0];
	s2 =	stileid.u32  }
0x25c: {  	s1 =	rddreg [dreg:$0x1];
	p0 =	sne.s32 s2, $0x0  }
0x25d: {  	s3 =	rddreg [dreg:$0x2];
	[bflag:$0x3] =	sbarrier.arrive $0xFFFF;
	s2 =	simm.s32 @!p0 $0x1C13  }
0x25e: {  	[timem:s3], [sflag:s2] =	dma.local @!p0 [hbm:s0], s1  }
0x25f: {  	s0 =	simm.s32 @!p0 $0x13  }
0x260: {  	_ =	swait.ge @!p0 [sflag:s0], s1  }
0x261: {  	s1 =	ssub.s32 @!p0 $0x0, s1;
	[sflag:s0] =	ssyncset.done @!p0 $0x0  }
0x262: {  	[sflag:s0] =	ssyncadd.s32 @!p0 s1  }
0x263: {  	[bflag:$0x3] =	sbarrier.arrive $0xFFFF  }
0x264: {  	_ =	shalt  }

</sc_bundles>
